<compile_context>
chip_gen: v7x
topology: tpu7x:2x2x1
jax: 0.10.2.dev20260603
libtpu: 0.0.44.dev20260713+nightly
codegen_flags: <defaults>
</compile_context>

<pallas_src>
import functools

import jax
import jax.numpy as jnp
from jax import lax
from jax.experimental import pallas as pl
from jax.experimental.pallas import tpu as pltpu
from jax.experimental.pallas import tpu_sc as plsc

_INFO = plsc.get_sparse_core_info()
_NC, _NS = _INFO.num_cores, _INFO.num_subcores
_NW = _NC * _NS
_NB = 2
_CT = 8


def _make_gather(B, T, V, D):
  b_per_w = B // _NW
  n_chunks = b_per_w // _NB
  seg = 24
  per_chunk = (_CT - 1) * _NB * seg + _NB * T
  n_per_w = n_chunks * per_chunk
  mesh = plsc.VectorSubcoreMesh(core_axis_name="c", subcore_axis_name="s")

  @functools.partial(
      pl.kernel,
      mesh=mesh,
      out_type=jax.ShapeDtypeStruct((B, T, D), jnp.float32),
      scratch_types=[
          pltpu.VMEM((2 * per_chunk,), jnp.int32),
          pltpu.VMEM((2, _NB, T, D), jnp.float32),
          pltpu.VMEM((2, _NB * T, 128), jnp.float32),
          pltpu.SemaphoreType.DMA,
          pltpu.SemaphoreType.DMA,
          pltpu.SemaphoreType.DMA,
          pltpu.SemaphoreType.DMA,
      ],
  )
  def gather_kernel(t128_hbm, sidx_hbm, out_hbm, sidx_v, rows_v, tail_v,
                    gsem0, gsem1, ssem0, ssem1):
    wid = lax.axis_index("s") * _NC + lax.axis_index("c")
    gsems = (gsem0, gsem1)
    ssems = (ssem0, ssem1)
    def fire_gathers(c, x, local, stage):
      if stage:
        pltpu.sync_copy(
            sidx_hbm.at[pl.ds(wid * n_per_w + (c // 2) * (2 * per_chunk),
                              2 * per_chunk)],
            sidx_v)
      o = local * per_chunk
      for bb in range(_NB):
        for ct in range(_CT - 1):
          pltpu.async_copy(
              t128_hbm.at[sidx_v.at[pl.ds(o + (ct * _NB + bb) * seg, T)]],
              rows_v.at[x, bb, pl.ds(0, T), pl.ds(ct * 128, 128)],
              gsems[x],
          )
      pltpu.async_copy(
          t128_hbm.at[sidx_v.at[pl.ds(o + (_CT - 1) * _NB * seg, _NB * T)]],
          tail_v.at[x], gsems[x])

    def wait_gathers(x):
      for bb in range(_NB):
        for ct in range(_CT - 1):
          pltpu.make_async_copy(
              t128_hbm.at[sidx_v.at[pl.ds((ct * _NB + bb) * seg, T)]],
              rows_v.at[x, bb, pl.ds(0, T), pl.ds(ct * 128, 128)],
              gsems[x],
          ).wait()
      pltpu.make_async_copy(
          t128_hbm.at[sidx_v.at[pl.ds(0, _NB * T)]], tail_v.at[x],
          gsems[x]).wait()

    def merge(x):
      def merge_row(t, _):
        for bb in range(_NB):
          for j in range(6):
            rows_v[x, bb, t, pl.ds(896 + 16 * j, 16)] = (
                tail_v[x, bb * T + t, pl.ds(16 * j, 16)])
          over = pl.multiple_of(t * 0 + 992, 16)
          rows_v[x, bb, t, pl.ds(over, 16)] = (
              tail_v[x, bb * T + t, pl.ds(96, 16)])
        return 0

      lax.fori_loop(0, T, merge_row, 0)

    def fire_scatter(c, x):
      b0 = wid * b_per_w + c * _NB
      pltpu.async_copy(rows_v.at[x], out_hbm.at[pl.ds(b0, _NB)], ssems[x])

    def wait_scatter(c, x):
      b0 = wid * b_per_w + c * _NB
      pltpu.make_async_copy(rows_v.at[x], out_hbm.at[pl.ds(b0, _NB)],
                            ssems[x]).wait()

    fire_gathers(0, 0, 0, True)
    wait_gathers(0)
    merge(0)
    fire_gathers(1, 1, 1, False)
    fire_scatter(0, 0)

    def body(p, _):
      j = 2 * p + 1
      wait_gathers(1)
      merge(1)
      wait_scatter(j - 1, 0)
      fire_gathers(j + 1, 0, 0, True)
      fire_scatter(j, 1)

      wait_gathers(0)
      merge(0)
      wait_scatter(j, 1)
      fire_gathers(j + 2, 1, 1, False)
      fire_scatter(j + 1, 0)
      return 0

    lax.fori_loop(0, (n_chunks - 2) // 2, body, 0)

    last = n_chunks - 1
    wait_gathers(1)
    merge(1)
    wait_scatter(last - 1, 0)
    fire_scatter(last, 1)
    wait_scatter(last, 1)

  return gather_kernel


def kernel(idx, table):
  B, T = idx.shape
  V, D = table.shape
  idx32 = idx.astype(jnp.int32)
  t128 = jnp.pad(table, ((0, 0), (0, _CT * 128 - D))).reshape(V * _CT, 128)
  sidx = (_CT * idx32[:, None, :]
          + jnp.arange(_CT, dtype=jnp.int32)[None, :, None])
  s4 = sidx.reshape(B // _NB, _NB, _CT, T).transpose(0, 2, 1, 3)
  main = jnp.pad(s4[:, :_CT - 1], ((0, 0), (0, 0), (0, 0), (0, 24 - T)))
  tail = s4[:, _CT - 1]
  sidx = jnp.concatenate(
      [main.reshape(B // _NB, -1), tail.reshape(B // _NB, -1)], axis=1
  ).reshape(-1)
  return _make_gather(B, T, V, D)(t128, sidx)

# --- scband reference (transcript-rebuilt; emitter-appended) ---
"""Pipeline reference for scband-bigram-language-model-55224689492420 (READ-ONLY COPY).

The authoritative reference and input builder live on the scoring server;
editing this copy changes nothing except your own understanding.
"""

import jax, jax.numpy as jnp
import numpy as np

VOCAB = 1000
B = 4096
T = 20

def setup_inputs(seed: int = 0) -> dict:
    key = jax.random.key(seed)
    k_idx, k_tab = jax.random.split(key)
    idx = jax.random.randint(k_idx, (B, T), 0, VOCAB, dtype=jnp.int64) if jax.config.jax_enable_x64 else jax.random.randint(k_idx, (B, T), 0, VOCAB, dtype=jnp.int32)
    # Keras Embedding default init: uniform(-0.05, 0.05)
    table = jax.random.uniform(k_tab, (VOCAB, VOCAB), dtype=jnp.float32, minval=-0.05, maxval=0.05)
    return {"idx": idx, "table": table}

def reference(idx, table):
    # BigramLanguageModel.call with targets=None: logits = Embedding(idx); loss = None.
    # Pure embedding gather: [B, T] -> [B, T, vocab]
    logits = jnp.take(table, idx, axis=0)
    return logits

if __name__ == "__main__":
    import jax
    _d = setup_inputs()
    print(jax.jit(kernel)(*tuple(_d.values())))

</pallas_src>

<mosaic_0001>
#map = affine_map<(d0, d1) -> (0, 0)>
#map1 = affine_map<(d0, d1) -> (0)>
#map2 = affine_map<(d0, d1) -> (0, 0, 0)>
module attributes {stable_mosaic.version = 14 : i64} {
  func.func @gather_kernel(%arg0: i32, %arg1: i32, %arg2: memref<8000x128xf32, #tpu.memory_space<hbm>>, %arg3: memref<770048xi32, #tpu.memory_space<hbm>>, %arg4: memref<4096x20x1000xf32, #tpu.memory_space<hbm>>, %arg5: memref<752xi32, #tpu.memory_space<vmem>>, %arg6: memref<2x2x20x1000xf32, #tpu.memory_space<vmem>>, %arg7: memref<2x40x128xf32, #tpu.memory_space<vmem>>, %arg8: memref<!tpu.dma_semaphore, #tpu.memory_space<semaphore_mem>>, %arg9: memref<!tpu.dma_semaphore, #tpu.memory_space<semaphore_mem>>, %arg10: memref<!tpu.dma_semaphore, #tpu.memory_space<semaphore_mem>>, %arg11: memref<!tpu.dma_semaphore, #tpu.memory_space<semaphore_mem>>) attributes {dimension_semantics = [#tpu.dimension_semantics<core_parallel>, #tpu.dimension_semantics<subcore_parallel>], iteration_bounds = array<i64: 2, 16>, scalar_prefetch = 0 : i64, scratch_operands = 7 : i64, tpu.core_type = #tpu.core_type<sc_vector_subcore>, window_params = [{transform_indices = #map}, {transform_indices = #map1}, {transform_indices = #map2}]} {
    %mul3A = arith.constant 2 : i32
    %mul3A_0 = arith.muli %arg1, %mul3A : i32
    %add3A = arith.addi %mul3A_0, %arg0 : i32
    %mul3A_1 = arith.constant 24064 : i32
    %mul3A_2 = arith.muli %add3A, %mul3A_1 : i32
    %add3A_3 = arith.constant 0 : i32
    %add3A_4 = arith.addi %mul3A_2, %add3A_3 : i32
    "tpu.region"() ({
      %run_scoped3A = tpu.sem_alloc : memref<!tpu.dma_semaphore, #tpu.memory_space<semaphore_mem>>
      %dma_start3A_763 = tpu.memref_slice %arg3[%add3A_4] : memref<770048xi32, #tpu.memory_space<hbm>> -> memref<752xi32, #tpu.memory_space<hbm>>
      %dma_start3A_764 = tpu.memref_slice %arg3[%add3A_4] : memref<770048xi32, #tpu.memory_space<hbm>> -> memref<752xi32, #tpu.memory_space<hbm>>
      tpu.enqueue_dma source(%dma_start3A_764 : memref<752xi32, #tpu.memory_space<hbm>>) target(%arg5 : memref<752xi32, #tpu.memory_space<vmem>>) target_semaphore(%run_scoped3A : memref<!tpu.dma_semaphore, #tpu.memory_space<semaphore_mem>>)
      %dma_wait3A_765 = tpu.memref_slice %arg3[%add3A_4] : memref<770048xi32, #tpu.memory_space<hbm>> -> memref<752xi32, #tpu.memory_space<hbm>>
      %dma_wait3A_766 = tpu.memref_slice %arg3[%add3A_4] : memref<770048xi32, #tpu.memory_space<hbm>> -> memref<752xi32, #tpu.memory_space<hbm>>
      tpu.wait_dma2 semaphore(%run_scoped3A : memref<!tpu.dma_semaphore, #tpu.memory_space<semaphore_mem>>) src(%dma_wait3A_766 : memref<752xi32, #tpu.memory_space<hbm>>) dst(%arg5 : memref<752xi32, #tpu.memory_space<vmem>>)
      tpu.yield
    }) : () -> ()
    %dma_start3A = arith.constant 0 : i32
    %dma_start3A_5 = arith.constant 0 : i32
    %dma_start3A_6 = arith.constant 0 : i32
    %dma_start3A_7 = arith.constant 0 : i32
    %dma_start3A_8 = tpu.memref_slice %arg6[%dma_start3A, %dma_start3A_5, %dma_start3A_6, %dma_start3A_7] : memref<2x2x20x1000xf32, #tpu.memory_space<vmem>> -> memref<1x1x20x128xf32, #tpu.memory_space<vmem>>
    %dma_start3A_9 = tpu.memref_squeeze %dma_start3A_8 : memref<1x1x20x128xf32, #tpu.memory_space<vmem>> -> memref<20x128xf32, #tpu.memory_space<vmem>>
    %dma_start3A_10 = arith.constant 0 : i32
    %dma_start3A_11 = tpu.memref_slice %arg5[%dma_start3A_10] : memref<752xi32, #tpu.memory_space<vmem>> -> memref<20xi32, #tpu.memory_space<vmem>>
    %dma_start3A_12 = arith.constant 0 : i32
    %dma_start3A_13 = arith.constant 0 : i32
    %dma_start3A_14 = tpu.memref_slice %arg2[%dma_start3A_12, %dma_start3A_13] : memref<8000x128xf32, #tpu.memory_space<hbm>> -> memref<8000x128xf32, #tpu.memory_space<hbm>>
    tpu.enqueue_indirect_dma source(%dma_start3A_14 : memref<8000x128xf32, #tpu.memory_space<hbm>>) target(%dma_start3A_9 : memref<20x128xf32, #tpu.memory_space<vmem>>) offsets(%dma_start3A_11 : memref<20xi32, #tpu.memory_space<vmem>>) semaphore(%arg8 : memref<!tpu.dma_semaphore, #tpu.memory_space<semaphore_mem>>)
    %dma_start3A_15 = arith.constant 0 : i32
    %dma_start3A_16 = arith.constant 0 : i32
    %dma_start3A_17 = arith.constant 0 : i32
    %dma_start3A_18 = arith.constant 128 : i32
    %dma_start3A_19 = tpu.memref_slice %arg6[%dma_start3A_15, %dma_start3A_16, %dma_start3A_17, %dma_start3A_18] : memref<2x2x20x1000xf32, #tpu.memory_space<vmem>> -> memref<1x1x20x128xf32, #tpu.memory_space<vmem>>
    %dma_start3A_20 = tpu.memref_squeeze %dma_start3A_19 : memref<1x1x20x128xf32, #tpu.memory_space<vmem>> -> memref<20x128xf32, #tpu.memory_space<vmem>>
    %dma_start3A_21 = arith.constant 48 : i32
    %dma_start3A_22 = tpu.memref_slice %arg5[%dma_start3A_21] : memref<752xi32, #tpu.memory_space<vmem>> -> memref<20xi32, #tpu.memory_space<vmem>>
    %dma_start3A_23 = arith.constant 0 : i32
    %dma_start3A_24 = arith.constant 0 : i32
    %dma_start3A_25 = tpu.memref_slice %arg2[%dma_start3A_23, %dma_start3A_24] : memref<8000x128xf32, #tpu.memory_space<hbm>> -> memref<8000x128xf32, #tpu.memory_space<hbm>>
    tpu.enqueue_indirect_dma source(%dma_start3A_25 : memref<8000x128xf32, #tpu.memory_space<hbm>>) target(%dma_start3A_20 : memref<20x128xf32, #tpu.memory_space<vmem>>) offsets(%dma_start3A_22 : memref<20xi32, #tpu.memory_space<vmem>>) semaphore(%arg8 : memref<!tpu.dma_semaphore, #tpu.memory_space<semaphore_mem>>)
    %dma_start3A_26 = arith.constant 0 : i32
    %dma_start3A_27 = arith.constant 0 : i32
    %dma_start3A_28 = arith.constant 0 : i32
    %dma_start3A_29 = arith.constant 256 : i32
    %dma_start3A_30 = tpu.memref_slice %arg6[%dma_start3A_26, %dma_start3A_27, %dma_start3A_28, %dma_start3A_29] : memref<2x2x20x1000xf32, #tpu.memory_space<vmem>> -> memref<1x1x20x128xf32, #tpu.memory_space<vmem>>
    %dma_start3A_31 = tpu.memref_squeeze %dma_start3A_30 : memref<1x1x20x128xf32, #tpu.memory_space<vmem>> -> memref<20x128xf32, #tpu.memory_space<vmem>>
    %dma_start3A_32 = arith.constant 96 : i32
    %dma_start3A_33 = tpu.memref_slice %arg5[%dma_start3A_32] : memref<752xi32, #tpu.memory_space<vmem>> -> memref<20xi32, #tpu.memory_space<vmem>>
    %dma_start3A_34 = arith.constant 0 : i32
    %dma_start3A_35 = arith.constant 0 : i32
    %dma_start3A_36 = tpu.memref_slice %arg2[%dma_start3A_34, %dma_start3A_35] : memref<8000x128xf32, #tpu.memory_space<hbm>> -> memref<8000x128xf32, #tpu.memory_space<hbm>>
    tpu.enqueue_indirect_dma source(%dma_start3A_36 : memref<8000x128xf32, #tpu.memory_space<hbm>>) target(%dma_start3A_31 : memref<20x128xf32, #tpu.memory_space<vmem>>) offsets(%dma_start3A_33 : memref<20xi32, #tpu.memory_space<vmem>>) semaphore(%arg8 : memref<!tpu.dma_semaphore, #tpu.memory_space<semaphore_mem>>)
    %dma_start3A_37 = arith.constant 0 : i32
    %dma_start3A_38 = arith.constant 0 : i32
    %dma_start3A_39 = arith.constant 0 : i32
    %dma_start3A_40 = arith.constant 384 : i32
    %dma_start3A_41 = tpu.memref_slice %arg6[%dma_start3A_37, %dma_start3A_38, %dma_start3A_39, %dma_start3A_40] : memref<2x2x20x1000xf32, #tpu.memory_space<vmem>> -> memref<1x1x20x128xf32, #tpu.memory_space<vmem>>
    %dma_start3A_42 = tpu.memref_squeeze %dma_start3A_41 : memref<1x1x20x128xf32, #tpu.memory_space<vmem>> -> memref<20x128xf32, #tpu.memory_space<vmem>>
    %dma_start3A_43 = arith.constant 144 : i32
    %dma_start3A_44 = tpu.memref_slice %arg5[%dma_start3A_43] : memref<752xi32, #tpu.memory_space<vmem>> -> memref<20xi32, #tpu.memory_space<vmem>>
    %dma_start3A_45 = arith.constant 0 : i32
    %dma_start3A_46 = arith.constant 0 : i32
    %dma_start3A_47 = tpu.memref_slice %arg2[%dma_start3A_45, %dma_start3A_46] : memref<8000x128xf32, #tpu.memory_space<hbm>> -> memref<8000x128xf32, #tpu.memory_space<hbm>>
    tpu.enqueue_indirect_dma source(%dma_start3A_47 : memref<8000x128xf32, #tpu.memory_space<hbm>>) target(%dma_start3A_42 : memref<20x128xf32, #tpu.memory_space<vmem>>) offsets(%dma_start3A_44 : memref<20xi32, #tpu.memory_space<vmem>>) semaphore(%arg8 : memref<!tpu.dma_semaphore, #tpu.memory_space<semaphore_mem>>)
    %dma_start3A_48 = arith.constant 0 : i32
    %dma_start3A_49 = arith.constant 0 : i32
    %dma_start3A_50 = arith.constant 0 : i32
    %dma_start3A_51 = arith.constant 512 : i32
    %dma_start3A_52 = tpu.memref_slice %arg6[%dma_start3A_48, %dma_start3A_49, %dma_start3A_50, %dma_start3A_51] : memref<2x2x20x1000xf32, #tpu.memory_space<vmem>> -> memref<1x1x20x128xf32, #tpu.memory_space<vmem>>
    %dma_start3A_53 = tpu.memref_squeeze %dma_start3A_52 : memref<1x1x20x128xf32, #tpu.memory_space<vmem>> -> memref<20x128xf32, #tpu.memory_space<vmem>>
    %dma_start3A_54 = arith.constant 192 : i32
    %dma_start3A_55 = tpu.memref_slice %arg5[%dma_start3A_54] : memref<752xi32, #tpu.memory_space<vmem>> -> memref<20xi32, #tpu.memory_space<vmem>>
    %dma_start3A_56 = arith.constant 0 : i32
    %dma_start3A_57 = arith.constant 0 : i32
    %dma_start3A_58 = tpu.memref_slice %arg2[%dma_start3A_56, %dma_start3A_57] : memref<8000x128xf32, #tpu.memory_space<hbm>> -> memref<8000x128xf32, #tpu.memory_space<hbm>>
    tpu.enqueue_indirect_dma source(%dma_start3A_58 : memref<8000x128xf32, #tpu.memory_space<hbm>>) target(%dma_start3A_53 : memref<20x128xf32, #tpu.memory_space<vmem>>) offsets(%dma_start3A_55 : memref<20xi32, #tpu.memory_space<vmem>>) semaphore(%arg8 : memref<!tpu.dma_semaphore, #tpu.memory_space<semaphore_mem>>)
    %dma_start3A_59 = arith.constant 0 : i32
    %dma_start3A_60 = arith.constant 0 : i32
    %dma_start3A_61 = arith.constant 0 : i32
    %dma_start3A_62 = arith.constant 640 : i32
    %dma_start3A_63 = tpu.memref_slice %arg6[%dma_start3A_59, %dma_start3A_60, %dma_start3A_61, %dma_start3A_62] : memref<2x2x20x1000xf32, #tpu.memory_space<vmem>> -> memref<1x1x20x128xf32, #tpu.memory_space<vmem>>
    %dma_start3A_64 = tpu.memref_squeeze %dma_start3A_63 : memref<1x1x20x128xf32, #tpu.memory_space<vmem>> -> memref<20x128xf32, #tpu.memory_space<vmem>>
    %dma_start3A_65 = arith.constant 240 : i32
    %dma_start3A_66 = tpu.memref_slice %arg5[%dma_start3A_65] : memref<752xi32, #tpu.memory_space<vmem>> -> memref<20xi32, #tpu.memory_space<vmem>>
    %dma_start3A_67 = arith.constant 0 : i32
    %dma_start3A_68 = arith.constant 0 : i32
    %dma_start3A_69 = tpu.memref_slice %arg2[%dma_start3A_67, %dma_start3A_68] : memref<8000x128xf32, #tpu.memory_space<hbm>> -> memref<8000x128xf32, #tpu.memory_space<hbm>>
    tpu.enqueue_indirect_dma source(%dma_start3A_69 : memref<8000x128xf32, #tpu.memory_space<hbm>>) target(%dma_start3A_64 : memref<20x128xf32, #tpu.memory_space<vmem>>) offsets(%dma_start3A_66 : memref<20xi32, #tpu.memory_space<vmem>>) semaphore(%arg8 : memref<!tpu.dma_semaphore, #tpu.memory_space<semaphore_mem>>)
    %dma_start3A_70 = arith.constant 0 : i32
    %dma_start3A_71 = arith.constant 0 : i32
    %dma_start3A_72 = arith.constant 0 : i32
    %dma_start3A_73 = arith.constant 768 : i32
    %dma_start3A_74 = tpu.memref_slice %arg6[%dma_start3A_70, %dma_start3A_71, %dma_start3A_72, %dma_start3A_73] : memref<2x2x20x1000xf32, #tpu.memory_space<vmem>> -> memref<1x1x20x128xf32, #tpu.memory_space<vmem>>
    %dma_start3A_75 = tpu.memref_squeeze %dma_start3A_74 : memref<1x1x20x128xf32, #tpu.memory_space<vmem>> -> memref<20x128xf32, #tpu.memory_space<vmem>>
    %dma_start3A_76 = arith.constant 288 : i32
    %dma_start3A_77 = tpu.memref_slice %arg5[%dma_start3A_76] : memref<752xi32, #tpu.memory_space<vmem>> -> memref<20xi32, #tpu.memory_space<vmem>>
    %dma_start3A_78 = arith.constant 0 : i32
    %dma_start3A_79 = arith.constant 0 : i32
    %dma_start3A_80 = tpu.memref_slice %arg2[%dma_start3A_78, %dma_start3A_79] : memref<8000x128xf32, #tpu.memory_space<hbm>> -> memref<8000x128xf32, #tpu.memory_space<hbm>>
    tpu.enqueue_indirect_dma source(%dma_start3A_80 : memref<8000x128xf32, #tpu.memory_space<hbm>>) target(%dma_start3A_75 : memref<20x128xf32, #tpu.memory_space<vmem>>) offsets(%dma_start3A_77 : memref<20xi32, #tpu.memory_space<vmem>>) semaphore(%arg8 : memref<!tpu.dma_semaphore, #tpu.memory_space<semaphore_mem>>)
    %dma_start3A_81 = arith.constant 0 : i32
    %dma_start3A_82 = arith.constant 1 : i32
    %dma_start3A_83 = arith.constant 0 : i32
    %dma_start3A_84 = arith.constant 0 : i32
    %dma_start3A_85 = tpu.memref_slice %arg6[%dma_start3A_81, %dma_start3A_82, %dma_start3A_83, %dma_start3A_84] : memref<2x2x20x1000xf32, #tpu.memory_space<vmem>> -> memref<1x1x20x128xf32, #tpu.memory_space<vmem>>
    %dma_start3A_86 = tpu.memref_squeeze %dma_start3A_85 : memref<1x1x20x128xf32, #tpu.memory_space<vmem>> -> memref<20x128xf32, #tpu.memory_space<vmem>>
    %dma_start3A_87 = arith.constant 24 : i32
    %dma_start3A_88 = tpu.memref_slice %arg5[%dma_start3A_87] : memref<752xi32, #tpu.memory_space<vmem>> -> memref<20xi32, #tpu.memory_space<vmem>>
    %dma_start3A_89 = arith.constant 0 : i32
    %dma_start3A_90 = arith.constant 0 : i32
    %dma_start3A_91 = tpu.memref_slice %arg2[%dma_start3A_89, %dma_start3A_90] : memref<8000x128xf32, #tpu.memory_space<hbm>> -> memref<8000x128xf32, #tpu.memory_space<hbm>>
    tpu.enqueue_indirect_dma source(%dma_start3A_91 : memref<8000x128xf32, #tpu.memory_space<hbm>>) target(%dma_start3A_86 : memref<20x128xf32, #tpu.memory_space<vmem>>) offsets(%dma_start3A_88 : memref<20xi32, #tpu.memory_space<vmem>>) semaphore(%arg8 : memref<!tpu.dma_semaphore, #tpu.memory_space<semaphore_mem>>)
    %dma_start3A_92 = arith.constant 0 : i32
    %dma_start3A_93 = arith.constant 1 : i32
    %dma_start3A_94 = arith.constant 0 : i32
    %dma_start3A_95 = arith.constant 128 : i32
    %dma_start3A_96 = tpu.memref_slice %arg6[%dma_start3A_92, %dma_start3A_93, %dma_start3A_94, %dma_start3A_95] : memref<2x2x20x1000xf32, #tpu.memory_space<vmem>> -> memref<1x1x20x128xf32, #tpu.memory_space<vmem>>
    %dma_start3A_97 = tpu.memref_squeeze %dma_start3A_96 : memref<1x1x20x128xf32, #tpu.memory_space<vmem>> -> memref<20x128xf32, #tpu.memory_space<vmem>>
    %dma_start3A_98 = arith.constant 72 : i32
    %dma_start3A_99 = tpu.memref_slice %arg5[%dma_start3A_98] : memref<752xi32, #tpu.memory_space<vmem>> -> memref<20xi32, #tpu.memory_space<vmem>>
    %dma_start3A_100 = arith.constant 0 : i32
    %dma_start3A_101 = arith.constant 0 : i32
    %dma_start3A_102 = tpu.memref_slice %arg2[%dma_start3A_100, %dma_start3A_101] : memref<8000x128xf32, #tpu.memory_space<hbm>> -> memref<8000x128xf32, #tpu.memory_space<hbm>>
    tpu.enqueue_indirect_dma source(%dma_start3A_102 : memref<8000x128xf32, #tpu.memory_space<hbm>>) target(%dma_start3A_97 : memref<20x128xf32, #tpu.memory_space<vmem>>) offsets(%dma_start3A_99 : memref<20xi32, #tpu.memory_space<vmem>>) semaphore(%arg8 : memref<!tpu.dma_semaphore, #tpu.memory_space<semaphore_mem>>)
    %dma_start3A_103 = arith.constant 0 : i32
    %dma_start3A_104 = arith.constant 1 : i32
    %dma_start3A_105 = arith.constant 0 : i32
    %dma_start3A_106 = arith.constant 256 : i32
    %dma_start3A_107 = tpu.memref_slice %arg6[%dma_start3A_103, %dma_start3A_104, %dma_start3A_105, %dma_start3A_106] : memref<2x2x20x1000xf32, #tpu.memory_space<vmem>> -> memref<1x1x20x128xf32, #tpu.memory_space<vmem>>
    %dma_start3A_108 = tpu.memref_squeeze %dma_start3A_107 : memref<1x1x20x128xf32, #tpu.memory_space<vmem>> -> memref<20x128xf32, #tpu.memory_space<vmem>>
    %dma_start3A_109 = arith.constant 120 : i32
    %dma_start3A_110 = tpu.memref_slice %arg5[%dma_start3A_109] : memref<752xi32, #tpu.memory_space<vmem>> -> memref<20xi32, #tpu.memory_space<vmem>>
    %dma_start3A_111 = arith.constant 0 : i32
    %dma_start3A_112 = arith.constant 0 : i32
    %dma_start3A_113 = tpu.memref_slice %arg2[%dma_start3A_111, %dma_start3A_112] : memref<8000x128xf32, #tpu.memory_space<hbm>> -> memref<8000x128xf32, #tpu.memory_space<hbm>>
    tpu.enqueue_indirect_dma source(%dma_start3A_113 : memref<8000x128xf32, #tpu.memory_space<hbm>>) target(%dma_start3A_108 : memref<20x128xf32, #tpu.memory_space<vmem>>) offsets(%dma_start3A_110 : memref<20xi32, #tpu.memory_space<vmem>>) semaphore(%arg8 : memref<!tpu.dma_semaphore, #tpu.memory_space<semaphore_mem>>)
    %dma_start3A_114 = arith.constant 0 : i32
    %dma_start3A_115 = arith.constant 1 : i32
    %dma_start3A_116 = arith.constant 0 : i32
    %dma_start3A_117 = arith.constant 384 : i32
    %dma_start3A_118 = tpu.memref_slice %arg6[%dma_start3A_114, %dma_start3A_115, %dma_start3A_116, %dma_start3A_117] : memref<2x2x20x1000xf32, #tpu.memory_space<vmem>> -> memref<1x1x20x128xf32, #tpu.memory_space<vmem>>
    %dma_start3A_119 = tpu.memref_squeeze %dma_start3A_118 : memref<1x1x20x128xf32, #tpu.memory_space<vmem>> -> memref<20x128xf32, #tpu.memory_space<vmem>>
    %dma_start3A_120 = arith.constant 168 : i32
    %dma_start3A_121 = tpu.memref_slice %arg5[%dma_start3A_120] : memref<752xi32, #tpu.memory_space<vmem>> -> memref<20xi32, #tpu.memory_space<vmem>>
    %dma_start3A_122 = arith.constant 0 : i32
    %dma_start3A_123 = arith.constant 0 : i32
    %dma_start3A_124 = tpu.memref_slice %arg2[%dma_start3A_122, %dma_start3A_123] : memref<8000x128xf32, #tpu.memory_space<hbm>> -> memref<8000x128xf32, #tpu.memory_space<hbm>>
    tpu.enqueue_indirect_dma source(%dma_start3A_124 : memref<8000x128xf32, #tpu.memory_space<hbm>>) target(%dma_start3A_119 : memref<20x128xf32, #tpu.memory_space<vmem>>) offsets(%dma_start3A_121 : memref<20xi32, #tpu.memory_space<vmem>>) semaphore(%arg8 : memref<!tpu.dma_semaphore, #tpu.memory_space<semaphore_mem>>)
    %dma_start3A_125 = arith.constant 0 : i32
    %dma_start3A_126 = arith.constant 1 : i32
    %dma_start3A_127 = arith.constant 0 : i32
    %dma_start3A_128 = arith.constant 512 : i32
    %dma_start3A_129 = tpu.memref_slice %arg6[%dma_start3A_125, %dma_start3A_126, %dma_start3A_127, %dma_start3A_128] : memref<2x2x20x1000xf32, #tpu.memory_space<vmem>> -> memref<1x1x20x128xf32, #tpu.memory_space<vmem>>
    %dma_start3A_130 = tpu.memref_squeeze %dma_start3A_129 : memref<1x1x20x128xf32, #tpu.memory_space<vmem>> -> memref<20x128xf32, #tpu.memory_space<vmem>>
    %dma_start3A_131 = arith.constant 216 : i32
    %dma_start3A_132 = tpu.memref_slice %arg5[%dma_start3A_131] : memref<752xi32, #tpu.memory_space<vmem>> -> memref<20xi32, #tpu.memory_space<vmem>>
    %dma_start3A_133 = arith.constant 0 : i32
    %dma_start3A_134 = arith.constant 0 : i32
    %dma_start3A_135 = tpu.memref_slice %arg2[%dma_start3A_133, %dma_start3A_134] : memref<8000x128xf32, #tpu.memory_space<hbm>> -> memref<8000x128xf32, #tpu.memory_space<hbm>>
    tpu.enqueue_indirect_dma source(%dma_start3A_135 : memref<8000x128xf32, #tpu.memory_space<hbm>>) target(%dma_start3A_130 : memref<20x128xf32, #tpu.memory_space<vmem>>) offsets(%dma_start3A_132 : memref<20xi32, #tpu.memory_space<vmem>>) semaphore(%arg8 : memref<!tpu.dma_semaphore, #tpu.memory_space<semaphore_mem>>)
    %dma_start3A_136 = arith.constant 0 : i32
    %dma_start3A_137 = arith.constant 1 : i32
    %dma_start3A_138 = arith.constant 0 : i32
    %dma_start3A_139 = arith.constant 640 : i32
    %dma_start3A_140 = tpu.memref_slice %arg6[%dma_start3A_136, %dma_start3A_137, %dma_start3A_138, %dma_start3A_139] : memref<2x2x20x1000xf32, #tpu.memory_space<vmem>> -> memref<1x1x20x128xf32, #tpu.memory_space<vmem>>
    %dma_start3A_141 = tpu.memref_squeeze %dma_start3A_140 : memref<1x1x20x128xf32, #tpu.memory_space<vmem>> -> memref<20x128xf32, #tpu.memory_space<vmem>>
    %dma_start3A_142 = arith.constant 264 : i32
    %dma_start3A_143 = tpu.memref_slice %arg5[%dma_start3A_142] : memref<752xi32, #tpu.memory_space<vmem>> -> memref<20xi32, #tpu.memory_space<vmem>>
    %dma_start3A_144 = arith.constant 0 : i32
    %dma_start3A_145 = arith.constant 0 : i32
    %dma_start3A_146 = tpu.memref_slice %arg2[%dma_start3A_144, %dma_start3A_145] : memref<8000x128xf32, #tpu.memory_space<hbm>> -> memref<8000x128xf32, #tpu.memory_space<hbm>>
    tpu.enqueue_indirect_dma source(%dma_start3A_146 : memref<8000x128xf32, #tpu.memory_space<hbm>>) target(%dma_start3A_141 : memref<20x128xf32, #tpu.memory_space<vmem>>) offsets(%dma_start3A_143 : memref<20xi32, #tpu.memory_space<vmem>>) semaphore(%arg8 : memref<!tpu.dma_semaphore, #tpu.memory_space<semaphore_mem>>)
    %dma_start3A_147 = arith.constant 0 : i32
    %dma_start3A_148 = arith.constant 1 : i32
    %dma_start3A_149 = arith.constant 0 : i32
    %dma_start3A_150 = arith.constant 768 : i32
    %dma_start3A_151 = tpu.memref_slice %arg6[%dma_start3A_147, %dma_start3A_148, %dma_start3A_149, %dma_start3A_150] : memref<2x2x20x1000xf32, #tpu.memory_space<vmem>> -> memref<1x1x20x128xf32, #tpu.memory_space<vmem>>
    %dma_start3A_152 = tpu.memref_squeeze %dma_start3A_151 : memref<1x1x20x128xf32, #tpu.memory_space<vmem>> -> memref<20x128xf32, #tpu.memory_space<vmem>>
    %dma_start3A_153 = arith.constant 312 : i32
    %dma_start3A_154 = tpu.memref_slice %arg5[%dma_start3A_153] : memref<752xi32, #tpu.memory_space<vmem>> -> memref<20xi32, #tpu.memory_space<vmem>>
    %dma_start3A_155 = arith.constant 0 : i32
    %dma_start3A_156 = arith.constant 0 : i32
    %dma_start3A_157 = tpu.memref_slice %arg2[%dma_start3A_155, %dma_start3A_156] : memref<8000x128xf32, #tpu.memory_space<hbm>> -> memref<8000x128xf32, #tpu.memory_space<hbm>>
    tpu.enqueue_indirect_dma source(%dma_start3A_157 : memref<8000x128xf32, #tpu.memory_space<hbm>>) target(%dma_start3A_152 : memref<20x128xf32, #tpu.memory_space<vmem>>) offsets(%dma_start3A_154 : memref<20xi32, #tpu.memory_space<vmem>>) semaphore(%arg8 : memref<!tpu.dma_semaphore, #tpu.memory_space<semaphore_mem>>)
    %dma_start3A_158 = arith.constant 0 : i32
    %dma_start3A_159 = arith.constant 0 : i32
    %dma_start3A_160 = arith.constant 0 : i32
    %dma_start3A_161 = tpu.memref_slice %arg7[%dma_start3A_158, %dma_start3A_159, %dma_start3A_160] : memref<2x40x128xf32, #tpu.memory_space<vmem>> -> memref<1x40x128xf32, #tpu.memory_space<vmem>>
    %dma_start3A_162 = tpu.memref_squeeze %dma_start3A_161 : memref<1x40x128xf32, #tpu.memory_space<vmem>> -> memref<40x128xf32, #tpu.memory_space<vmem>>
    %dma_start3A_163 = arith.constant 336 : i32
    %dma_start3A_164 = tpu.memref_slice %arg5[%dma_start3A_163] : memref<752xi32, #tpu.memory_space<vmem>> -> memref<40xi32, #tpu.memory_space<vmem>>
    %dma_start3A_165 = arith.constant 0 : i32
    %dma_start3A_166 = arith.constant 0 : i32
    %dma_start3A_167 = tpu.memref_slice %arg2[%dma_start3A_165, %dma_start3A_166] : memref<8000x128xf32, #tpu.memory_space<hbm>> -> memref<8000x128xf32, #tpu.memory_space<hbm>>
    tpu.enqueue_indirect_dma source(%dma_start3A_167 : memref<8000x128xf32, #tpu.memory_space<hbm>>) target(%dma_start3A_162 : memref<40x128xf32, #tpu.memory_space<vmem>>) offsets(%dma_start3A_164 : memref<40xi32, #tpu.memory_space<vmem>>) semaphore(%arg8 : memref<!tpu.dma_semaphore, #tpu.memory_space<semaphore_mem>>)
    %dma_wait3A = arith.constant 0 : i32
    %dma_wait3A_168 = arith.constant 0 : i32
    %dma_wait3A_169 = arith.constant 0 : i32
    %dma_wait3A_170 = arith.constant 0 : i32
    %dma_wait3A_171 = tpu.memref_slice %arg6[%dma_wait3A, %dma_wait3A_168, %dma_wait3A_169, %dma_wait3A_170] : memref<2x2x20x1000xf32, #tpu.memory_space<vmem>> -> memref<1x1x20x128xf32, #tpu.memory_space<vmem>>
    %dma_wait3A_172 = tpu.memref_squeeze %dma_wait3A_171 : memref<1x1x20x128xf32, #tpu.memory_space<vmem>> -> memref<20x128xf32, #tpu.memory_space<vmem>>
    %dma_wait3A_173 = arith.constant 0 : i32
    %dma_wait3A_174 = tpu.memref_slice %arg5[%dma_wait3A_173] : memref<752xi32, #tpu.memory_space<vmem>> -> memref<20xi32, #tpu.memory_space<vmem>>
    %dma_wait3A_175 = arith.constant 0 : i32
    %dma_wait3A_176 = arith.constant 0 : i32
    %dma_wait3A_177 = tpu.memref_slice %arg2[%dma_wait3A_175, %dma_wait3A_176] : memref<8000x128xf32, #tpu.memory_space<hbm>> -> memref<8000x128xf32, #tpu.memory_space<hbm>>
    tpu.wait_indirect_dma semaphore(%arg8 : memref<!tpu.dma_semaphore, #tpu.memory_space<semaphore_mem>>) src(%dma_wait3A_177 : memref<8000x128xf32, #tpu.memory_space<hbm>>) dst(%dma_wait3A_172 : memref<20x128xf32, #tpu.memory_space<vmem>>)
    %dma_wait3A_178 = arith.constant 0 : i32
    %dma_wait3A_179 = arith.constant 0 : i32
    %dma_wait3A_180 = arith.constant 0 : i32
    %dma_wait3A_181 = arith.constant 128 : i32
    %dma_wait3A_182 = tpu.memref_slice %arg6[%dma_wait3A_178, %dma_wait3A_179, %dma_wait3A_180, %dma_wait3A_181] : memref<2x2x20x1000xf32, #tpu.memory_space<vmem>> -> memref<1x1x20x128xf32, #tpu.memory_space<vmem>>
    %dma_wait3A_183 = tpu.memref_squeeze %dma_wait3A_182 : memref<1x1x20x128xf32, #tpu.memory_space<vmem>> -> memref<20x128xf32, #tpu.memory_space<vmem>>
    %dma_wait3A_184 = arith.constant 48 : i32
    %dma_wait3A_185 = tpu.memref_slice %arg5[%dma_wait3A_184] : memref<752xi32, #tpu.memory_space<vmem>> -> memref<20xi32, #tpu.memory_space<vmem>>
    %dma_wait3A_186 = arith.constant 0 : i32
    %dma_wait3A_187 = arith.constant 0 : i32
    %dma_wait3A_188 = tpu.memref_slice %arg2[%dma_wait3A_186, %dma_wait3A_187] : memref<8000x128xf32, #tpu.memory_space<hbm>> -> memref<8000x128xf32, #tpu.memory_space<hbm>>
    tpu.wait_indirect_dma semaphore(%arg8 : memref<!tpu.dma_semaphore, #tpu.memory_space<semaphore_mem>>) src(%dma_wait3A_188 : memref<8000x128xf32, #tpu.memory_space<hbm>>) dst(%dma_wait3A_183 : memref<20x128xf32, #tpu.memory_space<vmem>>)
    %dma_wait3A_189 = arith.constant 0 : i32
    %dma_wait3A_190 = arith.constant 0 : i32
    %dma_wait3A_191 = arith.constant 0 : i32
    %dma_wait3A_192 = arith.constant 256 : i32
    %dma_wait3A_193 = tpu.memref_slice %arg6[%dma_wait3A_189, %dma_wait3A_190, %dma_wait3A_191, %dma_wait3A_192] : memref<2x2x20x1000xf32, #tpu.memory_space<vmem>> -> memref<1x1x20x128xf32, #tpu.memory_space<vmem>>
    %dma_wait3A_194 = tpu.memref_squeeze %dma_wait3A_193 : memref<1x1x20x128xf32, #tpu.memory_space<vmem>> -> memref<20x128xf32, #tpu.memory_space<vmem>>
    %dma_wait3A_195 = arith.constant 96 : i32
    %dma_wait3A_196 = tpu.memref_slice %arg5[%dma_wait3A_195] : memref<752xi32, #tpu.memory_space<vmem>> -> memref<20xi32, #tpu.memory_space<vmem>>
    %dma_wait3A_197 = arith.constant 0 : i32
    %dma_wait3A_198 = arith.constant 0 : i32
    %dma_wait3A_199 = tpu.memref_slice %arg2[%dma_wait3A_197, %dma_wait3A_198] : memref<8000x128xf32, #tpu.memory_space<hbm>> -> memref<8000x128xf32, #tpu.memory_space<hbm>>
    tpu.wait_indirect_dma semaphore(%arg8 : memref<!tpu.dma_semaphore, #tpu.memory_space<semaphore_mem>>) src(%dma_wait3A_199 : memref<8000x128xf32, #tpu.memory_space<hbm>>) dst(%dma_wait3A_194 : memref<20x128xf32, #tpu.memory_space<vmem>>)
    %dma_wait3A_200 = arith.constant 0 : i32
    %dma_wait3A_201 = arith.constant 0 : i32
    %dma_wait3A_202 = arith.constant 0 : i32
    %dma_wait3A_203 = arith.constant 384 : i32
    %dma_wait3A_204 = tpu.memref_slice %arg6[%dma_wait3A_200, %dma_wait3A_201, %dma_wait3A_202, %dma_wait3A_203] : memref<2x2x20x1000xf32, #tpu.memory_space<vmem>> -> memref<1x1x20x128xf32, #tpu.memory_space<vmem>>
    %dma_wait3A_205 = tpu.memref_squeeze %dma_wait3A_204 : memref<1x1x20x128xf32, #tpu.memory_space<vmem>> -> memref<20x128xf32, #tpu.memory_space<vmem>>
    %dma_wait3A_206 = arith.constant 144 : i32
    %dma_wait3A_207 = tpu.memref_slice %arg5[%dma_wait3A_206] : memref<752xi32, #tpu.memory_space<vmem>> -> memref<20xi32, #tpu.memory_space<vmem>>
    %dma_wait3A_208 = arith.constant 0 : i32
    %dma_wait3A_209 = arith.constant 0 : i32
    %dma_wait3A_210 = tpu.memref_slice %arg2[%dma_wait3A_208, %dma_wait3A_209] : memref<8000x128xf32, #tpu.memory_space<hbm>> -> memref<8000x128xf32, #tpu.memory_space<hbm>>
    tpu.wait_indirect_dma semaphore(%arg8 : memref<!tpu.dma_semaphore, #tpu.memory_space<semaphore_mem>>) src(%dma_wait3A_210 : memref<8000x128xf32, #tpu.memory_space<hbm>>) dst(%dma_wait3A_205 : memref<20x128xf32, #tpu.memory_space<vmem>>)
    %dma_wait3A_211 = arith.constant 0 : i32
    %dma_wait3A_212 = arith.constant 0 : i32
    %dma_wait3A_213 = arith.constant 0 : i32
    %dma_wait3A_214 = arith.constant 512 : i32
    %dma_wait3A_215 = tpu.memref_slice %arg6[%dma_wait3A_211, %dma_wait3A_212, %dma_wait3A_213, %dma_wait3A_214] : memref<2x2x20x1000xf32, #tpu.memory_space<vmem>> -> memref<1x1x20x128xf32, #tpu.memory_space<vmem>>
    %dma_wait3A_216 = tpu.memref_squeeze %dma_wait3A_215 : memref<1x1x20x128xf32, #tpu.memory_space<vmem>> -> memref<20x128xf32, #tpu.memory_space<vmem>>
    %dma_wait3A_217 = arith.constant 192 : i32
    %dma_wait3A_218 = tpu.memref_slice %arg5[%dma_wait3A_217] : memref<752xi32, #tpu.memory_space<vmem>> -> memref<20xi32, #tpu.memory_space<vmem>>
    %dma_wait3A_219 = arith.constant 0 : i32
    %dma_wait3A_220 = arith.constant 0 : i32
    %dma_wait3A_221 = tpu.memref_slice %arg2[%dma_wait3A_219, %dma_wait3A_220] : memref<8000x128xf32, #tpu.memory_space<hbm>> -> memref<8000x128xf32, #tpu.memory_space<hbm>>
    tpu.wait_indirect_dma semaphore(%arg8 : memref<!tpu.dma_semaphore, #tpu.memory_space<semaphore_mem>>) src(%dma_wait3A_221 : memref<8000x128xf32, #tpu.memory_space<hbm>>) dst(%dma_wait3A_216 : memref<20x128xf32, #tpu.memory_space<vmem>>)
    %dma_wait3A_222 = arith.constant 0 : i32
    %dma_wait3A_223 = arith.constant 0 : i32
    %dma_wait3A_224 = arith.constant 0 : i32
    %dma_wait3A_225 = arith.constant 640 : i32
    %dma_wait3A_226 = tpu.memref_slice %arg6[%dma_wait3A_222, %dma_wait3A_223, %dma_wait3A_224, %dma_wait3A_225] : memref<2x2x20x1000xf32, #tpu.memory_space<vmem>> -> memref<1x1x20x128xf32, #tpu.memory_space<vmem>>
    %dma_wait3A_227 = tpu.memref_squeeze %dma_wait3A_226 : memref<1x1x20x128xf32, #tpu.memory_space<vmem>> -> memref<20x128xf32, #tpu.memory_space<vmem>>
    %dma_wait3A_228 = arith.constant 240 : i32
    %dma_wait3A_229 = tpu.memref_slice %arg5[%dma_wait3A_228] : memref<752xi32, #tpu.memory_space<vmem>> -> memref<20xi32, #tpu.memory_space<vmem>>
    %dma_wait3A_230 = arith.constant 0 : i32
    %dma_wait3A_231 = arith.constant 0 : i32
    %dma_wait3A_232 = tpu.memref_slice %arg2[%dma_wait3A_230, %dma_wait3A_231] : memref<8000x128xf32, #tpu.memory_space<hbm>> -> memref<8000x128xf32, #tpu.memory_space<hbm>>
    tpu.wait_indirect_dma semaphore(%arg8 : memref<!tpu.dma_semaphore, #tpu.memory_space<semaphore_mem>>) src(%dma_wait3A_232 : memref<8000x128xf32, #tpu.memory_space<hbm>>) dst(%dma_wait3A_227 : memref<20x128xf32, #tpu.memory_space<vmem>>)
    %dma_wait3A_233 = arith.constant 0 : i32
    %dma_wait3A_234 = arith.constant 0 : i32
    %dma_wait3A_235 = arith.constant 0 : i32
    %dma_wait3A_236 = arith.constant 768 : i32
    %dma_wait3A_237 = tpu.memref_slice %arg6[%dma_wait3A_233, %dma_wait3A_234, %dma_wait3A_235, %dma_wait3A_236] : memref<2x2x20x1000xf32, #tpu.memory_space<vmem>> -> memref<1x1x20x128xf32, #tpu.memory_space<vmem>>
    %dma_wait3A_238 = tpu.memref_squeeze %dma_wait3A_237 : memref<1x1x20x128xf32, #tpu.memory_space<vmem>> -> memref<20x128xf32, #tpu.memory_space<vmem>>
    %dma_wait3A_239 = arith.constant 288 : i32
    %dma_wait3A_240 = tpu.memref_slice %arg5[%dma_wait3A_239] : memref<752xi32, #tpu.memory_space<vmem>> -> memref<20xi32, #tpu.memory_space<vmem>>
    %dma_wait3A_241 = arith.constant 0 : i32
    %dma_wait3A_242 = arith.constant 0 : i32
    %dma_wait3A_243 = tpu.memref_slice %arg2[%dma_wait3A_241, %dma_wait3A_242] : memref<8000x128xf32, #tpu.memory_space<hbm>> -> memref<8000x128xf32, #tpu.memory_space<hbm>>
    tpu.wait_indirect_dma semaphore(%arg8 : memref<!tpu.dma_semaphore, #tpu.memory_space<semaphore_mem>>) src(%dma_wait3A_243 : memref<8000x128xf32, #tpu.memory_space<hbm>>) dst(%dma_wait3A_238 : memref<20x128xf32, #tpu.memory_space<vmem>>)
    %dma_wait3A_244 = arith.constant 0 : i32
    %dma_wait3A_245 = arith.constant 1 : i32
    %dma_wait3A_246 = arith.constant 0 : i32
    %dma_wait3A_247 = arith.constant 0 : i32
    %dma_wait3A_248 = tpu.memref_slice %arg6[%dma_wait3A_244, %dma_wait3A_245, %dma_wait3A_246, %dma_wait3A_247] : memref<2x2x20x1000xf32, #tpu.memory_space<vmem>> -> memref<1x1x20x128xf32, #tpu.memory_space<vmem>>
    %dma_wait3A_249 = tpu.memref_squeeze %dma_wait3A_248 : memref<1x1x20x128xf32, #tpu.memory_space<vmem>> -> memref<20x128xf32, #tpu.memory_space<vmem>>
    %dma_wait3A_250 = arith.constant 24 : i32
    %dma_wait3A_251 = tpu.memref_slice %arg5[%dma_wait3A_250] : memref<752xi32, #tpu.memory_space<vmem>> -> memref<20xi32, #tpu.memory_space<vmem>>
    %dma_wait3A_252 = arith.constant 0 : i32
    %dma_wait3A_253 = arith.constant 0 : i32
    %dma_wait3A_254 = tpu.memref_slice %arg2[%dma_wait3A_252, %dma_wait3A_253] : memref<8000x128xf32, #tpu.memory_space<hbm>> -> memref<8000x128xf32, #tpu.memory_space<hbm>>
    tpu.wait_indirect_dma semaphore(%arg8 : memref<!tpu.dma_semaphore, #tpu.memory_space<semaphore_mem>>) src(%dma_wait3A_254 : memref<8000x128xf32, #tpu.memory_space<hbm>>) dst(%dma_wait3A_249 : memref<20x128xf32, #tpu.memory_space<vmem>>)
    %dma_wait3A_255 = arith.constant 0 : i32
    %dma_wait3A_256 = arith.constant 1 : i32
    %dma_wait3A_257 = arith.constant 0 : i32
    %dma_wait3A_258 = arith.constant 128 : i32
    %dma_wait3A_259 = tpu.memref_slice %arg6[%dma_wait3A_255, %dma_wait3A_256, %dma_wait3A_257, %dma_wait3A_258] : memref<2x2x20x1000xf32, #tpu.memory_space<vmem>> -> memref<1x1x20x128xf32, #tpu.memory_space<vmem>>
    %dma_wait3A_260 = tpu.memref_squeeze %dma_wait3A_259 : memref<1x1x20x128xf32, #tpu.memory_space<vmem>> -> memref<20x128xf32, #tpu.memory_space<vmem>>
    %dma_wait3A_261 = arith.constant 72 : i32
    %dma_wait3A_262 = tpu.memref_slice %arg5[%dma_wait3A_261] : memref<752xi32, #tpu.memory_space<vmem>> -> memref<20xi32, #tpu.memory_space<vmem>>
    %dma_wait3A_263 = arith.constant 0 : i32
    %dma_wait3A_264 = arith.constant 0 : i32
    %dma_wait3A_265 = tpu.memref_slice %arg2[%dma_wait3A_263, %dma_wait3A_264] : memref<8000x128xf32, #tpu.memory_space<hbm>> -> memref<8000x128xf32, #tpu.memory_space<hbm>>
    tpu.wait_indirect_dma semaphore(%arg8 : memref<!tpu.dma_semaphore, #tpu.memory_space<semaphore_mem>>) src(%dma_wait3A_265 : memref<8000x128xf32, #tpu.memory_space<hbm>>) dst(%dma_wait3A_260 : memref<20x128xf32, #tpu.memory_space<vmem>>)
    %dma_wait3A_266 = arith.constant 0 : i32
    %dma_wait3A_267 = arith.constant 1 : i32
    %dma_wait3A_268 = arith.constant 0 : i32
    %dma_wait3A_269 = arith.constant 256 : i32
    %dma_wait3A_270 = tpu.memref_slice %arg6[%dma_wait3A_266, %dma_wait3A_267, %dma_wait3A_268, %dma_wait3A_269] : memref<2x2x20x1000xf32, #tpu.memory_space<vmem>> -> memref<1x1x20x128xf32, #tpu.memory_space<vmem>>
    %dma_wait3A_271 = tpu.memref_squeeze %dma_wait3A_270 : memref<1x1x20x128xf32, #tpu.memory_space<vmem>> -> memref<20x128xf32, #tpu.memory_space<vmem>>
    %dma_wait3A_272 = arith.constant 120 : i32
    %dma_wait3A_273 = tpu.memref_slice %arg5[%dma_wait3A_272] : memref<752xi32, #tpu.memory_space<vmem>> -> memref<20xi32, #tpu.memory_space<vmem>>
    %dma_wait3A_274 = arith.constant 0 : i32
    %dma_wait3A_275 = arith.constant 0 : i32
    %dma_wait3A_276 = tpu.memref_slice %arg2[%dma_wait3A_274, %dma_wait3A_275] : memref<8000x128xf32, #tpu.memory_space<hbm>> -> memref<8000x128xf32, #tpu.memory_space<hbm>>
    tpu.wait_indirect_dma semaphore(%arg8 : memref<!tpu.dma_semaphore, #tpu.memory_space<semaphore_mem>>) src(%dma_wait3A_276 : memref<8000x128xf32, #tpu.memory_space<hbm>>) dst(%dma_wait3A_271 : memref<20x128xf32, #tpu.memory_space<vmem>>)
    %dma_wait3A_277 = arith.constant 0 : i32
    %dma_wait3A_278 = arith.constant 1 : i32
    %dma_wait3A_279 = arith.constant 0 : i32
    %dma_wait3A_280 = arith.constant 384 : i32
    %dma_wait3A_281 = tpu.memref_slice %arg6[%dma_wait3A_277, %dma_wait3A_278, %dma_wait3A_279, %dma_wait3A_280] : memref<2x2x20x1000xf32, #tpu.memory_space<vmem>> -> memref<1x1x20x128xf32, #tpu.memory_space<vmem>>
    %dma_wait3A_282 = tpu.memref_squeeze %dma_wait3A_281 : memref<1x1x20x128xf32, #tpu.memory_space<vmem>> -> memref<20x128xf32, #tpu.memory_space<vmem>>
    %dma_wait3A_283 = arith.constant 168 : i32
    %dma_wait3A_284 = tpu.memref_slice %arg5[%dma_wait3A_283] : memref<752xi32, #tpu.memory_space<vmem>> -> memref<20xi32, #tpu.memory_space<vmem>>
    %dma_wait3A_285 = arith.constant 0 : i32
    %dma_wait3A_286 = arith.constant 0 : i32
    %dma_wait3A_287 = tpu.memref_slice %arg2[%dma_wait3A_285, %dma_wait3A_286] : memref<8000x128xf32, #tpu.memory_space<hbm>> -> memref<8000x128xf32, #tpu.memory_space<hbm>>
    tpu.wait_indirect_dma semaphore(%arg8 : memref<!tpu.dma_semaphore, #tpu.memory_space<semaphore_mem>>) src(%dma_wait3A_287 : memref<8000x128xf32, #tpu.memory_space<hbm>>) dst(%dma_wait3A_282 : memref<20x128xf32, #tpu.memory_space<vmem>>)
    %dma_wait3A_288 = arith.constant 0 : i32
    %dma_wait3A_289 = arith.constant 1 : i32
    %dma_wait3A_290 = arith.constant 0 : i32
    %dma_wait3A_291 = arith.constant 512 : i32
    %dma_wait3A_292 = tpu.memref_slice %arg6[%dma_wait3A_288, %dma_wait3A_289, %dma_wait3A_290, %dma_wait3A_291] : memref<2x2x20x1000xf32, #tpu.memory_space<vmem>> -> memref<1x1x20x128xf32, #tpu.memory_space<vmem>>
    %dma_wait3A_293 = tpu.memref_squeeze %dma_wait3A_292 : memref<1x1x20x128xf32, #tpu.memory_space<vmem>> -> memref<20x128xf32, #tpu.memory_space<vmem>>
    %dma_wait3A_294 = arith.constant 216 : i32
    %dma_wait3A_295 = tpu.memref_slice %arg5[%dma_wait3A_294] : memref<752xi32, #tpu.memory_space<vmem>> -> memref<20xi32, #tpu.memory_space<vmem>>
    %dma_wait3A_296 = arith.constant 0 : i32
    %dma_wait3A_297 = arith.constant 0 : i32
    %dma_wait3A_298 = tpu.memref_slice %arg2[%dma_wait3A_296, %dma_wait3A_297] : memref<8000x128xf32, #tpu.memory_space<hbm>> -> memref<8000x128xf32, #tpu.memory_space<hbm>>
    tpu.wait_indirect_dma semaphore(%arg8 : memref<!tpu.dma_semaphore, #tpu.memory_space<semaphore_mem>>) src(%dma_wait3A_298 : memref<8000x128xf32, #tpu.memory_space<hbm>>) dst(%dma_wait3A_293 : memref<20x128xf32, #tpu.memory_space<vmem>>)
    %dma_wait3A_299 = arith.constant 0 : i32
    %dma_wait3A_300 = arith.constant 1 : i32
    %dma_wait3A_301 = arith.constant 0 : i32
    %dma_wait3A_302 = arith.constant 640 : i32
    %dma_wait3A_303 = tpu.memref_slice %arg6[%dma_wait3A_299, %dma_wait3A_300, %dma_wait3A_301, %dma_wait3A_302] : memref<2x2x20x1000xf32, #tpu.memory_space<vmem>> -> memref<1x1x20x128xf32, #tpu.memory_space<vmem>>
    %dma_wait3A_304 = tpu.memref_squeeze %dma_wait3A_303 : memref<1x1x20x128xf32, #tpu.memory_space<vmem>> -> memref<20x128xf32, #tpu.memory_space<vmem>>
    %dma_wait3A_305 = arith.constant 264 : i32
    %dma_wait3A_306 = tpu.memref_slice %arg5[%dma_wait3A_305] : memref<752xi32, #tpu.memory_space<vmem>> -> memref<20xi32, #tpu.memory_space<vmem>>
    %dma_wait3A_307 = arith.constant 0 : i32
    %dma_wait3A_308 = arith.constant 0 : i32
    %dma_wait3A_309 = tpu.memref_slice %arg2[%dma_wait3A_307, %dma_wait3A_308] : memref<8000x128xf32, #tpu.memory_space<hbm>> -> memref<8000x128xf32, #tpu.memory_space<hbm>>
    tpu.wait_indirect_dma semaphore(%arg8 : memref<!tpu.dma_semaphore, #tpu.memory_space<semaphore_mem>>) src(%dma_wait3A_309 : memref<8000x128xf32, #tpu.memory_space<hbm>>) dst(%dma_wait3A_304 : memref<20x128xf32, #tpu.memory_space<vmem>>)
    %dma_wait3A_310 = arith.constant 0 : i32
    %dma_wait3A_311 = arith.constant 1 : i32
    %dma_wait3A_312 = arith.constant 0 : i32
    %dma_wait3A_313 = arith.constant 768 : i32
    %dma_wait3A_314 = tpu.memref_slice %arg6[%dma_wait3A_310, %dma_wait3A_311, %dma_wait3A_312, %dma_wait3A_313] : memref<2x2x20x1000xf32, #tpu.memory_space<vmem>> -> memref<1x1x20x128xf32, #tpu.memory_space<vmem>>
    %dma_wait3A_315 = tpu.memref_squeeze %dma_wait3A_314 : memref<1x1x20x128xf32, #tpu.memory_space<vmem>> -> memref<20x128xf32, #tpu.memory_space<vmem>>
    %dma_wait3A_316 = arith.constant 312 : i32
    %dma_wait3A_317 = tpu.memref_slice %arg5[%dma_wait3A_316] : memref<752xi32, #tpu.memory_space<vmem>> -> memref<20xi32, #tpu.memory_space<vmem>>
    %dma_wait3A_318 = arith.constant 0 : i32
    %dma_wait3A_319 = arith.constant 0 : i32
    %dma_wait3A_320 = tpu.memref_slice %arg2[%dma_wait3A_318, %dma_wait3A_319] : memref<8000x128xf32, #tpu.memory_space<hbm>> -> memref<8000x128xf32, #tpu.memory_space<hbm>>
    tpu.wait_indirect_dma semaphore(%arg8 : memref<!tpu.dma_semaphore, #tpu.memory_space<semaphore_mem>>) src(%dma_wait3A_320 : memref<8000x128xf32, #tpu.memory_space<hbm>>) dst(%dma_wait3A_315 : memref<20x128xf32, #tpu.memory_space<vmem>>)
    %dma_wait3A_321 = arith.constant 0 : i32
    %dma_wait3A_322 = arith.constant 0 : i32
    %dma_wait3A_323 = arith.constant 0 : i32
    %dma_wait3A_324 = tpu.memref_slice %arg7[%dma_wait3A_321, %dma_wait3A_322, %dma_wait3A_323] : memref<2x40x128xf32, #tpu.memory_space<vmem>> -> memref<1x40x128xf32, #tpu.memory_space<vmem>>
    %dma_wait3A_325 = tpu.memref_squeeze %dma_wait3A_324 : memref<1x40x128xf32, #tpu.memory_space<vmem>> -> memref<40x128xf32, #tpu.memory_space<vmem>>
    %dma_wait3A_326 = arith.constant 0 : i32
    %dma_wait3A_327 = tpu.memref_slice %arg5[%dma_wait3A_326] : memref<752xi32, #tpu.memory_space<vmem>> -> memref<40xi32, #tpu.memory_space<vmem>>
    %dma_wait3A_328 = arith.constant 0 : i32
    %dma_wait3A_329 = arith.constant 0 : i32
    %dma_wait3A_330 = tpu.memref_slice %arg2[%dma_wait3A_328, %dma_wait3A_329] : memref<8000x128xf32, #tpu.memory_space<hbm>> -> memref<8000x128xf32, #tpu.memory_space<hbm>>
    tpu.wait_indirect_dma semaphore(%arg8 : memref<!tpu.dma_semaphore, #tpu.memory_space<semaphore_mem>>) src(%dma_wait3A_330 : memref<8000x128xf32, #tpu.memory_space<hbm>>) dst(%dma_wait3A_325 : memref<40x128xf32, #tpu.memory_space<vmem>>)
    %scan3A = arith.constant 0 : i32
    %scan3A_331 = arith.constant 0 : i32
    %scan3A_332 = arith.constant 20 : i32
    %scan3A_333 = arith.addi %scan3A_331, %scan3A_332 : i32
    %scan3A_334 = arith.constant 1 : i32
    %scan3A_335 = scf.for %scan3A_763 = %scan3A_331 to %scan3A_333 step %scan3A_334 iter_args(%scan3A_764 = %scan3A) -> (i32)  : i32 {
      %add3A_765 = arith.constant 0 : i32
      %add3A_766 = arith.addi %add3A_765, %scan3A_763 : i32
      %get3A = arith.constant 0 : i32
      %get3A_767 = arith.index_cast %get3A : i32 to index
      %get3A_768 = arith.index_cast %add3A_766 : i32 to index
      %get3A_769 = arith.constant 0 : index
      %get3A_770 = tpu.vector_load %arg7[%get3A_767, %get3A_768, %get3A_769] {strides = array<i32>} : memref<2x40x128xf32, #tpu.memory_space<vmem>>, vector<1x1x16xf32>,
      %get3A_771 = vector.shape_cast %get3A_770 : vector<1x1x16xf32> to vector<16xf32>
      %swap3A = arith.constant 0 : i32
      %swap3A_772 = arith.constant 0 : i32
      %swap3A_773 = arith.index_cast %swap3A : i32 to index
      %swap3A_774 = arith.index_cast %swap3A_772 : i32 to index
      %swap3A_775 = arith.index_cast %scan3A_763 : i32 to index
      %swap3A_776 = arith.constant 896 : index
      %swap3A_777 = tpu.vector_load %arg6[%swap3A_773, %swap3A_774, %swap3A_775, %swap3A_776] {strides = array<i32>} : memref<2x2x20x1000xf32, #tpu.memory_space<vmem>>, vector<1x1x1x16xf32>,
      %swap3A_778 = vector.shape_cast %swap3A_777 : vector<1x1x1x16xf32> to vector<16xf32>
      %swap3A_779 = vector.shape_cast %get3A_771 : vector<16xf32> to vector<1x1x1x16xf32>
      tpu.vector_store %arg6[%swap3A_773, %swap3A_774, %swap3A_775, %swap3A_776], %swap3A_779 {strides = array<i32>} : memref<2x2x20x1000xf32, #tpu.memory_space<vmem>>, vector<1x1x1x16xf32>,
      %add3A_780 = arith.constant 0 : i32
      %add3A_781 = arith.addi %add3A_780, %scan3A_763 : i32
      %get3A_782 = arith.constant 0 : i32
      %get3A_783 = arith.index_cast %get3A_782 : i32 to index
      %get3A_784 = arith.index_cast %add3A_781 : i32 to index
      %get3A_785 = arith.constant 16 : index
      %get3A_786 = tpu.vector_load %arg7[%get3A_783, %get3A_784, %get3A_785] {strides = array<i32>} : memref<2x40x128xf32, #tpu.memory_space<vmem>>, vector<1x1x16xf32>,
      %get3A_787 = vector.shape_cast %get3A_786 : vector<1x1x16xf32> to vector<16xf32>
      %swap3A_788 = arith.constant 0 : i32
      %swap3A_789 = arith.constant 0 : i32
      %swap3A_790 = arith.index_cast %swap3A_788 : i32 to index
      %swap3A_791 = arith.index_cast %swap3A_789 : i32 to index
      %swap3A_792 = arith.index_cast %scan3A_763 : i32 to index
      %swap3A_793 = arith.constant 912 : index
      %swap3A_794 = tpu.vector_load %arg6[%swap3A_790, %swap3A_791, %swap3A_792, %swap3A_793] {strides = array<i32>} : memref<2x2x20x1000xf32, #tpu.memory_space<vmem>>, vector<1x1x1x16xf32>,
      %swap3A_795 = vector.shape_cast %swap3A_794 : vector<1x1x1x16xf32> to vector<16xf32>
      %swap3A_796 = vector.shape_cast %get3A_787 : vector<16xf32> to vector<1x1x1x16xf32>
      tpu.vector_store %arg6[%swap3A_790, %swap3A_791, %swap3A_792, %swap3A_793], %swap3A_796 {strides = array<i32>} : memref<2x2x20x1000xf32, #tpu.memory_space<vmem>>, vector<1x1x1x16xf32>,
      %add3A_797 = arith.constant 0 : i32
      %add3A_798 = arith.addi %add3A_797, %scan3A_763 : i32
      %get3A_799 = arith.constant 0 : i32
      %get3A_800 = arith.index_cast %get3A_799 : i32 to index
      %get3A_801 = arith.index_cast %add3A_798 : i32 to index
      %get3A_802 = arith.constant 32 : index
      %get3A_803 = tpu.vector_load %arg7[%get3A_800, %get3A_801, %get3A_802] {strides = array<i32>} : memref<2x40x128xf32, #tpu.memory_space<vmem>>, vector<1x1x16xf32>,
      %get3A_804 = vector.shape_cast %get3A_803 : vector<1x1x16xf32> to vector<16xf32>
      %swap3A_805 = arith.constant 0 : i32
      %swap3A_806 = arith.constant 0 : i32
      %swap3A_807 = arith.index_cast %swap3A_805 : i32 to index
      %swap3A_808 = arith.index_cast %swap3A_806 : i32 to index
      %swap3A_809 = arith.index_cast %scan3A_763 : i32 to index
      %swap3A_810 = arith.constant 928 : index
      %swap3A_811 = tpu.vector_load %arg6[%swap3A_807, %swap3A_808, %swap3A_809, %swap3A_810] {strides = array<i32>} : memref<2x2x20x1000xf32, #tpu.memory_space<vmem>>, vector<1x1x1x16xf32>,
      %swap3A_812 = vector.shape_cast %swap3A_811 : vector<1x1x1x16xf32> to vector<16xf32>
      %swap3A_813 = vector.shape_cast %get3A_804 : vector<16xf32> to vector<1x1x1x16xf32>
      tpu.vector_store %arg6[%swap3A_807, %swap3A_808, %swap3A_809, %swap3A_810], %swap3A_813 {strides = array<i32>} : memref<2x2x20x1000xf32, #tpu.memory_space<vmem>>, vector<1x1x1x16xf32>,
      %add3A_814 = arith.constant 0 : i32
      %add3A_815 = arith.addi %add3A_814, %scan3A_763 : i32
      %get3A_816 = arith.constant 0 : i32
      %get3A_817 = arith.index_cast %get3A_816 : i32 to index
      %get3A_818 = arith.index_cast %add3A_815 : i32 to index
      %get3A_819 = arith.constant 48 : index
      %get3A_820 = tpu.vector_load %arg7[%get3A_817, %get3A_818, %get3A_819] {strides = array<i32>} : memref<2x40x128xf32, #tpu.memory_space<vmem>>, vector<1x1x16xf32>,
      %get3A_821 = vector.shape_cast %get3A_820 : vector<1x1x16xf32> to vector<16xf32>
      %swap3A_822 = arith.constant 0 : i32
      %swap3A_823 = arith.constant 0 : i32
      %swap3A_824 = arith.index_cast %swap3A_822 : i32 to index
      %swap3A_825 = arith.index_cast %swap3A_823 : i32 to index
      %swap3A_826 = arith.index_cast %scan3A_763 : i32 to index
      %swap3A_827 = arith.constant 944 : index
      %swap3A_828 = tpu.vector_load %arg6[%swap3A_824, %swap3A_825, %swap3A_826, %swap3A_827] {strides = array<i32>} : memref<2x2x20x1000xf32, #tpu.memory_space<vmem>>, vector<1x1x1x16xf32>,
      %swap3A_829 = vector.shape_cast %swap3A_828 : vector<1x1x1x16xf32> to vector<16xf32>
      %swap3A_830 = vector.shape_cast %get3A_821 : vector<16xf32> to vector<1x1x1x16xf32>
      tpu.vector_store %arg6[%swap3A_824, %swap3A_825, %swap3A_826, %swap3A_827], %swap3A_830 {strides = array<i32>} : memref<2x2x20x1000xf32, #tpu.memory_space<vmem>>, vector<1x1x1x16xf32>,
      %add3A_831 = arith.constant 0 : i32
      %add3A_832 = arith.addi %add3A_831, %scan3A_763 : i32
      %get3A_833 = arith.constant 0 : i32
      %get3A_834 = arith.index_cast %get3A_833 : i32 to index
      %get3A_835 = arith.index_cast %add3A_832 : i32 to index
      %get3A_836 = arith.constant 64 : index
      %get3A_837 = tpu.vector_load %arg7[%get3A_834, %get3A_835, %get3A_836] {strides = array<i32>} : memref<2x40x128xf32, #tpu.memory_space<vmem>>, vector<1x1x16xf32>,
      %get3A_838 = vector.shape_cast %get3A_837 : vector<1x1x16xf32> to vector<16xf32>
      %swap3A_839 = arith.constant 0 : i32
      %swap3A_840 = arith.constant 0 : i32
      %swap3A_841 = arith.index_cast %swap3A_839 : i32 to index
      %swap3A_842 = arith.index_cast %swap3A_840 : i32 to index
      %swap3A_843 = arith.index_cast %scan3A_763 : i32 to index
      %swap3A_844 = arith.constant 960 : index
      %swap3A_845 = tpu.vector_load %arg6[%swap3A_841, %swap3A_842, %swap3A_843, %swap3A_844] {strides = array<i32>} : memref<2x2x20x1000xf32, #tpu.memory_space<vmem>>, vector<1x1x1x16xf32>,
      %swap3A_846 = vector.shape_cast %swap3A_845 : vector<1x1x1x16xf32> to vector<16xf32>
      %swap3A_847 = vector.shape_cast %get3A_838 : vector<16xf32> to vector<1x1x1x16xf32>
      tpu.vector_store %arg6[%swap3A_841, %swap3A_842, %swap3A_843, %swap3A_844], %swap3A_847 {strides = array<i32>} : memref<2x2x20x1000xf32, #tpu.memory_space<vmem>>, vector<1x1x1x16xf32>,
      %add3A_848 = arith.constant 0 : i32
      %add3A_849 = arith.addi %add3A_848, %scan3A_763 : i32
      %get3A_850 = arith.constant 0 : i32
      %get3A_851 = arith.index_cast %get3A_850 : i32 to index
      %get3A_852 = arith.index_cast %add3A_849 : i32 to index
      %get3A_853 = arith.constant 80 : index
      %get3A_854 = tpu.vector_load %arg7[%get3A_851, %get3A_852, %get3A_853] {strides = array<i32>} : memref<2x40x128xf32, #tpu.memory_space<vmem>>, vector<1x1x16xf32>,
      %get3A_855 = vector.shape_cast %get3A_854 : vector<1x1x16xf32> to vector<16xf32>
      %swap3A_856 = arith.constant 0 : i32
      %swap3A_857 = arith.constant 0 : i32
      %swap3A_858 = arith.index_cast %swap3A_856 : i32 to index
      %swap3A_859 = arith.index_cast %swap3A_857 : i32 to index
      %swap3A_860 = arith.index_cast %scan3A_763 : i32 to index
      %swap3A_861 = arith.constant 976 : index
      %swap3A_862 = tpu.vector_load %arg6[%swap3A_858, %swap3A_859, %swap3A_860, %swap3A_861] {strides = array<i32>} : memref<2x2x20x1000xf32, #tpu.memory_space<vmem>>, vector<1x1x1x16xf32>,
      %swap3A_863 = vector.shape_cast %swap3A_862 : vector<1x1x1x16xf32> to vector<16xf32>
      %swap3A_864 = vector.shape_cast %get3A_855 : vector<16xf32> to vector<1x1x1x16xf32>
      tpu.vector_store %arg6[%swap3A_858, %swap3A_859, %swap3A_860, %swap3A_861], %swap3A_864 {strides = array<i32>} : memref<2x2x20x1000xf32, #tpu.memory_space<vmem>>, vector<1x1x1x16xf32>,
      %mul3A_865 = arith.constant 0 : i32
      %mul3A_866 = arith.muli %scan3A_763, %mul3A_865 : i32
      %add3A_867 = arith.constant 992 : i32
      %add3A_868 = arith.addi %mul3A_866, %add3A_867 : i32
      %multiple_of3A = tpu.assume_multiple %add3A_868, 16 : i32
      %add3A_869 = arith.constant 0 : i32
      %add3A_870 = arith.addi %add3A_869, %scan3A_763 : i32
      %get3A_871 = arith.constant 0 : i32
      %get3A_872 = arith.index_cast %get3A_871 : i32 to index
      %get3A_873 = arith.index_cast %add3A_870 : i32 to index
      %get3A_874 = arith.constant 96 : index
      %get3A_875 = tpu.vector_load %arg7[%get3A_872, %get3A_873, %get3A_874] {strides = array<i32>} : memref<2x40x128xf32, #tpu.memory_space<vmem>>, vector<1x1x16xf32>,
      %get3A_876 = vector.shape_cast %get3A_875 : vector<1x1x16xf32> to vector<16xf32>
      %swap3A_877 = arith.constant 0 : i32
      %swap3A_878 = arith.constant 0 : i32
      %swap3A_879 = arith.index_cast %swap3A_877 : i32 to index
      %swap3A_880 = arith.index_cast %swap3A_878 : i32 to index
      %swap3A_881 = arith.index_cast %scan3A_763 : i32 to index
      %swap3A_882 = arith.index_cast %multiple_of3A : i32 to index
      %swap3A_883 = tpu.vector_load %arg6[%swap3A_879, %swap3A_880, %swap3A_881, %swap3A_882] {strides = array<i32>} : memref<2x2x20x1000xf32, #tpu.memory_space<vmem>>, vector<1x1x1x16xf32>,
      %swap3A_884 = vector.shape_cast %swap3A_883 : vector<1x1x1x16xf32> to vector<16xf32>
      %swap3A_885 = vector.shape_cast %get3A_876 : vector<16xf32> to vector<1x1x1x16xf32>
      tpu.vector_store %arg6[%swap3A_879, %swap3A_880, %swap3A_881, %swap3A_882], %swap3A_885 {strides = array<i32>} : memref<2x2x20x1000xf32, #tpu.memory_space<vmem>>, vector<1x1x1x16xf32>,
      %add3A_886 = arith.constant 20 : i32
      %add3A_887 = arith.addi %add3A_886, %scan3A_763 : i32
      %get3A_888 = arith.constant 0 : i32
      %get3A_889 = arith.index_cast %get3A_888 : i32 to index
      %get3A_890 = arith.index_cast %add3A_887 : i32 to index
      %get3A_891 = arith.constant 0 : index
      %get3A_892 = tpu.vector_load %arg7[%get3A_889, %get3A_890, %get3A_891] {strides = array<i32>} : memref<2x40x128xf32, #tpu.memory_space<vmem>>, vector<1x1x16xf32>,
      %get3A_893 = vector.shape_cast %get3A_892 : vector<1x1x16xf32> to vector<16xf32>
      %swap3A_894 = arith.constant 0 : i32
      %swap3A_895 = arith.constant 1 : i32
      %swap3A_896 = arith.index_cast %swap3A_894 : i32 to index
      %swap3A_897 = arith.index_cast %swap3A_895 : i32 to index
      %swap3A_898 = arith.index_cast %scan3A_763 : i32 to index
      %swap3A_899 = arith.constant 896 : index
      %swap3A_900 = tpu.vector_load %arg6[%swap3A_896, %swap3A_897, %swap3A_898, %swap3A_899] {strides = array<i32>} : memref<2x2x20x1000xf32, #tpu.memory_space<vmem>>, vector<1x1x1x16xf32>,
      %swap3A_901 = vector.shape_cast %swap3A_900 : vector<1x1x1x16xf32> to vector<16xf32>
      %swap3A_902 = vector.shape_cast %get3A_893 : vector<16xf32> to vector<1x1x1x16xf32>
      tpu.vector_store %arg6[%swap3A_896, %swap3A_897, %swap3A_898, %swap3A_899], %swap3A_902 {strides = array<i32>} : memref<2x2x20x1000xf32, #tpu.memory_space<vmem>>, vector<1x1x1x16xf32>,
      %add3A_903 = arith.constant 20 : i32
      %add3A_904 = arith.addi %add3A_903, %scan3A_763 : i32
      %get3A_905 = arith.constant 0 : i32
      %get3A_906 = arith.index_cast %get3A_905 : i32 to index
      %get3A_907 = arith.index_cast %add3A_904 : i32 to index
      %get3A_908 = arith.constant 16 : index
      %get3A_909 = tpu.vector_load %arg7[%get3A_906, %get3A_907, %get3A_908] {strides = array<i32>} : memref<2x40x128xf32, #tpu.memory_space<vmem>>, vector<1x1x16xf32>,
      %get3A_910 = vector.shape_cast %get3A_909 : vector<1x1x16xf32> to vector<16xf32>
      %swap3A_911 = arith.constant 0 : i32
      %swap3A_912 = arith.constant 1 : i32
      %swap3A_913 = arith.index_cast %swap3A_911 : i32 to index
      %swap3A_914 = arith.index_cast %swap3A_912 : i32 to index
      %swap3A_915 = arith.index_cast %scan3A_763 : i32 to index
      %swap3A_916 = arith.constant 912 : index
      %swap3A_917 = tpu.vector_load %arg6[%swap3A_913, %swap3A_914, %swap3A_915, %swap3A_916] {strides = array<i32>} : memref<2x2x20x1000xf32, #tpu.memory_space<vmem>>, vector<1x1x1x16xf32>,
      %swap3A_918 = vector.shape_cast %swap3A_917 : vector<1x1x1x16xf32> to vector<16xf32>
      %swap3A_919 = vector.shape_cast %get3A_910 : vector<16xf32> to vector<1x1x1x16xf32>
      tpu.vector_store %arg6[%swap3A_913, %swap3A_914, %swap3A_915, %swap3A_916], %swap3A_919 {strides = array<i32>} : memref<2x2x20x1000xf32, #tpu.memory_space<vmem>>, vector<1x1x1x16xf32>,
      %add3A_920 = arith.constant 20 : i32
      %add3A_921 = arith.addi %add3A_920, %scan3A_763 : i32
      %get3A_922 = arith.constant 0 : i32
      %get3A_923 = arith.index_cast %get3A_922 : i32 to index
      %get3A_924 = arith.index_cast %add3A_921 : i32 to index
      %get3A_925 = arith.constant 32 : index
      %get3A_926 = tpu.vector_load %arg7[%get3A_923, %get3A_924, %get3A_925] {strides = array<i32>} : memref<2x40x128xf32, #tpu.memory_space<vmem>>, vector<1x1x16xf32>,
      %get3A_927 = vector.shape_cast %get3A_926 : vector<1x1x16xf32> to vector<16xf32>
      %swap3A_928 = arith.constant 0 : i32
      %swap3A_929 = arith.constant 1 : i32
      %swap3A_930 = arith.index_cast %swap3A_928 : i32 to index
      %swap3A_931 = arith.index_cast %swap3A_929 : i32 to index
      %swap3A_932 = arith.index_cast %scan3A_763 : i32 to index
      %swap3A_933 = arith.constant 928 : index
      %swap3A_934 = tpu.vector_load %arg6[%swap3A_930, %swap3A_931, %swap3A_932, %swap3A_933] {strides = array<i32>} : memref<2x2x20x1000xf32, #tpu.memory_space<vmem>>, vector<1x1x1x16xf32>,
      %swap3A_935 = vector.shape_cast %swap3A_934 : vector<1x1x1x16xf32> to vector<16xf32>
      %swap3A_936 = vector.shape_cast %get3A_927 : vector<16xf32> to vector<1x1x1x16xf32>
      tpu.vector_store %arg6[%swap3A_930, %swap3A_931, %swap3A_932, %swap3A_933], %swap3A_936 {strides = array<i32>} : memref<2x2x20x1000xf32, #tpu.memory_space<vmem>>, vector<1x1x1x16xf32>,
      %add3A_937 = arith.constant 20 : i32
      %add3A_938 = arith.addi %add3A_937, %scan3A_763 : i32
      %get3A_939 = arith.constant 0 : i32
      %get3A_940 = arith.index_cast %get3A_939 : i32 to index
      %get3A_941 = arith.index_cast %add3A_938 : i32 to index
      %get3A_942 = arith.constant 48 : index
      %get3A_943 = tpu.vector_load %arg7[%get3A_940, %get3A_941, %get3A_942] {strides = array<i32>} : memref<2x40x128xf32, #tpu.memory_space<vmem>>, vector<1x1x16xf32>,
      %get3A_944 = vector.shape_cast %get3A_943 : vector<1x1x16xf32> to vector<16xf32>
      %swap3A_945 = arith.constant 0 : i32
      %swap3A_946 = arith.constant 1 : i32
      %swap3A_947 = arith.index_cast %swap3A_945 : i32 to index
      %swap3A_948 = arith.index_cast %swap3A_946 : i32 to index
      %swap3A_949 = arith.index_cast %scan3A_763 : i32 to index
      %swap3A_950 = arith.constant 944 : index
      %swap3A_951 = tpu.vector_load %arg6[%swap3A_947, %swap3A_948, %swap3A_949, %swap3A_950] {strides = array<i32>} : memref<2x2x20x1000xf32, #tpu.memory_space<vmem>>, vector<1x1x1x16xf32>,
      %swap3A_952 = vector.shape_cast %swap3A_951 : vector<1x1x1x16xf32> to vector<16xf32>
      %swap3A_953 = vector.shape_cast %get3A_944 : vector<16xf32> to vector<1x1x1x16xf32>
      tpu.vector_store %arg6[%swap3A_947, %swap3A_948, %swap3A_949, %swap3A_950], %swap3A_953 {strides = array<i32>} : memref<2x2x20x1000xf32, #tpu.memory_space<vmem>>, vector<1x1x1x16xf32>,
      %add3A_954 = arith.constant 20 : i32
      %add3A_955 = arith.addi %add3A_954, %scan3A_763 : i32
      %get3A_956 = arith.constant 0 : i32
      %get3A_957 = arith.index_cast %get3A_956 : i32 to index
      %get3A_958 = arith.index_cast %add3A_955 : i32 to index
      %get3A_959 = arith.constant 64 : index
      %get3A_960 = tpu.vector_load %arg7[%get3A_957, %get3A_958, %get3A_959] {strides = array<i32>} : memref<2x40x128xf32, #tpu.memory_space<vmem>>, vector<1x1x16xf32>,
      %get3A_961 = vector.shape_cast %get3A_960 : vector<1x1x16xf32> to vector<16xf32>
      %swap3A_962 = arith.constant 0 : i32
      %swap3A_963 = arith.constant 1 : i32
      %swap3A_964 = arith.index_cast %swap3A_962 : i32 to index
      %swap3A_965 = arith.index_cast %swap3A_963 : i32 to index
      %swap3A_966 = arith.index_cast %scan3A_763 : i32 to index
      %swap3A_967 = arith.constant 960 : index
      %swap3A_968 = tpu.vector_load %arg6[%swap3A_964, %swap3A_965, %swap3A_966, %swap3A_967] {strides = array<i32>} : memref<2x2x20x1000xf32, #tpu.memory_space<vmem>>, vector<1x1x1x16xf32>,
      %swap3A_969 = vector.shape_cast %swap3A_968 : vector<1x1x1x16xf32> to vector<16xf32>
      %swap3A_970 = vector.shape_cast %get3A_961 : vector<16xf32> to vector<1x1x1x16xf32>
      tpu.vector_store %arg6[%swap3A_964, %swap3A_965, %swap3A_966, %swap3A_967], %swap3A_970 {strides = array<i32>} : memref<2x2x20x1000xf32, #tpu.memory_space<vmem>>, vector<1x1x1x16xf32>,
      %add3A_971 = arith.constant 20 : i32
      %add3A_972 = arith.addi %add3A_971, %scan3A_763 : i32
      %get3A_973 = arith.constant 0 : i32
      %get3A_974 = arith.index_cast %get3A_973 : i32 to index
      %get3A_975 = arith.index_cast %add3A_972 : i32 to index
      %get3A_976 = arith.constant 80 : index
      %get3A_977 = tpu.vector_load %arg7[%get3A_974, %get3A_975, %get3A_976] {strides = array<i32>} : memref<2x40x128xf32, #tpu.memory_space<vmem>>, vector<1x1x16xf32>,
      %get3A_978 = vector.shape_cast %get3A_977 : vector<1x1x16xf32> to vector<16xf32>
      %swap3A_979 = arith.constant 0 : i32
      %swap3A_980 = arith.constant 1 : i32
      %swap3A_981 = arith.index_cast %swap3A_979 : i32 to index
      %swap3A_982 = arith.index_cast %swap3A_980 : i32 to index
      %swap3A_983 = arith.index_cast %scan3A_763 : i32 to index
      %swap3A_984 = arith.constant 976 : index
      %swap3A_985 = tpu.vector_load %arg6[%swap3A_981, %swap3A_982, %swap3A_983, %swap3A_984] {strides = array<i32>} : memref<2x2x20x1000xf32, #tpu.memory_space<vmem>>, vector<1x1x1x16xf32>,
      %swap3A_986 = vector.shape_cast %swap3A_985 : vector<1x1x1x16xf32> to vector<16xf32>
      %swap3A_987 = vector.shape_cast %get3A_978 : vector<16xf32> to vector<1x1x1x16xf32>
      tpu.vector_store %arg6[%swap3A_981, %swap3A_982, %swap3A_983, %swap3A_984], %swap3A_987 {strides = array<i32>} : memref<2x2x20x1000xf32, #tpu.memory_space<vmem>>, vector<1x1x1x16xf32>,
      %mul3A_988 = arith.constant 0 : i32
      %mul3A_989 = arith.muli %scan3A_763, %mul3A_988 : i32
      %add3A_990 = arith.constant 992 : i32
      %add3A_991 = arith.addi %mul3A_989, %add3A_990 : i32
      %multiple_of3A_992 = tpu.assume_multiple %add3A_991, 16 : i32
      %add3A_993 = arith.constant 20 : i32
      %add3A_994 = arith.addi %add3A_993, %scan3A_763 : i32
      %get3A_995 = arith.constant 0 : i32
      %get3A_996 = arith.index_cast %get3A_995 : i32 to index
      %get3A_997 = arith.index_cast %add3A_994 : i32 to index
      %get3A_998 = arith.constant 96 : index
      %get3A_999 = tpu.vector_load %arg7[%get3A_996, %get3A_997, %get3A_998] {strides = array<i32>} : memref<2x40x128xf32, #tpu.memory_space<vmem>>, vector<1x1x16xf32>,
      %get3A_1000 = vector.shape_cast %get3A_999 : vector<1x1x16xf32> to vector<16xf32>
      %swap3A_1001 = arith.constant 0 : i32
      %swap3A_1002 = arith.constant 1 : i32
      %swap3A_1003 = arith.index_cast %swap3A_1001 : i32 to index
      %swap3A_1004 = arith.index_cast %swap3A_1002 : i32 to index
      %swap3A_1005 = arith.index_cast %scan3A_763 : i32 to index
      %swap3A_1006 = arith.index_cast %multiple_of3A_992 : i32 to index
      %swap3A_1007 = tpu.vector_load %arg6[%swap3A_1003, %swap3A_1004, %swap3A_1005, %swap3A_1006] {strides = array<i32>} : memref<2x2x20x1000xf32, #tpu.memory_space<vmem>>, vector<1x1x1x16xf32>,
      %swap3A_1008 = vector.shape_cast %swap3A_1007 : vector<1x1x1x16xf32> to vector<16xf32>
      %swap3A_1009 = vector.shape_cast %get3A_1000 : vector<16xf32> to vector<1x1x1x16xf32>
      tpu.vector_store %arg6[%swap3A_1003, %swap3A_1004, %swap3A_1005, %swap3A_1006], %swap3A_1009 {strides = array<i32>} : memref<2x2x20x1000xf32, #tpu.memory_space<vmem>>, vector<1x1x1x16xf32>,
      %scan3A_1010 = arith.constant 0 : i32
      scf.yield %scan3A_1010 : i32
    }
    %scan3A_336 = arith.constant 20 : i32
    %dma_start3A_337 = arith.constant 1 : i32
    %dma_start3A_338 = arith.constant 0 : i32
    %dma_start3A_339 = arith.constant 0 : i32
    %dma_start3A_340 = arith.constant 0 : i32
    %dma_start3A_341 = tpu.memref_slice %arg6[%dma_start3A_337, %dma_start3A_338, %dma_start3A_339, %dma_start3A_340] : memref<2x2x20x1000xf32, #tpu.memory_space<vmem>> -> memref<1x1x20x128xf32, #tpu.memory_space<vmem>>
    %dma_start3A_342 = tpu.memref_squeeze %dma_start3A_341 : memref<1x1x20x128xf32, #tpu.memory_space<vmem>> -> memref<20x128xf32, #tpu.memory_space<vmem>>
    %dma_start3A_343 = arith.constant 376 : i32
    %dma_start3A_344 = tpu.memref_slice %arg5[%dma_start3A_343] : memref<752xi32, #tpu.memory_space<vmem>> -> memref<20xi32, #tpu.memory_space<vmem>>
    %dma_start3A_345 = arith.constant 0 : i32
    %dma_start3A_346 = arith.constant 0 : i32
    %dma_start3A_347 = tpu.memref_slice %arg2[%dma_start3A_345, %dma_start3A_346] : memref<8000x128xf32, #tpu.memory_space<hbm>> -> memref<8000x128xf32, #tpu.memory_space<hbm>>
    tpu.enqueue_indirect_dma source(%dma_start3A_347 : memref<8000x128xf32, #tpu.memory_space<hbm>>) target(%dma_start3A_342 : memref<20x128xf32, #tpu.memory_space<vmem>>) offsets(%dma_start3A_344 : memref<20xi32, #tpu.memory_space<vmem>>) semaphore(%arg9 : memref<!tpu.dma_semaphore, #tpu.memory_space<semaphore_mem>>)
    %dma_start3A_348 = arith.constant 1 : i32
    %dma_start3A_349 = arith.constant 0 : i32
    %dma_start3A_350 = arith.constant 0 : i32
    %dma_start3A_351 = arith.constant 128 : i32
    %dma_start3A_352 = tpu.memref_slice %arg6[%dma_start3A_348, %dma_start3A_349, %dma_start3A_350, %dma_start3A_351] : memref<2x2x20x1000xf32, #tpu.memory_space<vmem>> -> memref<1x1x20x128xf32, #tpu.memory_space<vmem>>
    %dma_start3A_353 = tpu.memref_squeeze %dma_start3A_352 : memref<1x1x20x128xf32, #tpu.memory_space<vmem>> -> memref<20x128xf32, #tpu.memory_space<vmem>>
    %dma_start3A_354 = arith.constant 424 : i32
    %dma_start3A_355 = tpu.memref_slice %arg5[%dma_start3A_354] : memref<752xi32, #tpu.memory_space<vmem>> -> memref<20xi32, #tpu.memory_space<vmem>>
    %dma_start3A_356 = arith.constant 0 : i32
    %dma_start3A_357 = arith.constant 0 : i32
    %dma_start3A_358 = tpu.memref_slice %arg2[%dma_start3A_356, %dma_start3A_357] : memref<8000x128xf32, #tpu.memory_space<hbm>> -> memref<8000x128xf32, #tpu.memory_space<hbm>>
    tpu.enqueue_indirect_dma source(%dma_start3A_358 : memref<8000x128xf32, #tpu.memory_space<hbm>>) target(%dma_start3A_353 : memref<20x128xf32, #tpu.memory_space<vmem>>) offsets(%dma_start3A_355 : memref<20xi32, #tpu.memory_space<vmem>>) semaphore(%arg9 : memref<!tpu.dma_semaphore, #tpu.memory_space<semaphore_mem>>)
    %dma_start3A_359 = arith.constant 1 : i32
    %dma_start3A_360 = arith.constant 0 : i32
    %dma_start3A_361 = arith.constant 0 : i32
    %dma_start3A_362 = arith.constant 256 : i32
    %dma_start3A_363 = tpu.memref_slice %arg6[%dma_start3A_359, %dma_start3A_360, %dma_start3A_361, %dma_start3A_362] : memref<2x2x20x1000xf32, #tpu.memory_space<vmem>> -> memref<1x1x20x128xf32, #tpu.memory_space<vmem>>
    %dma_start3A_364 = tpu.memref_squeeze %dma_start3A_363 : memref<1x1x20x128xf32, #tpu.memory_space<vmem>> -> memref<20x128xf32, #tpu.memory_space<vmem>>
    %dma_start3A_365 = arith.constant 472 : i32
    %dma_start3A_366 = tpu.memref_slice %arg5[%dma_start3A_365] : memref<752xi32, #tpu.memory_space<vmem>> -> memref<20xi32, #tpu.memory_space<vmem>>
    %dma_start3A_367 = arith.constant 0 : i32
    %dma_start3A_368 = arith.constant 0 : i32
    %dma_start3A_369 = tpu.memref_slice %arg2[%dma_start3A_367, %dma_start3A_368] : memref<8000x128xf32, #tpu.memory_space<hbm>> -> memref<8000x128xf32, #tpu.memory_space<hbm>>
    tpu.enqueue_indirect_dma source(%dma_start3A_369 : memref<8000x128xf32, #tpu.memory_space<hbm>>) target(%dma_start3A_364 : memref<20x128xf32, #tpu.memory_space<vmem>>) offsets(%dma_start3A_366 : memref<20xi32, #tpu.memory_space<vmem>>) semaphore(%arg9 : memref<!tpu.dma_semaphore, #tpu.memory_space<semaphore_mem>>)
    %dma_start3A_370 = arith.constant 1 : i32
    %dma_start3A_371 = arith.constant 0 : i32
    %dma_start3A_372 = arith.constant 0 : i32
    %dma_start3A_373 = arith.constant 384 : i32
    %dma_start3A_374 = tpu.memref_slice %arg6[%dma_start3A_370, %dma_start3A_371, %dma_start3A_372, %dma_start3A_373] : memref<2x2x20x1000xf32, #tpu.memory_space<vmem>> -> memref<1x1x20x128xf32, #tpu.memory_space<vmem>>
    %dma_start3A_375 = tpu.memref_squeeze %dma_start3A_374 : memref<1x1x20x128xf32, #tpu.memory_space<vmem>> -> memref<20x128xf32, #tpu.memory_space<vmem>>
    %dma_start3A_376 = arith.constant 520 : i32
    %dma_start3A_377 = tpu.memref_slice %arg5[%dma_start3A_376] : memref<752xi32, #tpu.memory_space<vmem>> -> memref<20xi32, #tpu.memory_space<vmem>>
    %dma_start3A_378 = arith.constant 0 : i32
    %dma_start3A_379 = arith.constant 0 : i32
    %dma_start3A_380 = tpu.memref_slice %arg2[%dma_start3A_378, %dma_start3A_379] : memref<8000x128xf32, #tpu.memory_space<hbm>> -> memref<8000x128xf32, #tpu.memory_space<hbm>>
    tpu.enqueue_indirect_dma source(%dma_start3A_380 : memref<8000x128xf32, #tpu.memory_space<hbm>>) target(%dma_start3A_375 : memref<20x128xf32, #tpu.memory_space<vmem>>) offsets(%dma_start3A_377 : memref<20xi32, #tpu.memory_space<vmem>>) semaphore(%arg9 : memref<!tpu.dma_semaphore, #tpu.memory_space<semaphore_mem>>)
    %dma_start3A_381 = arith.constant 1 : i32
    %dma_start3A_382 = arith.constant 0 : i32
    %dma_start3A_383 = arith.constant 0 : i32
    %dma_start3A_384 = arith.constant 512 : i32
    %dma_start3A_385 = tpu.memref_slice %arg6[%dma_start3A_381, %dma_start3A_382, %dma_start3A_383, %dma_start3A_384] : memref<2x2x20x1000xf32, #tpu.memory_space<vmem>> -> memref<1x1x20x128xf32, #tpu.memory_space<vmem>>
    %dma_start3A_386 = tpu.memref_squeeze %dma_start3A_385 : memref<1x1x20x128xf32, #tpu.memory_space<vmem>> -> memref<20x128xf32, #tpu.memory_space<vmem>>
    %dma_start3A_387 = arith.constant 568 : i32
    %dma_start3A_388 = tpu.memref_slice %arg5[%dma_start3A_387] : memref<752xi32, #tpu.memory_space<vmem>> -> memref<20xi32, #tpu.memory_space<vmem>>
    %dma_start3A_389 = arith.constant 0 : i32
    %dma_start3A_390 = arith.constant 0 : i32
    %dma_start3A_391 = tpu.memref_slice %arg2[%dma_start3A_389, %dma_start3A_390] : memref<8000x128xf32, #tpu.memory_space<hbm>> -> memref<8000x128xf32, #tpu.memory_space<hbm>>
    tpu.enqueue_indirect_dma source(%dma_start3A_391 : memref<8000x128xf32, #tpu.memory_space<hbm>>) target(%dma_start3A_386 : memref<20x128xf32, #tpu.memory_space<vmem>>) offsets(%dma_start3A_388 : memref<20xi32, #tpu.memory_space<vmem>>) semaphore(%arg9 : memref<!tpu.dma_semaphore, #tpu.memory_space<semaphore_mem>>)
    %dma_start3A_392 = arith.constant 1 : i32
    %dma_start3A_393 = arith.constant 0 : i32
    %dma_start3A_394 = arith.constant 0 : i32
    %dma_start3A_395 = arith.constant 640 : i32
    %dma_start3A_396 = tpu.memref_slice %arg6[%dma_start3A_392, %dma_start3A_393, %dma_start3A_394, %dma_start3A_395] : memref<2x2x20x1000xf32, #tpu.memory_space<vmem>> -> memref<1x1x20x128xf32, #tpu.memory_space<vmem>>
    %dma_start3A_397 = tpu.memref_squeeze %dma_start3A_396 : memref<1x1x20x128xf32, #tpu.memory_space<vmem>> -> memref<20x128xf32, #tpu.memory_space<vmem>>
    %dma_start3A_398 = arith.constant 616 : i32
    %dma_start3A_399 = tpu.memref_slice %arg5[%dma_start3A_398] : memref<752xi32, #tpu.memory_space<vmem>> -> memref<20xi32, #tpu.memory_space<vmem>>
    %dma_start3A_400 = arith.constant 0 : i32
    %dma_start3A_401 = arith.constant 0 : i32
    %dma_start3A_402 = tpu.memref_slice %arg2[%dma_start3A_400, %dma_start3A_401] : memref<8000x128xf32, #tpu.memory_space<hbm>> -> memref<8000x128xf32, #tpu.memory_space<hbm>>
    tpu.enqueue_indirect_dma source(%dma_start3A_402 : memref<8000x128xf32, #tpu.memory_space<hbm>>) target(%dma_start3A_397 : memref<20x128xf32, #tpu.memory_space<vmem>>) offsets(%dma_start3A_399 : memref<20xi32, #tpu.memory_space<vmem>>) semaphore(%arg9 : memref<!tpu.dma_semaphore, #tpu.memory_space<semaphore_mem>>)
    %dma_start3A_403 = arith.constant 1 : i32
    %dma_start3A_404 = arith.constant 0 : i32
    %dma_start3A_405 = arith.constant 0 : i32
    %dma_start3A_406 = arith.constant 768 : i32
    %dma_start3A_407 = tpu.memref_slice %arg6[%dma_start3A_403, %dma_start3A_404, %dma_start3A_405, %dma_start3A_406] : memref<2x2x20x1000xf32, #tpu.memory_space<vmem>> -> memref<1x1x20x128xf32, #tpu.memory_space<vmem>>
    %dma_start3A_408 = tpu.memref_squeeze %dma_start3A_407 : memref<1x1x20x128xf32, #tpu.memory_space<vmem>> -> memref<20x128xf32, #tpu.memory_space<vmem>>
    %dma_start3A_409 = arith.constant 664 : i32
    %dma_start3A_410 = tpu.memref_slice %arg5[%dma_start3A_409] : memref<752xi32, #tpu.memory_space<vmem>> -> memref<20xi32, #tpu.memory_space<vmem>>
    %dma_start3A_411 = arith.constant 0 : i32
    %dma_start3A_412 = arith.constant 0 : i32
    %dma_start3A_413 = tpu.memref_slice %arg2[%dma_start3A_411, %dma_start3A_412] : memref<8000x128xf32, #tpu.memory_space<hbm>> -> memref<8000x128xf32, #tpu.memory_space<hbm>>
    tpu.enqueue_indirect_dma source(%dma_start3A_413 : memref<8000x128xf32, #tpu.memory_space<hbm>>) target(%dma_start3A_408 : memref<20x128xf32, #tpu.memory_space<vmem>>) offsets(%dma_start3A_410 : memref<20xi32, #tpu.memory_space<vmem>>) semaphore(%arg9 : memref<!tpu.dma_semaphore, #tpu.memory_space<semaphore_mem>>)
    %dma_start3A_414 = arith.constant 1 : i32
    %dma_start3A_415 = arith.constant 1 : i32
    %dma_start3A_416 = arith.constant 0 : i32
    %dma_start3A_417 = arith.constant 0 : i32
    %dma_start3A_418 = tpu.memref_slice %arg6[%dma_start3A_414, %dma_start3A_415, %dma_start3A_416, %dma_start3A_417] : memref<2x2x20x1000xf32, #tpu.memory_space<vmem>> -> memref<1x1x20x128xf32, #tpu.memory_space<vmem>>
    %dma_start3A_419 = tpu.memref_squeeze %dma_start3A_418 : memref<1x1x20x128xf32, #tpu.memory_space<vmem>> -> memref<20x128xf32, #tpu.memory_space<vmem>>
    %dma_start3A_420 = arith.constant 400 : i32
    %dma_start3A_421 = tpu.memref_slice %arg5[%dma_start3A_420] : memref<752xi32, #tpu.memory_space<vmem>> -> memref<20xi32, #tpu.memory_space<vmem>>
    %dma_start3A_422 = arith.constant 0 : i32
    %dma_start3A_423 = arith.constant 0 : i32
    %dma_start3A_424 = tpu.memref_slice %arg2[%dma_start3A_422, %dma_start3A_423] : memref<8000x128xf32, #tpu.memory_space<hbm>> -> memref<8000x128xf32, #tpu.memory_space<hbm>>
    tpu.enqueue_indirect_dma source(%dma_start3A_424 : memref<8000x128xf32, #tpu.memory_space<hbm>>) target(%dma_start3A_419 : memref<20x128xf32, #tpu.memory_space<vmem>>) offsets(%dma_start3A_421 : memref<20xi32, #tpu.memory_space<vmem>>) semaphore(%arg9 : memref<!tpu.dma_semaphore, #tpu.memory_space<semaphore_mem>>)
    %dma_start3A_425 = arith.constant 1 : i32
    %dma_start3A_426 = arith.constant 1 : i32
    %dma_start3A_427 = arith.constant 0 : i32
    %dma_start3A_428 = arith.constant 128 : i32
    %dma_start3A_429 = tpu.memref_slice %arg6[%dma_start3A_425, %dma_start3A_426, %dma_start3A_427, %dma_start3A_428] : memref<2x2x20x1000xf32, #tpu.memory_space<vmem>> -> memref<1x1x20x128xf32, #tpu.memory_space<vmem>>
    %dma_start3A_430 = tpu.memref_squeeze %dma_start3A_429 : memref<1x1x20x128xf32, #tpu.memory_space<vmem>> -> memref<20x128xf32, #tpu.memory_space<vmem>>
    %dma_start3A_431 = arith.constant 448 : i32
    %dma_start3A_432 = tpu.memref_slice %arg5[%dma_start3A_431] : memref<752xi32, #tpu.memory_space<vmem>> -> memref<20xi32, #tpu.memory_space<vmem>>
    %dma_start3A_433 = arith.constant 0 : i32
    %dma_start3A_434 = arith.constant 0 : i32
    %dma_start3A_435 = tpu.memref_slice %arg2[%dma_start3A_433, %dma_start3A_434] : memref<8000x128xf32, #tpu.memory_space<hbm>> -> memref<8000x128xf32, #tpu.memory_space<hbm>>
    tpu.enqueue_indirect_dma source(%dma_start3A_435 : memref<8000x128xf32, #tpu.memory_space<hbm>>) target(%dma_start3A_430 : memref<20x128xf32, #tpu.memory_space<vmem>>) offsets(%dma_start3A_432 : memref<20xi32, #tpu.memory_space<vmem>>) semaphore(%arg9 : memref<!tpu.dma_semaphore, #tpu.memory_space<semaphore_mem>>)
    %dma_start3A_436 = arith.constant 1 : i32
    %dma_start3A_437 = arith.constant 1 : i32
    %dma_start3A_438 = arith.constant 0 : i32
    %dma_start3A_439 = arith.constant 256 : i32
    %dma_start3A_440 = tpu.memref_slice %arg6[%dma_start3A_436, %dma_start3A_437, %dma_start3A_438, %dma_start3A_439] : memref<2x2x20x1000xf32, #tpu.memory_space<vmem>> -> memref<1x1x20x128xf32, #tpu.memory_space<vmem>>
    %dma_start3A_441 = tpu.memref_squeeze %dma_start3A_440 : memref<1x1x20x128xf32, #tpu.memory_space<vmem>> -> memref<20x128xf32, #tpu.memory_space<vmem>>
    %dma_start3A_442 = arith.constant 496 : i32
    %dma_start3A_443 = tpu.memref_slice %arg5[%dma_start3A_442] : memref<752xi32, #tpu.memory_space<vmem>> -> memref<20xi32, #tpu.memory_space<vmem>>
    %dma_start3A_444 = arith.constant 0 : i32
    %dma_start3A_445 = arith.constant 0 : i32
    %dma_start3A_446 = tpu.memref_slice %arg2[%dma_start3A_444, %dma_start3A_445] : memref<8000x128xf32, #tpu.memory_space<hbm>> -> memref<8000x128xf32, #tpu.memory_space<hbm>>
    tpu.enqueue_indirect_dma source(%dma_start3A_446 : memref<8000x128xf32, #tpu.memory_space<hbm>>) target(%dma_start3A_441 : memref<20x128xf32, #tpu.memory_space<vmem>>) offsets(%dma_start3A_443 : memref<20xi32, #tpu.memory_space<vmem>>) semaphore(%arg9 : memref<!tpu.dma_semaphore, #tpu.memory_space<semaphore_mem>>)
    %dma_start3A_447 = arith.constant 1 : i32
    %dma_start3A_448 = arith.constant 1 : i32
    %dma_start3A_449 = arith.constant 0 : i32
    %dma_start3A_450 = arith.constant 384 : i32
    %dma_start3A_451 = tpu.memref_slice %arg6[%dma_start3A_447, %dma_start3A_448, %dma_start3A_449, %dma_start3A_450] : memref<2x2x20x1000xf32, #tpu.memory_space<vmem>> -> memref<1x1x20x128xf32, #tpu.memory_space<vmem>>
    %dma_start3A_452 = tpu.memref_squeeze %dma_start3A_451 : memref<1x1x20x128xf32, #tpu.memory_space<vmem>> -> memref<20x128xf32, #tpu.memory_space<vmem>>
    %dma_start3A_453 = arith.constant 544 : i32
    %dma_start3A_454 = tpu.memref_slice %arg5[%dma_start3A_453] : memref<752xi32, #tpu.memory_space<vmem>> -> memref<20xi32, #tpu.memory_space<vmem>>
    %dma_start3A_455 = arith.constant 0 : i32
    %dma_start3A_456 = arith.constant 0 : i32
    %dma_start3A_457 = tpu.memref_slice %arg2[%dma_start3A_455, %dma_start3A_456] : memref<8000x128xf32, #tpu.memory_space<hbm>> -> memref<8000x128xf32, #tpu.memory_space<hbm>>
    tpu.enqueue_indirect_dma source(%dma_start3A_457 : memref<8000x128xf32, #tpu.memory_space<hbm>>) target(%dma_start3A_452 : memref<20x128xf32, #tpu.memory_space<vmem>>) offsets(%dma_start3A_454 : memref<20xi32, #tpu.memory_space<vmem>>) semaphore(%arg9 : memref<!tpu.dma_semaphore, #tpu.memory_space<semaphore_mem>>)
    %dma_start3A_458 = arith.constant 1 : i32
    %dma_start3A_459 = arith.constant 1 : i32
    %dma_start3A_460 = arith.constant 0 : i32
    %dma_start3A_461 = arith.constant 512 : i32
    %dma_start3A_462 = tpu.memref_slice %arg6[%dma_start3A_458, %dma_start3A_459, %dma_start3A_460, %dma_start3A_461] : memref<2x2x20x1000xf32, #tpu.memory_space<vmem>> -> memref<1x1x20x128xf32, #tpu.memory_space<vmem>>
    %dma_start3A_463 = tpu.memref_squeeze %dma_start3A_462 : memref<1x1x20x128xf32, #tpu.memory_space<vmem>> -> memref<20x128xf32, #tpu.memory_space<vmem>>
    %dma_start3A_464 = arith.constant 592 : i32
    %dma_start3A_465 = tpu.memref_slice %arg5[%dma_start3A_464] : memref<752xi32, #tpu.memory_space<vmem>> -> memref<20xi32, #tpu.memory_space<vmem>>
    %dma_start3A_466 = arith.constant 0 : i32
    %dma_start3A_467 = arith.constant 0 : i32
    %dma_start3A_468 = tpu.memref_slice %arg2[%dma_start3A_466, %dma_start3A_467] : memref<8000x128xf32, #tpu.memory_space<hbm>> -> memref<8000x128xf32, #tpu.memory_space<hbm>>
    tpu.enqueue_indirect_dma source(%dma_start3A_468 : memref<8000x128xf32, #tpu.memory_space<hbm>>) target(%dma_start3A_463 : memref<20x128xf32, #tpu.memory_space<vmem>>) offsets(%dma_start3A_465 : memref<20xi32, #tpu.memory_space<vmem>>) semaphore(%arg9 : memref<!tpu.dma_semaphore, #tpu.memory_space<semaphore_mem>>)
    %dma_start3A_469 = arith.constant 1 : i32
    %dma_start3A_470 = arith.constant 1 : i32
    %dma_start3A_471 = arith.constant 0 : i32
    %dma_start3A_472 = arith.constant 640 : i32
    %dma_start3A_473 = tpu.memref_slice %arg6[%dma_start3A_469, %dma_start3A_470, %dma_start3A_471, %dma_start3A_472] : memref<2x2x20x1000xf32, #tpu.memory_space<vmem>> -> memref<1x1x20x128xf32, #tpu.memory_space<vmem>>
    %dma_start3A_474 = tpu.memref_squeeze %dma_start3A_473 : memref<1x1x20x128xf32, #tpu.memory_space<vmem>> -> memref<20x128xf32, #tpu.memory_space<vmem>>
    %dma_start3A_475 = arith.constant 640 : i32
    %dma_start3A_476 = tpu.memref_slice %arg5[%dma_start3A_475] : memref<752xi32, #tpu.memory_space<vmem>> -> memref<20xi32, #tpu.memory_space<vmem>>
    %dma_start3A_477 = arith.constant 0 : i32
    %dma_start3A_478 = arith.constant 0 : i32
    %dma_start3A_479 = tpu.memref_slice %arg2[%dma_start3A_477, %dma_start3A_478] : memref<8000x128xf32, #tpu.memory_space<hbm>> -> memref<8000x128xf32, #tpu.memory_space<hbm>>
    tpu.enqueue_indirect_dma source(%dma_start3A_479 : memref<8000x128xf32, #tpu.memory_space<hbm>>) target(%dma_start3A_474 : memref<20x128xf32, #tpu.memory_space<vmem>>) offsets(%dma_start3A_476 : memref<20xi32, #tpu.memory_space<vmem>>) semaphore(%arg9 : memref<!tpu.dma_semaphore, #tpu.memory_space<semaphore_mem>>)
    %dma_start3A_480 = arith.constant 1 : i32
    %dma_start3A_481 = arith.constant 1 : i32
    %dma_start3A_482 = arith.constant 0 : i32
    %dma_start3A_483 = arith.constant 768 : i32
    %dma_start3A_484 = tpu.memref_slice %arg6[%dma_start3A_480, %dma_start3A_481, %dma_start3A_482, %dma_start3A_483] : memref<2x2x20x1000xf32, #tpu.memory_space<vmem>> -> memref<1x1x20x128xf32, #tpu.memory_space<vmem>>
    %dma_start3A_485 = tpu.memref_squeeze %dma_start3A_484 : memref<1x1x20x128xf32, #tpu.memory_space<vmem>> -> memref<20x128xf32, #tpu.memory_space<vmem>>
    %dma_start3A_486 = arith.constant 688 : i32
    %dma_start3A_487 = tpu.memref_slice %arg5[%dma_start3A_486] : memref<752xi32, #tpu.memory_space<vmem>> -> memref<20xi32, #tpu.memory_space<vmem>>
    %dma_start3A_488 = arith.constant 0 : i32
    %dma_start3A_489 = arith.constant 0 : i32
    %dma_start3A_490 = tpu.memref_slice %arg2[%dma_start3A_488, %dma_start3A_489] : memref<8000x128xf32, #tpu.memory_space<hbm>> -> memref<8000x128xf32, #tpu.memory_space<hbm>>
    tpu.enqueue_indirect_dma source(%dma_start3A_490 : memref<8000x128xf32, #tpu.memory_space<hbm>>) target(%dma_start3A_485 : memref<20x128xf32, #tpu.memory_space<vmem>>) offsets(%dma_start3A_487 : memref<20xi32, #tpu.memory_space<vmem>>) semaphore(%arg9 : memref<!tpu.dma_semaphore, #tpu.memory_space<semaphore_mem>>)
    %dma_start3A_491 = arith.constant 1 : i32
    %dma_start3A_492 = arith.constant 0 : i32
    %dma_start3A_493 = arith.constant 0 : i32
    %dma_start3A_494 = tpu.memref_slice %arg7[%dma_start3A_491, %dma_start3A_492, %dma_start3A_493] : memref<2x40x128xf32, #tpu.memory_space<vmem>> -> memref<1x40x128xf32, #tpu.memory_space<vmem>>
    %dma_start3A_495 = tpu.memref_squeeze %dma_start3A_494 : memref<1x40x128xf32, #tpu.memory_space<vmem>> -> memref<40x128xf32, #tpu.memory_space<vmem>>
    %dma_start3A_496 = arith.constant 712 : i32
    %dma_start3A_497 = tpu.memref_slice %arg5[%dma_start3A_496] : memref<752xi32, #tpu.memory_space<vmem>> -> memref<40xi32, #tpu.memory_space<vmem>>
    %dma_start3A_498 = arith.constant 0 : i32
    %dma_start3A_499 = arith.constant 0 : i32
    %dma_start3A_500 = tpu.memref_slice %arg2[%dma_start3A_498, %dma_start3A_499] : memref<8000x128xf32, #tpu.memory_space<hbm>> -> memref<8000x128xf32, #tpu.memory_space<hbm>>
    tpu.enqueue_indirect_dma source(%dma_start3A_500 : memref<8000x128xf32, #tpu.memory_space<hbm>>) target(%dma_start3A_495 : memref<40x128xf32, #tpu.memory_space<vmem>>) offsets(%dma_start3A_497 : memref<40xi32, #tpu.memory_space<vmem>>) semaphore(%arg9 : memref<!tpu.dma_semaphore, #tpu.memory_space<semaphore_mem>>)
    %mul3A_501 = arith.constant 128 : i32
    %mul3A_502 = arith.muli %add3A, %mul3A_501 : i32
    %add3A_503 = arith.constant 0 : i32
    %add3A_504 = arith.addi %mul3A_502, %add3A_503 : i32
    %dma_start3A_505 = arith.constant 0 : i32
    %dma_start3A_506 = arith.constant 0 : i32
    %dma_start3A_507 = arith.constant 0 : i32
    %dma_start3A_508 = arith.constant 0 : i32
    %dma_start3A_509 = tpu.memref_slice %arg6[%dma_start3A_505, %dma_start3A_506, %dma_start3A_507, %dma_start3A_508] : memref<2x2x20x1000xf32, #tpu.memory_space<vmem>> -> memref<1x2x20x1000xf32, #tpu.memory_space<vmem>>
    %dma_start3A_510 = tpu.memref_squeeze %dma_start3A_509 : memref<1x2x20x1000xf32, #tpu.memory_space<vmem>> -> memref<2x20x1000xf32, #tpu.memory_space<vmem>>
    %dma_start3A_511 = arith.constant 0 : i32
    %dma_start3A_512 = arith.constant 0 : i32
    %dma_start3A_513 = tpu.memref_slice %arg4[%add3A_504, %dma_start3A_511, %dma_start3A_512] : memref<4096x20x1000xf32, #tpu.memory_space<hbm>> -> memref<2x20x1000xf32, #tpu.memory_space<hbm>>
    %dma_start3A_514 = arith.constant 0 : i32
    %dma_start3A_515 = arith.constant 0 : i32
    %dma_start3A_516 = tpu.memref_slice %arg4[%add3A_504, %dma_start3A_514, %dma_start3A_515] : memref<4096x20x1000xf32, #tpu.memory_space<hbm>> -> memref<2x20x1000xf32, #tpu.memory_space<hbm>>
    %dma_start3A_517 = arith.constant 0 : i32
    %dma_start3A_518 = arith.constant 0 : i32
    %dma_start3A_519 = arith.constant 0 : i32
    %dma_start3A_520 = tpu.memref_slice %arg6[%dma_start3A_505, %dma_start3A_517, %dma_start3A_518, %dma_start3A_519] : memref<2x2x20x1000xf32, #tpu.memory_space<vmem>> -> memref<1x2x20x1000xf32, #tpu.memory_space<vmem>>
    %dma_start3A_521 = tpu.memref_squeeze %dma_start3A_520 : memref<1x2x20x1000xf32, #tpu.memory_space<vmem>> -> memref<2x20x1000xf32, #tpu.memory_space<vmem>>
    tpu.enqueue_dma source(%dma_start3A_521 : memref<2x20x1000xf32, #tpu.memory_space<vmem>>) target(%dma_start3A_516 : memref<2x20x1000xf32, #tpu.memory_space<hbm>>) target_semaphore(%arg10 : memref<!tpu.dma_semaphore, #tpu.memory_space<semaphore_mem>>)
    %scan3A_522 = arith.constant 0 : i32
    %scan3A_523 = arith.constant 0 : i32
    %scan3A_524 = arith.constant 31 : i32
    %scan3A_525 = arith.addi %scan3A_523, %scan3A_524 : i32
    %scan3A_526 = arith.constant 1 : i32
    %scan3A_527 = scf.for %scan3A_763 = %scan3A_523 to %scan3A_525 step %scan3A_526 iter_args(%scan3A_764 = %scan3A_522) -> (i32)  : i32 {
      %mul3A_765 = arith.constant 2 : i32
      %mul3A_766 = arith.muli %mul3A_765, %scan3A_763 : i32
      %add3A_767 = arith.constant 1 : i32
      %add3A_768 = arith.addi %mul3A_766, %add3A_767 : i32
      %dma_wait3A_769 = arith.constant 1 : i32
      %dma_wait3A_770 = arith.constant 0 : i32
      %dma_wait3A_771 = arith.constant 0 : i32
      %dma_wait3A_772 = arith.constant 0 : i32
      %dma_wait3A_773 = tpu.memref_slice %arg6[%dma_wait3A_769, %dma_wait3A_770, %dma_wait3A_771, %dma_wait3A_772] : memref<2x2x20x1000xf32, #tpu.memory_space<vmem>> -> memref<1x1x20x128xf32, #tpu.memory_space<vmem>>
      %dma_wait3A_774 = tpu.memref_squeeze %dma_wait3A_773 : memref<1x1x20x128xf32, #tpu.memory_space<vmem>> -> memref<20x128xf32, #tpu.memory_space<vmem>>
      %dma_wait3A_775 = arith.constant 0 : i32
      %dma_wait3A_776 = tpu.memref_slice %arg5[%dma_wait3A_775] : memref<752xi32, #tpu.memory_space<vmem>> -> memref<20xi32, #tpu.memory_space<vmem>>
      %dma_wait3A_777 = arith.constant 0 : i32
      %dma_wait3A_778 = arith.constant 0 : i32
      %dma_wait3A_779 = tpu.memref_slice %arg2[%dma_wait3A_777, %dma_wait3A_778] : memref<8000x128xf32, #tpu.memory_space<hbm>> -> memref<8000x128xf32, #tpu.memory_space<hbm>>
      tpu.wait_indirect_dma semaphore(%arg9 : memref<!tpu.dma_semaphore, #tpu.memory_space<semaphore_mem>>) src(%dma_wait3A_779 : memref<8000x128xf32, #tpu.memory_space<hbm>>) dst(%dma_wait3A_774 : memref<20x128xf32, #tpu.memory_space<vmem>>)
      %dma_wait3A_780 = arith.constant 1 : i32
      %dma_wait3A_781 = arith.constant 0 : i32
      %dma_wait3A_782 = arith.constant 0 : i32
      %dma_wait3A_783 = arith.constant 128 : i32
      %dma_wait3A_784 = tpu.memref_slice %arg6[%dma_wait3A_780, %dma_wait3A_781, %dma_wait3A_782, %dma_wait3A_783] : memref<2x2x20x1000xf32, #tpu.memory_space<vmem>> -> memref<1x1x20x128xf32, #tpu.memory_space<vmem>>
      %dma_wait3A_785 = tpu.memref_squeeze %dma_wait3A_784 : memref<1x1x20x128xf32, #tpu.memory_space<vmem>> -> memref<20x128xf32, #tpu.memory_space<vmem>>
      %dma_wait3A_786 = arith.constant 48 : i32
      %dma_wait3A_787 = tpu.memref_slice %arg5[%dma_wait3A_786] : memref<752xi32, #tpu.memory_space<vmem>> -> memref<20xi32, #tpu.memory_space<vmem>>
      %dma_wait3A_788 = arith.constant 0 : i32
      %dma_wait3A_789 = arith.constant 0 : i32
      %dma_wait3A_790 = tpu.memref_slice %arg2[%dma_wait3A_788, %dma_wait3A_789] : memref<8000x128xf32, #tpu.memory_space<hbm>> -> memref<8000x128xf32, #tpu.memory_space<hbm>>
      tpu.wait_indirect_dma semaphore(%arg9 : memref<!tpu.dma_semaphore, #tpu.memory_space<semaphore_mem>>) src(%dma_wait3A_790 : memref<8000x128xf32, #tpu.memory_space<hbm>>) dst(%dma_wait3A_785 : memref<20x128xf32, #tpu.memory_space<vmem>>)
      %dma_wait3A_791 = arith.constant 1 : i32
      %dma_wait3A_792 = arith.constant 0 : i32
      %dma_wait3A_793 = arith.constant 0 : i32
      %dma_wait3A_794 = arith.constant 256 : i32
      %dma_wait3A_795 = tpu.memref_slice %arg6[%dma_wait3A_791, %dma_wait3A_792, %dma_wait3A_793, %dma_wait3A_794] : memref<2x2x20x1000xf32, #tpu.memory_space<vmem>> -> memref<1x1x20x128xf32, #tpu.memory_space<vmem>>
      %dma_wait3A_796 = tpu.memref_squeeze %dma_wait3A_795 : memref<1x1x20x128xf32, #tpu.memory_space<vmem>> -> memref<20x128xf32, #tpu.memory_space<vmem>>
      %dma_wait3A_797 = arith.constant 96 : i32
      %dma_wait3A_798 = tpu.memref_slice %arg5[%dma_wait3A_797] : memref<752xi32, #tpu.memory_space<vmem>> -> memref<20xi32, #tpu.memory_space<vmem>>
      %dma_wait3A_799 = arith.constant 0 : i32
      %dma_wait3A_800 = arith.constant 0 : i32
      %dma_wait3A_801 = tpu.memref_slice %arg2[%dma_wait3A_799, %dma_wait3A_800] : memref<8000x128xf32, #tpu.memory_space<hbm>> -> memref<8000x128xf32, #tpu.memory_space<hbm>>
      tpu.wait_indirect_dma semaphore(%arg9 : memref<!tpu.dma_semaphore, #tpu.memory_space<semaphore_mem>>) src(%dma_wait3A_801 : memref<8000x128xf32, #tpu.memory_space<hbm>>) dst(%dma_wait3A_796 : memref<20x128xf32, #tpu.memory_space<vmem>>)
      %dma_wait3A_802 = arith.constant 1 : i32
      %dma_wait3A_803 = arith.constant 0 : i32
      %dma_wait3A_804 = arith.constant 0 : i32
      %dma_wait3A_805 = arith.constant 384 : i32
      %dma_wait3A_806 = tpu.memref_slice %arg6[%dma_wait3A_802, %dma_wait3A_803, %dma_wait3A_804, %dma_wait3A_805] : memref<2x2x20x1000xf32, #tpu.memory_space<vmem>> -> memref<1x1x20x128xf32, #tpu.memory_space<vmem>>
      %dma_wait3A_807 = tpu.memref_squeeze %dma_wait3A_806 : memref<1x1x20x128xf32, #tpu.memory_space<vmem>> -> memref<20x128xf32, #tpu.memory_space<vmem>>
      %dma_wait3A_808 = arith.constant 144 : i32
      %dma_wait3A_809 = tpu.memref_slice %arg5[%dma_wait3A_808] : memref<752xi32, #tpu.memory_space<vmem>> -> memref<20xi32, #tpu.memory_space<vmem>>
      %dma_wait3A_810 = arith.constant 0 : i32
      %dma_wait3A_811 = arith.constant 0 : i32
      %dma_wait3A_812 = tpu.memref_slice %arg2[%dma_wait3A_810, %dma_wait3A_811] : memref<8000x128xf32, #tpu.memory_space<hbm>> -> memref<8000x128xf32, #tpu.memory_space<hbm>>
      tpu.wait_indirect_dma semaphore(%arg9 : memref<!tpu.dma_semaphore, #tpu.memory_space<semaphore_mem>>) src(%dma_wait3A_812 : memref<8000x128xf32, #tpu.memory_space<hbm>>) dst(%dma_wait3A_807 : memref<20x128xf32, #tpu.memory_space<vmem>>)
      %dma_wait3A_813 = arith.constant 1 : i32
      %dma_wait3A_814 = arith.constant 0 : i32
      %dma_wait3A_815 = arith.constant 0 : i32
      %dma_wait3A_816 = arith.constant 512 : i32
      %dma_wait3A_817 = tpu.memref_slice %arg6[%dma_wait3A_813, %dma_wait3A_814, %dma_wait3A_815, %dma_wait3A_816] : memref<2x2x20x1000xf32, #tpu.memory_space<vmem>> -> memref<1x1x20x128xf32, #tpu.memory_space<vmem>>
      %dma_wait3A_818 = tpu.memref_squeeze %dma_wait3A_817 : memref<1x1x20x128xf32, #tpu.memory_space<vmem>> -> memref<20x128xf32, #tpu.memory_space<vmem>>
      %dma_wait3A_819 = arith.constant 192 : i32
      %dma_wait3A_820 = tpu.memref_slice %arg5[%dma_wait3A_819] : memref<752xi32, #tpu.memory_space<vmem>> -> memref<20xi32, #tpu.memory_space<vmem>>
      %dma_wait3A_821 = arith.constant 0 : i32
      %dma_wait3A_822 = arith.constant 0 : i32
      %dma_wait3A_823 = tpu.memref_slice %arg2[%dma_wait3A_821, %dma_wait3A_822] : memref<8000x128xf32, #tpu.memory_space<hbm>> -> memref<8000x128xf32, #tpu.memory_space<hbm>>
      tpu.wait_indirect_dma semaphore(%arg9 : memref<!tpu.dma_semaphore, #tpu.memory_space<semaphore_mem>>) src(%dma_wait3A_823 : memref<8000x128xf32, #tpu.memory_space<hbm>>) dst(%dma_wait3A_818 : memref<20x128xf32, #tpu.memory_space<vmem>>)
      %dma_wait3A_824 = arith.constant 1 : i32
      %dma_wait3A_825 = arith.constant 0 : i32
      %dma_wait3A_826 = arith.constant 0 : i32
      %dma_wait3A_827 = arith.constant 640 : i32
      %dma_wait3A_828 = tpu.memref_slice %arg6[%dma_wait3A_824, %dma_wait3A_825, %dma_wait3A_826, %dma_wait3A_827] : memref<2x2x20x1000xf32, #tpu.memory_space<vmem>> -> memref<1x1x20x128xf32, #tpu.memory_space<vmem>>
      %dma_wait3A_829 = tpu.memref_squeeze %dma_wait3A_828 : memref<1x1x20x128xf32, #tpu.memory_space<vmem>> -> memref<20x128xf32, #tpu.memory_space<vmem>>
      %dma_wait3A_830 = arith.constant 240 : i32
      %dma_wait3A_831 = tpu.memref_slice %arg5[%dma_wait3A_830] : memref<752xi32, #tpu.memory_space<vmem>> -> memref<20xi32, #tpu.memory_space<vmem>>
      %dma_wait3A_832 = arith.constant 0 : i32
      %dma_wait3A_833 = arith.constant 0 : i32
      %dma_wait3A_834 = tpu.memref_slice %arg2[%dma_wait3A_832, %dma_wait3A_833] : memref<8000x128xf32, #tpu.memory_space<hbm>> -> memref<8000x128xf32, #tpu.memory_space<hbm>>
      tpu.wait_indirect_dma semaphore(%arg9 : memref<!tpu.dma_semaphore, #tpu.memory_space<semaphore_mem>>) src(%dma_wait3A_834 : memref<8000x128xf32, #tpu.memory_space<hbm>>) dst(%dma_wait3A_829 : memref<20x128xf32, #tpu.memory_space<vmem>>)
      %dma_wait3A_835 = arith.constant 1 : i32
      %dma_wait3A_836 = arith.constant 0 : i32
      %dma_wait3A_837 = arith.constant 0 : i32
      %dma_wait3A_838 = arith.constant 768 : i32
      %dma_wait3A_839 = tpu.memref_slice %arg6[%dma_wait3A_835, %dma_wait3A_836, %dma_wait3A_837, %dma_wait3A_838] : memref<2x2x20x1000xf32, #tpu.memory_space<vmem>> -> memref<1x1x20x128xf32, #tpu.memory_space<vmem>>
      %dma_wait3A_840 = tpu.memref_squeeze %dma_wait3A_839 : memref<1x1x20x128xf32, #tpu.memory_space<vmem>> -> memref<20x128xf32, #tpu.memory_space<vmem>>
      %dma_wait3A_841 = arith.constant 288 : i32
      %dma_wait3A_842 = tpu.memref_slice %arg5[%dma_wait3A_841] : memref<752xi32, #tpu.memory_space<vmem>> -> memref<20xi32, #tpu.memory_space<vmem>>
      %dma_wait3A_843 = arith.constant 0 : i32
      %dma_wait3A_844 = arith.constant 0 : i32
      %dma_wait3A_845 = tpu.memref_slice %arg2[%dma_wait3A_843, %dma_wait3A_844] : memref<8000x128xf32, #tpu.memory_space<hbm>> -> memref<8000x128xf32, #tpu.memory_space<hbm>>
      tpu.wait_indirect_dma semaphore(%arg9 : memref<!tpu.dma_semaphore, #tpu.memory_space<semaphore_mem>>) src(%dma_wait3A_845 : memref<8000x128xf32, #tpu.memory_space<hbm>>) dst(%dma_wait3A_840 : memref<20x128xf32, #tpu.memory_space<vmem>>)
      %dma_wait3A_846 = arith.constant 1 : i32
      %dma_wait3A_847 = arith.constant 1 : i32
      %dma_wait3A_848 = arith.constant 0 : i32
      %dma_wait3A_849 = arith.constant 0 : i32
      %dma_wait3A_850 = tpu.memref_slice %arg6[%dma_wait3A_846, %dma_wait3A_847, %dma_wait3A_848, %dma_wait3A_849] : memref<2x2x20x1000xf32, #tpu.memory_space<vmem>> -> memref<1x1x20x128xf32, #tpu.memory_space<vmem>>
      %dma_wait3A_851 = tpu.memref_squeeze %dma_wait3A_850 : memref<1x1x20x128xf32, #tpu.memory_space<vmem>> -> memref<20x128xf32, #tpu.memory_space<vmem>>
      %dma_wait3A_852 = arith.constant 24 : i32
      %dma_wait3A_853 = tpu.memref_slice %arg5[%dma_wait3A_852] : memref<752xi32, #tpu.memory_space<vmem>> -> memref<20xi32, #tpu.memory_space<vmem>>
      %dma_wait3A_854 = arith.constant 0 : i32
      %dma_wait3A_855 = arith.constant 0 : i32
      %dma_wait3A_856 = tpu.memref_slice %arg2[%dma_wait3A_854, %dma_wait3A_855] : memref<8000x128xf32, #tpu.memory_space<hbm>> -> memref<8000x128xf32, #tpu.memory_space<hbm>>
      tpu.wait_indirect_dma semaphore(%arg9 : memref<!tpu.dma_semaphore, #tpu.memory_space<semaphore_mem>>) src(%dma_wait3A_856 : memref<8000x128xf32, #tpu.memory_space<hbm>>) dst(%dma_wait3A_851 : memref<20x128xf32, #tpu.memory_space<vmem>>)
      %dma_wait3A_857 = arith.constant 1 : i32
      %dma_wait3A_858 = arith.constant 1 : i32
      %dma_wait3A_859 = arith.constant 0 : i32
      %dma_wait3A_860 = arith.constant 128 : i32
      %dma_wait3A_861 = tpu.memref_slice %arg6[%dma_wait3A_857, %dma_wait3A_858, %dma_wait3A_859, %dma_wait3A_860] : memref<2x2x20x1000xf32, #tpu.memory_space<vmem>> -> memref<1x1x20x128xf32, #tpu.memory_space<vmem>>
      %dma_wait3A_862 = tpu.memref_squeeze %dma_wait3A_861 : memref<1x1x20x128xf32, #tpu.memory_space<vmem>> -> memref<20x128xf32, #tpu.memory_space<vmem>>
      %dma_wait3A_863 = arith.constant 72 : i32
      %dma_wait3A_864 = tpu.memref_slice %arg5[%dma_wait3A_863] : memref<752xi32, #tpu.memory_space<vmem>> -> memref<20xi32, #tpu.memory_space<vmem>>
      %dma_wait3A_865 = arith.constant 0 : i32
      %dma_wait3A_866 = arith.constant 0 : i32
      %dma_wait3A_867 = tpu.memref_slice %arg2[%dma_wait3A_865, %dma_wait3A_866] : memref<8000x128xf32, #tpu.memory_space<hbm>> -> memref<8000x128xf32, #tpu.memory_space<hbm>>
      tpu.wait_indirect_dma semaphore(%arg9 : memref<!tpu.dma_semaphore, #tpu.memory_space<semaphore_mem>>) src(%dma_wait3A_867 : memref<8000x128xf32, #tpu.memory_space<hbm>>) dst(%dma_wait3A_862 : memref<20x128xf32, #tpu.memory_space<vmem>>)
      %dma_wait3A_868 = arith.constant 1 : i32
      %dma_wait3A_869 = arith.constant 1 : i32
      %dma_wait3A_870 = arith.constant 0 : i32
      %dma_wait3A_871 = arith.constant 256 : i32
      %dma_wait3A_872 = tpu.memref_slice %arg6[%dma_wait3A_868, %dma_wait3A_869, %dma_wait3A_870, %dma_wait3A_871] : memref<2x2x20x1000xf32, #tpu.memory_space<vmem>> -> memref<1x1x20x128xf32, #tpu.memory_space<vmem>>
      %dma_wait3A_873 = tpu.memref_squeeze %dma_wait3A_872 : memref<1x1x20x128xf32, #tpu.memory_space<vmem>> -> memref<20x128xf32, #tpu.memory_space<vmem>>
      %dma_wait3A_874 = arith.constant 120 : i32
      %dma_wait3A_875 = tpu.memref_slice %arg5[%dma_wait3A_874] : memref<752xi32, #tpu.memory_space<vmem>> -> memref<20xi32, #tpu.memory_space<vmem>>
      %dma_wait3A_876 = arith.constant 0 : i32
      %dma_wait3A_877 = arith.constant 0 : i32
      %dma_wait3A_878 = tpu.memref_slice %arg2[%dma_wait3A_876, %dma_wait3A_877] : memref<8000x128xf32, #tpu.memory_space<hbm>> -> memref<8000x128xf32, #tpu.memory_space<hbm>>
      tpu.wait_indirect_dma semaphore(%arg9 : memref<!tpu.dma_semaphore, #tpu.memory_space<semaphore_mem>>) src(%dma_wait3A_878 : memref<8000x128xf32, #tpu.memory_space<hbm>>) dst(%dma_wait3A_873 : memref<20x128xf32, #tpu.memory_space<vmem>>)
      %dma_wait3A_879 = arith.constant 1 : i32
      %dma_wait3A_880 = arith.constant 1 : i32
      %dma_wait3A_881 = arith.constant 0 : i32
      %dma_wait3A_882 = arith.constant 384 : i32
      %dma_wait3A_883 = tpu.memref_slice %arg6[%dma_wait3A_879, %dma_wait3A_880, %dma_wait3A_881, %dma_wait3A_882] : memref<2x2x20x1000xf32, #tpu.memory_space<vmem>> -> memref<1x1x20x128xf32, #tpu.memory_space<vmem>>
      %dma_wait3A_884 = tpu.memref_squeeze %dma_wait3A_883 : memref<1x1x20x128xf32, #tpu.memory_space<vmem>> -> memref<20x128xf32, #tpu.memory_space<vmem>>
      %dma_wait3A_885 = arith.constant 168 : i32
      %dma_wait3A_886 = tpu.memref_slice %arg5[%dma_wait3A_885] : memref<752xi32, #tpu.memory_space<vmem>> -> memref<20xi32, #tpu.memory_space<vmem>>
      %dma_wait3A_887 = arith.constant 0 : i32
      %dma_wait3A_888 = arith.constant 0 : i32
      %dma_wait3A_889 = tpu.memref_slice %arg2[%dma_wait3A_887, %dma_wait3A_888] : memref<8000x128xf32, #tpu.memory_space<hbm>> -> memref<8000x128xf32, #tpu.memory_space<hbm>>
      tpu.wait_indirect_dma semaphore(%arg9 : memref<!tpu.dma_semaphore, #tpu.memory_space<semaphore_mem>>) src(%dma_wait3A_889 : memref<8000x128xf32, #tpu.memory_space<hbm>>) dst(%dma_wait3A_884 : memref<20x128xf32, #tpu.memory_space<vmem>>)
      %dma_wait3A_890 = arith.constant 1 : i32
      %dma_wait3A_891 = arith.constant 1 : i32
      %dma_wait3A_892 = arith.constant 0 : i32
      %dma_wait3A_893 = arith.constant 512 : i32
      %dma_wait3A_894 = tpu.memref_slice %arg6[%dma_wait3A_890, %dma_wait3A_891, %dma_wait3A_892, %dma_wait3A_893] : memref<2x2x20x1000xf32, #tpu.memory_space<vmem>> -> memref<1x1x20x128xf32, #tpu.memory_space<vmem>>
      %dma_wait3A_895 = tpu.memref_squeeze %dma_wait3A_894 : memref<1x1x20x128xf32, #tpu.memory_space<vmem>> -> memref<20x128xf32, #tpu.memory_space<vmem>>
      %dma_wait3A_896 = arith.constant 216 : i32
      %dma_wait3A_897 = tpu.memref_slice %arg5[%dma_wait3A_896] : memref<752xi32, #tpu.memory_space<vmem>> -> memref<20xi32, #tpu.memory_space<vmem>>
      %dma_wait3A_898 = arith.constant 0 : i32
      %dma_wait3A_899 = arith.constant 0 : i32
      %dma_wait3A_900 = tpu.memref_slice %arg2[%dma_wait3A_898, %dma_wait3A_899] : memref<8000x128xf32, #tpu.memory_space<hbm>> -> memref<8000x128xf32, #tpu.memory_space<hbm>>
      tpu.wait_indirect_dma semaphore(%arg9 : memref<!tpu.dma_semaphore, #tpu.memory_space<semaphore_mem>>) src(%dma_wait3A_900 : memref<8000x128xf32, #tpu.memory_space<hbm>>) dst(%dma_wait3A_895 : memref<20x128xf32, #tpu.memory_space<vmem>>)
      %dma_wait3A_901 = arith.constant 1 : i32
      %dma_wait3A_902 = arith.constant 1 : i32
      %dma_wait3A_903 = arith.constant 0 : i32
      %dma_wait3A_904 = arith.constant 640 : i32
      %dma_wait3A_905 = tpu.memref_slice %arg6[%dma_wait3A_901, %dma_wait3A_902, %dma_wait3A_903, %dma_wait3A_904] : memref<2x2x20x1000xf32, #tpu.memory_space<vmem>> -> memref<1x1x20x128xf32, #tpu.memory_space<vmem>>
      %dma_wait3A_906 = tpu.memref_squeeze %dma_wait3A_905 : memref<1x1x20x128xf32, #tpu.memory_space<vmem>> -> memref<20x128xf32, #tpu.memory_space<vmem>>
      %dma_wait3A_907 = arith.constant 264 : i32
      %dma_wait3A_908 = tpu.memref_slice %arg5[%dma_wait3A_907] : memref<752xi32, #tpu.memory_space<vmem>> -> memref<20xi32, #tpu.memory_space<vmem>>
      %dma_wait3A_909 = arith.constant 0 : i32
      %dma_wait3A_910 = arith.constant 0 : i32
      %dma_wait3A_911 = tpu.memref_slice %arg2[%dma_wait3A_909, %dma_wait3A_910] : memref<8000x128xf32, #tpu.memory_space<hbm>> -> memref<8000x128xf32, #tpu.memory_space<hbm>>
      tpu.wait_indirect_dma semaphore(%arg9 : memref<!tpu.dma_semaphore, #tpu.memory_space<semaphore_mem>>) src(%dma_wait3A_911 : memref<8000x128xf32, #tpu.memory_space<hbm>>) dst(%dma_wait3A_906 : memref<20x128xf32, #tpu.memory_space<vmem>>)
      %dma_wait3A_912 = arith.constant 1 : i32
      %dma_wait3A_913 = arith.constant 1 : i32
      %dma_wait3A_914 = arith.constant 0 : i32
      %dma_wait3A_915 = arith.constant 768 : i32
      %dma_wait3A_916 = tpu.memref_slice %arg6[%dma_wait3A_912, %dma_wait3A_913, %dma_wait3A_914, %dma_wait3A_915] : memref<2x2x20x1000xf32, #tpu.memory_space<vmem>> -> memref<1x1x20x128xf32, #tpu.memory_space<vmem>>
      %dma_wait3A_917 = tpu.memref_squeeze %dma_wait3A_916 : memref<1x1x20x128xf32, #tpu.memory_space<vmem>> -> memref<20x128xf32, #tpu.memory_space<vmem>>
      %dma_wait3A_918 = arith.constant 312 : i32
      %dma_wait3A_919 = tpu.memref_slice %arg5[%dma_wait3A_918] : memref<752xi32, #tpu.memory_space<vmem>> -> memref<20xi32, #tpu.memory_space<vmem>>
      %dma_wait3A_920 = arith.constant 0 : i32
      %dma_wait3A_921 = arith.constant 0 : i32
      %dma_wait3A_922 = tpu.memref_slice %arg2[%dma_wait3A_920, %dma_wait3A_921] : memref<8000x128xf32, #tpu.memory_space<hbm>> -> memref<8000x128xf32, #tpu.memory_space<hbm>>
      tpu.wait_indirect_dma semaphore(%arg9 : memref<!tpu.dma_semaphore, #tpu.memory_space<semaphore_mem>>) src(%dma_wait3A_922 : memref<8000x128xf32, #tpu.memory_space<hbm>>) dst(%dma_wait3A_917 : memref<20x128xf32, #tpu.memory_space<vmem>>)
      %dma_wait3A_923 = arith.constant 1 : i32
      %dma_wait3A_924 = arith.constant 0 : i32
      %dma_wait3A_925 = arith.constant 0 : i32
      %dma_wait3A_926 = tpu.memref_slice %arg7[%dma_wait3A_923, %dma_wait3A_924, %dma_wait3A_925] : memref<2x40x128xf32, #tpu.memory_space<vmem>> -> memref<1x40x128xf32, #tpu.memory_space<vmem>>
      %dma_wait3A_927 = tpu.memref_squeeze %dma_wait3A_926 : memref<1x40x128xf32, #tpu.memory_space<vmem>> -> memref<40x128xf32, #tpu.memory_space<vmem>>
      %dma_wait3A_928 = arith.constant 0 : i32
      %dma_wait3A_929 = tpu.memref_slice %arg5[%dma_wait3A_928] : memref<752xi32, #tpu.memory_space<vmem>> -> memref<40xi32, #tpu.memory_space<vmem>>
      %dma_wait3A_930 = arith.constant 0 : i32
      %dma_wait3A_931 = arith.constant 0 : i32
      %dma_wait3A_932 = tpu.memref_slice %arg2[%dma_wait3A_930, %dma_wait3A_931] : memref<8000x128xf32, #tpu.memory_space<hbm>> -> memref<8000x128xf32, #tpu.memory_space<hbm>>
      tpu.wait_indirect_dma semaphore(%arg9 : memref<!tpu.dma_semaphore, #tpu.memory_space<semaphore_mem>>) src(%dma_wait3A_932 : memref<8000x128xf32, #tpu.memory_space<hbm>>) dst(%dma_wait3A_927 : memref<40x128xf32, #tpu.memory_space<vmem>>)
      %scan3A_933 = arith.constant 0 : i32
      %scan3A_934 = arith.constant 0 : i32
      %scan3A_935 = arith.constant 20 : i32
      %scan3A_936 = arith.addi %scan3A_934, %scan3A_935 : i32
      %scan3A_937 = arith.constant 1 : i32
      %scan3A_938 = scf.for %scan3A_1557 = %scan3A_934 to %scan3A_936 step %scan3A_937 iter_args(%scan3A_1558 = %scan3A_933) -> (i32)  : i32 {
        %add3A_1559 = arith.constant 0 : i32
        %add3A_1560 = arith.addi %add3A_1559, %scan3A_1557 : i32
        %get3A = arith.constant 1 : i32
        %get3A_1561 = arith.index_cast %get3A : i32 to index
        %get3A_1562 = arith.index_cast %add3A_1560 : i32 to index
        %get3A_1563 = arith.constant 0 : index
        %get3A_1564 = tpu.vector_load %arg7[%get3A_1561, %get3A_1562, %get3A_1563] {strides = array<i32>} : memref<2x40x128xf32, #tpu.memory_space<vmem>>, vector<1x1x16xf32>,
        %get3A_1565 = vector.shape_cast %get3A_1564 : vector<1x1x16xf32> to vector<16xf32>
        %swap3A = arith.constant 1 : i32
        %swap3A_1566 = arith.constant 0 : i32
        %swap3A_1567 = arith.index_cast %swap3A : i32 to index
        %swap3A_1568 = arith.index_cast %swap3A_1566 : i32 to index
        %swap3A_1569 = arith.index_cast %scan3A_1557 : i32 to index
        %swap3A_1570 = arith.constant 896 : index
        %swap3A_1571 = tpu.vector_load %arg6[%swap3A_1567, %swap3A_1568, %swap3A_1569, %swap3A_1570] {strides = array<i32>} : memref<2x2x20x1000xf32, #tpu.memory_space<vmem>>, vector<1x1x1x16xf32>,
        %swap3A_1572 = vector.shape_cast %swap3A_1571 : vector<1x1x1x16xf32> to vector<16xf32>
        %swap3A_1573 = vector.shape_cast %get3A_1565 : vector<16xf32> to vector<1x1x1x16xf32>
        tpu.vector_store %arg6[%swap3A_1567, %swap3A_1568, %swap3A_1569, %swap3A_1570], %swap3A_1573 {strides = array<i32>} : memref<2x2x20x1000xf32, #tpu.memory_space<vmem>>, vector<1x1x1x16xf32>,
        %add3A_1574 = arith.constant 0 : i32
        %add3A_1575 = arith.addi %add3A_1574, %scan3A_1557 : i32
        %get3A_1576 = arith.constant 1 : i32
        %get3A_1577 = arith.index_cast %get3A_1576 : i32 to index
        %get3A_1578 = arith.index_cast %add3A_1575 : i32 to index
        %get3A_1579 = arith.constant 16 : index
        %get3A_1580 = tpu.vector_load %arg7[%get3A_1577, %get3A_1578, %get3A_1579] {strides = array<i32>} : memref<2x40x128xf32, #tpu.memory_space<vmem>>, vector<1x1x16xf32>,
        %get3A_1581 = vector.shape_cast %get3A_1580 : vector<1x1x16xf32> to vector<16xf32>
        %swap3A_1582 = arith.constant 1 : i32
        %swap3A_1583 = arith.constant 0 : i32
        %swap3A_1584 = arith.index_cast %swap3A_1582 : i32 to index
        %swap3A_1585 = arith.index_cast %swap3A_1583 : i32 to index
        %swap3A_1586 = arith.index_cast %scan3A_1557 : i32 to index
        %swap3A_1587 = arith.constant 912 : index
        %swap3A_1588 = tpu.vector_load %arg6[%swap3A_1584, %swap3A_1585, %swap3A_1586, %swap3A_1587] {strides = array<i32>} : memref<2x2x20x1000xf32, #tpu.memory_space<vmem>>, vector<1x1x1x16xf32>,
        %swap3A_1589 = vector.shape_cast %swap3A_1588 : vector<1x1x1x16xf32> to vector<16xf32>
        %swap3A_1590 = vector.shape_cast %get3A_1581 : vector<16xf32> to vector<1x1x1x16xf32>
        tpu.vector_store %arg6[%swap3A_1584, %swap3A_1585, %swap3A_1586, %swap3A_1587], %swap3A_1590 {strides = array<i32>} : memref<2x2x20x1000xf32, #tpu.memory_space<vmem>>, vector<1x1x1x16xf32>,
        %add3A_1591 = arith.constant 0 : i32
        %add3A_1592 = arith.addi %add3A_1591, %scan3A_1557 : i32
        %get3A_1593 = arith.constant 1 : i32
        %get3A_1594 = arith.index_cast %get3A_1593 : i32 to index
        %get3A_1595 = arith.index_cast %add3A_1592 : i32 to index
        %get3A_1596 = arith.constant 32 : index
        %get3A_1597 = tpu.vector_load %arg7[%get3A_1594, %get3A_1595, %get3A_1596] {strides = array<i32>} : memref<2x40x128xf32, #tpu.memory_space<vmem>>, vector<1x1x16xf32>,
        %get3A_1598 = vector.shape_cast %get3A_1597 : vector<1x1x16xf32> to vector<16xf32>
        %swap3A_1599 = arith.constant 1 : i32
        %swap3A_1600 = arith.constant 0 : i32
        %swap3A_1601 = arith.index_cast %swap3A_1599 : i32 to index
        %swap3A_1602 = arith.index_cast %swap3A_1600 : i32 to index
        %swap3A_1603 = arith.index_cast %scan3A_1557 : i32 to index
        %swap3A_1604 = arith.constant 928 : index
        %swap3A_1605 = tpu.vector_load %arg6[%swap3A_1601, %swap3A_1602, %swap3A_1603, %swap3A_1604] {strides = array<i32>} : memref<2x2x20x1000xf32, #tpu.memory_space<vmem>>, vector<1x1x1x16xf32>,
        %swap3A_1606 = vector.shape_cast %swap3A_1605 : vector<1x1x1x16xf32> to vector<16xf32>
        %swap3A_1607 = vector.shape_cast %get3A_1598 : vector<16xf32> to vector<1x1x1x16xf32>
        tpu.vector_store %arg6[%swap3A_1601, %swap3A_1602, %swap3A_1603, %swap3A_1604], %swap3A_1607 {strides = array<i32>} : memref<2x2x20x1000xf32, #tpu.memory_space<vmem>>, vector<1x1x1x16xf32>,
        %add3A_1608 = arith.constant 0 : i32
        %add3A_1609 = arith.addi %add3A_1608, %scan3A_1557 : i32
        %get3A_1610 = arith.constant 1 : i32
        %get3A_1611 = arith.index_cast %get3A_1610 : i32 to index
        %get3A_1612 = arith.index_cast %add3A_1609 : i32 to index
        %get3A_1613 = arith.constant 48 : index
        %get3A_1614 = tpu.vector_load %arg7[%get3A_1611, %get3A_1612, %get3A_1613] {strides = array<i32>} : memref<2x40x128xf32, #tpu.memory_space<vmem>>, vector<1x1x16xf32>,
        %get3A_1615 = vector.shape_cast %get3A_1614 : vector<1x1x16xf32> to vector<16xf32>
        %swap3A_1616 = arith.constant 1 : i32
        %swap3A_1617 = arith.constant 0 : i32
        %swap3A_1618 = arith.index_cast %swap3A_1616 : i32 to index
        %swap3A_1619 = arith.index_cast %swap3A_1617 : i32 to index
        %swap3A_1620 = arith.index_cast %scan3A_1557 : i32 to index
        %swap3A_1621 = arith.constant 944 : index
        %swap3A_1622 = tpu.vector_load %arg6[%swap3A_1618, %swap3A_1619, %swap3A_1620, %swap3A_1621] {strides = array<i32>} : memref<2x2x20x1000xf32, #tpu.memory_space<vmem>>, vector<1x1x1x16xf32>,
        %swap3A_1623 = vector.shape_cast %swap3A_1622 : vector<1x1x1x16xf32> to vector<16xf32>
        %swap3A_1624 = vector.shape_cast %get3A_1615 : vector<16xf32> to vector<1x1x1x16xf32>
        tpu.vector_store %arg6[%swap3A_1618, %swap3A_1619, %swap3A_1620, %swap3A_1621], %swap3A_1624 {strides = array<i32>} : memref<2x2x20x1000xf32, #tpu.memory_space<vmem>>, vector<1x1x1x16xf32>,
        %add3A_1625 = arith.constant 0 : i32
        %add3A_1626 = arith.addi %add3A_1625, %scan3A_1557 : i32
        %get3A_1627 = arith.constant 1 : i32
        %get3A_1628 = arith.index_cast %get3A_1627 : i32 to index
        %get3A_1629 = arith.index_cast %add3A_1626 : i32 to index
        %get3A_1630 = arith.constant 64 : index
        %get3A_1631 = tpu.vector_load %arg7[%get3A_1628, %get3A_1629, %get3A_1630] {strides = array<i32>} : memref<2x40x128xf32, #tpu.memory_space<vmem>>, vector<1x1x16xf32>,
        %get3A_1632 = vector.shape_cast %get3A_1631 : vector<1x1x16xf32> to vector<16xf32>
        %swap3A_1633 = arith.constant 1 : i32
        %swap3A_1634 = arith.constant 0 : i32
        %swap3A_1635 = arith.index_cast %swap3A_1633 : i32 to index
        %swap3A_1636 = arith.index_cast %swap3A_1634 : i32 to index
        %swap3A_1637 = arith.index_cast %scan3A_1557 : i32 to index
        %swap3A_1638 = arith.constant 960 : index
        %swap3A_1639 = tpu.vector_load %arg6[%swap3A_1635, %swap3A_1636, %swap3A_1637, %swap3A_1638] {strides = array<i32>} : memref<2x2x20x1000xf32, #tpu.memory_space<vmem>>, vector<1x1x1x16xf32>,
        %swap3A_1640 = vector.shape_cast %swap3A_1639 : vector<1x1x1x16xf32> to vector<16xf32>
        %swap3A_1641 = vector.shape_cast %get3A_1632 : vector<16xf32> to vector<1x1x1x16xf32>
        tpu.vector_store %arg6[%swap3A_1635, %swap3A_1636, %swap3A_1637, %swap3A_1638], %swap3A_1641 {strides = array<i32>} : memref<2x2x20x1000xf32, #tpu.memory_space<vmem>>, vector<1x1x1x16xf32>,
        %add3A_1642 = arith.constant 0 : i32
        %add3A_1643 = arith.addi %add3A_1642, %scan3A_1557 : i32
        %get3A_1644 = arith.constant 1 : i32
        %get3A_1645 = arith.index_cast %get3A_1644 : i32 to index
        %get3A_1646 = arith.index_cast %add3A_1643 : i32 to index
        %get3A_1647 = arith.constant 80 : index
        %get3A_1648 = tpu.vector_load %arg7[%get3A_1645, %get3A_1646, %get3A_1647] {strides = array<i32>} : memref<2x40x128xf32, #tpu.memory_space<vmem>>, vector<1x1x16xf32>,
        %get3A_1649 = vector.shape_cast %get3A_1648 : vector<1x1x16xf32> to vector<16xf32>
        %swap3A_1650 = arith.constant 1 : i32
        %swap3A_1651 = arith.constant 0 : i32
        %swap3A_1652 = arith.index_cast %swap3A_1650 : i32 to index
        %swap3A_1653 = arith.index_cast %swap3A_1651 : i32 to index
        %swap3A_1654 = arith.index_cast %scan3A_1557 : i32 to index
        %swap3A_1655 = arith.constant 976 : index
        %swap3A_1656 = tpu.vector_load %arg6[%swap3A_1652, %swap3A_1653, %swap3A_1654, %swap3A_1655] {strides = array<i32>} : memref<2x2x20x1000xf32, #tpu.memory_space<vmem>>, vector<1x1x1x16xf32>,
        %swap3A_1657 = vector.shape_cast %swap3A_1656 : vector<1x1x1x16xf32> to vector<16xf32>
        %swap3A_1658 = vector.shape_cast %get3A_1649 : vector<16xf32> to vector<1x1x1x16xf32>
        tpu.vector_store %arg6[%swap3A_1652, %swap3A_1653, %swap3A_1654, %swap3A_1655], %swap3A_1658 {strides = array<i32>} : memref<2x2x20x1000xf32, #tpu.memory_space<vmem>>, vector<1x1x1x16xf32>,
        %mul3A_1659 = arith.constant 0 : i32
        %mul3A_1660 = arith.muli %scan3A_1557, %mul3A_1659 : i32
        %add3A_1661 = arith.constant 992 : i32
        %add3A_1662 = arith.addi %mul3A_1660, %add3A_1661 : i32
        %multiple_of3A = tpu.assume_multiple %add3A_1662, 16 : i32
        %add3A_1663 = arith.constant 0 : i32
        %add3A_1664 = arith.addi %add3A_1663, %scan3A_1557 : i32
        %get3A_1665 = arith.constant 1 : i32
        %get3A_1666 = arith.index_cast %get3A_1665 : i32 to index
        %get3A_1667 = arith.index_cast %add3A_1664 : i32 to index
        %get3A_1668 = arith.constant 96 : index
        %get3A_1669 = tpu.vector_load %arg7[%get3A_1666, %get3A_1667, %get3A_1668] {strides = array<i32>} : memref<2x40x128xf32, #tpu.memory_space<vmem>>, vector<1x1x16xf32>,
        %get3A_1670 = vector.shape_cast %get3A_1669 : vector<1x1x16xf32> to vector<16xf32>
        %swap3A_1671 = arith.constant 1 : i32
        %swap3A_1672 = arith.constant 0 : i32
        %swap3A_1673 = arith.index_cast %swap3A_1671 : i32 to index
        %swap3A_1674 = arith.index_cast %swap3A_1672 : i32 to index
        %swap3A_1675 = arith.index_cast %scan3A_1557 : i32 to index
        %swap3A_1676 = arith.index_cast %multiple_of3A : i32 to index
        %swap3A_1677 = tpu.vector_load %arg6[%swap3A_1673, %swap3A_1674, %swap3A_1675, %swap3A_1676] {strides = array<i32>} : memref<2x2x20x1000xf32, #tpu.memory_space<vmem>>, vector<1x1x1x16xf32>,
        %swap3A_1678 = vector.shape_cast %swap3A_1677 : vector<1x1x1x16xf32> to vector<16xf32>
        %swap3A_1679 = vector.shape_cast %get3A_1670 : vector<16xf32> to vector<1x1x1x16xf32>
        tpu.vector_store %arg6[%swap3A_1673, %swap3A_1674, %swap3A_1675, %swap3A_1676], %swap3A_1679 {strides = array<i32>} : memref<2x2x20x1000xf32, #tpu.memory_space<vmem>>, vector<1x1x1x16xf32>,
        %add3A_1680 = arith.constant 20 : i32
        %add3A_1681 = arith.addi %add3A_1680, %scan3A_1557 : i32
        %get3A_1682 = arith.constant 1 : i32
        %get3A_1683 = arith.index_cast %get3A_1682 : i32 to index
        %get3A_1684 = arith.index_cast %add3A_1681 : i32 to index
        %get3A_1685 = arith.constant 0 : index
        %get3A_1686 = tpu.vector_load %arg7[%get3A_1683, %get3A_1684, %get3A_1685] {strides = array<i32>} : memref<2x40x128xf32, #tpu.memory_space<vmem>>, vector<1x1x16xf32>,
        %get3A_1687 = vector.shape_cast %get3A_1686 : vector<1x1x16xf32> to vector<16xf32>
        %swap3A_1688 = arith.constant 1 : i32
        %swap3A_1689 = arith.constant 1 : i32
        %swap3A_1690 = arith.index_cast %swap3A_1688 : i32 to index
        %swap3A_1691 = arith.index_cast %swap3A_1689 : i32 to index
        %swap3A_1692 = arith.index_cast %scan3A_1557 : i32 to index
        %swap3A_1693 = arith.constant 896 : index
        %swap3A_1694 = tpu.vector_load %arg6[%swap3A_1690, %swap3A_1691, %swap3A_1692, %swap3A_1693] {strides = array<i32>} : memref<2x2x20x1000xf32, #tpu.memory_space<vmem>>, vector<1x1x1x16xf32>,
        %swap3A_1695 = vector.shape_cast %swap3A_1694 : vector<1x1x1x16xf32> to vector<16xf32>
        %swap3A_1696 = vector.shape_cast %get3A_1687 : vector<16xf32> to vector<1x1x1x16xf32>
        tpu.vector_store %arg6[%swap3A_1690, %swap3A_1691, %swap3A_1692, %swap3A_1693], %swap3A_1696 {strides = array<i32>} : memref<2x2x20x1000xf32, #tpu.memory_space<vmem>>, vector<1x1x1x16xf32>,
        %add3A_1697 = arith.constant 20 : i32
        %add3A_1698 = arith.addi %add3A_1697, %scan3A_1557 : i32
        %get3A_1699 = arith.constant 1 : i32
        %get3A_1700 = arith.index_cast %get3A_1699 : i32 to index
        %get3A_1701 = arith.index_cast %add3A_1698 : i32 to index
        %get3A_1702 = arith.constant 16 : index
        %get3A_1703 = tpu.vector_load %arg7[%get3A_1700, %get3A_1701, %get3A_1702] {strides = array<i32>} : memref<2x40x128xf32, #tpu.memory_space<vmem>>, vector<1x1x16xf32>,
        %get3A_1704 = vector.shape_cast %get3A_1703 : vector<1x1x16xf32> to vector<16xf32>
        %swap3A_1705 = arith.constant 1 : i32
        %swap3A_1706 = arith.constant 1 : i32
        %swap3A_1707 = arith.index_cast %swap3A_1705 : i32 to index
        %swap3A_1708 = arith.index_cast %swap3A_1706 : i32 to index
        %swap3A_1709 = arith.index_cast %scan3A_1557 : i32 to index
        %swap3A_1710 = arith.constant 912 : index
        %swap3A_1711 = tpu.vector_load %arg6[%swap3A_1707, %swap3A_1708, %swap3A_1709, %swap3A_1710] {strides = array<i32>} : memref<2x2x20x1000xf32, #tpu.memory_space<vmem>>, vector<1x1x1x16xf32>,
        %swap3A_1712 = vector.shape_cast %swap3A_1711 : vector<1x1x1x16xf32> to vector<16xf32>
        %swap3A_1713 = vector.shape_cast %get3A_1704 : vector<16xf32> to vector<1x1x1x16xf32>
        tpu.vector_store %arg6[%swap3A_1707, %swap3A_1708, %swap3A_1709, %swap3A_1710], %swap3A_1713 {strides = array<i32>} : memref<2x2x20x1000xf32, #tpu.memory_space<vmem>>, vector<1x1x1x16xf32>,
        %add3A_1714 = arith.constant 20 : i32
        %add3A_1715 = arith.addi %add3A_1714, %scan3A_1557 : i32
        %get3A_1716 = arith.constant 1 : i32
        %get3A_1717 = arith.index_cast %get3A_1716 : i32 to index
        %get3A_1718 = arith.index_cast %add3A_1715 : i32 to index
        %get3A_1719 = arith.constant 32 : index
        %get3A_1720 = tpu.vector_load %arg7[%get3A_1717, %get3A_1718, %get3A_1719] {strides = array<i32>} : memref<2x40x128xf32, #tpu.memory_space<vmem>>, vector<1x1x16xf32>,
        %get3A_1721 = vector.shape_cast %get3A_1720 : vector<1x1x16xf32> to vector<16xf32>
        %swap3A_1722 = arith.constant 1 : i32
        %swap3A_1723 = arith.constant 1 : i32
        %swap3A_1724 = arith.index_cast %swap3A_1722 : i32 to index
        %swap3A_1725 = arith.index_cast %swap3A_1723 : i32 to index
        %swap3A_1726 = arith.index_cast %scan3A_1557 : i32 to index
        %swap3A_1727 = arith.constant 928 : index
        %swap3A_1728 = tpu.vector_load %arg6[%swap3A_1724, %swap3A_1725, %swap3A_1726, %swap3A_1727] {strides = array<i32>} : memref<2x2x20x1000xf32, #tpu.memory_space<vmem>>, vector<1x1x1x16xf32>,
        %swap3A_1729 = vector.shape_cast %swap3A_1728 : vector<1x1x1x16xf32> to vector<16xf32>
        %swap3A_1730 = vector.shape_cast %get3A_1721 : vector<16xf32> to vector<1x1x1x16xf32>
        tpu.vector_store %arg6[%swap3A_1724, %swap3A_1725, %swap3A_1726, %swap3A_1727], %swap3A_1730 {strides = array<i32>} : memref<2x2x20x1000xf32, #tpu.memory_space<vmem>>, vector<1x1x1x16xf32>,
        %add3A_1731 = arith.constant 20 : i32
        %add3A_1732 = arith.addi %add3A_1731, %scan3A_1557 : i32
        %get3A_1733 = arith.constant 1 : i32
        %get3A_1734 = arith.index_cast %get3A_1733 : i32 to index
        %get3A_1735 = arith.index_cast %add3A_1732 : i32 to index
        %get3A_1736 = arith.constant 48 : index
        %get3A_1737 = tpu.vector_load %arg7[%get3A_1734, %get3A_1735, %get3A_1736] {strides = array<i32>} : memref<2x40x128xf32, #tpu.memory_space<vmem>>, vector<1x1x16xf32>,
        %get3A_1738 = vector.shape_cast %get3A_1737 : vector<1x1x16xf32> to vector<16xf32>
        %swap3A_1739 = arith.constant 1 : i32
        %swap3A_1740 = arith.constant 1 : i32
        %swap3A_1741 = arith.index_cast %swap3A_1739 : i32 to index
        %swap3A_1742 = arith.index_cast %swap3A_1740 : i32 to index
        %swap3A_1743 = arith.index_cast %scan3A_1557 : i32 to index
        %swap3A_1744 = arith.constant 944 : index
        %swap3A_1745 = tpu.vector_load %arg6[%swap3A_1741, %swap3A_1742, %swap3A_1743, %swap3A_1744] {strides = array<i32>} : memref<2x2x20x1000xf32, #tpu.memory_space<vmem>>, vector<1x1x1x16xf32>,
        %swap3A_1746 = vector.shape_cast %swap3A_1745 : vector<1x1x1x16xf32> to vector<16xf32>
        %swap3A_1747 = vector.shape_cast %get3A_1738 : vector<16xf32> to vector<1x1x1x16xf32>
        tpu.vector_store %arg6[%swap3A_1741, %swap3A_1742, %swap3A_1743, %swap3A_1744], %swap3A_1747 {strides = array<i32>} : memref<2x2x20x1000xf32, #tpu.memory_space<vmem>>, vector<1x1x1x16xf32>,
        %add3A_1748 = arith.constant 20 : i32
        %add3A_1749 = arith.addi %add3A_1748, %scan3A_1557 : i32
        %get3A_1750 = arith.constant 1 : i32
        %get3A_1751 = arith.index_cast %get3A_1750 : i32 to index
        %get3A_1752 = arith.index_cast %add3A_1749 : i32 to index
        %get3A_1753 = arith.constant 64 : index
        %get3A_1754 = tpu.vector_load %arg7[%get3A_1751, %get3A_1752, %get3A_1753] {strides = array<i32>} : memref<2x40x128xf32, #tpu.memory_space<vmem>>, vector<1x1x16xf32>,
        %get3A_1755 = vector.shape_cast %get3A_1754 : vector<1x1x16xf32> to vector<16xf32>
        %swap3A_1756 = arith.constant 1 : i32
        %swap3A_1757 = arith.constant 1 : i32
        %swap3A_1758 = arith.index_cast %swap3A_1756 : i32 to index
        %swap3A_1759 = arith.index_cast %swap3A_1757 : i32 to index
        %swap3A_1760 = arith.index_cast %scan3A_1557 : i32 to index
        %swap3A_1761 = arith.constant 960 : index
        %swap3A_1762 = tpu.vector_load %arg6[%swap3A_1758, %swap3A_1759, %swap3A_1760, %swap3A_1761] {strides = array<i32>} : memref<2x2x20x1000xf32, #tpu.memory_space<vmem>>, vector<1x1x1x16xf32>,
        %swap3A_1763 = vector.shape_cast %swap3A_1762 : vector<1x1x1x16xf32> to vector<16xf32>
        %swap3A_1764 = vector.shape_cast %get3A_1755 : vector<16xf32> to vector<1x1x1x16xf32>
        tpu.vector_store %arg6[%swap3A_1758, %swap3A_1759, %swap3A_1760, %swap3A_1761], %swap3A_1764 {strides = array<i32>} : memref<2x2x20x1000xf32, #tpu.memory_space<vmem>>, vector<1x1x1x16xf32>,
        %add3A_1765 = arith.constant 20 : i32
        %add3A_1766 = arith.addi %add3A_1765, %scan3A_1557 : i32
        %get3A_1767 = arith.constant 1 : i32
        %get3A_1768 = arith.index_cast %get3A_1767 : i32 to index
        %get3A_1769 = arith.index_cast %add3A_1766 : i32 to index
        %get3A_1770 = arith.constant 80 : index
        %get3A_1771 = tpu.vector_load %arg7[%get3A_1768, %get3A_1769, %get3A_1770] {strides = array<i32>} : memref<2x40x128xf32, #tpu.memory_space<vmem>>, vector<1x1x16xf32>,
        %get3A_1772 = vector.shape_cast %get3A_1771 : vector<1x1x16xf32> to vector<16xf32>
        %swap3A_1773 = arith.constant 1 : i32
        %swap3A_1774 = arith.constant 1 : i32
        %swap3A_1775 = arith.index_cast %swap3A_1773 : i32 to index
        %swap3A_1776 = arith.index_cast %swap3A_1774 : i32 to index
        %swap3A_1777 = arith.index_cast %scan3A_1557 : i32 to index
        %swap3A_1778 = arith.constant 976 : index
        %swap3A_1779 = tpu.vector_load %arg6[%swap3A_1775, %swap3A_1776, %swap3A_1777, %swap3A_1778] {strides = array<i32>} : memref<2x2x20x1000xf32, #tpu.memory_space<vmem>>, vector<1x1x1x16xf32>,
        %swap3A_1780 = vector.shape_cast %swap3A_1779 : vector<1x1x1x16xf32> to vector<16xf32>
        %swap3A_1781 = vector.shape_cast %get3A_1772 : vector<16xf32> to vector<1x1x1x16xf32>
        tpu.vector_store %arg6[%swap3A_1775, %swap3A_1776, %swap3A_1777, %swap3A_1778], %swap3A_1781 {strides = array<i32>} : memref<2x2x20x1000xf32, #tpu.memory_space<vmem>>, vector<1x1x1x16xf32>,
        %mul3A_1782 = arith.constant 0 : i32
        %mul3A_1783 = arith.muli %scan3A_1557, %mul3A_1782 : i32
        %add3A_1784 = arith.constant 992 : i32
        %add3A_1785 = arith.addi %mul3A_1783, %add3A_1784 : i32
        %multiple_of3A_1786 = tpu.assume_multiple %add3A_1785, 16 : i32
        %add3A_1787 = arith.constant 20 : i32
        %add3A_1788 = arith.addi %add3A_1787, %scan3A_1557 : i32
        %get3A_1789 = arith.constant 1 : i32
        %get3A_1790 = arith.index_cast %get3A_1789 : i32 to index
        %get3A_1791 = arith.index_cast %add3A_1788 : i32 to index
        %get3A_1792 = arith.constant 96 : index
        %get3A_1793 = tpu.vector_load %arg7[%get3A_1790, %get3A_1791, %get3A_1792] {strides = array<i32>} : memref<2x40x128xf32, #tpu.memory_space<vmem>>, vector<1x1x16xf32>,
        %get3A_1794 = vector.shape_cast %get3A_1793 : vector<1x1x16xf32> to vector<16xf32>
        %swap3A_1795 = arith.constant 1 : i32
        %swap3A_1796 = arith.constant 1 : i32
        %swap3A_1797 = arith.index_cast %swap3A_1795 : i32 to index
        %swap3A_1798 = arith.index_cast %swap3A_1796 : i32 to index
        %swap3A_1799 = arith.index_cast %scan3A_1557 : i32 to index
        %swap3A_1800 = arith.index_cast %multiple_of3A_1786 : i32 to index
        %swap3A_1801 = tpu.vector_load %arg6[%swap3A_1797, %swap3A_1798, %swap3A_1799, %swap3A_1800] {strides = array<i32>} : memref<2x2x20x1000xf32, #tpu.memory_space<vmem>>, vector<1x1x1x16xf32>,
        %swap3A_1802 = vector.shape_cast %swap3A_1801 : vector<1x1x1x16xf32> to vector<16xf32>
        %swap3A_1803 = vector.shape_cast %get3A_1794 : vector<16xf32> to vector<1x1x1x16xf32>
        tpu.vector_store %arg6[%swap3A_1797, %swap3A_1798, %swap3A_1799, %swap3A_1800], %swap3A_1803 {strides = array<i32>} : memref<2x2x20x1000xf32, #tpu.memory_space<vmem>>, vector<1x1x1x16xf32>,
        %scan3A_1804 = arith.constant 0 : i32
        scf.yield %scan3A_1804 : i32
      }
      %scan3A_939 = arith.constant 20 : i32
      %sub3A = arith.constant 1 : i32
      %sub3A_940 = arith.subi %add3A_768, %sub3A : i32
      %mul3A_941 = arith.constant 128 : i32
      %mul3A_942 = arith.muli %add3A, %mul3A_941 : i32
      %mul3A_943 = arith.constant 2 : i32
      %mul3A_944 = arith.muli %sub3A_940, %mul3A_943 : i32
      %add3A_945 = arith.addi %mul3A_942, %mul3A_944 : i32
      %dma_wait3A_946 = arith.constant 0 : i32
      %dma_wait3A_947 = arith.constant 0 : i32
      %dma_wait3A_948 = arith.constant 0 : i32
      %dma_wait3A_949 = arith.constant 0 : i32
      %dma_wait3A_950 = tpu.memref_slice %arg6[%dma_wait3A_946, %dma_wait3A_947, %dma_wait3A_948, %dma_wait3A_949] : memref<2x2x20x1000xf32, #tpu.memory_space<vmem>> -> memref<1x2x20x1000xf32, #tpu.memory_space<vmem>>
      %dma_wait3A_951 = tpu.memref_squeeze %dma_wait3A_950 : memref<1x2x20x1000xf32, #tpu.memory_space<vmem>> -> memref<2x20x1000xf32, #tpu.memory_space<vmem>>
      %dma_wait3A_952 = arith.constant 0 : i32
      %dma_wait3A_953 = arith.constant 0 : i32
      %dma_wait3A_954 = tpu.memref_slice %arg4[%add3A_945, %dma_wait3A_952, %dma_wait3A_953] : memref<4096x20x1000xf32, #tpu.memory_space<hbm>> -> memref<2x20x1000xf32, #tpu.memory_space<hbm>>
      %dma_wait3A_955 = arith.constant 0 : i32
      %dma_wait3A_956 = arith.constant 0 : i32
      %dma_wait3A_957 = tpu.memref_slice %arg4[%add3A_945, %dma_wait3A_955, %dma_wait3A_956] : memref<4096x20x1000xf32, #tpu.memory_space<hbm>> -> memref<2x20x1000xf32, #tpu.memory_space<hbm>>
      %dma_wait3A_958 = arith.constant 0 : i32
      %dma_wait3A_959 = arith.constant 0 : i32
      %dma_wait3A_960 = arith.constant 0 : i32
      %dma_wait3A_961 = tpu.memref_slice %arg6[%dma_wait3A_946, %dma_wait3A_958, %dma_wait3A_959, %dma_wait3A_960] : memref<2x2x20x1000xf32, #tpu.memory_space<vmem>> -> memref<1x2x20x1000xf32, #tpu.memory_space<vmem>>
      %dma_wait3A_962 = tpu.memref_squeeze %dma_wait3A_961 : memref<1x2x20x1000xf32, #tpu.memory_space<vmem>> -> memref<2x20x1000xf32, #tpu.memory_space<vmem>>
      tpu.wait_dma2 semaphore(%arg10 : memref<!tpu.dma_semaphore, #tpu.memory_space<semaphore_mem>>) src(%dma_wait3A_962 : memref<2x20x1000xf32, #tpu.memory_space<vmem>>) dst(%dma_wait3A_957 : memref<2x20x1000xf32, #tpu.memory_space<hbm>>)
      %add3A_963 = arith.constant 1 : i32
      %add3A_964 = arith.addi %add3A_768, %add3A_963 : i32
      %mul3A_965 = arith.constant 24064 : i32
      %mul3A_966 = arith.muli %add3A, %mul3A_965 : i32
      %jit3A = arith.constant 2 : i32
      %div3A = arith.divsi %add3A_964, %jit3A : i32
      %sign3A = arith.constant 0 : i32
      %sign3A_967 = arith.cmpi sgt, %add3A_964, %sign3A : i32
      %sign3A_968 = arith.extui %sign3A_967 : i1 to i32
      %sign3A_969 = arith.constant 0 : i32
      %sign3A_970 = arith.cmpi slt, %add3A_964, %sign3A_969 : i32
      %sign3A_971 = arith.extui %sign3A_970 : i1 to i32
      %sign3A_972 = arith.subi %sign3A_968, %sign3A_971 : i32
      %sign3A_973 = arith.constant 0 : i32
      %sign3A_974 = arith.cmpi sgt, %jit3A, %sign3A_973 : i32
      %sign3A_975 = arith.extui %sign3A_974 : i1 to i32
      %sign3A_976 = arith.constant 0 : i32
      %sign3A_977 = arith.cmpi slt, %jit3A, %sign3A_976 : i32
      %sign3A_978 = arith.extui %sign3A_977 : i1 to i32
      %sign3A_979 = arith.subi %sign3A_975, %sign3A_978 : i32
      %ne3A = arith.cmpi ne, %sign3A_972, %sign3A_979 : i32
      %rem3A = arith.remsi %add3A_964, %jit3A : i32
      %ne3A_980 = arith.constant 0 : i32
      %ne3A_981 = arith.cmpi ne, %rem3A, %ne3A_980 : i32
      %and3A = arith.andi %ne3A, %ne3A_981 : i1
      %sub3A_982 = arith.constant 1 : i32
      %sub3A_983 = arith.subi %div3A, %sub3A_982 : i32
      %select_n3A = arith.select %and3A, %sub3A_983, %div3A : i32
      %mul3A_984 = arith.constant 752 : i32
      %mul3A_985 = arith.muli %select_n3A, %mul3A_984 : i32
      %add3A_986 = arith.addi %mul3A_966, %mul3A_985 : i32
      "tpu.region"() ({
        %run_scoped3A = tpu.sem_alloc : memref<!tpu.dma_semaphore, #tpu.memory_space<semaphore_mem>>
        %dma_start3A_1557 = tpu.memref_slice %arg3[%add3A_986] : memref<770048xi32, #tpu.memory_space<hbm>> -> memref<752xi32, #tpu.memory_space<hbm>>
        %dma_start3A_1558 = tpu.memref_slice %arg3[%add3A_986] : memref<770048xi32, #tpu.memory_space<hbm>> -> memref<752xi32, #tpu.memory_space<hbm>>
        tpu.enqueue_dma source(%dma_start3A_1558 : memref<752xi32, #tpu.memory_space<hbm>>) target(%arg5 : memref<752xi32, #tpu.memory_space<vmem>>) target_semaphore(%run_scoped3A : memref<!tpu.dma_semaphore, #tpu.memory_space<semaphore_mem>>)
        %dma_wait3A_1559 = tpu.memref_slice %arg3[%add3A_986] : memref<770048xi32, #tpu.memory_space<hbm>> -> memref<752xi32, #tpu.memory_space<hbm>>
        %dma_wait3A_1560 = tpu.memref_slice %arg3[%add3A_986] : memref<770048xi32, #tpu.memory_space<hbm>> -> memref<752xi32, #tpu.memory_space<hbm>>
        tpu.wait_dma2 semaphore(%run_scoped3A : memref<!tpu.dma_semaphore, #tpu.memory_space<semaphore_mem>>) src(%dma_wait3A_1560 : memref<752xi32, #tpu.memory_space<hbm>>) dst(%arg5 : memref<752xi32, #tpu.memory_space<vmem>>)
        tpu.yield
      }) : () -> ()
      %dma_start3A_987 = arith.constant 0 : i32
      %dma_start3A_988 = arith.constant 0 : i32
      %dma_start3A_989 = arith.constant 0 : i32
      %dma_start3A_990 = arith.constant 0 : i32
      %dma_start3A_991 = tpu.memref_slice %arg6[%dma_start3A_987, %dma_start3A_988, %dma_start3A_989, %dma_start3A_990] : memref<2x2x20x1000xf32, #tpu.memory_space<vmem>> -> memref<1x1x20x128xf32, #tpu.memory_space<vmem>>
      %dma_start3A_992 = tpu.memref_squeeze %dma_start3A_991 : memref<1x1x20x128xf32, #tpu.memory_space<vmem>> -> memref<20x128xf32, #tpu.memory_space<vmem>>
      %dma_start3A_993 = arith.constant 0 : i32
      %dma_start3A_994 = tpu.memref_slice %arg5[%dma_start3A_993] : memref<752xi32, #tpu.memory_space<vmem>> -> memref<20xi32, #tpu.memory_space<vmem>>
      %dma_start3A_995 = arith.constant 0 : i32
      %dma_start3A_996 = arith.constant 0 : i32
      %dma_start3A_997 = tpu.memref_slice %arg2[%dma_start3A_995, %dma_start3A_996] : memref<8000x128xf32, #tpu.memory_space<hbm>> -> memref<8000x128xf32, #tpu.memory_space<hbm>>
      tpu.enqueue_indirect_dma source(%dma_start3A_997 : memref<8000x128xf32, #tpu.memory_space<hbm>>) target(%dma_start3A_992 : memref<20x128xf32, #tpu.memory_space<vmem>>) offsets(%dma_start3A_994 : memref<20xi32, #tpu.memory_space<vmem>>) semaphore(%arg8 : memref<!tpu.dma_semaphore, #tpu.memory_space<semaphore_mem>>)
      %dma_start3A_998 = arith.constant 0 : i32
      %dma_start3A_999 = arith.constant 0 : i32
      %dma_start3A_1000 = arith.constant 0 : i32
      %dma_start3A_1001 = arith.constant 128 : i32
      %dma_start3A_1002 = tpu.memref_slice %arg6[%dma_start3A_998, %dma_start3A_999, %dma_start3A_1000, %dma_start3A_1001] : memref<2x2x20x1000xf32, #tpu.memory_space<vmem>> -> memref<1x1x20x128xf32, #tpu.memory_space<vmem>>
      %dma_start3A_1003 = tpu.memref_squeeze %dma_start3A_1002 : memref<1x1x20x128xf32, #tpu.memory_space<vmem>> -> memref<20x128xf32, #tpu.memory_space<vmem>>
      %dma_start3A_1004 = arith.constant 48 : i32
      %dma_start3A_1005 = tpu.memref_slice %arg5[%dma_start3A_1004] : memref<752xi32, #tpu.memory_space<vmem>> -> memref<20xi32, #tpu.memory_space<vmem>>
      %dma_start3A_1006 = arith.constant 0 : i32
      %dma_start3A_1007 = arith.constant 0 : i32
      %dma_start3A_1008 = tpu.memref_slice %arg2[%dma_start3A_1006, %dma_start3A_1007] : memref<8000x128xf32, #tpu.memory_space<hbm>> -> memref<8000x128xf32, #tpu.memory_space<hbm>>
      tpu.enqueue_indirect_dma source(%dma_start3A_1008 : memref<8000x128xf32, #tpu.memory_space<hbm>>) target(%dma_start3A_1003 : memref<20x128xf32, #tpu.memory_space<vmem>>) offsets(%dma_start3A_1005 : memref<20xi32, #tpu.memory_space<vmem>>) semaphore(%arg8 : memref<!tpu.dma_semaphore, #tpu.memory_space<semaphore_mem>>)
      %dma_start3A_1009 = arith.constant 0 : i32
      %dma_start3A_1010 = arith.constant 0 : i32
      %dma_start3A_1011 = arith.constant 0 : i32
      %dma_start3A_1012 = arith.constant 256 : i32
      %dma_start3A_1013 = tpu.memref_slice %arg6[%dma_start3A_1009, %dma_start3A_1010, %dma_start3A_1011, %dma_start3A_1012] : memref<2x2x20x1000xf32, #tpu.memory_space<vmem>> -> memref<1x1x20x128xf32, #tpu.memory_space<vmem>>
      %dma_start3A_1014 = tpu.memref_squeeze %dma_start3A_1013 : memref<1x1x20x128xf32, #tpu.memory_space<vmem>> -> memref<20x128xf32, #tpu.memory_space<vmem>>
      %dma_start3A_1015 = arith.constant 96 : i32
      %dma_start3A_1016 = tpu.memref_slice %arg5[%dma_start3A_1015] : memref<752xi32, #tpu.memory_space<vmem>> -> memref<20xi32, #tpu.memory_space<vmem>>
      %dma_start3A_1017 = arith.constant 0 : i32
      %dma_start3A_1018 = arith.constant 0 : i32
      %dma_start3A_1019 = tpu.memref_slice %arg2[%dma_start3A_1017, %dma_start3A_1018] : memref<8000x128xf32, #tpu.memory_space<hbm>> -> memref<8000x128xf32, #tpu.memory_space<hbm>>
      tpu.enqueue_indirect_dma source(%dma_start3A_1019 : memref<8000x128xf32, #tpu.memory_space<hbm>>) target(%dma_start3A_1014 : memref<20x128xf32, #tpu.memory_space<vmem>>) offsets(%dma_start3A_1016 : memref<20xi32, #tpu.memory_space<vmem>>) semaphore(%arg8 : memref<!tpu.dma_semaphore, #tpu.memory_space<semaphore_mem>>)
      %dma_start3A_1020 = arith.constant 0 : i32
      %dma_start3A_1021 = arith.constant 0 : i32
      %dma_start3A_1022 = arith.constant 0 : i32
      %dma_start3A_1023 = arith.constant 384 : i32
      %dma_start3A_1024 = tpu.memref_slice %arg6[%dma_start3A_1020, %dma_start3A_1021, %dma_start3A_1022, %dma_start3A_1023] : memref<2x2x20x1000xf32, #tpu.memory_space<vmem>> -> memref<1x1x20x128xf32, #tpu.memory_space<vmem>>
      %dma_start3A_1025 = tpu.memref_squeeze %dma_start3A_1024 : memref<1x1x20x128xf32, #tpu.memory_space<vmem>> -> memref<20x128xf32, #tpu.memory_space<vmem>>
      %dma_start3A_1026 = arith.constant 144 : i32
      %dma_start3A_1027 = tpu.memref_slice %arg5[%dma_start3A_1026] : memref<752xi32, #tpu.memory_space<vmem>> -> memref<20xi32, #tpu.memory_space<vmem>>
      %dma_start3A_1028 = arith.constant 0 : i32
      %dma_start3A_1029 = arith.constant 0 : i32
      %dma_start3A_1030 = tpu.memref_slice %arg2[%dma_start3A_1028, %dma_start3A_1029] : memref<8000x128xf32, #tpu.memory_space<hbm>> -> memref<8000x128xf32, #tpu.memory_space<hbm>>
      tpu.enqueue_indirect_dma source(%dma_start3A_1030 : memref<8000x128xf32, #tpu.memory_space<hbm>>) target(%dma_start3A_1025 : memref<20x128xf32, #tpu.memory_space<vmem>>) offsets(%dma_start3A_1027 : memref<20xi32, #tpu.memory_space<vmem>>) semaphore(%arg8 : memref<!tpu.dma_semaphore, #tpu.memory_space<semaphore_mem>>)
      %dma_start3A_1031 = arith.constant 0 : i32
      %dma_start3A_1032 = arith.constant 0 : i32
      %dma_start3A_1033 = arith.constant 0 : i32
      %dma_start3A_1034 = arith.constant 512 : i32
      %dma_start3A_1035 = tpu.memref_slice %arg6[%dma_start3A_1031, %dma_start3A_1032, %dma_start3A_1033, %dma_start3A_1034] : memref<2x2x20x1000xf32, #tpu.memory_space<vmem>> -> memref<1x1x20x128xf32, #tpu.memory_space<vmem>>
      %dma_start3A_1036 = tpu.memref_squeeze %dma_start3A_1035 : memref<1x1x20x128xf32, #tpu.memory_space<vmem>> -> memref<20x128xf32, #tpu.memory_space<vmem>>
      %dma_start3A_1037 = arith.constant 192 : i32
      %dma_start3A_1038 = tpu.memref_slice %arg5[%dma_start3A_1037] : memref<752xi32, #tpu.memory_space<vmem>> -> memref<20xi32, #tpu.memory_space<vmem>>
      %dma_start3A_1039 = arith.constant 0 : i32
      %dma_start3A_1040 = arith.constant 0 : i32
      %dma_start3A_1041 = tpu.memref_slice %arg2[%dma_start3A_1039, %dma_start3A_1040] : memref<8000x128xf32, #tpu.memory_space<hbm>> -> memref<8000x128xf32, #tpu.memory_space<hbm>>
      tpu.enqueue_indirect_dma source(%dma_start3A_1041 : memref<8000x128xf32, #tpu.memory_space<hbm>>) target(%dma_start3A_1036 : memref<20x128xf32, #tpu.memory_space<vmem>>) offsets(%dma_start3A_1038 : memref<20xi32, #tpu.memory_space<vmem>>) semaphore(%arg8 : memref<!tpu.dma_semaphore, #tpu.memory_space<semaphore_mem>>)
      %dma_start3A_1042 = arith.constant 0 : i32
      %dma_start3A_1043 = arith.constant 0 : i32
      %dma_start3A_1044 = arith.constant 0 : i32
      %dma_start3A_1045 = arith.constant 640 : i32
      %dma_start3A_1046 = tpu.memref_slice %arg6[%dma_start3A_1042, %dma_start3A_1043, %dma_start3A_1044, %dma_start3A_1045] : memref<2x2x20x1000xf32, #tpu.memory_space<vmem>> -> memref<1x1x20x128xf32, #tpu.memory_space<vmem>>
      %dma_start3A_1047 = tpu.memref_squeeze %dma_start3A_1046 : memref<1x1x20x128xf32, #tpu.memory_space<vmem>> -> memref<20x128xf32, #tpu.memory_space<vmem>>
      %dma_start3A_1048 = arith.constant 240 : i32
      %dma_start3A_1049 = tpu.memref_slice %arg5[%dma_start3A_1048] : memref<752xi32, #tpu.memory_space<vmem>> -> memref<20xi32, #tpu.memory_space<vmem>>
      %dma_start3A_1050 = arith.constant 0 : i32
      %dma_start3A_1051 = arith.constant 0 : i32
      %dma_start3A_1052 = tpu.memref_slice %arg2[%dma_start3A_1050, %dma_start3A_1051] : memref<8000x128xf32, #tpu.memory_space<hbm>> -> memref<8000x128xf32, #tpu.memory_space<hbm>>
      tpu.enqueue_indirect_dma source(%dma_start3A_1052 : memref<8000x128xf32, #tpu.memory_space<hbm>>) target(%dma_start3A_1047 : memref<20x128xf32, #tpu.memory_space<vmem>>) offsets(%dma_start3A_1049 : memref<20xi32, #tpu.memory_space<vmem>>) semaphore(%arg8 : memref<!tpu.dma_semaphore, #tpu.memory_space<semaphore_mem>>)
      %dma_start3A_1053 = arith.constant 0 : i32
      %dma_start3A_1054 = arith.constant 0 : i32
      %dma_start3A_1055 = arith.constant 0 : i32
      %dma_start3A_1056 = arith.constant 768 : i32
      %dma_start3A_1057 = tpu.memref_slice %arg6[%dma_start3A_1053, %dma_start3A_1054, %dma_start3A_1055, %dma_start3A_1056] : memref<2x2x20x1000xf32, #tpu.memory_space<vmem>> -> memref<1x1x20x128xf32, #tpu.memory_space<vmem>>
      %dma_start3A_1058 = tpu.memref_squeeze %dma_start3A_1057 : memref<1x1x20x128xf32, #tpu.memory_space<vmem>> -> memref<20x128xf32, #tpu.memory_space<vmem>>
      %dma_start3A_1059 = arith.constant 288 : i32
      %dma_start3A_1060 = tpu.memref_slice %arg5[%dma_start3A_1059] : memref<752xi32, #tpu.memory_space<vmem>> -> memref<20xi32, #tpu.memory_space<vmem>>
      %dma_start3A_1061 = arith.constant 0 : i32
      %dma_start3A_1062 = arith.constant 0 : i32
      %dma_start3A_1063 = tpu.memref_slice %arg2[%dma_start3A_1061, %dma_start3A_1062] : memref<8000x128xf32, #tpu.memory_space<hbm>> -> memref<8000x128xf32, #tpu.memory_space<hbm>>
      tpu.enqueue_indirect_dma source(%dma_start3A_1063 : memref<8000x128xf32, #tpu.memory_space<hbm>>) target(%dma_start3A_1058 : memref<20x128xf32, #tpu.memory_space<vmem>>) offsets(%dma_start3A_1060 : memref<20xi32, #tpu.memory_space<vmem>>) semaphore(%arg8 : memref<!tpu.dma_semaphore, #tpu.memory_space<semaphore_mem>>)
      %dma_start3A_1064 = arith.constant 0 : i32
      %dma_start3A_1065 = arith.constant 1 : i32
      %dma_start3A_1066 = arith.constant 0 : i32
      %dma_start3A_1067 = arith.constant 0 : i32
      %dma_start3A_1068 = tpu.memref_slice %arg6[%dma_start3A_1064, %dma_start3A_1065, %dma_start3A_1066, %dma_start3A_1067] : memref<2x2x20x1000xf32, #tpu.memory_space<vmem>> -> memref<1x1x20x128xf32, #tpu.memory_space<vmem>>
      %dma_start3A_1069 = tpu.memref_squeeze %dma_start3A_1068 : memref<1x1x20x128xf32, #tpu.memory_space<vmem>> -> memref<20x128xf32, #tpu.memory_space<vmem>>
      %dma_start3A_1070 = arith.constant 24 : i32
      %dma_start3A_1071 = tpu.memref_slice %arg5[%dma_start3A_1070] : memref<752xi32, #tpu.memory_space<vmem>> -> memref<20xi32, #tpu.memory_space<vmem>>
      %dma_start3A_1072 = arith.constant 0 : i32
      %dma_start3A_1073 = arith.constant 0 : i32
      %dma_start3A_1074 = tpu.memref_slice %arg2[%dma_start3A_1072, %dma_start3A_1073] : memref<8000x128xf32, #tpu.memory_space<hbm>> -> memref<8000x128xf32, #tpu.memory_space<hbm>>
      tpu.enqueue_indirect_dma source(%dma_start3A_1074 : memref<8000x128xf32, #tpu.memory_space<hbm>>) target(%dma_start3A_1069 : memref<20x128xf32, #tpu.memory_space<vmem>>) offsets(%dma_start3A_1071 : memref<20xi32, #tpu.memory_space<vmem>>) semaphore(%arg8 : memref<!tpu.dma_semaphore, #tpu.memory_space<semaphore_mem>>)
      %dma_start3A_1075 = arith.constant 0 : i32
      %dma_start3A_1076 = arith.constant 1 : i32
      %dma_start3A_1077 = arith.constant 0 : i32
      %dma_start3A_1078 = arith.constant 128 : i32
      %dma_start3A_1079 = tpu.memref_slice %arg6[%dma_start3A_1075, %dma_start3A_1076, %dma_start3A_1077, %dma_start3A_1078] : memref<2x2x20x1000xf32, #tpu.memory_space<vmem>> -> memref<1x1x20x128xf32, #tpu.memory_space<vmem>>
      %dma_start3A_1080 = tpu.memref_squeeze %dma_start3A_1079 : memref<1x1x20x128xf32, #tpu.memory_space<vmem>> -> memref<20x128xf32, #tpu.memory_space<vmem>>
      %dma_start3A_1081 = arith.constant 72 : i32
      %dma_start3A_1082 = tpu.memref_slice %arg5[%dma_start3A_1081] : memref<752xi32, #tpu.memory_space<vmem>> -> memref<20xi32, #tpu.memory_space<vmem>>
      %dma_start3A_1083 = arith.constant 0 : i32
      %dma_start3A_1084 = arith.constant 0 : i32
      %dma_start3A_1085 = tpu.memref_slice %arg2[%dma_start3A_1083, %dma_start3A_1084] : memref<8000x128xf32, #tpu.memory_space<hbm>> -> memref<8000x128xf32, #tpu.memory_space<hbm>>
      tpu.enqueue_indirect_dma source(%dma_start3A_1085 : memref<8000x128xf32, #tpu.memory_space<hbm>>) target(%dma_start3A_1080 : memref<20x128xf32, #tpu.memory_space<vmem>>) offsets(%dma_start3A_1082 : memref<20xi32, #tpu.memory_space<vmem>>) semaphore(%arg8 : memref<!tpu.dma_semaphore, #tpu.memory_space<semaphore_mem>>)
      %dma_start3A_1086 = arith.constant 0 : i32
      %dma_start3A_1087 = arith.constant 1 : i32
      %dma_start3A_1088 = arith.constant 0 : i32
      %dma_start3A_1089 = arith.constant 256 : i32
      %dma_start3A_1090 = tpu.memref_slice %arg6[%dma_start3A_1086, %dma_start3A_1087, %dma_start3A_1088, %dma_start3A_1089] : memref<2x2x20x1000xf32, #tpu.memory_space<vmem>> -> memref<1x1x20x128xf32, #tpu.memory_space<vmem>>
      %dma_start3A_1091 = tpu.memref_squeeze %dma_start3A_1090 : memref<1x1x20x128xf32, #tpu.memory_space<vmem>> -> memref<20x128xf32, #tpu.memory_space<vmem>>
      %dma_start3A_1092 = arith.constant 120 : i32
      %dma_start3A_1093 = tpu.memref_slice %arg5[%dma_start3A_1092] : memref<752xi32, #tpu.memory_space<vmem>> -> memref<20xi32, #tpu.memory_space<vmem>>
      %dma_start3A_1094 = arith.constant 0 : i32
      %dma_start3A_1095 = arith.constant 0 : i32
      %dma_start3A_1096 = tpu.memref_slice %arg2[%dma_start3A_1094, %dma_start3A_1095] : memref<8000x128xf32, #tpu.memory_space<hbm>> -> memref<8000x128xf32, #tpu.memory_space<hbm>>
      tpu.enqueue_indirect_dma source(%dma_start3A_1096 : memref<8000x128xf32, #tpu.memory_space<hbm>>) target(%dma_start3A_1091 : memref<20x128xf32, #tpu.memory_space<vmem>>) offsets(%dma_start3A_1093 : memref<20xi32, #tpu.memory_space<vmem>>) semaphore(%arg8 : memref<!tpu.dma_semaphore, #tpu.memory_space<semaphore_mem>>)
      %dma_start3A_1097 = arith.constant 0 : i32
      %dma_start3A_1098 = arith.constant 1 : i32
      %dma_start3A_1099 = arith.constant 0 : i32
      %dma_start3A_1100 = arith.constant 384 : i32
      %dma_start3A_1101 = tpu.memref_slice %arg6[%dma_start3A_1097, %dma_start3A_1098, %dma_start3A_1099, %dma_start3A_1100] : memref<2x2x20x1000xf32, #tpu.memory_space<vmem>> -> memref<1x1x20x128xf32, #tpu.memory_space<vmem>>
      %dma_start3A_1102 = tpu.memref_squeeze %dma_start3A_1101 : memref<1x1x20x128xf32, #tpu.memory_space<vmem>> -> memref<20x128xf32, #tpu.memory_space<vmem>>
      %dma_start3A_1103 = arith.constant 168 : i32
      %dma_start3A_1104 = tpu.memref_slice %arg5[%dma_start3A_1103] : memref<752xi32, #tpu.memory_space<vmem>> -> memref<20xi32, #tpu.memory_space<vmem>>
      %dma_start3A_1105 = arith.constant 0 : i32
      %dma_start3A_1106 = arith.constant 0 : i32
      %dma_start3A_1107 = tpu.memref_slice %arg2[%dma_start3A_1105, %dma_start3A_1106] : memref<8000x128xf32, #tpu.memory_space<hbm>> -> memref<8000x128xf32, #tpu.memory_space<hbm>>
      tpu.enqueue_indirect_dma source(%dma_start3A_1107 : memref<8000x128xf32, #tpu.memory_space<hbm>>) target(%dma_start3A_1102 : memref<20x128xf32, #tpu.memory_space<vmem>>) offsets(%dma_start3A_1104 : memref<20xi32, #tpu.memory_space<vmem>>) semaphore(%arg8 : memref<!tpu.dma_semaphore, #tpu.memory_space<semaphore_mem>>)
      %dma_start3A_1108 = arith.constant 0 : i32
      %dma_start3A_1109 = arith.constant 1 : i32
      %dma_start3A_1110 = arith.constant 0 : i32
      %dma_start3A_1111 = arith.constant 512 : i32
      %dma_start3A_1112 = tpu.memref_slice %arg6[%dma_start3A_1108, %dma_start3A_1109, %dma_start3A_1110, %dma_start3A_1111] : memref<2x2x20x1000xf32, #tpu.memory_space<vmem>> -> memref<1x1x20x128xf32, #tpu.memory_space<vmem>>
      %dma_start3A_1113 = tpu.memref_squeeze %dma_start3A_1112 : memref<1x1x20x128xf32, #tpu.memory_space<vmem>> -> memref<20x128xf32, #tpu.memory_space<vmem>>
      %dma_start3A_1114 = arith.constant 216 : i32
      %dma_start3A_1115 = tpu.memref_slice %arg5[%dma_start3A_1114] : memref<752xi32, #tpu.memory_space<vmem>> -> memref<20xi32, #tpu.memory_space<vmem>>
      %dma_start3A_1116 = arith.constant 0 : i32
      %dma_start3A_1117 = arith.constant 0 : i32
      %dma_start3A_1118 = tpu.memref_slice %arg2[%dma_start3A_1116, %dma_start3A_1117] : memref<8000x128xf32, #tpu.memory_space<hbm>> -> memref<8000x128xf32, #tpu.memory_space<hbm>>
      tpu.enqueue_indirect_dma source(%dma_start3A_1118 : memref<8000x128xf32, #tpu.memory_space<hbm>>) target(%dma_start3A_1113 : memref<20x128xf32, #tpu.memory_space<vmem>>) offsets(%dma_start3A_1115 : memref<20xi32, #tpu.memory_space<vmem>>) semaphore(%arg8 : memref<!tpu.dma_semaphore, #tpu.memory_space<semaphore_mem>>)
      %dma_start3A_1119 = arith.constant 0 : i32
      %dma_start3A_1120 = arith.constant 1 : i32
      %dma_start3A_1121 = arith.constant 0 : i32
      %dma_start3A_1122 = arith.constant 640 : i32
      %dma_start3A_1123 = tpu.memref_slice %arg6[%dma_start3A_1119, %dma_start3A_1120, %dma_start3A_1121, %dma_start3A_1122] : memref<2x2x20x1000xf32, #tpu.memory_space<vmem>> -> memref<1x1x20x128xf32, #tpu.memory_space<vmem>>
      %dma_start3A_1124 = tpu.memref_squeeze %dma_start3A_1123 : memref<1x1x20x128xf32, #tpu.memory_space<vmem>> -> memref<20x128xf32, #tpu.memory_space<vmem>>
      %dma_start3A_1125 = arith.constant 264 : i32
      %dma_start3A_1126 = tpu.memref_slice %arg5[%dma_start3A_1125] : memref<752xi32, #tpu.memory_space<vmem>> -> memref<20xi32, #tpu.memory_space<vmem>>
      %dma_start3A_1127 = arith.constant 0 : i32
      %dma_start3A_1128 = arith.constant 0 : i32
      %dma_start3A_1129 = tpu.memref_slice %arg2[%dma_start3A_1127, %dma_start3A_1128] : memref<8000x128xf32, #tpu.memory_space<hbm>> -> memref<8000x128xf32, #tpu.memory_space<hbm>>
      tpu.enqueue_indirect_dma source(%dma_start3A_1129 : memref<8000x128xf32, #tpu.memory_space<hbm>>) target(%dma_start3A_1124 : memref<20x128xf32, #tpu.memory_space<vmem>>) offsets(%dma_start3A_1126 : memref<20xi32, #tpu.memory_space<vmem>>) semaphore(%arg8 : memref<!tpu.dma_semaphore, #tpu.memory_space<semaphore_mem>>)
      %dma_start3A_1130 = arith.constant 0 : i32
      %dma_start3A_1131 = arith.constant 1 : i32
      %dma_start3A_1132 = arith.constant 0 : i32
      %dma_start3A_1133 = arith.constant 768 : i32
      %dma_start3A_1134 = tpu.memref_slice %arg6[%dma_start3A_1130, %dma_start3A_1131, %dma_start3A_1132, %dma_start3A_1133] : memref<2x2x20x1000xf32, #tpu.memory_space<vmem>> -> memref<1x1x20x128xf32, #tpu.memory_space<vmem>>
      %dma_start3A_1135 = tpu.memref_squeeze %dma_start3A_1134 : memref<1x1x20x128xf32, #tpu.memory_space<vmem>> -> memref<20x128xf32, #tpu.memory_space<vmem>>
      %dma_start3A_1136 = arith.constant 312 : i32
      %dma_start3A_1137 = tpu.memref_slice %arg5[%dma_start3A_1136] : memref<752xi32, #tpu.memory_space<vmem>> -> memref<20xi32, #tpu.memory_space<vmem>>
      %dma_start3A_1138 = arith.constant 0 : i32
      %dma_start3A_1139 = arith.constant 0 : i32
      %dma_start3A_1140 = tpu.memref_slice %arg2[%dma_start3A_1138, %dma_start3A_1139] : memref<8000x128xf32, #tpu.memory_space<hbm>> -> memref<8000x128xf32, #tpu.memory_space<hbm>>
      tpu.enqueue_indirect_dma source(%dma_start3A_1140 : memref<8000x128xf32, #tpu.memory_space<hbm>>) target(%dma_start3A_1135 : memref<20x128xf32, #tpu.memory_space<vmem>>) offsets(%dma_start3A_1137 : memref<20xi32, #tpu.memory_space<vmem>>) semaphore(%arg8 : memref<!tpu.dma_semaphore, #tpu.memory_space<semaphore_mem>>)
      %dma_start3A_1141 = arith.constant 0 : i32
      %dma_start3A_1142 = arith.constant 0 : i32
      %dma_start3A_1143 = arith.constant 0 : i32
      %dma_start3A_1144 = tpu.memref_slice %arg7[%dma_start3A_1141, %dma_start3A_1142, %dma_start3A_1143] : memref<2x40x128xf32, #tpu.memory_space<vmem>> -> memref<1x40x128xf32, #tpu.memory_space<vmem>>
      %dma_start3A_1145 = tpu.memref_squeeze %dma_start3A_1144 : memref<1x40x128xf32, #tpu.memory_space<vmem>> -> memref<40x128xf32, #tpu.memory_space<vmem>>
      %dma_start3A_1146 = arith.constant 336 : i32
      %dma_start3A_1147 = tpu.memref_slice %arg5[%dma_start3A_1146] : memref<752xi32, #tpu.memory_space<vmem>> -> memref<40xi32, #tpu.memory_space<vmem>>
      %dma_start3A_1148 = arith.constant 0 : i32
      %dma_start3A_1149 = arith.constant 0 : i32
      %dma_start3A_1150 = tpu.memref_slice %arg2[%dma_start3A_1148, %dma_start3A_1149] : memref<8000x128xf32, #tpu.memory_space<hbm>> -> memref<8000x128xf32, #tpu.memory_space<hbm>>
      tpu.enqueue_indirect_dma source(%dma_start3A_1150 : memref<8000x128xf32, #tpu.memory_space<hbm>>) target(%dma_start3A_1145 : memref<40x128xf32, #tpu.memory_space<vmem>>) offsets(%dma_start3A_1147 : memref<40xi32, #tpu.memory_space<vmem>>) semaphore(%arg8 : memref<!tpu.dma_semaphore, #tpu.memory_space<semaphore_mem>>)
      %mul3A_1151 = arith.constant 128 : i32
      %mul3A_1152 = arith.muli %add3A, %mul3A_1151 : i32
      %mul3A_1153 = arith.constant 2 : i32
      %mul3A_1154 = arith.muli %add3A_768, %mul3A_1153 : i32
      %add3A_1155 = arith.addi %mul3A_1152, %mul3A_1154 : i32
      %dma_start3A_1156 = arith.constant 1 : i32
      %dma_start3A_1157 = arith.constant 0 : i32
      %dma_start3A_1158 = arith.constant 0 : i32
      %dma_start3A_1159 = arith.constant 0 : i32
      %dma_start3A_1160 = tpu.memref_slice %arg6[%dma_start3A_1156, %dma_start3A_1157, %dma_start3A_1158, %dma_start3A_1159] : memref<2x2x20x1000xf32, #tpu.memory_space<vmem>> -> memref<1x2x20x1000xf32, #tpu.memory_space<vmem>>
      %dma_start3A_1161 = tpu.memref_squeeze %dma_start3A_1160 : memref<1x2x20x1000xf32, #tpu.memory_space<vmem>> -> memref<2x20x1000xf32, #tpu.memory_space<vmem>>
      %dma_start3A_1162 = arith.constant 0 : i32
      %dma_start3A_1163 = arith.constant 0 : i32
      %dma_start3A_1164 = tpu.memref_slice %arg4[%add3A_1155, %dma_start3A_1162, %dma_start3A_1163] : memref<4096x20x1000xf32, #tpu.memory_space<hbm>> -> memref<2x20x1000xf32, #tpu.memory_space<hbm>>
      %dma_start3A_1165 = arith.constant 0 : i32
      %dma_start3A_1166 = arith.constant 0 : i32
      %dma_start3A_1167 = tpu.memref_slice %arg4[%add3A_1155, %dma_start3A_1165, %dma_start3A_1166] : memref<4096x20x1000xf32, #tpu.memory_space<hbm>> -> memref<2x20x1000xf32, #tpu.memory_space<hbm>>
      %dma_start3A_1168 = arith.constant 0 : i32
      %dma_start3A_1169 = arith.constant 0 : i32
      %dma_start3A_1170 = arith.constant 0 : i32
      %dma_start3A_1171 = tpu.memref_slice %arg6[%dma_start3A_1156, %dma_start3A_1168, %dma_start3A_1169, %dma_start3A_1170] : memref<2x2x20x1000xf32, #tpu.memory_space<vmem>> -> memref<1x2x20x1000xf32, #tpu.memory_space<vmem>>
      %dma_start3A_1172 = tpu.memref_squeeze %dma_start3A_1171 : memref<1x2x20x1000xf32, #tpu.memory_space<vmem>> -> memref<2x20x1000xf32, #tpu.memory_space<vmem>>
      tpu.enqueue_dma source(%dma_start3A_1172 : memref<2x20x1000xf32, #tpu.memory_space<vmem>>) target(%dma_start3A_1167 : memref<2x20x1000xf32, #tpu.memory_space<hbm>>) target_semaphore(%arg11 : memref<!tpu.dma_semaphore, #tpu.memory_space<semaphore_mem>>)
      %dma_wait3A_1173 = arith.constant 0 : i32
      %dma_wait3A_1174 = arith.constant 0 : i32
      %dma_wait3A_1175 = arith.constant 0 : i32
      %dma_wait3A_1176 = arith.constant 0 : i32
      %dma_wait3A_1177 = tpu.memref_slice %arg6[%dma_wait3A_1173, %dma_wait3A_1174, %dma_wait3A_1175, %dma_wait3A_1176] : memref<2x2x20x1000xf32, #tpu.memory_space<vmem>> -> memref<1x1x20x128xf32, #tpu.memory_space<vmem>>
      %dma_wait3A_1178 = tpu.memref_squeeze %dma_wait3A_1177 : memref<1x1x20x128xf32, #tpu.memory_space<vmem>> -> memref<20x128xf32, #tpu.memory_space<vmem>>
      %dma_wait3A_1179 = arith.constant 0 : i32
      %dma_wait3A_1180 = tpu.memref_slice %arg5[%dma_wait3A_1179] : memref<752xi32, #tpu.memory_space<vmem>> -> memref<20xi32, #tpu.memory_space<vmem>>
      %dma_wait3A_1181 = arith.constant 0 : i32
      %dma_wait3A_1182 = arith.constant 0 : i32
      %dma_wait3A_1183 = tpu.memref_slice %arg2[%dma_wait3A_1181, %dma_wait3A_1182] : memref<8000x128xf32, #tpu.memory_space<hbm>> -> memref<8000x128xf32, #tpu.memory_space<hbm>>
      tpu.wait_indirect_dma semaphore(%arg8 : memref<!tpu.dma_semaphore, #tpu.memory_space<semaphore_mem>>) src(%dma_wait3A_1183 : memref<8000x128xf32, #tpu.memory_space<hbm>>) dst(%dma_wait3A_1178 : memref<20x128xf32, #tpu.memory_space<vmem>>)
      %dma_wait3A_1184 = arith.constant 0 : i32
      %dma_wait3A_1185 = arith.constant 0 : i32
      %dma_wait3A_1186 = arith.constant 0 : i32
      %dma_wait3A_1187 = arith.constant 128 : i32
      %dma_wait3A_1188 = tpu.memref_slice %arg6[%dma_wait3A_1184, %dma_wait3A_1185, %dma_wait3A_1186, %dma_wait3A_1187] : memref<2x2x20x1000xf32, #tpu.memory_space<vmem>> -> memref<1x1x20x128xf32, #tpu.memory_space<vmem>>
      %dma_wait3A_1189 = tpu.memref_squeeze %dma_wait3A_1188 : memref<1x1x20x128xf32, #tpu.memory_space<vmem>> -> memref<20x128xf32, #tpu.memory_space<vmem>>
      %dma_wait3A_1190 = arith.constant 48 : i32
      %dma_wait3A_1191 = tpu.memref_slice %arg5[%dma_wait3A_1190] : memref<752xi32, #tpu.memory_space<vmem>> -> memref<20xi32, #tpu.memory_space<vmem>>
      %dma_wait3A_1192 = arith.constant 0 : i32
      %dma_wait3A_1193 = arith.constant 0 : i32
      %dma_wait3A_1194 = tpu.memref_slice %arg2[%dma_wait3A_1192, %dma_wait3A_1193] : memref<8000x128xf32, #tpu.memory_space<hbm>> -> memref<8000x128xf32, #tpu.memory_space<hbm>>
      tpu.wait_indirect_dma semaphore(%arg8 : memref<!tpu.dma_semaphore, #tpu.memory_space<semaphore_mem>>) src(%dma_wait3A_1194 : memref<8000x128xf32, #tpu.memory_space<hbm>>) dst(%dma_wait3A_1189 : memref<20x128xf32, #tpu.memory_space<vmem>>)
      %dma_wait3A_1195 = arith.constant 0 : i32
      %dma_wait3A_1196 = arith.constant 0 : i32
      %dma_wait3A_1197 = arith.constant 0 : i32
      %dma_wait3A_1198 = arith.constant 256 : i32
      %dma_wait3A_1199 = tpu.memref_slice %arg6[%dma_wait3A_1195, %dma_wait3A_1196, %dma_wait3A_1197, %dma_wait3A_1198] : memref<2x2x20x1000xf32, #tpu.memory_space<vmem>> -> memref<1x1x20x128xf32, #tpu.memory_space<vmem>>
      %dma_wait3A_1200 = tpu.memref_squeeze %dma_wait3A_1199 : memref<1x1x20x128xf32, #tpu.memory_space<vmem>> -> memref<20x128xf32, #tpu.memory_space<vmem>>
      %dma_wait3A_1201 = arith.constant 96 : i32
      %dma_wait3A_1202 = tpu.memref_slice %arg5[%dma_wait3A_1201] : memref<752xi32, #tpu.memory_space<vmem>> -> memref<20xi32, #tpu.memory_space<vmem>>
      %dma_wait3A_1203 = arith.constant 0 : i32
      %dma_wait3A_1204 = arith.constant 0 : i32
      %dma_wait3A_1205 = tpu.memref_slice %arg2[%dma_wait3A_1203, %dma_wait3A_1204] : memref<8000x128xf32, #tpu.memory_space<hbm>> -> memref<8000x128xf32, #tpu.memory_space<hbm>>
      tpu.wait_indirect_dma semaphore(%arg8 : memref<!tpu.dma_semaphore, #tpu.memory_space<semaphore_mem>>) src(%dma_wait3A_1205 : memref<8000x128xf32, #tpu.memory_space<hbm>>) dst(%dma_wait3A_1200 : memref<20x128xf32, #tpu.memory_space<vmem>>)
      %dma_wait3A_1206 = arith.constant 0 : i32
      %dma_wait3A_1207 = arith.constant 0 : i32
      %dma_wait3A_1208 = arith.constant 0 : i32
      %dma_wait3A_1209 = arith.constant 384 : i32
      %dma_wait3A_1210 = tpu.memref_slice %arg6[%dma_wait3A_1206, %dma_wait3A_1207, %dma_wait3A_1208, %dma_wait3A_1209] : memref<2x2x20x1000xf32, #tpu.memory_space<vmem>> -> memref<1x1x20x128xf32, #tpu.memory_space<vmem>>
      %dma_wait3A_1211 = tpu.memref_squeeze %dma_wait3A_1210 : memref<1x1x20x128xf32, #tpu.memory_space<vmem>> -> memref<20x128xf32, #tpu.memory_space<vmem>>
      %dma_wait3A_1212 = arith.constant 144 : i32
      %dma_wait3A_1213 = tpu.memref_slice %arg5[%dma_wait3A_1212] : memref<752xi32, #tpu.memory_space<vmem>> -> memref<20xi32, #tpu.memory_space<vmem>>
      %dma_wait3A_1214 = arith.constant 0 : i32
      %dma_wait3A_1215 = arith.constant 0 : i32
      %dma_wait3A_1216 = tpu.memref_slice %arg2[%dma_wait3A_1214, %dma_wait3A_1215] : memref<8000x128xf32, #tpu.memory_space<hbm>> -> memref<8000x128xf32, #tpu.memory_space<hbm>>
      tpu.wait_indirect_dma semaphore(%arg8 : memref<!tpu.dma_semaphore, #tpu.memory_space<semaphore_mem>>) src(%dma_wait3A_1216 : memref<8000x128xf32, #tpu.memory_space<hbm>>) dst(%dma_wait3A_1211 : memref<20x128xf32, #tpu.memory_space<vmem>>)
      %dma_wait3A_1217 = arith.constant 0 : i32
      %dma_wait3A_1218 = arith.constant 0 : i32
      %dma_wait3A_1219 = arith.constant 0 : i32
      %dma_wait3A_1220 = arith.constant 512 : i32
      %dma_wait3A_1221 = tpu.memref_slice %arg6[%dma_wait3A_1217, %dma_wait3A_1218, %dma_wait3A_1219, %dma_wait3A_1220] : memref<2x2x20x1000xf32, #tpu.memory_space<vmem>> -> memref<1x1x20x128xf32, #tpu.memory_space<vmem>>
      %dma_wait3A_1222 = tpu.memref_squeeze %dma_wait3A_1221 : memref<1x1x20x128xf32, #tpu.memory_space<vmem>> -> memref<20x128xf32, #tpu.memory_space<vmem>>
      %dma_wait3A_1223 = arith.constant 192 : i32
      %dma_wait3A_1224 = tpu.memref_slice %arg5[%dma_wait3A_1223] : memref<752xi32, #tpu.memory_space<vmem>> -> memref<20xi32, #tpu.memory_space<vmem>>
      %dma_wait3A_1225 = arith.constant 0 : i32
      %dma_wait3A_1226 = arith.constant 0 : i32
      %dma_wait3A_1227 = tpu.memref_slice %arg2[%dma_wait3A_1225, %dma_wait3A_1226] : memref<8000x128xf32, #tpu.memory_space<hbm>> -> memref<8000x128xf32, #tpu.memory_space<hbm>>
      tpu.wait_indirect_dma semaphore(%arg8 : memref<!tpu.dma_semaphore, #tpu.memory_space<semaphore_mem>>) src(%dma_wait3A_1227 : memref<8000x128xf32, #tpu.memory_space<hbm>>) dst(%dma_wait3A_1222 : memref<20x128xf32, #tpu.memory_space<vmem>>)
      %dma_wait3A_1228 = arith.constant 0 : i32
      %dma_wait3A_1229 = arith.constant 0 : i32
      %dma_wait3A_1230 = arith.constant 0 : i32
      %dma_wait3A_1231 = arith.constant 640 : i32
      %dma_wait3A_1232 = tpu.memref_slice %arg6[%dma_wait3A_1228, %dma_wait3A_1229, %dma_wait3A_1230, %dma_wait3A_1231] : memref<2x2x20x1000xf32, #tpu.memory_space<vmem>> -> memref<1x1x20x128xf32, #tpu.memory_space<vmem>>
      %dma_wait3A_1233 = tpu.memref_squeeze %dma_wait3A_1232 : memref<1x1x20x128xf32, #tpu.memory_space<vmem>> -> memref<20x128xf32, #tpu.memory_space<vmem>>
      %dma_wait3A_1234 = arith.constant 240 : i32
      %dma_wait3A_1235 = tpu.memref_slice %arg5[%dma_wait3A_1234] : memref<752xi32, #tpu.memory_space<vmem>> -> memref<20xi32, #tpu.memory_space<vmem>>
      %dma_wait3A_1236 = arith.constant 0 : i32
      %dma_wait3A_1237 = arith.constant 0 : i32
      %dma_wait3A_1238 = tpu.memref_slice %arg2[%dma_wait3A_1236, %dma_wait3A_1237] : memref<8000x128xf32, #tpu.memory_space<hbm>> -> memref<8000x128xf32, #tpu.memory_space<hbm>>
      tpu.wait_indirect_dma semaphore(%arg8 : memref<!tpu.dma_semaphore, #tpu.memory_space<semaphore_mem>>) src(%dma_wait3A_1238 : memref<8000x128xf32, #tpu.memory_space<hbm>>) dst(%dma_wait3A_1233 : memref<20x128xf32, #tpu.memory_space<vmem>>)
      %dma_wait3A_1239 = arith.constant 0 : i32
      %dma_wait3A_1240 = arith.constant 0 : i32
      %dma_wait3A_1241 = arith.constant 0 : i32
      %dma_wait3A_1242 = arith.constant 768 : i32
      %dma_wait3A_1243 = tpu.memref_slice %arg6[%dma_wait3A_1239, %dma_wait3A_1240, %dma_wait3A_1241, %dma_wait3A_1242] : memref<2x2x20x1000xf32, #tpu.memory_space<vmem>> -> memref<1x1x20x128xf32, #tpu.memory_space<vmem>>
      %dma_wait3A_1244 = tpu.memref_squeeze %dma_wait3A_1243 : memref<1x1x20x128xf32, #tpu.memory_space<vmem>> -> memref<20x128xf32, #tpu.memory_space<vmem>>
      %dma_wait3A_1245 = arith.constant 288 : i32
      %dma_wait3A_1246 = tpu.memref_slice %arg5[%dma_wait3A_1245] : memref<752xi32, #tpu.memory_space<vmem>> -> memref<20xi32, #tpu.memory_space<vmem>>
      %dma_wait3A_1247 = arith.constant 0 : i32
      %dma_wait3A_1248 = arith.constant 0 : i32
      %dma_wait3A_1249 = tpu.memref_slice %arg2[%dma_wait3A_1247, %dma_wait3A_1248] : memref<8000x128xf32, #tpu.memory_space<hbm>> -> memref<8000x128xf32, #tpu.memory_space<hbm>>
      tpu.wait_indirect_dma semaphore(%arg8 : memref<!tpu.dma_semaphore, #tpu.memory_space<semaphore_mem>>) src(%dma_wait3A_1249 : memref<8000x128xf32, #tpu.memory_space<hbm>>) dst(%dma_wait3A_1244 : memref<20x128xf32, #tpu.memory_space<vmem>>)
      %dma_wait3A_1250 = arith.constant 0 : i32
      %dma_wait3A_1251 = arith.constant 1 : i32
      %dma_wait3A_1252 = arith.constant 0 : i32
      %dma_wait3A_1253 = arith.constant 0 : i32
      %dma_wait3A_1254 = tpu.memref_slice %arg6[%dma_wait3A_1250, %dma_wait3A_1251, %dma_wait3A_1252, %dma_wait3A_1253] : memref<2x2x20x1000xf32, #tpu.memory_space<vmem>> -> memref<1x1x20x128xf32, #tpu.memory_space<vmem>>
      %dma_wait3A_1255 = tpu.memref_squeeze %dma_wait3A_1254 : memref<1x1x20x128xf32, #tpu.memory_space<vmem>> -> memref<20x128xf32, #tpu.memory_space<vmem>>
      %dma_wait3A_1256 = arith.constant 24 : i32
      %dma_wait3A_1257 = tpu.memref_slice %arg5[%dma_wait3A_1256] : memref<752xi32, #tpu.memory_space<vmem>> -> memref<20xi32, #tpu.memory_space<vmem>>
      %dma_wait3A_1258 = arith.constant 0 : i32
      %dma_wait3A_1259 = arith.constant 0 : i32
      %dma_wait3A_1260 = tpu.memref_slice %arg2[%dma_wait3A_1258, %dma_wait3A_1259] : memref<8000x128xf32, #tpu.memory_space<hbm>> -> memref<8000x128xf32, #tpu.memory_space<hbm>>
      tpu.wait_indirect_dma semaphore(%arg8 : memref<!tpu.dma_semaphore, #tpu.memory_space<semaphore_mem>>) src(%dma_wait3A_1260 : memref<8000x128xf32, #tpu.memory_space<hbm>>) dst(%dma_wait3A_1255 : memref<20x128xf32, #tpu.memory_space<vmem>>)
      %dma_wait3A_1261 = arith.constant 0 : i32
      %dma_wait3A_1262 = arith.constant 1 : i32
      %dma_wait3A_1263 = arith.constant 0 : i32
      %dma_wait3A_1264 = arith.constant 128 : i32
      %dma_wait3A_1265 = tpu.memref_slice %arg6[%dma_wait3A_1261, %dma_wait3A_1262, %dma_wait3A_1263, %dma_wait3A_1264] : memref<2x2x20x1000xf32, #tpu.memory_space<vmem>> -> memref<1x1x20x128xf32, #tpu.memory_space<vmem>>
      %dma_wait3A_1266 = tpu.memref_squeeze %dma_wait3A_1265 : memref<1x1x20x128xf32, #tpu.memory_space<vmem>> -> memref<20x128xf32, #tpu.memory_space<vmem>>
      %dma_wait3A_1267 = arith.constant 72 : i32
      %dma_wait3A_1268 = tpu.memref_slice %arg5[%dma_wait3A_1267] : memref<752xi32, #tpu.memory_space<vmem>> -> memref<20xi32, #tpu.memory_space<vmem>>
      %dma_wait3A_1269 = arith.constant 0 : i32
      %dma_wait3A_1270 = arith.constant 0 : i32
      %dma_wait3A_1271 = tpu.memref_slice %arg2[%dma_wait3A_1269, %dma_wait3A_1270] : memref<8000x128xf32, #tpu.memory_space<hbm>> -> memref<8000x128xf32, #tpu.memory_space<hbm>>
      tpu.wait_indirect_dma semaphore(%arg8 : memref<!tpu.dma_semaphore, #tpu.memory_space<semaphore_mem>>) src(%dma_wait3A_1271 : memref<8000x128xf32, #tpu.memory_space<hbm>>) dst(%dma_wait3A_1266 : memref<20x128xf32, #tpu.memory_space<vmem>>)
      %dma_wait3A_1272 = arith.constant 0 : i32
      %dma_wait3A_1273 = arith.constant 1 : i32
      %dma_wait3A_1274 = arith.constant 0 : i32
      %dma_wait3A_1275 = arith.constant 256 : i32
      %dma_wait3A_1276 = tpu.memref_slice %arg6[%dma_wait3A_1272, %dma_wait3A_1273, %dma_wait3A_1274, %dma_wait3A_1275] : memref<2x2x20x1000xf32, #tpu.memory_space<vmem>> -> memref<1x1x20x128xf32, #tpu.memory_space<vmem>>
      %dma_wait3A_1277 = tpu.memref_squeeze %dma_wait3A_1276 : memref<1x1x20x128xf32, #tpu.memory_space<vmem>> -> memref<20x128xf32, #tpu.memory_space<vmem>>
      %dma_wait3A_1278 = arith.constant 120 : i32
      %dma_wait3A_1279 = tpu.memref_slice %arg5[%dma_wait3A_1278] : memref<752xi32, #tpu.memory_space<vmem>> -> memref<20xi32, #tpu.memory_space<vmem>>
      %dma_wait3A_1280 = arith.constant 0 : i32
      %dma_wait3A_1281 = arith.constant 0 : i32
      %dma_wait3A_1282 = tpu.memref_slice %arg2[%dma_wait3A_1280, %dma_wait3A_1281] : memref<8000x128xf32, #tpu.memory_space<hbm>> -> memref<8000x128xf32, #tpu.memory_space<hbm>>
      tpu.wait_indirect_dma semaphore(%arg8 : memref<!tpu.dma_semaphore, #tpu.memory_space<semaphore_mem>>) src(%dma_wait3A_1282 : memref<8000x128xf32, #tpu.memory_space<hbm>>) dst(%dma_wait3A_1277 : memref<20x128xf32, #tpu.memory_space<vmem>>)
      %dma_wait3A_1283 = arith.constant 0 : i32
      %dma_wait3A_1284 = arith.constant 1 : i32
      %dma_wait3A_1285 = arith.constant 0 : i32
      %dma_wait3A_1286 = arith.constant 384 : i32
      %dma_wait3A_1287 = tpu.memref_slice %arg6[%dma_wait3A_1283, %dma_wait3A_1284, %dma_wait3A_1285, %dma_wait3A_1286] : memref<2x2x20x1000xf32, #tpu.memory_space<vmem>> -> memref<1x1x20x128xf32, #tpu.memory_space<vmem>>
      %dma_wait3A_1288 = tpu.memref_squeeze %dma_wait3A_1287 : memref<1x1x20x128xf32, #tpu.memory_space<vmem>> -> memref<20x128xf32, #tpu.memory_space<vmem>>
      %dma_wait3A_1289 = arith.constant 168 : i32
      %dma_wait3A_1290 = tpu.memref_slice %arg5[%dma_wait3A_1289] : memref<752xi32, #tpu.memory_space<vmem>> -> memref<20xi32, #tpu.memory_space<vmem>>
      %dma_wait3A_1291 = arith.constant 0 : i32
      %dma_wait3A_1292 = arith.constant 0 : i32
      %dma_wait3A_1293 = tpu.memref_slice %arg2[%dma_wait3A_1291, %dma_wait3A_1292] : memref<8000x128xf32, #tpu.memory_space<hbm>> -> memref<8000x128xf32, #tpu.memory_space<hbm>>
      tpu.wait_indirect_dma semaphore(%arg8 : memref<!tpu.dma_semaphore, #tpu.memory_space<semaphore_mem>>) src(%dma_wait3A_1293 : memref<8000x128xf32, #tpu.memory_space<hbm>>) dst(%dma_wait3A_1288 : memref<20x128xf32, #tpu.memory_space<vmem>>)
      %dma_wait3A_1294 = arith.constant 0 : i32
      %dma_wait3A_1295 = arith.constant 1 : i32
      %dma_wait3A_1296 = arith.constant 0 : i32
      %dma_wait3A_1297 = arith.constant 512 : i32
      %dma_wait3A_1298 = tpu.memref_slice %arg6[%dma_wait3A_1294, %dma_wait3A_1295, %dma_wait3A_1296, %dma_wait3A_1297] : memref<2x2x20x1000xf32, #tpu.memory_space<vmem>> -> memref<1x1x20x128xf32, #tpu.memory_space<vmem>>
      %dma_wait3A_1299 = tpu.memref_squeeze %dma_wait3A_1298 : memref<1x1x20x128xf32, #tpu.memory_space<vmem>> -> memref<20x128xf32, #tpu.memory_space<vmem>>
      %dma_wait3A_1300 = arith.constant 216 : i32
      %dma_wait3A_1301 = tpu.memref_slice %arg5[%dma_wait3A_1300] : memref<752xi32, #tpu.memory_space<vmem>> -> memref<20xi32, #tpu.memory_space<vmem>>
      %dma_wait3A_1302 = arith.constant 0 : i32
      %dma_wait3A_1303 = arith.constant 0 : i32
      %dma_wait3A_1304 = tpu.memref_slice %arg2[%dma_wait3A_1302, %dma_wait3A_1303] : memref<8000x128xf32, #tpu.memory_space<hbm>> -> memref<8000x128xf32, #tpu.memory_space<hbm>>
      tpu.wait_indirect_dma semaphore(%arg8 : memref<!tpu.dma_semaphore, #tpu.memory_space<semaphore_mem>>) src(%dma_wait3A_1304 : memref<8000x128xf32, #tpu.memory_space<hbm>>) dst(%dma_wait3A_1299 : memref<20x128xf32, #tpu.memory_space<vmem>>)
      %dma_wait3A_1305 = arith.constant 0 : i32
      %dma_wait3A_1306 = arith.constant 1 : i32
      %dma_wait3A_1307 = arith.constant 0 : i32
      %dma_wait3A_1308 = arith.constant 640 : i32
      %dma_wait3A_1309 = tpu.memref_slice %arg6[%dma_wait3A_1305, %dma_wait3A_1306, %dma_wait3A_1307, %dma_wait3A_1308] : memref<2x2x20x1000xf32, #tpu.memory_space<vmem>> -> memref<1x1x20x128xf32, #tpu.memory_space<vmem>>
      %dma_wait3A_1310 = tpu.memref_squeeze %dma_wait3A_1309 : memref<1x1x20x128xf32, #tpu.memory_space<vmem>> -> memref<20x128xf32, #tpu.memory_space<vmem>>
      %dma_wait3A_1311 = arith.constant 264 : i32
      %dma_wait3A_1312 = tpu.memref_slice %arg5[%dma_wait3A_1311] : memref<752xi32, #tpu.memory_space<vmem>> -> memref<20xi32, #tpu.memory_space<vmem>>
      %dma_wait3A_1313 = arith.constant 0 : i32
      %dma_wait3A_1314 = arith.constant 0 : i32
      %dma_wait3A_1315 = tpu.memref_slice %arg2[%dma_wait3A_1313, %dma_wait3A_1314] : memref<8000x128xf32, #tpu.memory_space<hbm>> -> memref<8000x128xf32, #tpu.memory_space<hbm>>
      tpu.wait_indirect_dma semaphore(%arg8 : memref<!tpu.dma_semaphore, #tpu.memory_space<semaphore_mem>>) src(%dma_wait3A_1315 : memref<8000x128xf32, #tpu.memory_space<hbm>>) dst(%dma_wait3A_1310 : memref<20x128xf32, #tpu.memory_space<vmem>>)
      %dma_wait3A_1316 = arith.constant 0 : i32
      %dma_wait3A_1317 = arith.constant 1 : i32
      %dma_wait3A_1318 = arith.constant 0 : i32
      %dma_wait3A_1319 = arith.constant 768 : i32
      %dma_wait3A_1320 = tpu.memref_slice %arg6[%dma_wait3A_1316, %dma_wait3A_1317, %dma_wait3A_1318, %dma_wait3A_1319] : memref<2x2x20x1000xf32, #tpu.memory_space<vmem>> -> memref<1x1x20x128xf32, #tpu.memory_space<vmem>>
      %dma_wait3A_1321 = tpu.memref_squeeze %dma_wait3A_1320 : memref<1x1x20x128xf32, #tpu.memory_space<vmem>> -> memref<20x128xf32, #tpu.memory_space<vmem>>
      %dma_wait3A_1322 = arith.constant 312 : i32
      %dma_wait3A_1323 = tpu.memref_slice %arg5[%dma_wait3A_1322] : memref<752xi32, #tpu.memory_space<vmem>> -> memref<20xi32, #tpu.memory_space<vmem>>
      %dma_wait3A_1324 = arith.constant 0 : i32
      %dma_wait3A_1325 = arith.constant 0 : i32
      %dma_wait3A_1326 = tpu.memref_slice %arg2[%dma_wait3A_1324, %dma_wait3A_1325] : memref<8000x128xf32, #tpu.memory_space<hbm>> -> memref<8000x128xf32, #tpu.memory_space<hbm>>
      tpu.wait_indirect_dma semaphore(%arg8 : memref<!tpu.dma_semaphore, #tpu.memory_space<semaphore_mem>>) src(%dma_wait3A_1326 : memref<8000x128xf32, #tpu.memory_space<hbm>>) dst(%dma_wait3A_1321 : memref<20x128xf32, #tpu.memory_space<vmem>>)
      %dma_wait3A_1327 = arith.constant 0 : i32
      %dma_wait3A_1328 = arith.constant 0 : i32
      %dma_wait3A_1329 = arith.constant 0 : i32
      %dma_wait3A_1330 = tpu.memref_slice %arg7[%dma_wait3A_1327, %dma_wait3A_1328, %dma_wait3A_1329] : memref<2x40x128xf32, #tpu.memory_space<vmem>> -> memref<1x40x128xf32, #tpu.memory_space<vmem>>
      %dma_wait3A_1331 = tpu.memref_squeeze %dma_wait3A_1330 : memref<1x40x128xf32, #tpu.memory_space<vmem>> -> memref<40x128xf32, #tpu.memory_space<vmem>>
      %dma_wait3A_1332 = arith.constant 0 : i32
      %dma_wait3A_1333 = tpu.memref_slice %arg5[%dma_wait3A_1332] : memref<752xi32, #tpu.memory_space<vmem>> -> memref<40xi32, #tpu.memory_space<vmem>>
      %dma_wait3A_1334 = arith.constant 0 : i32
      %dma_wait3A_1335 = arith.constant 0 : i32
      %dma_wait3A_1336 = tpu.memref_slice %arg2[%dma_wait3A_1334, %dma_wait3A_1335] : memref<8000x128xf32, #tpu.memory_space<hbm>> -> memref<8000x128xf32, #tpu.memory_space<hbm>>
      tpu.wait_indirect_dma semaphore(%arg8 : memref<!tpu.dma_semaphore, #tpu.memory_space<semaphore_mem>>) src(%dma_wait3A_1336 : memref<8000x128xf32, #tpu.memory_space<hbm>>) dst(%dma_wait3A_1331 : memref<40x128xf32, #tpu.memory_space<vmem>>)
      %scan3A_1337 = arith.constant 0 : i32
      %scan3A_1338 = arith.constant 0 : i32
      %scan3A_1339 = arith.constant 20 : i32
      %scan3A_1340 = arith.addi %scan3A_1338, %scan3A_1339 : i32
      %scan3A_1341 = arith.constant 1 : i32
      %scan3A_1342 = scf.for %scan3A_1557 = %scan3A_1338 to %scan3A_1340 step %scan3A_1341 iter_args(%scan3A_1558 = %scan3A_1337) -> (i32)  : i32 {
        %add3A_1559 = arith.constant 0 : i32
        %add3A_1560 = arith.addi %add3A_1559, %scan3A_1557 : i32
        %get3A = arith.constant 0 : i32
        %get3A_1561 = arith.index_cast %get3A : i32 to index
        %get3A_1562 = arith.index_cast %add3A_1560 : i32 to index
        %get3A_1563 = arith.constant 0 : index
        %get3A_1564 = tpu.vector_load %arg7[%get3A_1561, %get3A_1562, %get3A_1563] {strides = array<i32>} : memref<2x40x128xf32, #tpu.memory_space<vmem>>, vector<1x1x16xf32>,
        %get3A_1565 = vector.shape_cast %get3A_1564 : vector<1x1x16xf32> to vector<16xf32>
        %swap3A = arith.constant 0 : i32
        %swap3A_1566 = arith.constant 0 : i32
        %swap3A_1567 = arith.index_cast %swap3A : i32 to index
        %swap3A_1568 = arith.index_cast %swap3A_1566 : i32 to index
        %swap3A_1569 = arith.index_cast %scan3A_1557 : i32 to index
        %swap3A_1570 = arith.constant 896 : index
        %swap3A_1571 = tpu.vector_load %arg6[%swap3A_1567, %swap3A_1568, %swap3A_1569, %swap3A_1570] {strides = array<i32>} : memref<2x2x20x1000xf32, #tpu.memory_space<vmem>>, vector<1x1x1x16xf32>,
        %swap3A_1572 = vector.shape_cast %swap3A_1571 : vector<1x1x1x16xf32> to vector<16xf32>
        %swap3A_1573 = vector.shape_cast %get3A_1565 : vector<16xf32> to vector<1x1x1x16xf32>
        tpu.vector_store %arg6[%swap3A_1567, %swap3A_1568, %swap3A_1569, %swap3A_1570], %swap3A_1573 {strides = array<i32>} : memref<2x2x20x1000xf32, #tpu.memory_space<vmem>>, vector<1x1x1x16xf32>,
        %add3A_1574 = arith.constant 0 : i32
        %add3A_1575 = arith.addi %add3A_1574, %scan3A_1557 : i32
        %get3A_1576 = arith.constant 0 : i32
        %get3A_1577 = arith.index_cast %get3A_1576 : i32 to index
        %get3A_1578 = arith.index_cast %add3A_1575 : i32 to index
        %get3A_1579 = arith.constant 16 : index
        %get3A_1580 = tpu.vector_load %arg7[%get3A_1577, %get3A_1578, %get3A_1579] {strides = array<i32>} : memref<2x40x128xf32, #tpu.memory_space<vmem>>, vector<1x1x16xf32>,
        %get3A_1581 = vector.shape_cast %get3A_1580 : vector<1x1x16xf32> to vector<16xf32>
        %swap3A_1582 = arith.constant 0 : i32
        %swap3A_1583 = arith.constant 0 : i32
        %swap3A_1584 = arith.index_cast %swap3A_1582 : i32 to index
        %swap3A_1585 = arith.index_cast %swap3A_1583 : i32 to index
        %swap3A_1586 = arith.index_cast %scan3A_1557 : i32 to index
        %swap3A_1587 = arith.constant 912 : index
        %swap3A_1588 = tpu.vector_load %arg6[%swap3A_1584, %swap3A_1585, %swap3A_1586, %swap3A_1587] {strides = array<i32>} : memref<2x2x20x1000xf32, #tpu.memory_space<vmem>>, vector<1x1x1x16xf32>,
        %swap3A_1589 = vector.shape_cast %swap3A_1588 : vector<1x1x1x16xf32> to vector<16xf32>
        %swap3A_1590 = vector.shape_cast %get3A_1581 : vector<16xf32> to vector<1x1x1x16xf32>
        tpu.vector_store %arg6[%swap3A_1584, %swap3A_1585, %swap3A_1586, %swap3A_1587], %swap3A_1590 {strides = array<i32>} : memref<2x2x20x1000xf32, #tpu.memory_space<vmem>>, vector<1x1x1x16xf32>,
        %add3A_1591 = arith.constant 0 : i32
        %add3A_1592 = arith.addi %add3A_1591, %scan3A_1557 : i32
        %get3A_1593 = arith.constant 0 : i32
        %get3A_1594 = arith.index_cast %get3A_1593 : i32 to index
        %get3A_1595 = arith.index_cast %add3A_1592 : i32 to index
        %get3A_1596 = arith.constant 32 : index
        %get3A_1597 = tpu.vector_load %arg7[%get3A_1594, %get3A_1595, %get3A_1596] {strides = array<i32>} : memref<2x40x128xf32, #tpu.memory_space<vmem>>, vector<1x1x16xf32>,
        %get3A_1598 = vector.shape_cast %get3A_1597 : vector<1x1x16xf32> to vector<16xf32>
        %swap3A_1599 = arith.constant 0 : i32
        %swap3A_1600 = arith.constant 0 : i32
        %swap3A_1601 = arith.index_cast %swap3A_1599 : i32 to index
        %swap3A_1602 = arith.index_cast %swap3A_1600 : i32 to index
        %swap3A_1603 = arith.index_cast %scan3A_1557 : i32 to index
        %swap3A_1604 = arith.constant 928 : index
        %swap3A_1605 = tpu.vector_load %arg6[%swap3A_1601, %swap3A_1602, %swap3A_1603, %swap3A_1604] {strides = array<i32>} : memref<2x2x20x1000xf32, #tpu.memory_space<vmem>>, vector<1x1x1x16xf32>,
        %swap3A_1606 = vector.shape_cast %swap3A_1605 : vector<1x1x1x16xf32> to vector<16xf32>
        %swap3A_1607 = vector.shape_cast %get3A_1598 : vector<16xf32> to vector<1x1x1x16xf32>
        tpu.vector_store %arg6[%swap3A_1601, %swap3A_1602, %swap3A_1603, %swap3A_1604], %swap3A_1607 {strides = array<i32>} : memref<2x2x20x1000xf32, #tpu.memory_space<vmem>>, vector<1x1x1x16xf32>,
        %add3A_1608 = arith.constant 0 : i32
        %add3A_1609 = arith.addi %add3A_1608, %scan3A_1557 : i32
        %get3A_1610 = arith.constant 0 : i32
        %get3A_1611 = arith.index_cast %get3A_1610 : i32 to index
        %get3A_1612 = arith.index_cast %add3A_1609 : i32 to index
        %get3A_1613 = arith.constant 48 : index
        %get3A_1614 = tpu.vector_load %arg7[%get3A_1611, %get3A_1612, %get3A_1613] {strides = array<i32>} : memref<2x40x128xf32, #tpu.memory_space<vmem>>, vector<1x1x16xf32>,
        %get3A_1615 = vector.shape_cast %get3A_1614 : vector<1x1x16xf32> to vector<16xf32>
        %swap3A_1616 = arith.constant 0 : i32
        %swap3A_1617 = arith.constant 0 : i32
        %swap3A_1618 = arith.index_cast %swap3A_1616 : i32 to index
        %swap3A_1619 = arith.index_cast %swap3A_1617 : i32 to index
        %swap3A_1620 = arith.index_cast %scan3A_1557 : i32 to index
        %swap3A_1621 = arith.constant 944 : index
        %swap3A_1622 = tpu.vector_load %arg6[%swap3A_1618, %swap3A_1619, %swap3A_1620, %swap3A_1621] {strides = array<i32>} : memref<2x2x20x1000xf32, #tpu.memory_space<vmem>>, vector<1x1x1x16xf32>,
        %swap3A_1623 = vector.shape_cast %swap3A_1622 : vector<1x1x1x16xf32> to vector<16xf32>
        %swap3A_1624 = vector.shape_cast %get3A_1615 : vector<16xf32> to vector<1x1x1x16xf32>
        tpu.vector_store %arg6[%swap3A_1618, %swap3A_1619, %swap3A_1620, %swap3A_1621], %swap3A_1624 {strides = array<i32>} : memref<2x2x20x1000xf32, #tpu.memory_space<vmem>>, vector<1x1x1x16xf32>,
        %add3A_1625 = arith.constant 0 : i32
        %add3A_1626 = arith.addi %add3A_1625, %scan3A_1557 : i32
        %get3A_1627 = arith.constant 0 : i32
        %get3A_1628 = arith.index_cast %get3A_1627 : i32 to index
        %get3A_1629 = arith.index_cast %add3A_1626 : i32 to index
        %get3A_1630 = arith.constant 64 : index
        %get3A_1631 = tpu.vector_load %arg7[%get3A_1628, %get3A_1629, %get3A_1630] {strides = array<i32>} : memref<2x40x128xf32, #tpu.memory_space<vmem>>, vector<1x1x16xf32>,
        %get3A_1632 = vector.shape_cast %get3A_1631 : vector<1x1x16xf32> to vector<16xf32>
        %swap3A_1633 = arith.constant 0 : i32
        %swap3A_1634 = arith.constant 0 : i32
        %swap3A_1635 = arith.index_cast %swap3A_1633 : i32 to index
        %swap3A_1636 = arith.index_cast %swap3A_1634 : i32 to index
        %swap3A_1637 = arith.index_cast %scan3A_1557 : i32 to index
        %swap3A_1638 = arith.constant 960 : index
        %swap3A_1639 = tpu.vector_load %arg6[%swap3A_1635, %swap3A_1636, %swap3A_1637, %swap3A_1638] {strides = array<i32>} : memref<2x2x20x1000xf32, #tpu.memory_space<vmem>>, vector<1x1x1x16xf32>,
        %swap3A_1640 = vector.shape_cast %swap3A_1639 : vector<1x1x1x16xf32> to vector<16xf32>
        %swap3A_1641 = vector.shape_cast %get3A_1632 : vector<16xf32> to vector<1x1x1x16xf32>
        tpu.vector_store %arg6[%swap3A_1635, %swap3A_1636, %swap3A_1637, %swap3A_1638], %swap3A_1641 {strides = array<i32>} : memref<2x2x20x1000xf32, #tpu.memory_space<vmem>>, vector<1x1x1x16xf32>,
        %add3A_1642 = arith.constant 0 : i32
        %add3A_1643 = arith.addi %add3A_1642, %scan3A_1557 : i32
        %get3A_1644 = arith.constant 0 : i32
        %get3A_1645 = arith.index_cast %get3A_1644 : i32 to index
        %get3A_1646 = arith.index_cast %add3A_1643 : i32 to index
        %get3A_1647 = arith.constant 80 : index
        %get3A_1648 = tpu.vector_load %arg7[%get3A_1645, %get3A_1646, %get3A_1647] {strides = array<i32>} : memref<2x40x128xf32, #tpu.memory_space<vmem>>, vector<1x1x16xf32>,
        %get3A_1649 = vector.shape_cast %get3A_1648 : vector<1x1x16xf32> to vector<16xf32>
        %swap3A_1650 = arith.constant 0 : i32
        %swap3A_1651 = arith.constant 0 : i32
        %swap3A_1652 = arith.index_cast %swap3A_1650 : i32 to index
        %swap3A_1653 = arith.index_cast %swap3A_1651 : i32 to index
        %swap3A_1654 = arith.index_cast %scan3A_1557 : i32 to index
        %swap3A_1655 = arith.constant 976 : index
        %swap3A_1656 = tpu.vector_load %arg6[%swap3A_1652, %swap3A_1653, %swap3A_1654, %swap3A_1655] {strides = array<i32>} : memref<2x2x20x1000xf32, #tpu.memory_space<vmem>>, vector<1x1x1x16xf32>,
        %swap3A_1657 = vector.shape_cast %swap3A_1656 : vector<1x1x1x16xf32> to vector<16xf32>
        %swap3A_1658 = vector.shape_cast %get3A_1649 : vector<16xf32> to vector<1x1x1x16xf32>
        tpu.vector_store %arg6[%swap3A_1652, %swap3A_1653, %swap3A_1654, %swap3A_1655], %swap3A_1658 {strides = array<i32>} : memref<2x2x20x1000xf32, #tpu.memory_space<vmem>>, vector<1x1x1x16xf32>,
        %mul3A_1659 = arith.constant 0 : i32
        %mul3A_1660 = arith.muli %scan3A_1557, %mul3A_1659 : i32
        %add3A_1661 = arith.constant 992 : i32
        %add3A_1662 = arith.addi %mul3A_1660, %add3A_1661 : i32
        %multiple_of3A = tpu.assume_multiple %add3A_1662, 16 : i32
        %add3A_1663 = arith.constant 0 : i32
        %add3A_1664 = arith.addi %add3A_1663, %scan3A_1557 : i32
        %get3A_1665 = arith.constant 0 : i32
        %get3A_1666 = arith.index_cast %get3A_1665 : i32 to index
        %get3A_1667 = arith.index_cast %add3A_1664 : i32 to index
        %get3A_1668 = arith.constant 96 : index
        %get3A_1669 = tpu.vector_load %arg7[%get3A_1666, %get3A_1667, %get3A_1668] {strides = array<i32>} : memref<2x40x128xf32, #tpu.memory_space<vmem>>, vector<1x1x16xf32>,
        %get3A_1670 = vector.shape_cast %get3A_1669 : vector<1x1x16xf32> to vector<16xf32>
        %swap3A_1671 = arith.constant 0 : i32
        %swap3A_1672 = arith.constant 0 : i32
        %swap3A_1673 = arith.index_cast %swap3A_1671 : i32 to index
        %swap3A_1674 = arith.index_cast %swap3A_1672 : i32 to index
        %swap3A_1675 = arith.index_cast %scan3A_1557 : i32 to index
        %swap3A_1676 = arith.index_cast %multiple_of3A : i32 to index
        %swap3A_1677 = tpu.vector_load %arg6[%swap3A_1673, %swap3A_1674, %swap3A_1675, %swap3A_1676] {strides = array<i32>} : memref<2x2x20x1000xf32, #tpu.memory_space<vmem>>, vector<1x1x1x16xf32>,
        %swap3A_1678 = vector.shape_cast %swap3A_1677 : vector<1x1x1x16xf32> to vector<16xf32>
        %swap3A_1679 = vector.shape_cast %get3A_1670 : vector<16xf32> to vector<1x1x1x16xf32>
        tpu.vector_store %arg6[%swap3A_1673, %swap3A_1674, %swap3A_1675, %swap3A_1676], %swap3A_1679 {strides = array<i32>} : memref<2x2x20x1000xf32, #tpu.memory_space<vmem>>, vector<1x1x1x16xf32>,
        %add3A_1680 = arith.constant 20 : i32
        %add3A_1681 = arith.addi %add3A_1680, %scan3A_1557 : i32
        %get3A_1682 = arith.constant 0 : i32
        %get3A_1683 = arith.index_cast %get3A_1682 : i32 to index
        %get3A_1684 = arith.index_cast %add3A_1681 : i32 to index
        %get3A_1685 = arith.constant 0 : index
        %get3A_1686 = tpu.vector_load %arg7[%get3A_1683, %get3A_1684, %get3A_1685] {strides = array<i32>} : memref<2x40x128xf32, #tpu.memory_space<vmem>>, vector<1x1x16xf32>,
        %get3A_1687 = vector.shape_cast %get3A_1686 : vector<1x1x16xf32> to vector<16xf32>
        %swap3A_1688 = arith.constant 0 : i32
        %swap3A_1689 = arith.constant 1 : i32
        %swap3A_1690 = arith.index_cast %swap3A_1688 : i32 to index
        %swap3A_1691 = arith.index_cast %swap3A_1689 : i32 to index
        %swap3A_1692 = arith.index_cast %scan3A_1557 : i32 to index
        %swap3A_1693 = arith.constant 896 : index
        %swap3A_1694 = tpu.vector_load %arg6[%swap3A_1690, %swap3A_1691, %swap3A_1692, %swap3A_1693] {strides = array<i32>} : memref<2x2x20x1000xf32, #tpu.memory_space<vmem>>, vector<1x1x1x16xf32>,
        %swap3A_1695 = vector.shape_cast %swap3A_1694 : vector<1x1x1x16xf32> to vector<16xf32>
        %swap3A_1696 = vector.shape_cast %get3A_1687 : vector<16xf32> to vector<1x1x1x16xf32>
        tpu.vector_store %arg6[%swap3A_1690, %swap3A_1691, %swap3A_1692, %swap3A_1693], %swap3A_1696 {strides = array<i32>} : memref<2x2x20x1000xf32, #tpu.memory_space<vmem>>, vector<1x1x1x16xf32>,
        %add3A_1697 = arith.constant 20 : i32
        %add3A_1698 = arith.addi %add3A_1697, %scan3A_1557 : i32
        %get3A_1699 = arith.constant 0 : i32
        %get3A_1700 = arith.index_cast %get3A_1699 : i32 to index
        %get3A_1701 = arith.index_cast %add3A_1698 : i32 to index
        %get3A_1702 = arith.constant 16 : index
        %get3A_1703 = tpu.vector_load %arg7[%get3A_1700, %get3A_1701, %get3A_1702] {strides = array<i32>} : memref<2x40x128xf32, #tpu.memory_space<vmem>>, vector<1x1x16xf32>,
        %get3A_1704 = vector.shape_cast %get3A_1703 : vector<1x1x16xf32> to vector<16xf32>
        %swap3A_1705 = arith.constant 0 : i32
        %swap3A_1706 = arith.constant 1 : i32
        %swap3A_1707 = arith.index_cast %swap3A_1705 : i32 to index
        %swap3A_1708 = arith.index_cast %swap3A_1706 : i32 to index
        %swap3A_1709 = arith.index_cast %scan3A_1557 : i32 to index
        %swap3A_1710 = arith.constant 912 : index
        %swap3A_1711 = tpu.vector_load %arg6[%swap3A_1707, %swap3A_1708, %swap3A_1709, %swap3A_1710] {strides = array<i32>} : memref<2x2x20x1000xf32, #tpu.memory_space<vmem>>, vector<1x1x1x16xf32>,
        %swap3A_1712 = vector.shape_cast %swap3A_1711 : vector<1x1x1x16xf32> to vector<16xf32>
        %swap3A_1713 = vector.shape_cast %get3A_1704 : vector<16xf32> to vector<1x1x1x16xf32>
        tpu.vector_store %arg6[%swap3A_1707, %swap3A_1708, %swap3A_1709, %swap3A_1710], %swap3A_1713 {strides = array<i32>} : memref<2x2x20x1000xf32, #tpu.memory_space<vmem>>, vector<1x1x1x16xf32>,
        %add3A_1714 = arith.constant 20 : i32
        %add3A_1715 = arith.addi %add3A_1714, %scan3A_1557 : i32
        %get3A_1716 = arith.constant 0 : i32
        %get3A_1717 = arith.index_cast %get3A_1716 : i32 to index
        %get3A_1718 = arith.index_cast %add3A_1715 : i32 to index
        %get3A_1719 = arith.constant 32 : index
        %get3A_1720 = tpu.vector_load %arg7[%get3A_1717, %get3A_1718, %get3A_1719] {strides = array<i32>} : memref<2x40x128xf32, #tpu.memory_space<vmem>>, vector<1x1x16xf32>,
        %get3A_1721 = vector.shape_cast %get3A_1720 : vector<1x1x16xf32> to vector<16xf32>
        %swap3A_1722 = arith.constant 0 : i32
        %swap3A_1723 = arith.constant 1 : i32
        %swap3A_1724 = arith.index_cast %swap3A_1722 : i32 to index
        %swap3A_1725 = arith.index_cast %swap3A_1723 : i32 to index
        %swap3A_1726 = arith.index_cast %scan3A_1557 : i32 to index
        %swap3A_1727 = arith.constant 928 : index
        %swap3A_1728 = tpu.vector_load %arg6[%swap3A_1724, %swap3A_1725, %swap3A_1726, %swap3A_1727] {strides = array<i32>} : memref<2x2x20x1000xf32, #tpu.memory_space<vmem>>, vector<1x1x1x16xf32>,
        %swap3A_1729 = vector.shape_cast %swap3A_1728 : vector<1x1x1x16xf32> to vector<16xf32>
        %swap3A_1730 = vector.shape_cast %get3A_1721 : vector<16xf32> to vector<1x1x1x16xf32>
        tpu.vector_store %arg6[%swap3A_1724, %swap3A_1725, %swap3A_1726, %swap3A_1727], %swap3A_1730 {strides = array<i32>} : memref<2x2x20x1000xf32, #tpu.memory_space<vmem>>, vector<1x1x1x16xf32>,
        %add3A_1731 = arith.constant 20 : i32
        %add3A_1732 = arith.addi %add3A_1731, %scan3A_1557 : i32
        %get3A_1733 = arith.constant 0 : i32
        %get3A_1734 = arith.index_cast %get3A_1733 : i32 to index
        %get3A_1735 = arith.index_cast %add3A_1732 : i32 to index
        %get3A_1736 = arith.constant 48 : index
        %get3A_1737 = tpu.vector_load %arg7[%get3A_1734, %get3A_1735, %get3A_1736] {strides = array<i32>} : memref<2x40x128xf32, #tpu.memory_space<vmem>>, vector<1x1x16xf32>,
        %get3A_1738 = vector.shape_cast %get3A_1737 : vector<1x1x16xf32> to vector<16xf32>
        %swap3A_1739 = arith.constant 0 : i32
        %swap3A_1740 = arith.constant 1 : i32
        %swap3A_1741 = arith.index_cast %swap3A_1739 : i32 to index
        %swap3A_1742 = arith.index_cast %swap3A_1740 : i32 to index
        %swap3A_1743 = arith.index_cast %scan3A_1557 : i32 to index
        %swap3A_1744 = arith.constant 944 : index
        %swap3A_1745 = tpu.vector_load %arg6[%swap3A_1741, %swap3A_1742, %swap3A_1743, %swap3A_1744] {strides = array<i32>} : memref<2x2x20x1000xf32, #tpu.memory_space<vmem>>, vector<1x1x1x16xf32>,
        %swap3A_1746 = vector.shape_cast %swap3A_1745 : vector<1x1x1x16xf32> to vector<16xf32>
        %swap3A_1747 = vector.shape_cast %get3A_1738 : vector<16xf32> to vector<1x1x1x16xf32>
        tpu.vector_store %arg6[%swap3A_1741, %swap3A_1742, %swap3A_1743, %swap3A_1744], %swap3A_1747 {strides = array<i32>} : memref<2x2x20x1000xf32, #tpu.memory_space<vmem>>, vector<1x1x1x16xf32>,
        %add3A_1748 = arith.constant 20 : i32
        %add3A_1749 = arith.addi %add3A_1748, %scan3A_1557 : i32
        %get3A_1750 = arith.constant 0 : i32
        %get3A_1751 = arith.index_cast %get3A_1750 : i32 to index
        %get3A_1752 = arith.index_cast %add3A_1749 : i32 to index
        %get3A_1753 = arith.constant 64 : index
        %get3A_1754 = tpu.vector_load %arg7[%get3A_1751, %get3A_1752, %get3A_1753] {strides = array<i32>} : memref<2x40x128xf32, #tpu.memory_space<vmem>>, vector<1x1x16xf32>,
        %get3A_1755 = vector.shape_cast %get3A_1754 : vector<1x1x16xf32> to vector<16xf32>
        %swap3A_1756 = arith.constant 0 : i32
        %swap3A_1757 = arith.constant 1 : i32
        %swap3A_1758 = arith.index_cast %swap3A_1756 : i32 to index
        %swap3A_1759 = arith.index_cast %swap3A_1757 : i32 to index
        %swap3A_1760 = arith.index_cast %scan3A_1557 : i32 to index
        %swap3A_1761 = arith.constant 960 : index
        %swap3A_1762 = tpu.vector_load %arg6[%swap3A_1758, %swap3A_1759, %swap3A_1760, %swap3A_1761] {strides = array<i32>} : memref<2x2x20x1000xf32, #tpu.memory_space<vmem>>, vector<1x1x1x16xf32>,
        %swap3A_1763 = vector.shape_cast %swap3A_1762 : vector<1x1x1x16xf32> to vector<16xf32>
        %swap3A_1764 = vector.shape_cast %get3A_1755 : vector<16xf32> to vector<1x1x1x16xf32>
        tpu.vector_store %arg6[%swap3A_1758, %swap3A_1759, %swap3A_1760, %swap3A_1761], %swap3A_1764 {strides = array<i32>} : memref<2x2x20x1000xf32, #tpu.memory_space<vmem>>, vector<1x1x1x16xf32>,
        %add3A_1765 = arith.constant 20 : i32
        %add3A_1766 = arith.addi %add3A_1765, %scan3A_1557 : i32
        %get3A_1767 = arith.constant 0 : i32
        %get3A_1768 = arith.index_cast %get3A_1767 : i32 to index
        %get3A_1769 = arith.index_cast %add3A_1766 : i32 to index
        %get3A_1770 = arith.constant 80 : index
        %get3A_1771 = tpu.vector_load %arg7[%get3A_1768, %get3A_1769, %get3A_1770] {strides = array<i32>} : memref<2x40x128xf32, #tpu.memory_space<vmem>>, vector<1x1x16xf32>,
        %get3A_1772 = vector.shape_cast %get3A_1771 : vector<1x1x16xf32> to vector<16xf32>
        %swap3A_1773 = arith.constant 0 : i32
        %swap3A_1774 = arith.constant 1 : i32
        %swap3A_1775 = arith.index_cast %swap3A_1773 : i32 to index
        %swap3A_1776 = arith.index_cast %swap3A_1774 : i32 to index
        %swap3A_1777 = arith.index_cast %scan3A_1557 : i32 to index
        %swap3A_1778 = arith.constant 976 : index
        %swap3A_1779 = tpu.vector_load %arg6[%swap3A_1775, %swap3A_1776, %swap3A_1777, %swap3A_1778] {strides = array<i32>} : memref<2x2x20x1000xf32, #tpu.memory_space<vmem>>, vector<1x1x1x16xf32>,
        %swap3A_1780 = vector.shape_cast %swap3A_1779 : vector<1x1x1x16xf32> to vector<16xf32>
        %swap3A_1781 = vector.shape_cast %get3A_1772 : vector<16xf32> to vector<1x1x1x16xf32>
        tpu.vector_store %arg6[%swap3A_1775, %swap3A_1776, %swap3A_1777, %swap3A_1778], %swap3A_1781 {strides = array<i32>} : memref<2x2x20x1000xf32, #tpu.memory_space<vmem>>, vector<1x1x1x16xf32>,
        %mul3A_1782 = arith.constant 0 : i32
        %mul3A_1783 = arith.muli %scan3A_1557, %mul3A_1782 : i32
        %add3A_1784 = arith.constant 992 : i32
        %add3A_1785 = arith.addi %mul3A_1783, %add3A_1784 : i32
        %multiple_of3A_1786 = tpu.assume_multiple %add3A_1785, 16 : i32
        %add3A_1787 = arith.constant 20 : i32
        %add3A_1788 = arith.addi %add3A_1787, %scan3A_1557 : i32
        %get3A_1789 = arith.constant 0 : i32
        %get3A_1790 = arith.index_cast %get3A_1789 : i32 to index
        %get3A_1791 = arith.index_cast %add3A_1788 : i32 to index
        %get3A_1792 = arith.constant 96 : index
        %get3A_1793 = tpu.vector_load %arg7[%get3A_1790, %get3A_1791, %get3A_1792] {strides = array<i32>} : memref<2x40x128xf32, #tpu.memory_space<vmem>>, vector<1x1x16xf32>,
        %get3A_1794 = vector.shape_cast %get3A_1793 : vector<1x1x16xf32> to vector<16xf32>
        %swap3A_1795 = arith.constant 0 : i32
        %swap3A_1796 = arith.constant 1 : i32
        %swap3A_1797 = arith.index_cast %swap3A_1795 : i32 to index
        %swap3A_1798 = arith.index_cast %swap3A_1796 : i32 to index
        %swap3A_1799 = arith.index_cast %scan3A_1557 : i32 to index
        %swap3A_1800 = arith.index_cast %multiple_of3A_1786 : i32 to index
        %swap3A_1801 = tpu.vector_load %arg6[%swap3A_1797, %swap3A_1798, %swap3A_1799, %swap3A_1800] {strides = array<i32>} : memref<2x2x20x1000xf32, #tpu.memory_space<vmem>>, vector<1x1x1x16xf32>,
        %swap3A_1802 = vector.shape_cast %swap3A_1801 : vector<1x1x1x16xf32> to vector<16xf32>
        %swap3A_1803 = vector.shape_cast %get3A_1794 : vector<16xf32> to vector<1x1x1x16xf32>
        tpu.vector_store %arg6[%swap3A_1797, %swap3A_1798, %swap3A_1799, %swap3A_1800], %swap3A_1803 {strides = array<i32>} : memref<2x2x20x1000xf32, #tpu.memory_space<vmem>>, vector<1x1x1x16xf32>,
        %scan3A_1804 = arith.constant 0 : i32
        scf.yield %scan3A_1804 : i32
      }
      %scan3A_1343 = arith.constant 20 : i32
      %mul3A_1344 = arith.constant 128 : i32
      %mul3A_1345 = arith.muli %add3A, %mul3A_1344 : i32
      %mul3A_1346 = arith.constant 2 : i32
      %mul3A_1347 = arith.muli %add3A_768, %mul3A_1346 : i32
      %add3A_1348 = arith.addi %mul3A_1345, %mul3A_1347 : i32
      %dma_wait3A_1349 = arith.constant 1 : i32
      %dma_wait3A_1350 = arith.constant 0 : i32
      %dma_wait3A_1351 = arith.constant 0 : i32
      %dma_wait3A_1352 = arith.constant 0 : i32
      %dma_wait3A_1353 = tpu.memref_slice %arg6[%dma_wait3A_1349, %dma_wait3A_1350, %dma_wait3A_1351, %dma_wait3A_1352] : memref<2x2x20x1000xf32, #tpu.memory_space<vmem>> -> memref<1x2x20x1000xf32, #tpu.memory_space<vmem>>
      %dma_wait3A_1354 = tpu.memref_squeeze %dma_wait3A_1353 : memref<1x2x20x1000xf32, #tpu.memory_space<vmem>> -> memref<2x20x1000xf32, #tpu.memory_space<vmem>>
      %dma_wait3A_1355 = arith.constant 0 : i32
      %dma_wait3A_1356 = arith.constant 0 : i32
      %dma_wait3A_1357 = tpu.memref_slice %arg4[%add3A_1348, %dma_wait3A_1355, %dma_wait3A_1356] : memref<4096x20x1000xf32, #tpu.memory_space<hbm>> -> memref<2x20x1000xf32, #tpu.memory_space<hbm>>
      %dma_wait3A_1358 = arith.constant 0 : i32
      %dma_wait3A_1359 = arith.constant 0 : i32
      %dma_wait3A_1360 = tpu.memref_slice %arg4[%add3A_1348, %dma_wait3A_1358, %dma_wait3A_1359] : memref<4096x20x1000xf32, #tpu.memory_space<hbm>> -> memref<2x20x1000xf32, #tpu.memory_space<hbm>>
      %dma_wait3A_1361 = arith.constant 0 : i32
      %dma_wait3A_1362 = arith.constant 0 : i32
      %dma_wait3A_1363 = arith.constant 0 : i32
      %dma_wait3A_1364 = tpu.memref_slice %arg6[%dma_wait3A_1349, %dma_wait3A_1361, %dma_wait3A_1362, %dma_wait3A_1363] : memref<2x2x20x1000xf32, #tpu.memory_space<vmem>> -> memref<1x2x20x1000xf32, #tpu.memory_space<vmem>>
      %dma_wait3A_1365 = tpu.memref_squeeze %dma_wait3A_1364 : memref<1x2x20x1000xf32, #tpu.memory_space<vmem>> -> memref<2x20x1000xf32, #tpu.memory_space<vmem>>
      tpu.wait_dma2 semaphore(%arg11 : memref<!tpu.dma_semaphore, #tpu.memory_space<semaphore_mem>>) src(%dma_wait3A_1365 : memref<2x20x1000xf32, #tpu.memory_space<vmem>>) dst(%dma_wait3A_1360 : memref<2x20x1000xf32, #tpu.memory_space<hbm>>)
      %add3A_1366 = arith.constant 2 : i32
      %add3A_1367 = arith.addi %add3A_768, %add3A_1366 : i32
      %dma_start3A_1368 = arith.constant 1 : i32
      %dma_start3A_1369 = arith.constant 0 : i32
      %dma_start3A_1370 = arith.constant 0 : i32
      %dma_start3A_1371 = arith.constant 0 : i32
      %dma_start3A_1372 = tpu.memref_slice %arg6[%dma_start3A_1368, %dma_start3A_1369, %dma_start3A_1370, %dma_start3A_1371] : memref<2x2x20x1000xf32, #tpu.memory_space<vmem>> -> memref<1x1x20x128xf32, #tpu.memory_space<vmem>>
      %dma_start3A_1373 = tpu.memref_squeeze %dma_start3A_1372 : memref<1x1x20x128xf32, #tpu.memory_space<vmem>> -> memref<20x128xf32, #tpu.memory_space<vmem>>
      %dma_start3A_1374 = arith.constant 376 : i32
      %dma_start3A_1375 = tpu.memref_slice %arg5[%dma_start3A_1374] : memref<752xi32, #tpu.memory_space<vmem>> -> memref<20xi32, #tpu.memory_space<vmem>>
      %dma_start3A_1376 = arith.constant 0 : i32
      %dma_start3A_1377 = arith.constant 0 : i32
      %dma_start3A_1378 = tpu.memref_slice %arg2[%dma_start3A_1376, %dma_start3A_1377] : memref<8000x128xf32, #tpu.memory_space<hbm>> -> memref<8000x128xf32, #tpu.memory_space<hbm>>
      tpu.enqueue_indirect_dma source(%dma_start3A_1378 : memref<8000x128xf32, #tpu.memory_space<hbm>>) target(%dma_start3A_1373 : memref<20x128xf32, #tpu.memory_space<vmem>>) offsets(%dma_start3A_1375 : memref<20xi32, #tpu.memory_space<vmem>>) semaphore(%arg9 : memref<!tpu.dma_semaphore, #tpu.memory_space<semaphore_mem>>)
      %dma_start3A_1379 = arith.constant 1 : i32
      %dma_start3A_1380 = arith.constant 0 : i32
      %dma_start3A_1381 = arith.constant 0 : i32
      %dma_start3A_1382 = arith.constant 128 : i32
      %dma_start3A_1383 = tpu.memref_slice %arg6[%dma_start3A_1379, %dma_start3A_1380, %dma_start3A_1381, %dma_start3A_1382] : memref<2x2x20x1000xf32, #tpu.memory_space<vmem>> -> memref<1x1x20x128xf32, #tpu.memory_space<vmem>>
      %dma_start3A_1384 = tpu.memref_squeeze %dma_start3A_1383 : memref<1x1x20x128xf32, #tpu.memory_space<vmem>> -> memref<20x128xf32, #tpu.memory_space<vmem>>
      %dma_start3A_1385 = arith.constant 424 : i32
      %dma_start3A_1386 = tpu.memref_slice %arg5[%dma_start3A_1385] : memref<752xi32, #tpu.memory_space<vmem>> -> memref<20xi32, #tpu.memory_space<vmem>>
      %dma_start3A_1387 = arith.constant 0 : i32
      %dma_start3A_1388 = arith.constant 0 : i32
      %dma_start3A_1389 = tpu.memref_slice %arg2[%dma_start3A_1387, %dma_start3A_1388] : memref<8000x128xf32, #tpu.memory_space<hbm>> -> memref<8000x128xf32, #tpu.memory_space<hbm>>
      tpu.enqueue_indirect_dma source(%dma_start3A_1389 : memref<8000x128xf32, #tpu.memory_space<hbm>>) target(%dma_start3A_1384 : memref<20x128xf32, #tpu.memory_space<vmem>>) offsets(%dma_start3A_1386 : memref<20xi32, #tpu.memory_space<vmem>>) semaphore(%arg9 : memref<!tpu.dma_semaphore, #tpu.memory_space<semaphore_mem>>)
      %dma_start3A_1390 = arith.constant 1 : i32
      %dma_start3A_1391 = arith.constant 0 : i32
      %dma_start3A_1392 = arith.constant 0 : i32
      %dma_start3A_1393 = arith.constant 256 : i32
      %dma_start3A_1394 = tpu.memref_slice %arg6[%dma_start3A_1390, %dma_start3A_1391, %dma_start3A_1392, %dma_start3A_1393] : memref<2x2x20x1000xf32, #tpu.memory_space<vmem>> -> memref<1x1x20x128xf32, #tpu.memory_space<vmem>>
      %dma_start3A_1395 = tpu.memref_squeeze %dma_start3A_1394 : memref<1x1x20x128xf32, #tpu.memory_space<vmem>> -> memref<20x128xf32, #tpu.memory_space<vmem>>
      %dma_start3A_1396 = arith.constant 472 : i32
      %dma_start3A_1397 = tpu.memref_slice %arg5[%dma_start3A_1396] : memref<752xi32, #tpu.memory_space<vmem>> -> memref<20xi32, #tpu.memory_space<vmem>>
      %dma_start3A_1398 = arith.constant 0 : i32
      %dma_start3A_1399 = arith.constant 0 : i32
      %dma_start3A_1400 = tpu.memref_slice %arg2[%dma_start3A_1398, %dma_start3A_1399] : memref<8000x128xf32, #tpu.memory_space<hbm>> -> memref<8000x128xf32, #tpu.memory_space<hbm>>
      tpu.enqueue_indirect_dma source(%dma_start3A_1400 : memref<8000x128xf32, #tpu.memory_space<hbm>>) target(%dma_start3A_1395 : memref<20x128xf32, #tpu.memory_space<vmem>>) offsets(%dma_start3A_1397 : memref<20xi32, #tpu.memory_space<vmem>>) semaphore(%arg9 : memref<!tpu.dma_semaphore, #tpu.memory_space<semaphore_mem>>)
      %dma_start3A_1401 = arith.constant 1 : i32
      %dma_start3A_1402 = arith.constant 0 : i32
      %dma_start3A_1403 = arith.constant 0 : i32
      %dma_start3A_1404 = arith.constant 384 : i32
      %dma_start3A_1405 = tpu.memref_slice %arg6[%dma_start3A_1401, %dma_start3A_1402, %dma_start3A_1403, %dma_start3A_1404] : memref<2x2x20x1000xf32, #tpu.memory_space<vmem>> -> memref<1x1x20x128xf32, #tpu.memory_space<vmem>>
      %dma_start3A_1406 = tpu.memref_squeeze %dma_start3A_1405 : memref<1x1x20x128xf32, #tpu.memory_space<vmem>> -> memref<20x128xf32, #tpu.memory_space<vmem>>
      %dma_start3A_1407 = arith.constant 520 : i32
      %dma_start3A_1408 = tpu.memref_slice %arg5[%dma_start3A_1407] : memref<752xi32, #tpu.memory_space<vmem>> -> memref<20xi32, #tpu.memory_space<vmem>>
      %dma_start3A_1409 = arith.constant 0 : i32
      %dma_start3A_1410 = arith.constant 0 : i32
      %dma_start3A_1411 = tpu.memref_slice %arg2[%dma_start3A_1409, %dma_start3A_1410] : memref<8000x128xf32, #tpu.memory_space<hbm>> -> memref<8000x128xf32, #tpu.memory_space<hbm>>
      tpu.enqueue_indirect_dma source(%dma_start3A_1411 : memref<8000x128xf32, #tpu.memory_space<hbm>>) target(%dma_start3A_1406 : memref<20x128xf32, #tpu.memory_space<vmem>>) offsets(%dma_start3A_1408 : memref<20xi32, #tpu.memory_space<vmem>>) semaphore(%arg9 : memref<!tpu.dma_semaphore, #tpu.memory_space<semaphore_mem>>)
      %dma_start3A_1412 = arith.constant 1 : i32
      %dma_start3A_1413 = arith.constant 0 : i32
      %dma_start3A_1414 = arith.constant 0 : i32
      %dma_start3A_1415 = arith.constant 512 : i32
      %dma_start3A_1416 = tpu.memref_slice %arg6[%dma_start3A_1412, %dma_start3A_1413, %dma_start3A_1414, %dma_start3A_1415] : memref<2x2x20x1000xf32, #tpu.memory_space<vmem>> -> memref<1x1x20x128xf32, #tpu.memory_space<vmem>>
      %dma_start3A_1417 = tpu.memref_squeeze %dma_start3A_1416 : memref<1x1x20x128xf32, #tpu.memory_space<vmem>> -> memref<20x128xf32, #tpu.memory_space<vmem>>
      %dma_start3A_1418 = arith.constant 568 : i32
      %dma_start3A_1419 = tpu.memref_slice %arg5[%dma_start3A_1418] : memref<752xi32, #tpu.memory_space<vmem>> -> memref<20xi32, #tpu.memory_space<vmem>>
      %dma_start3A_1420 = arith.constant 0 : i32
      %dma_start3A_1421 = arith.constant 0 : i32
      %dma_start3A_1422 = tpu.memref_slice %arg2[%dma_start3A_1420, %dma_start3A_1421] : memref<8000x128xf32, #tpu.memory_space<hbm>> -> memref<8000x128xf32, #tpu.memory_space<hbm>>
      tpu.enqueue_indirect_dma source(%dma_start3A_1422 : memref<8000x128xf32, #tpu.memory_space<hbm>>) target(%dma_start3A_1417 : memref<20x128xf32, #tpu.memory_space<vmem>>) offsets(%dma_start3A_1419 : memref<20xi32, #tpu.memory_space<vmem>>) semaphore(%arg9 : memref<!tpu.dma_semaphore, #tpu.memory_space<semaphore_mem>>)
      %dma_start3A_1423 = arith.constant 1 : i32
      %dma_start3A_1424 = arith.constant 0 : i32
      %dma_start3A_1425 = arith.constant 0 : i32
      %dma_start3A_1426 = arith.constant 640 : i32
      %dma_start3A_1427 = tpu.memref_slice %arg6[%dma_start3A_1423, %dma_start3A_1424, %dma_start3A_1425, %dma_start3A_1426] : memref<2x2x20x1000xf32, #tpu.memory_space<vmem>> -> memref<1x1x20x128xf32, #tpu.memory_space<vmem>>
      %dma_start3A_1428 = tpu.memref_squeeze %dma_start3A_1427 : memref<1x1x20x128xf32, #tpu.memory_space<vmem>> -> memref<20x128xf32, #tpu.memory_space<vmem>>
      %dma_start3A_1429 = arith.constant 616 : i32
      %dma_start3A_1430 = tpu.memref_slice %arg5[%dma_start3A_1429] : memref<752xi32, #tpu.memory_space<vmem>> -> memref<20xi32, #tpu.memory_space<vmem>>
      %dma_start3A_1431 = arith.constant 0 : i32
      %dma_start3A_1432 = arith.constant 0 : i32
      %dma_start3A_1433 = tpu.memref_slice %arg2[%dma_start3A_1431, %dma_start3A_1432] : memref<8000x128xf32, #tpu.memory_space<hbm>> -> memref<8000x128xf32, #tpu.memory_space<hbm>>
      tpu.enqueue_indirect_dma source(%dma_start3A_1433 : memref<8000x128xf32, #tpu.memory_space<hbm>>) target(%dma_start3A_1428 : memref<20x128xf32, #tpu.memory_space<vmem>>) offsets(%dma_start3A_1430 : memref<20xi32, #tpu.memory_space<vmem>>) semaphore(%arg9 : memref<!tpu.dma_semaphore, #tpu.memory_space<semaphore_mem>>)
      %dma_start3A_1434 = arith.constant 1 : i32
      %dma_start3A_1435 = arith.constant 0 : i32
      %dma_start3A_1436 = arith.constant 0 : i32
      %dma_start3A_1437 = arith.constant 768 : i32
      %dma_start3A_1438 = tpu.memref_slice %arg6[%dma_start3A_1434, %dma_start3A_1435, %dma_start3A_1436, %dma_start3A_1437] : memref<2x2x20x1000xf32, #tpu.memory_space<vmem>> -> memref<1x1x20x128xf32, #tpu.memory_space<vmem>>
      %dma_start3A_1439 = tpu.memref_squeeze %dma_start3A_1438 : memref<1x1x20x128xf32, #tpu.memory_space<vmem>> -> memref<20x128xf32, #tpu.memory_space<vmem>>
      %dma_start3A_1440 = arith.constant 664 : i32
      %dma_start3A_1441 = tpu.memref_slice %arg5[%dma_start3A_1440] : memref<752xi32, #tpu.memory_space<vmem>> -> memref<20xi32, #tpu.memory_space<vmem>>
      %dma_start3A_1442 = arith.constant 0 : i32
      %dma_start3A_1443 = arith.constant 0 : i32
      %dma_start3A_1444 = tpu.memref_slice %arg2[%dma_start3A_1442, %dma_start3A_1443] : memref<8000x128xf32, #tpu.memory_space<hbm>> -> memref<8000x128xf32, #tpu.memory_space<hbm>>
      tpu.enqueue_indirect_dma source(%dma_start3A_1444 : memref<8000x128xf32, #tpu.memory_space<hbm>>) target(%dma_start3A_1439 : memref<20x128xf32, #tpu.memory_space<vmem>>) offsets(%dma_start3A_1441 : memref<20xi32, #tpu.memory_space<vmem>>) semaphore(%arg9 : memref<!tpu.dma_semaphore, #tpu.memory_space<semaphore_mem>>)
      %dma_start3A_1445 = arith.constant 1 : i32
      %dma_start3A_1446 = arith.constant 1 : i32
      %dma_start3A_1447 = arith.constant 0 : i32
      %dma_start3A_1448 = arith.constant 0 : i32
      %dma_start3A_1449 = tpu.memref_slice %arg6[%dma_start3A_1445, %dma_start3A_1446, %dma_start3A_1447, %dma_start3A_1448] : memref<2x2x20x1000xf32, #tpu.memory_space<vmem>> -> memref<1x1x20x128xf32, #tpu.memory_space<vmem>>
      %dma_start3A_1450 = tpu.memref_squeeze %dma_start3A_1449 : memref<1x1x20x128xf32, #tpu.memory_space<vmem>> -> memref<20x128xf32, #tpu.memory_space<vmem>>
      %dma_start3A_1451 = arith.constant 400 : i32
      %dma_start3A_1452 = tpu.memref_slice %arg5[%dma_start3A_1451] : memref<752xi32, #tpu.memory_space<vmem>> -> memref<20xi32, #tpu.memory_space<vmem>>
      %dma_start3A_1453 = arith.constant 0 : i32
      %dma_start3A_1454 = arith.constant 0 : i32
      %dma_start3A_1455 = tpu.memref_slice %arg2[%dma_start3A_1453, %dma_start3A_1454] : memref<8000x128xf32, #tpu.memory_space<hbm>> -> memref<8000x128xf32, #tpu.memory_space<hbm>>
      tpu.enqueue_indirect_dma source(%dma_start3A_1455 : memref<8000x128xf32, #tpu.memory_space<hbm>>) target(%dma_start3A_1450 : memref<20x128xf32, #tpu.memory_space<vmem>>) offsets(%dma_start3A_1452 : memref<20xi32, #tpu.memory_space<vmem>>) semaphore(%arg9 : memref<!tpu.dma_semaphore, #tpu.memory_space<semaphore_mem>>)
      %dma_start3A_1456 = arith.constant 1 : i32
      %dma_start3A_1457 = arith.constant 1 : i32
      %dma_start3A_1458 = arith.constant 0 : i32
      %dma_start3A_1459 = arith.constant 128 : i32
      %dma_start3A_1460 = tpu.memref_slice %arg6[%dma_start3A_1456, %dma_start3A_1457, %dma_start3A_1458, %dma_start3A_1459] : memref<2x2x20x1000xf32, #tpu.memory_space<vmem>> -> memref<1x1x20x128xf32, #tpu.memory_space<vmem>>
      %dma_start3A_1461 = tpu.memref_squeeze %dma_start3A_1460 : memref<1x1x20x128xf32, #tpu.memory_space<vmem>> -> memref<20x128xf32, #tpu.memory_space<vmem>>
      %dma_start3A_1462 = arith.constant 448 : i32
      %dma_start3A_1463 = tpu.memref_slice %arg5[%dma_start3A_1462] : memref<752xi32, #tpu.memory_space<vmem>> -> memref<20xi32, #tpu.memory_space<vmem>>
      %dma_start3A_1464 = arith.constant 0 : i32
      %dma_start3A_1465 = arith.constant 0 : i32
      %dma_start3A_1466 = tpu.memref_slice %arg2[%dma_start3A_1464, %dma_start3A_1465] : memref<8000x128xf32, #tpu.memory_space<hbm>> -> memref<8000x128xf32, #tpu.memory_space<hbm>>
      tpu.enqueue_indirect_dma source(%dma_start3A_1466 : memref<8000x128xf32, #tpu.memory_space<hbm>>) target(%dma_start3A_1461 : memref<20x128xf32, #tpu.memory_space<vmem>>) offsets(%dma_start3A_1463 : memref<20xi32, #tpu.memory_space<vmem>>) semaphore(%arg9 : memref<!tpu.dma_semaphore, #tpu.memory_space<semaphore_mem>>)
      %dma_start3A_1467 = arith.constant 1 : i32
      %dma_start3A_1468 = arith.constant 1 : i32
      %dma_start3A_1469 = arith.constant 0 : i32
      %dma_start3A_1470 = arith.constant 256 : i32
      %dma_start3A_1471 = tpu.memref_slice %arg6[%dma_start3A_1467, %dma_start3A_1468, %dma_start3A_1469, %dma_start3A_1470] : memref<2x2x20x1000xf32, #tpu.memory_space<vmem>> -> memref<1x1x20x128xf32, #tpu.memory_space<vmem>>
      %dma_start3A_1472 = tpu.memref_squeeze %dma_start3A_1471 : memref<1x1x20x128xf32, #tpu.memory_space<vmem>> -> memref<20x128xf32, #tpu.memory_space<vmem>>
      %dma_start3A_1473 = arith.constant 496 : i32
      %dma_start3A_1474 = tpu.memref_slice %arg5[%dma_start3A_1473] : memref<752xi32, #tpu.memory_space<vmem>> -> memref<20xi32, #tpu.memory_space<vmem>>
      %dma_start3A_1475 = arith.constant 0 : i32
      %dma_start3A_1476 = arith.constant 0 : i32
      %dma_start3A_1477 = tpu.memref_slice %arg2[%dma_start3A_1475, %dma_start3A_1476] : memref<8000x128xf32, #tpu.memory_space<hbm>> -> memref<8000x128xf32, #tpu.memory_space<hbm>>
      tpu.enqueue_indirect_dma source(%dma_start3A_1477 : memref<8000x128xf32, #tpu.memory_space<hbm>>) target(%dma_start3A_1472 : memref<20x128xf32, #tpu.memory_space<vmem>>) offsets(%dma_start3A_1474 : memref<20xi32, #tpu.memory_space<vmem>>) semaphore(%arg9 : memref<!tpu.dma_semaphore, #tpu.memory_space<semaphore_mem>>)
      %dma_start3A_1478 = arith.constant 1 : i32
      %dma_start3A_1479 = arith.constant 1 : i32
      %dma_start3A_1480 = arith.constant 0 : i32
      %dma_start3A_1481 = arith.constant 384 : i32
      %dma_start3A_1482 = tpu.memref_slice %arg6[%dma_start3A_1478, %dma_start3A_1479, %dma_start3A_1480, %dma_start3A_1481] : memref<2x2x20x1000xf32, #tpu.memory_space<vmem>> -> memref<1x1x20x128xf32, #tpu.memory_space<vmem>>
      %dma_start3A_1483 = tpu.memref_squeeze %dma_start3A_1482 : memref<1x1x20x128xf32, #tpu.memory_space<vmem>> -> memref<20x128xf32, #tpu.memory_space<vmem>>
      %dma_start3A_1484 = arith.constant 544 : i32
      %dma_start3A_1485 = tpu.memref_slice %arg5[%dma_start3A_1484] : memref<752xi32, #tpu.memory_space<vmem>> -> memref<20xi32, #tpu.memory_space<vmem>>
      %dma_start3A_1486 = arith.constant 0 : i32
      %dma_start3A_1487 = arith.constant 0 : i32
      %dma_start3A_1488 = tpu.memref_slice %arg2[%dma_start3A_1486, %dma_start3A_1487] : memref<8000x128xf32, #tpu.memory_space<hbm>> -> memref<8000x128xf32, #tpu.memory_space<hbm>>
      tpu.enqueue_indirect_dma source(%dma_start3A_1488 : memref<8000x128xf32, #tpu.memory_space<hbm>>) target(%dma_start3A_1483 : memref<20x128xf32, #tpu.memory_space<vmem>>) offsets(%dma_start3A_1485 : memref<20xi32, #tpu.memory_space<vmem>>) semaphore(%arg9 : memref<!tpu.dma_semaphore, #tpu.memory_space<semaphore_mem>>)
      %dma_start3A_1489 = arith.constant 1 : i32
      %dma_start3A_1490 = arith.constant 1 : i32
      %dma_start3A_1491 = arith.constant 0 : i32
      %dma_start3A_1492 = arith.constant 512 : i32
      %dma_start3A_1493 = tpu.memref_slice %arg6[%dma_start3A_1489, %dma_start3A_1490, %dma_start3A_1491, %dma_start3A_1492] : memref<2x2x20x1000xf32, #tpu.memory_space<vmem>> -> memref<1x1x20x128xf32, #tpu.memory_space<vmem>>
      %dma_start3A_1494 = tpu.memref_squeeze %dma_start3A_1493 : memref<1x1x20x128xf32, #tpu.memory_space<vmem>> -> memref<20x128xf32, #tpu.memory_space<vmem>>
      %dma_start3A_1495 = arith.constant 592 : i32
      %dma_start3A_1496 = tpu.memref_slice %arg5[%dma_start3A_1495] : memref<752xi32, #tpu.memory_space<vmem>> -> memref<20xi32, #tpu.memory_space<vmem>>
      %dma_start3A_1497 = arith.constant 0 : i32
      %dma_start3A_1498 = arith.constant 0 : i32
      %dma_start3A_1499 = tpu.memref_slice %arg2[%dma_start3A_1497, %dma_start3A_1498] : memref<8000x128xf32, #tpu.memory_space<hbm>> -> memref<8000x128xf32, #tpu.memory_space<hbm>>
      tpu.enqueue_indirect_dma source(%dma_start3A_1499 : memref<8000x128xf32, #tpu.memory_space<hbm>>) target(%dma_start3A_1494 : memref<20x128xf32, #tpu.memory_space<vmem>>) offsets(%dma_start3A_1496 : memref<20xi32, #tpu.memory_space<vmem>>) semaphore(%arg9 : memref<!tpu.dma_semaphore, #tpu.memory_space<semaphore_mem>>)
      %dma_start3A_1500 = arith.constant 1 : i32
      %dma_start3A_1501 = arith.constant 1 : i32
      %dma_start3A_1502 = arith.constant 0 : i32
      %dma_start3A_1503 = arith.constant 640 : i32
      %dma_start3A_1504 = tpu.memref_slice %arg6[%dma_start3A_1500, %dma_start3A_1501, %dma_start3A_1502, %dma_start3A_1503] : memref<2x2x20x1000xf32, #tpu.memory_space<vmem>> -> memref<1x1x20x128xf32, #tpu.memory_space<vmem>>
      %dma_start3A_1505 = tpu.memref_squeeze %dma_start3A_1504 : memref<1x1x20x128xf32, #tpu.memory_space<vmem>> -> memref<20x128xf32, #tpu.memory_space<vmem>>
      %dma_start3A_1506 = arith.constant 640 : i32
      %dma_start3A_1507 = tpu.memref_slice %arg5[%dma_start3A_1506] : memref<752xi32, #tpu.memory_space<vmem>> -> memref<20xi32, #tpu.memory_space<vmem>>
      %dma_start3A_1508 = arith.constant 0 : i32
      %dma_start3A_1509 = arith.constant 0 : i32
      %dma_start3A_1510 = tpu.memref_slice %arg2[%dma_start3A_1508, %dma_start3A_1509] : memref<8000x128xf32, #tpu.memory_space<hbm>> -> memref<8000x128xf32, #tpu.memory_space<hbm>>
      tpu.enqueue_indirect_dma source(%dma_start3A_1510 : memref<8000x128xf32, #tpu.memory_space<hbm>>) target(%dma_start3A_1505 : memref<20x128xf32, #tpu.memory_space<vmem>>) offsets(%dma_start3A_1507 : memref<20xi32, #tpu.memory_space<vmem>>) semaphore(%arg9 : memref<!tpu.dma_semaphore, #tpu.memory_space<semaphore_mem>>)
      %dma_start3A_1511 = arith.constant 1 : i32
      %dma_start3A_1512 = arith.constant 1 : i32
      %dma_start3A_1513 = arith.constant 0 : i32
      %dma_start3A_1514 = arith.constant 768 : i32
      %dma_start3A_1515 = tpu.memref_slice %arg6[%dma_start3A_1511, %dma_start3A_1512, %dma_start3A_1513, %dma_start3A_1514] : memref<2x2x20x1000xf32, #tpu.memory_space<vmem>> -> memref<1x1x20x128xf32, #tpu.memory_space<vmem>>
      %dma_start3A_1516 = tpu.memref_squeeze %dma_start3A_1515 : memref<1x1x20x128xf32, #tpu.memory_space<vmem>> -> memref<20x128xf32, #tpu.memory_space<vmem>>
      %dma_start3A_1517 = arith.constant 688 : i32
      %dma_start3A_1518 = tpu.memref_slice %arg5[%dma_start3A_1517] : memref<752xi32, #tpu.memory_space<vmem>> -> memref<20xi32, #tpu.memory_space<vmem>>
      %dma_start3A_1519 = arith.constant 0 : i32
      %dma_start3A_1520 = arith.constant 0 : i32
      %dma_start3A_1521 = tpu.memref_slice %arg2[%dma_start3A_1519, %dma_start3A_1520] : memref<8000x128xf32, #tpu.memory_space<hbm>> -> memref<8000x128xf32, #tpu.memory_space<hbm>>
      tpu.enqueue_indirect_dma source(%dma_start3A_1521 : memref<8000x128xf32, #tpu.memory_space<hbm>>) target(%dma_start3A_1516 : memref<20x128xf32, #tpu.memory_space<vmem>>) offsets(%dma_start3A_1518 : memref<20xi32, #tpu.memory_space<vmem>>) semaphore(%arg9 : memref<!tpu.dma_semaphore, #tpu.memory_space<semaphore_mem>>)
      %dma_start3A_1522 = arith.constant 1 : i32
      %dma_start3A_1523 = arith.constant 0 : i32
      %dma_start3A_1524 = arith.constant 0 : i32
      %dma_start3A_1525 = tpu.memref_slice %arg7[%dma_start3A_1522, %dma_start3A_1523, %dma_start3A_1524] : memref<2x40x128xf32, #tpu.memory_space<vmem>> -> memref<1x40x128xf32, #tpu.memory_space<vmem>>
      %dma_start3A_1526 = tpu.memref_squeeze %dma_start3A_1525 : memref<1x40x128xf32, #tpu.memory_space<vmem>> -> memref<40x128xf32, #tpu.memory_space<vmem>>
      %dma_start3A_1527 = arith.constant 712 : i32
      %dma_start3A_1528 = tpu.memref_slice %arg5[%dma_start3A_1527] : memref<752xi32, #tpu.memory_space<vmem>> -> memref<40xi32, #tpu.memory_space<vmem>>
      %dma_start3A_1529 = arith.constant 0 : i32
      %dma_start3A_1530 = arith.constant 0 : i32
      %dma_start3A_1531 = tpu.memref_slice %arg2[%dma_start3A_1529, %dma_start3A_1530] : memref<8000x128xf32, #tpu.memory_space<hbm>> -> memref<8000x128xf32, #tpu.memory_space<hbm>>
      tpu.enqueue_indirect_dma source(%dma_start3A_1531 : memref<8000x128xf32, #tpu.memory_space<hbm>>) target(%dma_start3A_1526 : memref<40x128xf32, #tpu.memory_space<vmem>>) offsets(%dma_start3A_1528 : memref<40xi32, #tpu.memory_space<vmem>>) semaphore(%arg9 : memref<!tpu.dma_semaphore, #tpu.memory_space<semaphore_mem>>)
      %add3A_1532 = arith.constant 1 : i32
      %add3A_1533 = arith.addi %add3A_768, %add3A_1532 : i32
      %mul3A_1534 = arith.constant 128 : i32
      %mul3A_1535 = arith.muli %add3A, %mul3A_1534 : i32
      %mul3A_1536 = arith.constant 2 : i32
      %mul3A_1537 = arith.muli %add3A_1533, %mul3A_1536 : i32
      %add3A_1538 = arith.addi %mul3A_1535, %mul3A_1537 : i32
      %dma_start3A_1539 = arith.constant 0 : i32
      %dma_start3A_1540 = arith.constant 0 : i32
      %dma_start3A_1541 = arith.constant 0 : i32
      %dma_start3A_1542 = arith.constant 0 : i32
      %dma_start3A_1543 = tpu.memref_slice %arg6[%dma_start3A_1539, %dma_start3A_1540, %dma_start3A_1541, %dma_start3A_1542] : memref<2x2x20x1000xf32, #tpu.memory_space<vmem>> -> memref<1x2x20x1000xf32, #tpu.memory_space<vmem>>
      %dma_start3A_1544 = tpu.memref_squeeze %dma_start3A_1543 : memref<1x2x20x1000xf32, #tpu.memory_space<vmem>> -> memref<2x20x1000xf32, #tpu.memory_space<vmem>>
      %dma_start3A_1545 = arith.constant 0 : i32
      %dma_start3A_1546 = arith.constant 0 : i32
      %dma_start3A_1547 = tpu.memref_slice %arg4[%add3A_1538, %dma_start3A_1545, %dma_start3A_1546] : memref<4096x20x1000xf32, #tpu.memory_space<hbm>> -> memref<2x20x1000xf32, #tpu.memory_space<hbm>>
      %dma_start3A_1548 = arith.constant 0 : i32
      %dma_start3A_1549 = arith.constant 0 : i32
      %dma_start3A_1550 = tpu.memref_slice %arg4[%add3A_1538, %dma_start3A_1548, %dma_start3A_1549] : memref<4096x20x1000xf32, #tpu.memory_space<hbm>> -> memref<2x20x1000xf32, #tpu.memory_space<hbm>>
      %dma_start3A_1551 = arith.constant 0 : i32
      %dma_start3A_1552 = arith.constant 0 : i32
      %dma_start3A_1553 = arith.constant 0 : i32
      %dma_start3A_1554 = tpu.memref_slice %arg6[%dma_start3A_1539, %dma_start3A_1551, %dma_start3A_1552, %dma_start3A_1553] : memref<2x2x20x1000xf32, #tpu.memory_space<vmem>> -> memref<1x2x20x1000xf32, #tpu.memory_space<vmem>>
      %dma_start3A_1555 = tpu.memref_squeeze %dma_start3A_1554 : memref<1x2x20x1000xf32, #tpu.memory_space<vmem>> -> memref<2x20x1000xf32, #tpu.memory_space<vmem>>
      tpu.enqueue_dma source(%dma_start3A_1555 : memref<2x20x1000xf32, #tpu.memory_space<vmem>>) target(%dma_start3A_1550 : memref<2x20x1000xf32, #tpu.memory_space<hbm>>) target_semaphore(%arg10 : memref<!tpu.dma_semaphore, #tpu.memory_space<semaphore_mem>>)
      %scan3A_1556 = arith.constant 0 : i32
      scf.yield %scan3A_1556 : i32
    }
    %scan3A_528 = arith.constant 31 : i32
    %dma_wait3A_529 = arith.constant 1 : i32
    %dma_wait3A_530 = arith.constant 0 : i32
    %dma_wait3A_531 = arith.constant 0 : i32
    %dma_wait3A_532 = arith.constant 0 : i32
    %dma_wait3A_533 = tpu.memref_slice %arg6[%dma_wait3A_529, %dma_wait3A_530, %dma_wait3A_531, %dma_wait3A_532] : memref<2x2x20x1000xf32, #tpu.memory_space<vmem>> -> memref<1x1x20x128xf32, #tpu.memory_space<vmem>>
    %dma_wait3A_534 = tpu.memref_squeeze %dma_wait3A_533 : memref<1x1x20x128xf32, #tpu.memory_space<vmem>> -> memref<20x128xf32, #tpu.memory_space<vmem>>
    %dma_wait3A_535 = arith.constant 0 : i32
    %dma_wait3A_536 = tpu.memref_slice %arg5[%dma_wait3A_535] : memref<752xi32, #tpu.memory_space<vmem>> -> memref<20xi32, #tpu.memory_space<vmem>>
    %dma_wait3A_537 = arith.constant 0 : i32
    %dma_wait3A_538 = arith.constant 0 : i32
    %dma_wait3A_539 = tpu.memref_slice %arg2[%dma_wait3A_537, %dma_wait3A_538] : memref<8000x128xf32, #tpu.memory_space<hbm>> -> memref<8000x128xf32, #tpu.memory_space<hbm>>
    tpu.wait_indirect_dma semaphore(%arg9 : memref<!tpu.dma_semaphore, #tpu.memory_space<semaphore_mem>>) src(%dma_wait3A_539 : memref<8000x128xf32, #tpu.memory_space<hbm>>) dst(%dma_wait3A_534 : memref<20x128xf32, #tpu.memory_space<vmem>>)
    %dma_wait3A_540 = arith.constant 1 : i32
    %dma_wait3A_541 = arith.constant 0 : i32
    %dma_wait3A_542 = arith.constant 0 : i32
    %dma_wait3A_543 = arith.constant 128 : i32
    %dma_wait3A_544 = tpu.memref_slice %arg6[%dma_wait3A_540, %dma_wait3A_541, %dma_wait3A_542, %dma_wait3A_543] : memref<2x2x20x1000xf32, #tpu.memory_space<vmem>> -> memref<1x1x20x128xf32, #tpu.memory_space<vmem>>
    %dma_wait3A_545 = tpu.memref_squeeze %dma_wait3A_544 : memref<1x1x20x128xf32, #tpu.memory_space<vmem>> -> memref<20x128xf32, #tpu.memory_space<vmem>>
    %dma_wait3A_546 = arith.constant 48 : i32
    %dma_wait3A_547 = tpu.memref_slice %arg5[%dma_wait3A_546] : memref<752xi32, #tpu.memory_space<vmem>> -> memref<20xi32, #tpu.memory_space<vmem>>
    %dma_wait3A_548 = arith.constant 0 : i32
    %dma_wait3A_549 = arith.constant 0 : i32
    %dma_wait3A_550 = tpu.memref_slice %arg2[%dma_wait3A_548, %dma_wait3A_549] : memref<8000x128xf32, #tpu.memory_space<hbm>> -> memref<8000x128xf32, #tpu.memory_space<hbm>>
    tpu.wait_indirect_dma semaphore(%arg9 : memref<!tpu.dma_semaphore, #tpu.memory_space<semaphore_mem>>) src(%dma_wait3A_550 : memref<8000x128xf32, #tpu.memory_space<hbm>>) dst(%dma_wait3A_545 : memref<20x128xf32, #tpu.memory_space<vmem>>)
    %dma_wait3A_551 = arith.constant 1 : i32
    %dma_wait3A_552 = arith.constant 0 : i32
    %dma_wait3A_553 = arith.constant 0 : i32
    %dma_wait3A_554 = arith.constant 256 : i32
    %dma_wait3A_555 = tpu.memref_slice %arg6[%dma_wait3A_551, %dma_wait3A_552, %dma_wait3A_553, %dma_wait3A_554] : memref<2x2x20x1000xf32, #tpu.memory_space<vmem>> -> memref<1x1x20x128xf32, #tpu.memory_space<vmem>>
    %dma_wait3A_556 = tpu.memref_squeeze %dma_wait3A_555 : memref<1x1x20x128xf32, #tpu.memory_space<vmem>> -> memref<20x128xf32, #tpu.memory_space<vmem>>
    %dma_wait3A_557 = arith.constant 96 : i32
    %dma_wait3A_558 = tpu.memref_slice %arg5[%dma_wait3A_557] : memref<752xi32, #tpu.memory_space<vmem>> -> memref<20xi32, #tpu.memory_space<vmem>>
    %dma_wait3A_559 = arith.constant 0 : i32
    %dma_wait3A_560 = arith.constant 0 : i32
    %dma_wait3A_561 = tpu.memref_slice %arg2[%dma_wait3A_559, %dma_wait3A_560] : memref<8000x128xf32, #tpu.memory_space<hbm>> -> memref<8000x128xf32, #tpu.memory_space<hbm>>
    tpu.wait_indirect_dma semaphore(%arg9 : memref<!tpu.dma_semaphore, #tpu.memory_space<semaphore_mem>>) src(%dma_wait3A_561 : memref<8000x128xf32, #tpu.memory_space<hbm>>) dst(%dma_wait3A_556 : memref<20x128xf32, #tpu.memory_space<vmem>>)
    %dma_wait3A_562 = arith.constant 1 : i32
    %dma_wait3A_563 = arith.constant 0 : i32
    %dma_wait3A_564 = arith.constant 0 : i32
    %dma_wait3A_565 = arith.constant 384 : i32
    %dma_wait3A_566 = tpu.memref_slice %arg6[%dma_wait3A_562, %dma_wait3A_563, %dma_wait3A_564, %dma_wait3A_565] : memref<2x2x20x1000xf32, #tpu.memory_space<vmem>> -> memref<1x1x20x128xf32, #tpu.memory_space<vmem>>
    %dma_wait3A_567 = tpu.memref_squeeze %dma_wait3A_566 : memref<1x1x20x128xf32, #tpu.memory_space<vmem>> -> memref<20x128xf32, #tpu.memory_space<vmem>>
    %dma_wait3A_568 = arith.constant 144 : i32
    %dma_wait3A_569 = tpu.memref_slice %arg5[%dma_wait3A_568] : memref<752xi32, #tpu.memory_space<vmem>> -> memref<20xi32, #tpu.memory_space<vmem>>
    %dma_wait3A_570 = arith.constant 0 : i32
    %dma_wait3A_571 = arith.constant 0 : i32
    %dma_wait3A_572 = tpu.memref_slice %arg2[%dma_wait3A_570, %dma_wait3A_571] : memref<8000x128xf32, #tpu.memory_space<hbm>> -> memref<8000x128xf32, #tpu.memory_space<hbm>>
    tpu.wait_indirect_dma semaphore(%arg9 : memref<!tpu.dma_semaphore, #tpu.memory_space<semaphore_mem>>) src(%dma_wait3A_572 : memref<8000x128xf32, #tpu.memory_space<hbm>>) dst(%dma_wait3A_567 : memref<20x128xf32, #tpu.memory_space<vmem>>)
    %dma_wait3A_573 = arith.constant 1 : i32
    %dma_wait3A_574 = arith.constant 0 : i32
    %dma_wait3A_575 = arith.constant 0 : i32
    %dma_wait3A_576 = arith.constant 512 : i32
    %dma_wait3A_577 = tpu.memref_slice %arg6[%dma_wait3A_573, %dma_wait3A_574, %dma_wait3A_575, %dma_wait3A_576] : memref<2x2x20x1000xf32, #tpu.memory_space<vmem>> -> memref<1x1x20x128xf32, #tpu.memory_space<vmem>>
    %dma_wait3A_578 = tpu.memref_squeeze %dma_wait3A_577 : memref<1x1x20x128xf32, #tpu.memory_space<vmem>> -> memref<20x128xf32, #tpu.memory_space<vmem>>
    %dma_wait3A_579 = arith.constant 192 : i32
    %dma_wait3A_580 = tpu.memref_slice %arg5[%dma_wait3A_579] : memref<752xi32, #tpu.memory_space<vmem>> -> memref<20xi32, #tpu.memory_space<vmem>>
    %dma_wait3A_581 = arith.constant 0 : i32
    %dma_wait3A_582 = arith.constant 0 : i32
    %dma_wait3A_583 = tpu.memref_slice %arg2[%dma_wait3A_581, %dma_wait3A_582] : memref<8000x128xf32, #tpu.memory_space<hbm>> -> memref<8000x128xf32, #tpu.memory_space<hbm>>
    tpu.wait_indirect_dma semaphore(%arg9 : memref<!tpu.dma_semaphore, #tpu.memory_space<semaphore_mem>>) src(%dma_wait3A_583 : memref<8000x128xf32, #tpu.memory_space<hbm>>) dst(%dma_wait3A_578 : memref<20x128xf32, #tpu.memory_space<vmem>>)
    %dma_wait3A_584 = arith.constant 1 : i32
    %dma_wait3A_585 = arith.constant 0 : i32
    %dma_wait3A_586 = arith.constant 0 : i32
    %dma_wait3A_587 = arith.constant 640 : i32
    %dma_wait3A_588 = tpu.memref_slice %arg6[%dma_wait3A_584, %dma_wait3A_585, %dma_wait3A_586, %dma_wait3A_587] : memref<2x2x20x1000xf32, #tpu.memory_space<vmem>> -> memref<1x1x20x128xf32, #tpu.memory_space<vmem>>
    %dma_wait3A_589 = tpu.memref_squeeze %dma_wait3A_588 : memref<1x1x20x128xf32, #tpu.memory_space<vmem>> -> memref<20x128xf32, #tpu.memory_space<vmem>>
    %dma_wait3A_590 = arith.constant 240 : i32
    %dma_wait3A_591 = tpu.memref_slice %arg5[%dma_wait3A_590] : memref<752xi32, #tpu.memory_space<vmem>> -> memref<20xi32, #tpu.memory_space<vmem>>
    %dma_wait3A_592 = arith.constant 0 : i32
    %dma_wait3A_593 = arith.constant 0 : i32
    %dma_wait3A_594 = tpu.memref_slice %arg2[%dma_wait3A_592, %dma_wait3A_593] : memref<8000x128xf32, #tpu.memory_space<hbm>> -> memref<8000x128xf32, #tpu.memory_space<hbm>>
    tpu.wait_indirect_dma semaphore(%arg9 : memref<!tpu.dma_semaphore, #tpu.memory_space<semaphore_mem>>) src(%dma_wait3A_594 : memref<8000x128xf32, #tpu.memory_space<hbm>>) dst(%dma_wait3A_589 : memref<20x128xf32, #tpu.memory_space<vmem>>)
    %dma_wait3A_595 = arith.constant 1 : i32
    %dma_wait3A_596 = arith.constant 0 : i32
    %dma_wait3A_597 = arith.constant 0 : i32
    %dma_wait3A_598 = arith.constant 768 : i32
    %dma_wait3A_599 = tpu.memref_slice %arg6[%dma_wait3A_595, %dma_wait3A_596, %dma_wait3A_597, %dma_wait3A_598] : memref<2x2x20x1000xf32, #tpu.memory_space<vmem>> -> memref<1x1x20x128xf32, #tpu.memory_space<vmem>>
    %dma_wait3A_600 = tpu.memref_squeeze %dma_wait3A_599 : memref<1x1x20x128xf32, #tpu.memory_space<vmem>> -> memref<20x128xf32, #tpu.memory_space<vmem>>
    %dma_wait3A_601 = arith.constant 288 : i32
    %dma_wait3A_602 = tpu.memref_slice %arg5[%dma_wait3A_601] : memref<752xi32, #tpu.memory_space<vmem>> -> memref<20xi32, #tpu.memory_space<vmem>>
    %dma_wait3A_603 = arith.constant 0 : i32
    %dma_wait3A_604 = arith.constant 0 : i32
    %dma_wait3A_605 = tpu.memref_slice %arg2[%dma_wait3A_603, %dma_wait3A_604] : memref<8000x128xf32, #tpu.memory_space<hbm>> -> memref<8000x128xf32, #tpu.memory_space<hbm>>
    tpu.wait_indirect_dma semaphore(%arg9 : memref<!tpu.dma_semaphore, #tpu.memory_space<semaphore_mem>>) src(%dma_wait3A_605 : memref<8000x128xf32, #tpu.memory_space<hbm>>) dst(%dma_wait3A_600 : memref<20x128xf32, #tpu.memory_space<vmem>>)
    %dma_wait3A_606 = arith.constant 1 : i32
    %dma_wait3A_607 = arith.constant 1 : i32
    %dma_wait3A_608 = arith.constant 0 : i32
    %dma_wait3A_609 = arith.constant 0 : i32
    %dma_wait3A_610 = tpu.memref_slice %arg6[%dma_wait3A_606, %dma_wait3A_607, %dma_wait3A_608, %dma_wait3A_609] : memref<2x2x20x1000xf32, #tpu.memory_space<vmem>> -> memref<1x1x20x128xf32, #tpu.memory_space<vmem>>
    %dma_wait3A_611 = tpu.memref_squeeze %dma_wait3A_610 : memref<1x1x20x128xf32, #tpu.memory_space<vmem>> -> memref<20x128xf32, #tpu.memory_space<vmem>>
    %dma_wait3A_612 = arith.constant 24 : i32
    %dma_wait3A_613 = tpu.memref_slice %arg5[%dma_wait3A_612] : memref<752xi32, #tpu.memory_space<vmem>> -> memref<20xi32, #tpu.memory_space<vmem>>
    %dma_wait3A_614 = arith.constant 0 : i32
    %dma_wait3A_615 = arith.constant 0 : i32
    %dma_wait3A_616 = tpu.memref_slice %arg2[%dma_wait3A_614, %dma_wait3A_615] : memref<8000x128xf32, #tpu.memory_space<hbm>> -> memref<8000x128xf32, #tpu.memory_space<hbm>>
    tpu.wait_indirect_dma semaphore(%arg9 : memref<!tpu.dma_semaphore, #tpu.memory_space<semaphore_mem>>) src(%dma_wait3A_616 : memref<8000x128xf32, #tpu.memory_space<hbm>>) dst(%dma_wait3A_611 : memref<20x128xf32, #tpu.memory_space<vmem>>)
    %dma_wait3A_617 = arith.constant 1 : i32
    %dma_wait3A_618 = arith.constant 1 : i32
    %dma_wait3A_619 = arith.constant 0 : i32
    %dma_wait3A_620 = arith.constant 128 : i32
    %dma_wait3A_621 = tpu.memref_slice %arg6[%dma_wait3A_617, %dma_wait3A_618, %dma_wait3A_619, %dma_wait3A_620] : memref<2x2x20x1000xf32, #tpu.memory_space<vmem>> -> memref<1x1x20x128xf32, #tpu.memory_space<vmem>>
    %dma_wait3A_622 = tpu.memref_squeeze %dma_wait3A_621 : memref<1x1x20x128xf32, #tpu.memory_space<vmem>> -> memref<20x128xf32, #tpu.memory_space<vmem>>
    %dma_wait3A_623 = arith.constant 72 : i32
    %dma_wait3A_624 = tpu.memref_slice %arg5[%dma_wait3A_623] : memref<752xi32, #tpu.memory_space<vmem>> -> memref<20xi32, #tpu.memory_space<vmem>>
    %dma_wait3A_625 = arith.constant 0 : i32
    %dma_wait3A_626 = arith.constant 0 : i32
    %dma_wait3A_627 = tpu.memref_slice %arg2[%dma_wait3A_625, %dma_wait3A_626] : memref<8000x128xf32, #tpu.memory_space<hbm>> -> memref<8000x128xf32, #tpu.memory_space<hbm>>
    tpu.wait_indirect_dma semaphore(%arg9 : memref<!tpu.dma_semaphore, #tpu.memory_space<semaphore_mem>>) src(%dma_wait3A_627 : memref<8000x128xf32, #tpu.memory_space<hbm>>) dst(%dma_wait3A_622 : memref<20x128xf32, #tpu.memory_space<vmem>>)
    %dma_wait3A_628 = arith.constant 1 : i32
    %dma_wait3A_629 = arith.constant 1 : i32
    %dma_wait3A_630 = arith.constant 0 : i32
    %dma_wait3A_631 = arith.constant 256 : i32
    %dma_wait3A_632 = tpu.memref_slice %arg6[%dma_wait3A_628, %dma_wait3A_629, %dma_wait3A_630, %dma_wait3A_631] : memref<2x2x20x1000xf32, #tpu.memory_space<vmem>> -> memref<1x1x20x128xf32, #tpu.memory_space<vmem>>
    %dma_wait3A_633 = tpu.memref_squeeze %dma_wait3A_632 : memref<1x1x20x128xf32, #tpu.memory_space<vmem>> -> memref<20x128xf32, #tpu.memory_space<vmem>>
    %dma_wait3A_634 = arith.constant 120 : i32
    %dma_wait3A_635 = tpu.memref_slice %arg5[%dma_wait3A_634] : memref<752xi32, #tpu.memory_space<vmem>> -> memref<20xi32, #tpu.memory_space<vmem>>
    %dma_wait3A_636 = arith.constant 0 : i32
    %dma_wait3A_637 = arith.constant 0 : i32
    %dma_wait3A_638 = tpu.memref_slice %arg2[%dma_wait3A_636, %dma_wait3A_637] : memref<8000x128xf32, #tpu.memory_space<hbm>> -> memref<8000x128xf32, #tpu.memory_space<hbm>>
    tpu.wait_indirect_dma semaphore(%arg9 : memref<!tpu.dma_semaphore, #tpu.memory_space<semaphore_mem>>) src(%dma_wait3A_638 : memref<8000x128xf32, #tpu.memory_space<hbm>>) dst(%dma_wait3A_633 : memref<20x128xf32, #tpu.memory_space<vmem>>)
    %dma_wait3A_639 = arith.constant 1 : i32
    %dma_wait3A_640 = arith.constant 1 : i32
    %dma_wait3A_641 = arith.constant 0 : i32
    %dma_wait3A_642 = arith.constant 384 : i32
    %dma_wait3A_643 = tpu.memref_slice %arg6[%dma_wait3A_639, %dma_wait3A_640, %dma_wait3A_641, %dma_wait3A_642] : memref<2x2x20x1000xf32, #tpu.memory_space<vmem>> -> memref<1x1x20x128xf32, #tpu.memory_space<vmem>>
    %dma_wait3A_644 = tpu.memref_squeeze %dma_wait3A_643 : memref<1x1x20x128xf32, #tpu.memory_space<vmem>> -> memref<20x128xf32, #tpu.memory_space<vmem>>
    %dma_wait3A_645 = arith.constant 168 : i32
    %dma_wait3A_646 = tpu.memref_slice %arg5[%dma_wait3A_645] : memref<752xi32, #tpu.memory_space<vmem>> -> memref<20xi32, #tpu.memory_space<vmem>>
    %dma_wait3A_647 = arith.constant 0 : i32
    %dma_wait3A_648 = arith.constant 0 : i32
    %dma_wait3A_649 = tpu.memref_slice %arg2[%dma_wait3A_647, %dma_wait3A_648] : memref<8000x128xf32, #tpu.memory_space<hbm>> -> memref<8000x128xf32, #tpu.memory_space<hbm>>
    tpu.wait_indirect_dma semaphore(%arg9 : memref<!tpu.dma_semaphore, #tpu.memory_space<semaphore_mem>>) src(%dma_wait3A_649 : memref<8000x128xf32, #tpu.memory_space<hbm>>) dst(%dma_wait3A_644 : memref<20x128xf32, #tpu.memory_space<vmem>>)
    %dma_wait3A_650 = arith.constant 1 : i32
    %dma_wait3A_651 = arith.constant 1 : i32
    %dma_wait3A_652 = arith.constant 0 : i32
    %dma_wait3A_653 = arith.constant 512 : i32
    %dma_wait3A_654 = tpu.memref_slice %arg6[%dma_wait3A_650, %dma_wait3A_651, %dma_wait3A_652, %dma_wait3A_653] : memref<2x2x20x1000xf32, #tpu.memory_space<vmem>> -> memref<1x1x20x128xf32, #tpu.memory_space<vmem>>
    %dma_wait3A_655 = tpu.memref_squeeze %dma_wait3A_654 : memref<1x1x20x128xf32, #tpu.memory_space<vmem>> -> memref<20x128xf32, #tpu.memory_space<vmem>>
    %dma_wait3A_656 = arith.constant 216 : i32
    %dma_wait3A_657 = tpu.memref_slice %arg5[%dma_wait3A_656] : memref<752xi32, #tpu.memory_space<vmem>> -> memref<20xi32, #tpu.memory_space<vmem>>
    %dma_wait3A_658 = arith.constant 0 : i32
    %dma_wait3A_659 = arith.constant 0 : i32
    %dma_wait3A_660 = tpu.memref_slice %arg2[%dma_wait3A_658, %dma_wait3A_659] : memref<8000x128xf32, #tpu.memory_space<hbm>> -> memref<8000x128xf32, #tpu.memory_space<hbm>>
    tpu.wait_indirect_dma semaphore(%arg9 : memref<!tpu.dma_semaphore, #tpu.memory_space<semaphore_mem>>) src(%dma_wait3A_660 : memref<8000x128xf32, #tpu.memory_space<hbm>>) dst(%dma_wait3A_655 : memref<20x128xf32, #tpu.memory_space<vmem>>)
    %dma_wait3A_661 = arith.constant 1 : i32
    %dma_wait3A_662 = arith.constant 1 : i32
    %dma_wait3A_663 = arith.constant 0 : i32
    %dma_wait3A_664 = arith.constant 640 : i32
    %dma_wait3A_665 = tpu.memref_slice %arg6[%dma_wait3A_661, %dma_wait3A_662, %dma_wait3A_663, %dma_wait3A_664] : memref<2x2x20x1000xf32, #tpu.memory_space<vmem>> -> memref<1x1x20x128xf32, #tpu.memory_space<vmem>>
    %dma_wait3A_666 = tpu.memref_squeeze %dma_wait3A_665 : memref<1x1x20x128xf32, #tpu.memory_space<vmem>> -> memref<20x128xf32, #tpu.memory_space<vmem>>
    %dma_wait3A_667 = arith.constant 264 : i32
    %dma_wait3A_668 = tpu.memref_slice %arg5[%dma_wait3A_667] : memref<752xi32, #tpu.memory_space<vmem>> -> memref<20xi32, #tpu.memory_space<vmem>>
    %dma_wait3A_669 = arith.constant 0 : i32
    %dma_wait3A_670 = arith.constant 0 : i32
    %dma_wait3A_671 = tpu.memref_slice %arg2[%dma_wait3A_669, %dma_wait3A_670] : memref<8000x128xf32, #tpu.memory_space<hbm>> -> memref<8000x128xf32, #tpu.memory_space<hbm>>
    tpu.wait_indirect_dma semaphore(%arg9 : memref<!tpu.dma_semaphore, #tpu.memory_space<semaphore_mem>>) src(%dma_wait3A_671 : memref<8000x128xf32, #tpu.memory_space<hbm>>) dst(%dma_wait3A_666 : memref<20x128xf32, #tpu.memory_space<vmem>>)
    %dma_wait3A_672 = arith.constant 1 : i32
    %dma_wait3A_673 = arith.constant 1 : i32
    %dma_wait3A_674 = arith.constant 0 : i32
    %dma_wait3A_675 = arith.constant 768 : i32
    %dma_wait3A_676 = tpu.memref_slice %arg6[%dma_wait3A_672, %dma_wait3A_673, %dma_wait3A_674, %dma_wait3A_675] : memref<2x2x20x1000xf32, #tpu.memory_space<vmem>> -> memref<1x1x20x128xf32, #tpu.memory_space<vmem>>
    %dma_wait3A_677 = tpu.memref_squeeze %dma_wait3A_676 : memref<1x1x20x128xf32, #tpu.memory_space<vmem>> -> memref<20x128xf32, #tpu.memory_space<vmem>>
    %dma_wait3A_678 = arith.constant 312 : i32
    %dma_wait3A_679 = tpu.memref_slice %arg5[%dma_wait3A_678] : memref<752xi32, #tpu.memory_space<vmem>> -> memref<20xi32, #tpu.memory_space<vmem>>
    %dma_wait3A_680 = arith.constant 0 : i32
    %dma_wait3A_681 = arith.constant 0 : i32
    %dma_wait3A_682 = tpu.memref_slice %arg2[%dma_wait3A_680, %dma_wait3A_681] : memref<8000x128xf32, #tpu.memory_space<hbm>> -> memref<8000x128xf32, #tpu.memory_space<hbm>>
    tpu.wait_indirect_dma semaphore(%arg9 : memref<!tpu.dma_semaphore, #tpu.memory_space<semaphore_mem>>) src(%dma_wait3A_682 : memref<8000x128xf32, #tpu.memory_space<hbm>>) dst(%dma_wait3A_677 : memref<20x128xf32, #tpu.memory_space<vmem>>)
    %dma_wait3A_683 = arith.constant 1 : i32
    %dma_wait3A_684 = arith.constant 0 : i32
    %dma_wait3A_685 = arith.constant 0 : i32
    %dma_wait3A_686 = tpu.memref_slice %arg7[%dma_wait3A_683, %dma_wait3A_684, %dma_wait3A_685] : memref<2x40x128xf32, #tpu.memory_space<vmem>> -> memref<1x40x128xf32, #tpu.memory_space<vmem>>
    %dma_wait3A_687 = tpu.memref_squeeze %dma_wait3A_686 : memref<1x40x128xf32, #tpu.memory_space<vmem>> -> memref<40x128xf32, #tpu.memory_space<vmem>>
    %dma_wait3A_688 = arith.constant 0 : i32
    %dma_wait3A_689 = tpu.memref_slice %arg5[%dma_wait3A_688] : memref<752xi32, #tpu.memory_space<vmem>> -> memref<40xi32, #tpu.memory_space<vmem>>
    %dma_wait3A_690 = arith.constant 0 : i32
    %dma_wait3A_691 = arith.constant 0 : i32
    %dma_wait3A_692 = tpu.memref_slice %arg2[%dma_wait3A_690, %dma_wait3A_691] : memref<8000x128xf32, #tpu.memory_space<hbm>> -> memref<8000x128xf32, #tpu.memory_space<hbm>>
    tpu.wait_indirect_dma semaphore(%arg9 : memref<!tpu.dma_semaphore, #tpu.memory_space<semaphore_mem>>) src(%dma_wait3A_692 : memref<8000x128xf32, #tpu.memory_space<hbm>>) dst(%dma_wait3A_687 : memref<40x128xf32, #tpu.memory_space<vmem>>)
    %scan3A_693 = arith.constant 0 : i32
    %scan3A_694 = arith.constant 0 : i32
    %scan3A_695 = arith.constant 20 : i32
    %scan3A_696 = arith.addi %scan3A_694, %scan3A_695 : i32
    %scan3A_697 = arith.constant 1 : i32
    %scan3A_698 = scf.for %scan3A_763 = %scan3A_694 to %scan3A_696 step %scan3A_697 iter_args(%scan3A_764 = %scan3A_693) -> (i32)  : i32 {
      %add3A_765 = arith.constant 0 : i32
      %add3A_766 = arith.addi %add3A_765, %scan3A_763 : i32
      %get3A = arith.constant 1 : i32
      %get3A_767 = arith.index_cast %get3A : i32 to index
      %get3A_768 = arith.index_cast %add3A_766 : i32 to index
      %get3A_769 = arith.constant 0 : index
      %get3A_770 = tpu.vector_load %arg7[%get3A_767, %get3A_768, %get3A_769] {strides = array<i32>} : memref<2x40x128xf32, #tpu.memory_space<vmem>>, vector<1x1x16xf32>,
      %get3A_771 = vector.shape_cast %get3A_770 : vector<1x1x16xf32> to vector<16xf32>
      %swap3A = arith.constant 1 : i32
      %swap3A_772 = arith.constant 0 : i32
      %swap3A_773 = arith.index_cast %swap3A : i32 to index
      %swap3A_774 = arith.index_cast %swap3A_772 : i32 to index
      %swap3A_775 = arith.index_cast %scan3A_763 : i32 to index
      %swap3A_776 = arith.constant 896 : index
      %swap3A_777 = tpu.vector_load %arg6[%swap3A_773, %swap3A_774, %swap3A_775, %swap3A_776] {strides = array<i32>} : memref<2x2x20x1000xf32, #tpu.memory_space<vmem>>, vector<1x1x1x16xf32>,
      %swap3A_778 = vector.shape_cast %swap3A_777 : vector<1x1x1x16xf32> to vector<16xf32>
      %swap3A_779 = vector.shape_cast %get3A_771 : vector<16xf32> to vector<1x1x1x16xf32>
      tpu.vector_store %arg6[%swap3A_773, %swap3A_774, %swap3A_775, %swap3A_776], %swap3A_779 {strides = array<i32>} : memref<2x2x20x1000xf32, #tpu.memory_space<vmem>>, vector<1x1x1x16xf32>,
      %add3A_780 = arith.constant 0 : i32
      %add3A_781 = arith.addi %add3A_780, %scan3A_763 : i32
      %get3A_782 = arith.constant 1 : i32
      %get3A_783 = arith.index_cast %get3A_782 : i32 to index
      %get3A_784 = arith.index_cast %add3A_781 : i32 to index
      %get3A_785 = arith.constant 16 : index
      %get3A_786 = tpu.vector_load %arg7[%get3A_783, %get3A_784, %get3A_785] {strides = array<i32>} : memref<2x40x128xf32, #tpu.memory_space<vmem>>, vector<1x1x16xf32>,
      %get3A_787 = vector.shape_cast %get3A_786 : vector<1x1x16xf32> to vector<16xf32>
      %swap3A_788 = arith.constant 1 : i32
      %swap3A_789 = arith.constant 0 : i32
      %swap3A_790 = arith.index_cast %swap3A_788 : i32 to index
      %swap3A_791 = arith.index_cast %swap3A_789 : i32 to index
      %swap3A_792 = arith.index_cast %scan3A_763 : i32 to index
      %swap3A_793 = arith.constant 912 : index
      %swap3A_794 = tpu.vector_load %arg6[%swap3A_790, %swap3A_791, %swap3A_792, %swap3A_793] {strides = array<i32>} : memref<2x2x20x1000xf32, #tpu.memory_space<vmem>>, vector<1x1x1x16xf32>,
      %swap3A_795 = vector.shape_cast %swap3A_794 : vector<1x1x1x16xf32> to vector<16xf32>
      %swap3A_796 = vector.shape_cast %get3A_787 : vector<16xf32> to vector<1x1x1x16xf32>
      tpu.vector_store %arg6[%swap3A_790, %swap3A_791, %swap3A_792, %swap3A_793], %swap3A_796 {strides = array<i32>} : memref<2x2x20x1000xf32, #tpu.memory_space<vmem>>, vector<1x1x1x16xf32>,
      %add3A_797 = arith.constant 0 : i32
      %add3A_798 = arith.addi %add3A_797, %scan3A_763 : i32
      %get3A_799 = arith.constant 1 : i32
      %get3A_800 = arith.index_cast %get3A_799 : i32 to index
      %get3A_801 = arith.index_cast %add3A_798 : i32 to index
      %get3A_802 = arith.constant 32 : index
      %get3A_803 = tpu.vector_load %arg7[%get3A_800, %get3A_801, %get3A_802] {strides = array<i32>} : memref<2x40x128xf32, #tpu.memory_space<vmem>>, vector<1x1x16xf32>,
      %get3A_804 = vector.shape_cast %get3A_803 : vector<1x1x16xf32> to vector<16xf32>
      %swap3A_805 = arith.constant 1 : i32
      %swap3A_806 = arith.constant 0 : i32
      %swap3A_807 = arith.index_cast %swap3A_805 : i32 to index
      %swap3A_808 = arith.index_cast %swap3A_806 : i32 to index
      %swap3A_809 = arith.index_cast %scan3A_763 : i32 to index
      %swap3A_810 = arith.constant 928 : index
      %swap3A_811 = tpu.vector_load %arg6[%swap3A_807, %swap3A_808, %swap3A_809, %swap3A_810] {strides = array<i32>} : memref<2x2x20x1000xf32, #tpu.memory_space<vmem>>, vector<1x1x1x16xf32>,
      %swap3A_812 = vector.shape_cast %swap3A_811 : vector<1x1x1x16xf32> to vector<16xf32>
      %swap3A_813 = vector.shape_cast %get3A_804 : vector<16xf32> to vector<1x1x1x16xf32>
      tpu.vector_store %arg6[%swap3A_807, %swap3A_808, %swap3A_809, %swap3A_810], %swap3A_813 {strides = array<i32>} : memref<2x2x20x1000xf32, #tpu.memory_space<vmem>>, vector<1x1x1x16xf32>,
      %add3A_814 = arith.constant 0 : i32
      %add3A_815 = arith.addi %add3A_814, %scan3A_763 : i32
      %get3A_816 = arith.constant 1 : i32
      %get3A_817 = arith.index_cast %get3A_816 : i32 to index
      %get3A_818 = arith.index_cast %add3A_815 : i32 to index
      %get3A_819 = arith.constant 48 : index
      %get3A_820 = tpu.vector_load %arg7[%get3A_817, %get3A_818, %get3A_819] {strides = array<i32>} : memref<2x40x128xf32, #tpu.memory_space<vmem>>, vector<1x1x16xf32>,
      %get3A_821 = vector.shape_cast %get3A_820 : vector<1x1x16xf32> to vector<16xf32>
      %swap3A_822 = arith.constant 1 : i32
      %swap3A_823 = arith.constant 0 : i32
      %swap3A_824 = arith.index_cast %swap3A_822 : i32 to index
      %swap3A_825 = arith.index_cast %swap3A_823 : i32 to index
      %swap3A_826 = arith.index_cast %scan3A_763 : i32 to index
      %swap3A_827 = arith.constant 944 : index
      %swap3A_828 = tpu.vector_load %arg6[%swap3A_824, %swap3A_825, %swap3A_826, %swap3A_827] {strides = array<i32>} : memref<2x2x20x1000xf32, #tpu.memory_space<vmem>>, vector<1x1x1x16xf32>,
      %swap3A_829 = vector.shape_cast %swap3A_828 : vector<1x1x1x16xf32> to vector<16xf32>
      %swap3A_830 = vector.shape_cast %get3A_821 : vector<16xf32> to vector<1x1x1x16xf32>
      tpu.vector_store %arg6[%swap3A_824, %swap3A_825, %swap3A_826, %swap3A_827], %swap3A_830 {strides = array<i32>} : memref<2x2x20x1000xf32, #tpu.memory_space<vmem>>, vector<1x1x1x16xf32>,
      %add3A_831 = arith.constant 0 : i32
      %add3A_832 = arith.addi %add3A_831, %scan3A_763 : i32
      %get3A_833 = arith.constant 1 : i32
      %get3A_834 = arith.index_cast %get3A_833 : i32 to index
      %get3A_835 = arith.index_cast %add3A_832 : i32 to index
      %get3A_836 = arith.constant 64 : index
      %get3A_837 = tpu.vector_load %arg7[%get3A_834, %get3A_835, %get3A_836] {strides = array<i32>} : memref<2x40x128xf32, #tpu.memory_space<vmem>>, vector<1x1x16xf32>,
      %get3A_838 = vector.shape_cast %get3A_837 : vector<1x1x16xf32> to vector<16xf32>
      %swap3A_839 = arith.constant 1 : i32
      %swap3A_840 = arith.constant 0 : i32
      %swap3A_841 = arith.index_cast %swap3A_839 : i32 to index
      %swap3A_842 = arith.index_cast %swap3A_840 : i32 to index
      %swap3A_843 = arith.index_cast %scan3A_763 : i32 to index
      %swap3A_844 = arith.constant 960 : index
      %swap3A_845 = tpu.vector_load %arg6[%swap3A_841, %swap3A_842, %swap3A_843, %swap3A_844] {strides = array<i32>} : memref<2x2x20x1000xf32, #tpu.memory_space<vmem>>, vector<1x1x1x16xf32>,
      %swap3A_846 = vector.shape_cast %swap3A_845 : vector<1x1x1x16xf32> to vector<16xf32>
      %swap3A_847 = vector.shape_cast %get3A_838 : vector<16xf32> to vector<1x1x1x16xf32>
      tpu.vector_store %arg6[%swap3A_841, %swap3A_842, %swap3A_843, %swap3A_844], %swap3A_847 {strides = array<i32>} : memref<2x2x20x1000xf32, #tpu.memory_space<vmem>>, vector<1x1x1x16xf32>,
      %add3A_848 = arith.constant 0 : i32
      %add3A_849 = arith.addi %add3A_848, %scan3A_763 : i32
      %get3A_850 = arith.constant 1 : i32
      %get3A_851 = arith.index_cast %get3A_850 : i32 to index
      %get3A_852 = arith.index_cast %add3A_849 : i32 to index
      %get3A_853 = arith.constant 80 : index
      %get3A_854 = tpu.vector_load %arg7[%get3A_851, %get3A_852, %get3A_853] {strides = array<i32>} : memref<2x40x128xf32, #tpu.memory_space<vmem>>, vector<1x1x16xf32>,
      %get3A_855 = vector.shape_cast %get3A_854 : vector<1x1x16xf32> to vector<16xf32>
      %swap3A_856 = arith.constant 1 : i32
      %swap3A_857 = arith.constant 0 : i32
      %swap3A_858 = arith.index_cast %swap3A_856 : i32 to index
      %swap3A_859 = arith.index_cast %swap3A_857 : i32 to index
      %swap3A_860 = arith.index_cast %scan3A_763 : i32 to index
      %swap3A_861 = arith.constant 976 : index
      %swap3A_862 = tpu.vector_load %arg6[%swap3A_858, %swap3A_859, %swap3A_860, %swap3A_861] {strides = array<i32>} : memref<2x2x20x1000xf32, #tpu.memory_space<vmem>>, vector<1x1x1x16xf32>,
      %swap3A_863 = vector.shape_cast %swap3A_862 : vector<1x1x1x16xf32> to vector<16xf32>
      %swap3A_864 = vector.shape_cast %get3A_855 : vector<16xf32> to vector<1x1x1x16xf32>
      tpu.vector_store %arg6[%swap3A_858, %swap3A_859, %swap3A_860, %swap3A_861], %swap3A_864 {strides = array<i32>} : memref<2x2x20x1000xf32, #tpu.memory_space<vmem>>, vector<1x1x1x16xf32>,
      %mul3A_865 = arith.constant 0 : i32
      %mul3A_866 = arith.muli %scan3A_763, %mul3A_865 : i32
      %add3A_867 = arith.constant 992 : i32
      %add3A_868 = arith.addi %mul3A_866, %add3A_867 : i32
      %multiple_of3A = tpu.assume_multiple %add3A_868, 16 : i32
      %add3A_869 = arith.constant 0 : i32
      %add3A_870 = arith.addi %add3A_869, %scan3A_763 : i32
      %get3A_871 = arith.constant 1 : i32
      %get3A_872 = arith.index_cast %get3A_871 : i32 to index
      %get3A_873 = arith.index_cast %add3A_870 : i32 to index
      %get3A_874 = arith.constant 96 : index
      %get3A_875 = tpu.vector_load %arg7[%get3A_872, %get3A_873, %get3A_874] {strides = array<i32>} : memref<2x40x128xf32, #tpu.memory_space<vmem>>, vector<1x1x16xf32>,
      %get3A_876 = vector.shape_cast %get3A_875 : vector<1x1x16xf32> to vector<16xf32>
      %swap3A_877 = arith.constant 1 : i32
      %swap3A_878 = arith.constant 0 : i32
      %swap3A_879 = arith.index_cast %swap3A_877 : i32 to index
      %swap3A_880 = arith.index_cast %swap3A_878 : i32 to index
      %swap3A_881 = arith.index_cast %scan3A_763 : i32 to index
      %swap3A_882 = arith.index_cast %multiple_of3A : i32 to index
      %swap3A_883 = tpu.vector_load %arg6[%swap3A_879, %swap3A_880, %swap3A_881, %swap3A_882] {strides = array<i32>} : memref<2x2x20x1000xf32, #tpu.memory_space<vmem>>, vector<1x1x1x16xf32>,
      %swap3A_884 = vector.shape_cast %swap3A_883 : vector<1x1x1x16xf32> to vector<16xf32>
      %swap3A_885 = vector.shape_cast %get3A_876 : vector<16xf32> to vector<1x1x1x16xf32>
      tpu.vector_store %arg6[%swap3A_879, %swap3A_880, %swap3A_881, %swap3A_882], %swap3A_885 {strides = array<i32>} : memref<2x2x20x1000xf32, #tpu.memory_space<vmem>>, vector<1x1x1x16xf32>,
      %add3A_886 = arith.constant 20 : i32
      %add3A_887 = arith.addi %add3A_886, %scan3A_763 : i32
      %get3A_888 = arith.constant 1 : i32
      %get3A_889 = arith.index_cast %get3A_888 : i32 to index
      %get3A_890 = arith.index_cast %add3A_887 : i32 to index
      %get3A_891 = arith.constant 0 : index
      %get3A_892 = tpu.vector_load %arg7[%get3A_889, %get3A_890, %get3A_891] {strides = array<i32>} : memref<2x40x128xf32, #tpu.memory_space<vmem>>, vector<1x1x16xf32>,
      %get3A_893 = vector.shape_cast %get3A_892 : vector<1x1x16xf32> to vector<16xf32>
      %swap3A_894 = arith.constant 1 : i32
      %swap3A_895 = arith.constant 1 : i32
      %swap3A_896 = arith.index_cast %swap3A_894 : i32 to index
      %swap3A_897 = arith.index_cast %swap3A_895 : i32 to index
      %swap3A_898 = arith.index_cast %scan3A_763 : i32 to index
      %swap3A_899 = arith.constant 896 : index
      %swap3A_900 = tpu.vector_load %arg6[%swap3A_896, %swap3A_897, %swap3A_898, %swap3A_899] {strides = array<i32>} : memref<2x2x20x1000xf32, #tpu.memory_space<vmem>>, vector<1x1x1x16xf32>,
      %swap3A_901 = vector.shape_cast %swap3A_900 : vector<1x1x1x16xf32> to vector<16xf32>
      %swap3A_902 = vector.shape_cast %get3A_893 : vector<16xf32> to vector<1x1x1x16xf32>
      tpu.vector_store %arg6[%swap3A_896, %swap3A_897, %swap3A_898, %swap3A_899], %swap3A_902 {strides = array<i32>} : memref<2x2x20x1000xf32, #tpu.memory_space<vmem>>, vector<1x1x1x16xf32>,
      %add3A_903 = arith.constant 20 : i32
      %add3A_904 = arith.addi %add3A_903, %scan3A_763 : i32
      %get3A_905 = arith.constant 1 : i32
      %get3A_906 = arith.index_cast %get3A_905 : i32 to index
      %get3A_907 = arith.index_cast %add3A_904 : i32 to index
      %get3A_908 = arith.constant 16 : index
      %get3A_909 = tpu.vector_load %arg7[%get3A_906, %get3A_907, %get3A_908] {strides = array<i32>} : memref<2x40x128xf32, #tpu.memory_space<vmem>>, vector<1x1x16xf32>,
      %get3A_910 = vector.shape_cast %get3A_909 : vector<1x1x16xf32> to vector<16xf32>
      %swap3A_911 = arith.constant 1 : i32
      %swap3A_912 = arith.constant 1 : i32
      %swap3A_913 = arith.index_cast %swap3A_911 : i32 to index
      %swap3A_914 = arith.index_cast %swap3A_912 : i32 to index
      %swap3A_915 = arith.index_cast %scan3A_763 : i32 to index
      %swap3A_916 = arith.constant 912 : index
      %swap3A_917 = tpu.vector_load %arg6[%swap3A_913, %swap3A_914, %swap3A_915, %swap3A_916] {strides = array<i32>} : memref<2x2x20x1000xf32, #tpu.memory_space<vmem>>, vector<1x1x1x16xf32>,
      %swap3A_918 = vector.shape_cast %swap3A_917 : vector<1x1x1x16xf32> to vector<16xf32>
      %swap3A_919 = vector.shape_cast %get3A_910 : vector<16xf32> to vector<1x1x1x16xf32>
      tpu.vector_store %arg6[%swap3A_913, %swap3A_914, %swap3A_915, %swap3A_916], %swap3A_919 {strides = array<i32>} : memref<2x2x20x1000xf32, #tpu.memory_space<vmem>>, vector<1x1x1x16xf32>,
      %add3A_920 = arith.constant 20 : i32
      %add3A_921 = arith.addi %add3A_920, %scan3A_763 : i32
      %get3A_922 = arith.constant 1 : i32
      %get3A_923 = arith.index_cast %get3A_922 : i32 to index
      %get3A_924 = arith.index_cast %add3A_921 : i32 to index
      %get3A_925 = arith.constant 32 : index
      %get3A_926 = tpu.vector_load %arg7[%get3A_923, %get3A_924, %get3A_925] {strides = array<i32>} : memref<2x40x128xf32, #tpu.memory_space<vmem>>, vector<1x1x16xf32>,
      %get3A_927 = vector.shape_cast %get3A_926 : vector<1x1x16xf32> to vector<16xf32>
      %swap3A_928 = arith.constant 1 : i32
      %swap3A_929 = arith.constant 1 : i32
      %swap3A_930 = arith.index_cast %swap3A_928 : i32 to index
      %swap3A_931 = arith.index_cast %swap3A_929 : i32 to index
      %swap3A_932 = arith.index_cast %scan3A_763 : i32 to index
      %swap3A_933 = arith.constant 928 : index
      %swap3A_934 = tpu.vector_load %arg6[%swap3A_930, %swap3A_931, %swap3A_932, %swap3A_933] {strides = array<i32>} : memref<2x2x20x1000xf32, #tpu.memory_space<vmem>>, vector<1x1x1x16xf32>,
      %swap3A_935 = vector.shape_cast %swap3A_934 : vector<1x1x1x16xf32> to vector<16xf32>
      %swap3A_936 = vector.shape_cast %get3A_927 : vector<16xf32> to vector<1x1x1x16xf32>
      tpu.vector_store %arg6[%swap3A_930, %swap3A_931, %swap3A_932, %swap3A_933], %swap3A_936 {strides = array<i32>} : memref<2x2x20x1000xf32, #tpu.memory_space<vmem>>, vector<1x1x1x16xf32>,
      %add3A_937 = arith.constant 20 : i32
      %add3A_938 = arith.addi %add3A_937, %scan3A_763 : i32
      %get3A_939 = arith.constant 1 : i32
      %get3A_940 = arith.index_cast %get3A_939 : i32 to index
      %get3A_941 = arith.index_cast %add3A_938 : i32 to index
      %get3A_942 = arith.constant 48 : index
      %get3A_943 = tpu.vector_load %arg7[%get3A_940, %get3A_941, %get3A_942] {strides = array<i32>} : memref<2x40x128xf32, #tpu.memory_space<vmem>>, vector<1x1x16xf32>,
      %get3A_944 = vector.shape_cast %get3A_943 : vector<1x1x16xf32> to vector<16xf32>
      %swap3A_945 = arith.constant 1 : i32
      %swap3A_946 = arith.constant 1 : i32
      %swap3A_947 = arith.index_cast %swap3A_945 : i32 to index
      %swap3A_948 = arith.index_cast %swap3A_946 : i32 to index
      %swap3A_949 = arith.index_cast %scan3A_763 : i32 to index
      %swap3A_950 = arith.constant 944 : index
      %swap3A_951 = tpu.vector_load %arg6[%swap3A_947, %swap3A_948, %swap3A_949, %swap3A_950] {strides = array<i32>} : memref<2x2x20x1000xf32, #tpu.memory_space<vmem>>, vector<1x1x1x16xf32>,
      %swap3A_952 = vector.shape_cast %swap3A_951 : vector<1x1x1x16xf32> to vector<16xf32>
      %swap3A_953 = vector.shape_cast %get3A_944 : vector<16xf32> to vector<1x1x1x16xf32>
      tpu.vector_store %arg6[%swap3A_947, %swap3A_948, %swap3A_949, %swap3A_950], %swap3A_953 {strides = array<i32>} : memref<2x2x20x1000xf32, #tpu.memory_space<vmem>>, vector<1x1x1x16xf32>,
      %add3A_954 = arith.constant 20 : i32
      %add3A_955 = arith.addi %add3A_954, %scan3A_763 : i32
      %get3A_956 = arith.constant 1 : i32
      %get3A_957 = arith.index_cast %get3A_956 : i32 to index
      %get3A_958 = arith.index_cast %add3A_955 : i32 to index
      %get3A_959 = arith.constant 64 : index
      %get3A_960 = tpu.vector_load %arg7[%get3A_957, %get3A_958, %get3A_959] {strides = array<i32>} : memref<2x40x128xf32, #tpu.memory_space<vmem>>, vector<1x1x16xf32>,
      %get3A_961 = vector.shape_cast %get3A_960 : vector<1x1x16xf32> to vector<16xf32>
      %swap3A_962 = arith.constant 1 : i32
      %swap3A_963 = arith.constant 1 : i32
      %swap3A_964 = arith.index_cast %swap3A_962 : i32 to index
      %swap3A_965 = arith.index_cast %swap3A_963 : i32 to index
      %swap3A_966 = arith.index_cast %scan3A_763 : i32 to index
      %swap3A_967 = arith.constant 960 : index
      %swap3A_968 = tpu.vector_load %arg6[%swap3A_964, %swap3A_965, %swap3A_966, %swap3A_967] {strides = array<i32>} : memref<2x2x20x1000xf32, #tpu.memory_space<vmem>>, vector<1x1x1x16xf32>,
      %swap3A_969 = vector.shape_cast %swap3A_968 : vector<1x1x1x16xf32> to vector<16xf32>
      %swap3A_970 = vector.shape_cast %get3A_961 : vector<16xf32> to vector<1x1x1x16xf32>
      tpu.vector_store %arg6[%swap3A_964, %swap3A_965, %swap3A_966, %swap3A_967], %swap3A_970 {strides = array<i32>} : memref<2x2x20x1000xf32, #tpu.memory_space<vmem>>, vector<1x1x1x16xf32>,
      %add3A_971 = arith.constant 20 : i32
      %add3A_972 = arith.addi %add3A_971, %scan3A_763 : i32
      %get3A_973 = arith.constant 1 : i32
      %get3A_974 = arith.index_cast %get3A_973 : i32 to index
      %get3A_975 = arith.index_cast %add3A_972 : i32 to index
      %get3A_976 = arith.constant 80 : index
      %get3A_977 = tpu.vector_load %arg7[%get3A_974, %get3A_975, %get3A_976] {strides = array<i32>} : memref<2x40x128xf32, #tpu.memory_space<vmem>>, vector<1x1x16xf32>,
      %get3A_978 = vector.shape_cast %get3A_977 : vector<1x1x16xf32> to vector<16xf32>
      %swap3A_979 = arith.constant 1 : i32
      %swap3A_980 = arith.constant 1 : i32
      %swap3A_981 = arith.index_cast %swap3A_979 : i32 to index
      %swap3A_982 = arith.index_cast %swap3A_980 : i32 to index
      %swap3A_983 = arith.index_cast %scan3A_763 : i32 to index
      %swap3A_984 = arith.constant 976 : index
      %swap3A_985 = tpu.vector_load %arg6[%swap3A_981, %swap3A_982, %swap3A_983, %swap3A_984] {strides = array<i32>} : memref<2x2x20x1000xf32, #tpu.memory_space<vmem>>, vector<1x1x1x16xf32>,
      %swap3A_986 = vector.shape_cast %swap3A_985 : vector<1x1x1x16xf32> to vector<16xf32>
      %swap3A_987 = vector.shape_cast %get3A_978 : vector<16xf32> to vector<1x1x1x16xf32>
      tpu.vector_store %arg6[%swap3A_981, %swap3A_982, %swap3A_983, %swap3A_984], %swap3A_987 {strides = array<i32>} : memref<2x2x20x1000xf32, #tpu.memory_space<vmem>>, vector<1x1x1x16xf32>,
      %mul3A_988 = arith.constant 0 : i32
      %mul3A_989 = arith.muli %scan3A_763, %mul3A_988 : i32
      %add3A_990 = arith.constant 992 : i32
      %add3A_991 = arith.addi %mul3A_989, %add3A_990 : i32
      %multiple_of3A_992 = tpu.assume_multiple %add3A_991, 16 : i32
      %add3A_993 = arith.constant 20 : i32
      %add3A_994 = arith.addi %add3A_993, %scan3A_763 : i32
      %get3A_995 = arith.constant 1 : i32
      %get3A_996 = arith.index_cast %get3A_995 : i32 to index
      %get3A_997 = arith.index_cast %add3A_994 : i32 to index
      %get3A_998 = arith.constant 96 : index
      %get3A_999 = tpu.vector_load %arg7[%get3A_996, %get3A_997, %get3A_998] {strides = array<i32>} : memref<2x40x128xf32, #tpu.memory_space<vmem>>, vector<1x1x16xf32>,
      %get3A_1000 = vector.shape_cast %get3A_999 : vector<1x1x16xf32> to vector<16xf32>
      %swap3A_1001 = arith.constant 1 : i32
      %swap3A_1002 = arith.constant 1 : i32
      %swap3A_1003 = arith.index_cast %swap3A_1001 : i32 to index
      %swap3A_1004 = arith.index_cast %swap3A_1002 : i32 to index
      %swap3A_1005 = arith.index_cast %scan3A_763 : i32 to index
      %swap3A_1006 = arith.index_cast %multiple_of3A_992 : i32 to index
      %swap3A_1007 = tpu.vector_load %arg6[%swap3A_1003, %swap3A_1004, %swap3A_1005, %swap3A_1006] {strides = array<i32>} : memref<2x2x20x1000xf32, #tpu.memory_space<vmem>>, vector<1x1x1x16xf32>,
      %swap3A_1008 = vector.shape_cast %swap3A_1007 : vector<1x1x1x16xf32> to vector<16xf32>
      %swap3A_1009 = vector.shape_cast %get3A_1000 : vector<16xf32> to vector<1x1x1x16xf32>
      tpu.vector_store %arg6[%swap3A_1003, %swap3A_1004, %swap3A_1005, %swap3A_1006], %swap3A_1009 {strides = array<i32>} : memref<2x2x20x1000xf32, #tpu.memory_space<vmem>>, vector<1x1x1x16xf32>,
      %scan3A_1010 = arith.constant 0 : i32
      scf.yield %scan3A_1010 : i32
    }
    %scan3A_699 = arith.constant 20 : i32
    %mul3A_700 = arith.constant 128 : i32
    %mul3A_701 = arith.muli %add3A, %mul3A_700 : i32
    %add3A_702 = arith.constant 124 : i32
    %add3A_703 = arith.addi %mul3A_701, %add3A_702 : i32
    %dma_wait3A_704 = arith.constant 0 : i32
    %dma_wait3A_705 = arith.constant 0 : i32
    %dma_wait3A_706 = arith.constant 0 : i32
    %dma_wait3A_707 = arith.constant 0 : i32
    %dma_wait3A_708 = tpu.memref_slice %arg6[%dma_wait3A_704, %dma_wait3A_705, %dma_wait3A_706, %dma_wait3A_707] : memref<2x2x20x1000xf32, #tpu.memory_space<vmem>> -> memref<1x2x20x1000xf32, #tpu.memory_space<vmem>>
    %dma_wait3A_709 = tpu.memref_squeeze %dma_wait3A_708 : memref<1x2x20x1000xf32, #tpu.memory_space<vmem>> -> memref<2x20x1000xf32, #tpu.memory_space<vmem>>
    %dma_wait3A_710 = arith.constant 0 : i32
    %dma_wait3A_711 = arith.constant 0 : i32
    %dma_wait3A_712 = tpu.memref_slice %arg4[%add3A_703, %dma_wait3A_710, %dma_wait3A_711] : memref<4096x20x1000xf32, #tpu.memory_space<hbm>> -> memref<2x20x1000xf32, #tpu.memory_space<hbm>>
    %dma_wait3A_713 = arith.constant 0 : i32
    %dma_wait3A_714 = arith.constant 0 : i32
    %dma_wait3A_715 = tpu.memref_slice %arg4[%add3A_703, %dma_wait3A_713, %dma_wait3A_714] : memref<4096x20x1000xf32, #tpu.memory_space<hbm>> -> memref<2x20x1000xf32, #tpu.memory_space<hbm>>
    %dma_wait3A_716 = arith.constant 0 : i32
    %dma_wait3A_717 = arith.constant 0 : i32
    %dma_wait3A_718 = arith.constant 0 : i32
    %dma_wait3A_719 = tpu.memref_slice %arg6[%dma_wait3A_704, %dma_wait3A_716, %dma_wait3A_717, %dma_wait3A_718] : memref<2x2x20x1000xf32, #tpu.memory_space<vmem>> -> memref<1x2x20x1000xf32, #tpu.memory_space<vmem>>
    %dma_wait3A_720 = tpu.memref_squeeze %dma_wait3A_719 : memref<1x2x20x1000xf32, #tpu.memory_space<vmem>> -> memref<2x20x1000xf32, #tpu.memory_space<vmem>>
    tpu.wait_dma2 semaphore(%arg10 : memref<!tpu.dma_semaphore, #tpu.memory_space<semaphore_mem>>) src(%dma_wait3A_720 : memref<2x20x1000xf32, #tpu.memory_space<vmem>>) dst(%dma_wait3A_715 : memref<2x20x1000xf32, #tpu.memory_space<hbm>>)
    %mul3A_721 = arith.constant 128 : i32
    %mul3A_722 = arith.muli %add3A, %mul3A_721 : i32
    %add3A_723 = arith.constant 126 : i32
    %add3A_724 = arith.addi %mul3A_722, %add3A_723 : i32
    %dma_start3A_725 = arith.constant 1 : i32
    %dma_start3A_726 = arith.constant 0 : i32
    %dma_start3A_727 = arith.constant 0 : i32
    %dma_start3A_728 = arith.constant 0 : i32
    %dma_start3A_729 = tpu.memref_slice %arg6[%dma_start3A_725, %dma_start3A_726, %dma_start3A_727, %dma_start3A_728] : memref<2x2x20x1000xf32, #tpu.memory_space<vmem>> -> memref<1x2x20x1000xf32, #tpu.memory_space<vmem>>
    %dma_start3A_730 = tpu.memref_squeeze %dma_start3A_729 : memref<1x2x20x1000xf32, #tpu.memory_space<vmem>> -> memref<2x20x1000xf32, #tpu.memory_space<vmem>>
    %dma_start3A_731 = arith.constant 0 : i32
    %dma_start3A_732 = arith.constant 0 : i32
    %dma_start3A_733 = tpu.memref_slice %arg4[%add3A_724, %dma_start3A_731, %dma_start3A_732] : memref<4096x20x1000xf32, #tpu.memory_space<hbm>> -> memref<2x20x1000xf32, #tpu.memory_space<hbm>>
    %dma_start3A_734 = arith.constant 0 : i32
    %dma_start3A_735 = arith.constant 0 : i32
    %dma_start3A_736 = tpu.memref_slice %arg4[%add3A_724, %dma_start3A_734, %dma_start3A_735] : memref<4096x20x1000xf32, #tpu.memory_space<hbm>> -> memref<2x20x1000xf32, #tpu.memory_space<hbm>>
    %dma_start3A_737 = arith.constant 0 : i32
    %dma_start3A_738 = arith.constant 0 : i32
    %dma_start3A_739 = arith.constant 0 : i32
    %dma_start3A_740 = tpu.memref_slice %arg6[%dma_start3A_725, %dma_start3A_737, %dma_start3A_738, %dma_start3A_739] : memref<2x2x20x1000xf32, #tpu.memory_space<vmem>> -> memref<1x2x20x1000xf32, #tpu.memory_space<vmem>>
    %dma_start3A_741 = tpu.memref_squeeze %dma_start3A_740 : memref<1x2x20x1000xf32, #tpu.memory_space<vmem>> -> memref<2x20x1000xf32, #tpu.memory_space<vmem>>
    tpu.enqueue_dma source(%dma_start3A_741 : memref<2x20x1000xf32, #tpu.memory_space<vmem>>) target(%dma_start3A_736 : memref<2x20x1000xf32, #tpu.memory_space<hbm>>) target_semaphore(%arg11 : memref<!tpu.dma_semaphore, #tpu.memory_space<semaphore_mem>>)
    %mul3A_742 = arith.constant 128 : i32
    %mul3A_743 = arith.muli %add3A, %mul3A_742 : i32
    %add3A_744 = arith.constant 126 : i32
    %add3A_745 = arith.addi %mul3A_743, %add3A_744 : i32
    %dma_wait3A_746 = arith.constant 1 : i32
    %dma_wait3A_747 = arith.constant 0 : i32
    %dma_wait3A_748 = arith.constant 0 : i32
    %dma_wait3A_749 = arith.constant 0 : i32
    %dma_wait3A_750 = tpu.memref_slice %arg6[%dma_wait3A_746, %dma_wait3A_747, %dma_wait3A_748, %dma_wait3A_749] : memref<2x2x20x1000xf32, #tpu.memory_space<vmem>> -> memref<1x2x20x1000xf32, #tpu.memory_space<vmem>>
    %dma_wait3A_751 = tpu.memref_squeeze %dma_wait3A_750 : memref<1x2x20x1000xf32, #tpu.memory_space<vmem>> -> memref<2x20x1000xf32, #tpu.memory_space<vmem>>
    %dma_wait3A_752 = arith.constant 0 : i32
    %dma_wait3A_753 = arith.constant 0 : i32
    %dma_wait3A_754 = tpu.memref_slice %arg4[%add3A_745, %dma_wait3A_752, %dma_wait3A_753] : memref<4096x20x1000xf32, #tpu.memory_space<hbm>> -> memref<2x20x1000xf32, #tpu.memory_space<hbm>>
    %dma_wait3A_755 = arith.constant 0 : i32
    %dma_wait3A_756 = arith.constant 0 : i32
    %dma_wait3A_757 = tpu.memref_slice %arg4[%add3A_745, %dma_wait3A_755, %dma_wait3A_756] : memref<4096x20x1000xf32, #tpu.memory_space<hbm>> -> memref<2x20x1000xf32, #tpu.memory_space<hbm>>
    %dma_wait3A_758 = arith.constant 0 : i32
    %dma_wait3A_759 = arith.constant 0 : i32
    %dma_wait3A_760 = arith.constant 0 : i32
    %dma_wait3A_761 = tpu.memref_slice %arg6[%dma_wait3A_746, %dma_wait3A_758, %dma_wait3A_759, %dma_wait3A_760] : memref<2x2x20x1000xf32, #tpu.memory_space<vmem>> -> memref<1x2x20x1000xf32, #tpu.memory_space<vmem>>
    %dma_wait3A_762 = tpu.memref_squeeze %dma_wait3A_761 : memref<1x2x20x1000xf32, #tpu.memory_space<vmem>> -> memref<2x20x1000xf32, #tpu.memory_space<vmem>>
    tpu.wait_dma2 semaphore(%arg11 : memref<!tpu.dma_semaphore, #tpu.memory_space<semaphore_mem>>) src(%dma_wait3A_762 : memref<2x20x1000xf32, #tpu.memory_space<vmem>>) dst(%dma_wait3A_757 : memref<2x20x1000xf32, #tpu.memory_space<hbm>>)
    return
  }
}

</mosaic_0001>

<sc_bundles>
// kernel: kernel.3.cloned.1.call-start
scs
__scs_entry_jumppad:
0x0: {  	(pc) =	sbr.rel $0x88, $3  }
0x1: {  	(tag) =	ssettag $0x0;
	lr =	simm.s32 $0x1  }
0x2: {  	[smem:$0x3F9F] =	sst lr;
	_ =	strace $0xD0000000  }
0x3: {  	_ = 	snop  }
0x4: {  	_ = 	snop  }
0x5: {  	_ = 	snop  }
0x6: {  	_ = 	snop  }
0x7: {  	_ = 	snop  }
__scs_overlays_trampoline_lowered:
0x8: {  	[smem:$0x3FAE] =	sst s0  }
0x9: {  	[smem:$0x3FAF] =	sst s1  }
0xa: {  	[smem:$0x3FB0] =	sst s2  }
0xb: {  	[smem:$0x3FB1] =	sst s3  }
0xc: {  	[smem:$0x3FB2] =	sst s4  }
0xd: {  	[smem:$0x3FB3] =	sst s5  }
0xe: {  	[smem:$0x3FB4] =	sst s6  }
0xf: {  	[smem:$0x3FB5] =	sst s7  }
0x10: {  	[smem:$0x3FB6] =	sst s8  }
0x11: {  	[smem:$0x3FB7] =	sst s9;
	s0 =	simm.s32 @!p0 $0x0  }
0x12: {  	s1 =	sld [smem:$0x3F9D];
	s0 =	simm.s32 @p0 $0x1  }
0x13: {  	[smem:$0x3FB8] =	sst s0;
	s0 =	simm.s32 @!p1 $0x0  }
0x14: {  	s2 =	sld [smem:$0x3F9C];
	s0 =	simm.s32 @p1 $0x1  }
0x15: {  	[smem:$0x3FB9] =	sst s0;
	s0 =	simm.s32 @!p2 $0x0  }
0x16: {  	s3 =	sld [smem:$0x3FDB];
	s0 =	simm.s32 @p2 $0x1  }
0x17: {  	s4 =	simm.s32 $0x1BF5;
	[smem:$0x3FBB] =	sst s0  }
0x18: {  	s0 =	sld [smem:$0x3F9E];
	_ =	swait.ge [sflag:s4], $0x0  }
0x19: {  	s7 =	sld [smem:$0x3F9F]  }
0x1a: {  	s8 =	sadd.s32 $0xFFFFE003, lr  }
0x1b: {  	s9 =	sadd.s32 $0xFFFFFEF7, lr;
	s5 =	simm.s32 $0xFFFFFFFF;
	p2 =	slt.u32 s8, $0xFFFFF086  }
0x1c: {  	p1 =	slt.u32 s9, $0xF7A;
	s5 =	simm.s32 @!p2 $0x0  }
0x1d: {  	s5 =	simm.s32 @p1 $0x1;
	p0 =	seq.s32 s7, s2  }
0x1e: {  	s7 =	smul.u32 @!p0 $0xF7A, s2;
	p2 =	seq.s32 @!p0 s5, $0x0  }
0x1f: {  	s9 =	smul.u32 $0xF7A, s1;
	s8 =	simm.s32 @!p0 $0x1BF5;
	p2 =	por !p2, p0  }
0x20: {  	[sflag:s8] =	ssyncset.s32 @!p0 $0xFFFFF086;
	s6 =	sadd.s32 @!p0 s3, s7;
	s7 =	simm.s32 @!p0 $0x108  }
0x21: {  	s3 =	sadd.s32 s3, s9;
	s6 =	sadd.s32 @!p0 $0x88, s6;
	s7 =	simm.s32 @p2 $0x1082  }
0x22: {  	[simem:s7], [sflag:s8] =	dma.local @!p0 [hbm:s6], $0xF7A  }
0x23: {  	s9 =	sor.u32 $0xD0000000, s2;
	s6 =	simm.s32 $0x108;
	_ =	swait.ge @!p0 [sflag:s8], $0x0  }
0x24: {  	s3 =	sadd.s32 $0x88, s3;
	s6 =	simm.s32 @!p1 $0x1082;
	[sflag:s4] =	ssyncset.s32 $0xFFFFF086  }
0x25: {  	[simem:s6], [sflag:s4] =	dma.local [hbm:s3], $0xF7A  }
0x26: {  	[smem:$0x3F9F] =	sst s1;
	(tag) =	ssettag s2;
	_ =	strace s9  }
0x27: {  	s1 =	sld [smem:$0x3FAF]  }
0x28: {  	s2 =	sld [smem:$0x3FB0]  }
0x29: {  	s4 =	sld [smem:$0x3FB2]  }
0x2a: {  	p0 =	seq.s32 s5, $0x0;
	s5 =	sld [smem:$0x3FB3]  }
0x2b: {  	s6 =	sld [smem:$0x3FB4]  }
0x2c: {  	s7 =	sld [smem:$0x3FB5]  }
0x2d: {  	s3 =	simm.s32 $0x108;
	s8 =	sld [smem:$0x3FB6]  }
0x2e: {  	s3 =	simm.s32 @!p0 $0x1082;
	s9 =	sld [smem:$0x3FB7]  }
0x2f: {  	lr =	sadd.s32 s0, s3;
	s0 =	sld [smem:$0x3FAE]  }
0x30: {  	s3 =	sld [smem:$0x3FB1]  }
0x31: {  	[smem:$0x3FBA] =	sst s10  }
0x32: {  	s10 =	sld [smem:$0x3FB8];
	_ =	sdelay $0x3  }
0x33: {  	p0 =	seq.s32 s10, $0x1;
	s10 =	sld [smem:$0x3FBA];
	_ =	sdelay $0x3  }
0x34: {  	[smem:$0x3FBA] =	sst s10  }
0x35: {  	s10 =	sld [smem:$0x3FB9];
	_ =	sdelay $0x3  }
0x36: {  	p1 =	seq.s32 s10, $0x1;
	s10 =	sld [smem:$0x3FBA];
	_ =	sdelay $0x3  }
0x37: {  	[smem:$0x3FBA] =	sst s10  }
0x38: {  	s10 =	sld [smem:$0x3FBB]  }
0x39: {  	_ = 	snop;
	(pc) =	sbr.ind lr, $3  }
0x3a: {  	_ = 	snop  }
0x3b: {  	_ = 	snop  }
0x3c: {  	p2 =	seq.s32 s10, $0x1;
	s10 =	sld [smem:$0x3FBA]  }
0x3d: {  	_ =	shalt  }
0x3e: {  	_ =	shalt  }
0x3f: {  	_ =	shalt  }
0x40: {  	_ =	shalt  }
0x41: {  	_ =	shalt  }
0x42: {  	_ =	shalt  }
0x43: {  	_ =	shalt  }
0x44: {  	_ =	shalt  }
0x45: {  	_ =	shalt  }
0x46: {  	_ =	shalt  }
0x47: {  	_ =	shalt  }
0x48: {  	_ =	shalt  }
0x49: {  	_ =	shalt  }
0x4a: {  	_ =	shalt  }
0x4b: {  	_ =	shalt  }
0x4c: {  	_ =	shalt  }
0x4d: {  	_ =	shalt  }
0x4e: {  	_ =	shalt  }
0x4f: {  	_ =	shalt  }
0x50: {  	_ =	shalt  }
0x51: {  	_ =	shalt  }
0x52: {  	_ =	shalt  }
0x53: {  	_ =	shalt  }
0x54: {  	_ =	shalt  }
0x55: {  	_ =	shalt  }
0x56: {  	_ =	shalt  }
0x57: {  	_ =	shalt  }
0x58: {  	_ =	shalt  }
0x59: {  	_ =	shalt  }
0x5a: {  	_ =	shalt  }
0x5b: {  	_ =	shalt  }
0x5c: {  	_ =	shalt  }
0x5d: {  	_ =	shalt  }
0x5e: {  	_ =	shalt  }
0x5f: {  	_ =	shalt  }
0x60: {  	_ =	shalt  }
0x61: {  	_ =	shalt  }
0x62: {  	_ =	shalt  }
0x63: {  	_ =	shalt  }
0x64: {  	_ =	shalt  }
0x65: {  	_ =	shalt  }
0x66: {  	_ =	shalt  }
0x67: {  	_ =	shalt  }
0x68: {  	_ =	shalt  }
0x69: {  	_ =	shalt  }
0x6a: {  	_ =	shalt  }
0x6b: {  	_ =	shalt  }
0x6c: {  	_ =	shalt  }
0x6d: {  	_ =	shalt  }
0x6e: {  	_ =	shalt  }
0x6f: {  	_ =	shalt  }
0x70: {  	_ =	shalt  }
0x71: {  	_ =	shalt  }
0x72: {  	_ =	shalt  }
0x73: {  	_ =	shalt  }
0x74: {  	_ =	shalt  }
0x75: {  	_ =	shalt  }
0x76: {  	_ =	shalt  }
0x77: {  	_ =	shalt  }
0x78: {  	_ =	shalt  }
0x79: {  	_ =	shalt  }
0x7a: {  	_ =	shalt  }
0x7b: {  	_ =	shalt  }
0x7c: {  	_ =	shalt  }
0x7d: {  	_ =	shalt  }
0x7e: {  	_ =	shalt  }
0x7f: {  	_ =	shalt  }
0x80: {  	_ =	shalt  }
0x81: {  	_ =	shalt  }
0x82: {  	_ =	shalt  }
0x83: {  	_ =	shalt  }
0x84: {  	_ =	shalt  }
0x85: {  	_ =	shalt  }
0x86: {  	_ =	shalt  }
0x87: {  	_ =	shalt  }
.Lfunc_end0:
.L_simem_size_0:
called_computation_lowered:
.L_overlay_start_0:
0x88: {  	s2 =	sld [smem:$0x3FD9]  }
0x89: {  	s3 =	sld [smem:$0x3FFE];
	_ =	sdelay $0x1  }
0x8a: {  	s1 =	srdreg.scid  }
0x8b: {  	s0 =	sand.u32 $0x1, s1  }
0x8c: {  	s17 =	sshll.u32 s0, $0xA;
	s2 =	sadd.s32 s3, s2  }
0x8d: {  	s2 =	sadd.s32 s2, s17  }
0x8e: {  	[smem:$0x3FC6] =	sst s2  }
0x8f: {  	_ = 	snop  }
0x90: {  	s2 =	sld [smem:$0x3FD0];
	(tm) =	ssettm $0x1  }
0x91: {  	s18 =	sld [smem:$0x3FFB];
	_ =	sdelay $0x3  }
0x92: {  	_ =	strace s18  }
0x93: {  	s3 =	sld [smem:$0x3FFC];
	_ =	sdelay $0x3  }
0x94: {  	_ =	strace s3  }
0x95: {  	s3 =	sld [smem:$0x3FFD];
	_ =	sdelay $0x3  }
0x96: {  	_ =	strace s3  }
0x97: {  	_ =	strace $0x8FFFFFFF  }
0x98: {  	s19 =	sld [smem:$0x3FDB];
	_ =	sdelay $0x1  }
0x99: {  	s4 =	simm.s32 $_scs_section_size  }
0x9a: {  	s5 =	simm.s32 $_size__tile_overlayer_lowered;
	s6 =	simm.s32 $_tile_overlayer_lowered  }
0x9b: {  	s22 =	simm.s32 $0x1BFF;
	s21 =	sshll.u32 s6, $0x1;
	s3 =	sadd.s32 s4, s19  }
0x9c: {  	s7 =	simm.s32 $0x0;
	s20 =	sshll.u32 s5, $0x1;
	s5 =	sadd.s32 s21, s3  }
0x9d: {  	[timem:s7], [sflag:s22] =	dma.local [hbm:s5], s20  }
0x9e: {  	_ =	swait.ge [sflag:s22], s20  }
0x9f: {  	s4 =	ssub.s32 $0x0, s20;
	[sflag:s22] =	ssyncset.done $0x0  }
0xa0: {  	[sflag:s22] =	ssyncadd.s32 s4;
	_ =	sdelay $0x1  }
0xa1: {  	s23 =	simm.s32 $0x1B8B  }
0xa2: {  	_ =	swait.ge [sflag:s23], $0x1  }
0xa3: {  	[sflag:s23] =	ssyncset.done $0x0  }
0xa4: {  	s25 =	simm.s32 $0x1B8E;
	s24 =	sld [smem:$0x3FFE];
	[sflag:s23] =	ssyncadd.s32 $0xFFFFFFFF  }
0xa5: {  	s26 =	simm.s32 $execute0_lowered;
	[smem:$0x3FD2] =	sst s25  }
0xa6: {  	s5 =	sshll.u32 s26, $0x1;
	_ =	strace $0x80000046;
	[dreg:$0x1] =	wrdreg $0xFFFFFFFF  }
0xa7: {  	s28 =	simm.s32 $_size_execute0_lowered;
	s3 =	sadd.s32 s3, s5;
	[dreg:$0x0] =	wrdreg $0x0  }
0xa8: {  	s5 =	sshll.u32 s28, $0x1;
	[dreg:$0x2] =	wrdreg s3  }
0xa9: {  	[dreg:$0x3] =	wrdreg s5  }
0xaa: {  	[dreg:$0x4] =	wrdreg $0xC0  }
0xab: {  	_ =	task [dreg:s7], $0x5FFFF  }
0xac: {  	[dreg:$0x1] =	wrdreg $0xFFFFFFFF  }
0xad: {  	[dreg:$0x0] =	wrdreg $0x60  }
0xae: {  	[dreg:$0x2] =	wrdreg s2  }
0xaf: {  	[dreg:$0x3] =	wrdreg s24  }
0xb0: {  	[dreg:$0x4] =	wrdreg $0x9  }
0xb1: {  	_ =	task.clear_ibuf [dreg:s7], $0x5FFFF;
	_ =	strace $0x90000046  }
0xb2: {  	s29 =	simm.s32 $0x9;
	_ =	strace $0x80000048  }
0xb3: {  	_ =	swait.ge [sflag:s29], $0x1  }
0xb4: {  	[sflag:s29] =	ssyncadd.s32 $0xFFFFFFFF  }
0xb5: {  	_ =	strace $0x90000048  }
0xb6: {  	_ =	sfence  }
0xb7: {  	s30 =	sld [smem:$0x0];
	_ =	sdelay $0x2  }
0xb8: {  	s31 =	sshll.u32 s1, $0xD;
	s1 =	sshrl.u32 s1, $0x2  }
0xb9: {  	s3 =	sand.u32 $0x4000, s31;
	s1 =	sadd.s32 s1, s30  }
0xba: {  	s0 =	sor.u32 s3, s0;
	s1 =	sshll.u32 s1, $0x11  }
0xbb: {  	s0 =	sor.u32 s1, s0  }
0xbc: {  	s0 =	sadd.s32 $0x8F2B, s0  }
0xbd: {  	[sflag:s0] =	ssyncadd.remote.s32 $0x1  }
0xbe: {  	_ =	sfence.sel $0xFFFF  }
0xbf: {  	[dreg:$0x0] =	wrdreg $0xFFFFFFFF;
	(pc) =	sbr.abs _section_cstart, $3  }
0xc0: {  	[dreg:$0x1] =	wrdreg $0xFFFFFFFF  }
0xc1: {  	_ =	task.clear_ibuf [dreg:s7], $0x2FFFF;
	_ =	strace $0x9FFFFFFF  }
0xc2: {  	(tm) =	ssettm $0x7FFFFFFF  }
0xc3: {  	_ =	shalt  }
tec
execute0_lowered:
.L_overlay_start_1:
0x0: {  	(tag) =	ssettag $0x1  }
0x1: {  	s2 =	rddreg [dreg:$0x0];
	s0 =	srdreg.scid  }
0x2: {  	s3 =	stileid.u32;
	s1 =	rddreg [dreg:$0x1]  }
0x3: {  	s13 =	simm.s32 $0x5;
	s14 =	simm.s32 $0x300;
	s15 =	simm.s32 $0x1  }
0x4: {  	s16 =	simm.s32 $0xC300;
	s12 =	simm.s32 $0x17700;
	s17 =	simm.s32 $0x13B00  }
0x5: {  	s18 =	simm.s32 $0x15B00;
	s19 =	simm.s32 $0x17B00;
	s20 =	simm.s32 $0x2C8  }
0x6: {  	s21 =	simm.s32 $0x19700;
	s22 =	simm.s32 $0x2;
	s23 =	simm.s32 $0x3  }
0x7: {  	s24 =	simm.s32 $0x4;
	s0 =	sand.u32 $0x1, s0;
	s4 =	sshll.u32 s3, $0x1  }
0x8: {  	s3 =	simm.s32 $0x0;
	s5 =	sadd.s32 $0x600, s1;
	s7 =	sor.u32 s0, s4  }
0x9: {  	s6 =	sadd.s32 $0x17E00, s1;
	s0 =	ssub.s32 $0x2, s0;
	s4 =	smul.u32 $0x5E00, s7  }
0xa: {  	[smem:$0x7FF] =	sst s3;
	s8 =	sshrl.u32 s0, $0x1;
	s10 =	smul.u32 $0x60000, s7  }
0xb: {  	_ =	strace $0x80000047;
	s9 =	smul.u32 $0x300000, s7;
	s0 =	ssub.s32 s0, s8  }
0xc: {  	s8 =	sshll.u32 s7, $0x7;
	s29 =	sshrl.u32 s4, $0x3;
	s31 =	sadd.s32 s6, s10  }
0xd: {  	s9 =	sshrl.u32 s9, $0x3;
	s0 =	smax.u32 s0, $0x1;
	[dreg:$0x4] =	wrdreg s31  }
0xe: {  	v2 =	vlaneseq.u32;
	s1 =	sadd.s32 s5, s29;
	s30 =	sadd.s32 s6, s9;
	[dreg:$0x6] =	wrdreg s0  }
0xf: {  	vm0 =	vmmov $0xff;
	vm1 =	vmmov $0xf;
	v1 =	vshrl.u32 v2, $0x3;
	s10 =	sor.u32 $0x2, s8;
	[dreg:$0x3] =	wrdreg s1;
	s1 =	sadd.s32 $0x5E800, s30  }
0x10: {  	v0 =	vand.u32 $0x7, v2;
	v2 =	vor.u32 $0x8, v2;
	v1 =	vmul.u32 $0x8, v1;
	s9 =	simm.s32 $0x28;
	[dreg:$0x5] =	wrdreg s1;
	s1 =	simm.s32 $0x0  }
.LBB2_1:
0x11: {  	[dreg:$0x7] =	wrdreg s1  }
0x12: {  	s0 =	rddreg [dreg:$0x3]  }
0x13: {  	[tilespmem:s3], [sflag:$0x5] =	stream.linear.gather [hbm4b:s0+s3], $0x2F0, $0x38;
	[tilespmem:$0x1AB00] =	vst v63  }
0x14: {  	_ =	swait.ge [sflag:s13], $0x2F0  }
0x15: {  	[sflag:s13] =	ssyncset.done $0x0  }
0x16: {  	[sflag:s13] =	ssyncadd.s32 $0xFFFFFD10  }
0x17: {  	v3 =	vld [tilespmem:$0x0];
	_ =	sdelay $0x4  }
0x18: {  	v4 =	vperm.xlane v3, v0;
	_ =	sdelay $0x1  }
0x19: {  	v3 =	vperm.xlane v3, v2;
	v4 =	vadd.s32 v1, v4;
	_ =	sdelay $0x1  }
0x1a: {  	v3 =	vadd.s32 v1, v3;
	_ =	sdelay $0x2  }
0x1b: {  	[tilespmem:s14], [sflag:$0x1] =	stream.indirect_vreg.gather [hbm4b:s2+s3], $0x80, v4, vm0, $0xb8;
	[tilespmem:$0x1AB00] =	vst v63  }
0x1c: {  	s31 =	simm.s32 $0x2300  }
0x1d: {  	[tilespmem:s31], [sflag:$0x1] =	stream.indirect_vreg.gather [hbm4b:s2+s3], $0x80, v3, vm0, $0xb8;
	[tilespmem:$0x1AB00] =	vst v63  }
0x1e: {  	v3 =	vld.msk [tilespmem:$0x10], $0xf;
	_ =	sdelay $0x4  }
0x1f: {  	v3 =	vperm.xlane v3, v0;
	_ =	sdelay $0x1  }
0x20: {  	v3 =	vadd.s32 v1, v3;
	_ =	sdelay $0x3  }
0x21: {  	s1 =	simm.s32 $0x4300  }
0x22: {  	[tilespmem:s1], [sflag:$0x1] =	stream.indirect_vreg.gather [hbm4b:s2+s3], $0x80, v3, vm1, $0xb8;
	[tilespmem:$0x1AB00] =	vst v63  }
0x23: {  	v3 =	vld [tilespmem:$0x30];
	_ =	sdelay $0x4  }
0x24: {  	v4 =	vperm.xlane v3, v0;
	_ =	sdelay $0x1  }
0x25: {  	v3 =	vperm.xlane v3, v2;
	v4 =	vadd.s32 v1, v4;
	_ =	sdelay $0x1  }
0x26: {  	v3 =	vadd.s32 v1, v3;
	_ =	sdelay $0x1  }
0x27: {  	s7 =	simm.s32 $0x700  }
0x28: {  	[tilespmem:s7], [sflag:$0x1] =	stream.indirect_vreg.gather [hbm4b:s2+s3], $0x80, v4, vm0, $0xb8;
	[tilespmem:$0x1AB00] =	vst v63  }
0x29: {  	s11 =	simm.s32 $0x2700  }
0x2a: {  	[tilespmem:s11], [sflag:$0x1] =	stream.indirect_vreg.gather [hbm4b:s2+s3], $0x80, v3, vm0, $0xb8;
	[tilespmem:$0x1AB00] =	vst v63  }
0x2b: {  	v3 =	vld.msk [tilespmem:$0x40], $0xf;
	_ =	sdelay $0x4  }
0x2c: {  	v3 =	vperm.xlane v3, v0;
	_ =	sdelay $0x1  }
0x2d: {  	v3 =	vadd.s32 v1, v3;
	_ =	sdelay $0x3  }
0x2e: {  	s25 =	simm.s32 $0x4700  }
0x2f: {  	[tilespmem:s25], [sflag:$0x1] =	stream.indirect_vreg.gather [hbm4b:s2+s3], $0x80, v3, vm1, $0xb8;
	[tilespmem:$0x1AB00] =	vst v63  }
0x30: {  	v3 =	vld [tilespmem:$0x60];
	_ =	sdelay $0x4  }
0x31: {  	v4 =	vperm.xlane v3, v0;
	_ =	sdelay $0x1  }
0x32: {  	v3 =	vperm.xlane v3, v2;
	v4 =	vadd.s32 v1, v4;
	_ =	sdelay $0x1  }
0x33: {  	v3 =	vadd.s32 v1, v3;
	_ =	sdelay $0x1  }
0x34: {  	s26 =	simm.s32 $0xB00  }
0x35: {  	[tilespmem:s26], [sflag:$0x1] =	stream.indirect_vreg.gather [hbm4b:s2+s3], $0x80, v4, vm0, $0xb8;
	[tilespmem:$0x1AB00] =	vst v63  }
0x36: {  	s31 =	simm.s32 $0x2B00  }
0x37: {  	[tilespmem:s31], [sflag:$0x1] =	stream.indirect_vreg.gather [hbm4b:s2+s3], $0x80, v3, vm0, $0xb8;
	[tilespmem:$0x1AB00] =	vst v63  }
0x38: {  	v3 =	vld.msk [tilespmem:$0x70], $0xf;
	_ =	sdelay $0x4  }
0x39: {  	v3 =	vperm.xlane v3, v0;
	_ =	sdelay $0x1  }
0x3a: {  	v3 =	vadd.s32 v1, v3;
	_ =	sdelay $0x3  }
0x3b: {  	s1 =	simm.s32 $0x4B00  }
0x3c: {  	[tilespmem:s1], [sflag:$0x1] =	stream.indirect_vreg.gather [hbm4b:s2+s3], $0x80, v3, vm1, $0xb8;
	[tilespmem:$0x1AB00] =	vst v63  }
0x3d: {  	v3 =	vld [tilespmem:$0x90];
	_ =	sdelay $0x4  }
0x3e: {  	v4 =	vperm.xlane v3, v0;
	_ =	sdelay $0x1  }
0x3f: {  	v3 =	vperm.xlane v3, v2;
	v4 =	vadd.s32 v1, v4;
	_ =	sdelay $0x1  }
0x40: {  	v3 =	vadd.s32 v1, v3;
	_ =	sdelay $0x1  }
0x41: {  	s7 =	simm.s32 $0xF00  }
0x42: {  	[tilespmem:s7], [sflag:$0x1] =	stream.indirect_vreg.gather [hbm4b:s2+s3], $0x80, v4, vm0, $0xb8;
	[tilespmem:$0x1AB00] =	vst v63  }
0x43: {  	s11 =	simm.s32 $0x2F00  }
0x44: {  	[tilespmem:s11], [sflag:$0x1] =	stream.indirect_vreg.gather [hbm4b:s2+s3], $0x80, v3, vm0, $0xb8;
	[tilespmem:$0x1AB00] =	vst v63  }
0x45: {  	v3 =	vld.msk [tilespmem:$0xA0], $0xf;
	_ =	sdelay $0x4  }
0x46: {  	v3 =	vperm.xlane v3, v0;
	_ =	sdelay $0x1  }
0x47: {  	v3 =	vadd.s32 v1, v3;
	_ =	sdelay $0x3  }
0x48: {  	s25 =	simm.s32 $0x4F00  }
0x49: {  	[tilespmem:s25], [sflag:$0x1] =	stream.indirect_vreg.gather [hbm4b:s2+s3], $0x80, v3, vm1, $0xb8;
	[tilespmem:$0x1AB00] =	vst v63  }
0x4a: {  	v3 =	vld [tilespmem:$0xC0];
	_ =	sdelay $0x4  }
0x4b: {  	v4 =	vperm.xlane v3, v0;
	_ =	sdelay $0x1  }
0x4c: {  	v3 =	vperm.xlane v3, v2;
	v4 =	vadd.s32 v1, v4;
	_ =	sdelay $0x1  }
0x4d: {  	v3 =	vadd.s32 v1, v3;
	_ =	sdelay $0x1  }
0x4e: {  	s26 =	simm.s32 $0x1300  }
0x4f: {  	[tilespmem:s26], [sflag:$0x1] =	stream.indirect_vreg.gather [hbm4b:s2+s3], $0x80, v4, vm0, $0xb8;
	[tilespmem:$0x1AB00] =	vst v63  }
0x50: {  	s31 =	simm.s32 $0x3300  }
0x51: {  	[tilespmem:s31], [sflag:$0x1] =	stream.indirect_vreg.gather [hbm4b:s2+s3], $0x80, v3, vm0, $0xb8;
	[tilespmem:$0x1AB00] =	vst v63  }
0x52: {  	v3 =	vld.msk [tilespmem:$0xD0], $0xf;
	_ =	sdelay $0x4  }
0x53: {  	v3 =	vperm.xlane v3, v0;
	_ =	sdelay $0x1  }
0x54: {  	v3 =	vadd.s32 v1, v3;
	_ =	sdelay $0x3  }
0x55: {  	s1 =	simm.s32 $0x5300  }
0x56: {  	[tilespmem:s1], [sflag:$0x1] =	stream.indirect_vreg.gather [hbm4b:s2+s3], $0x80, v3, vm1, $0xb8;
	[tilespmem:$0x1AB00] =	vst v63  }
0x57: {  	v3 =	vld [tilespmem:$0xF0];
	_ =	sdelay $0x4  }
0x58: {  	v4 =	vperm.xlane v3, v0;
	_ =	sdelay $0x1  }
0x59: {  	v3 =	vperm.xlane v3, v2;
	v4 =	vadd.s32 v1, v4;
	_ =	sdelay $0x1  }
0x5a: {  	v3 =	vadd.s32 v1, v3;
	_ =	sdelay $0x1  }
0x5b: {  	s7 =	simm.s32 $0x1700  }
0x5c: {  	[tilespmem:s7], [sflag:$0x1] =	stream.indirect_vreg.gather [hbm4b:s2+s3], $0x80, v4, vm0, $0xb8;
	[tilespmem:$0x1AB00] =	vst v63  }
0x5d: {  	s11 =	simm.s32 $0x3700  }
0x5e: {  	[tilespmem:s11], [sflag:$0x1] =	stream.indirect_vreg.gather [hbm4b:s2+s3], $0x80, v3, vm0, $0xb8;
	[tilespmem:$0x1AB00] =	vst v63  }
0x5f: {  	v3 =	vld.msk [tilespmem:$0x100], $0xf;
	_ =	sdelay $0x4  }
0x60: {  	v3 =	vperm.xlane v3, v0;
	_ =	sdelay $0x1  }
0x61: {  	v3 =	vadd.s32 v1, v3;
	_ =	sdelay $0x3  }
0x62: {  	s25 =	simm.s32 $0x5700  }
0x63: {  	[tilespmem:s25], [sflag:$0x1] =	stream.indirect_vreg.gather [hbm4b:s2+s3], $0x80, v3, vm1, $0xb8;
	[tilespmem:$0x1AB00] =	vst v63  }
0x64: {  	v3 =	vld [tilespmem:$0x120];
	_ =	sdelay $0x4  }
0x65: {  	v4 =	vperm.xlane v3, v0;
	_ =	sdelay $0x1  }
0x66: {  	v3 =	vperm.xlane v3, v2;
	v4 =	vadd.s32 v1, v4;
	_ =	sdelay $0x1  }
0x67: {  	v3 =	vadd.s32 v1, v3;
	_ =	sdelay $0x1  }
0x68: {  	s26 =	simm.s32 $0x1B00  }
0x69: {  	[tilespmem:s26], [sflag:$0x1] =	stream.indirect_vreg.gather [hbm4b:s2+s3], $0x80, v4, vm0, $0xb8;
	[tilespmem:$0x1AB00] =	vst v63  }
0x6a: {  	s31 =	simm.s32 $0x3B00  }
0x6b: {  	[tilespmem:s31], [sflag:$0x1] =	stream.indirect_vreg.gather [hbm4b:s2+s3], $0x80, v3, vm0, $0xb8;
	[tilespmem:$0x1AB00] =	vst v63  }
0x6c: {  	v3 =	vld.msk [tilespmem:$0x130], $0xf;
	_ =	sdelay $0x4  }
0x6d: {  	v3 =	vperm.xlane v3, v0;
	_ =	sdelay $0x1  }
0x6e: {  	v3 =	vadd.s32 v1, v3;
	_ =	sdelay $0x3  }
0x6f: {  	s1 =	simm.s32 $0x5B00  }
0x70: {  	[tilespmem:s1], [sflag:$0x1] =	stream.indirect_vreg.gather [hbm4b:s2+s3], $0x80, v3, vm1, $0xb8;
	[tilespmem:$0x1AB00] =	vst v63  }
0x71: {  	v3 =	vld [tilespmem:$0x18];
	_ =	sdelay $0x4  }
0x72: {  	v4 =	vperm.xlane v3, v0;
	_ =	sdelay $0x1  }
0x73: {  	v3 =	vperm.xlane v3, v2;
	v4 =	vadd.s32 v1, v4;
	_ =	sdelay $0x1  }
0x74: {  	v3 =	vadd.s32 v1, v3;
	_ =	sdelay $0x1  }
0x75: {  	s7 =	simm.s32 $0x6300  }
0x76: {  	[tilespmem:s7], [sflag:$0x1] =	stream.indirect_vreg.gather [hbm4b:s2+s3], $0x80, v4, vm0, $0xb8;
	[tilespmem:$0x1AB00] =	vst v63  }
0x77: {  	s11 =	simm.s32 $0x8300  }
0x78: {  	[tilespmem:s11], [sflag:$0x1] =	stream.indirect_vreg.gather [hbm4b:s2+s3], $0x80, v3, vm0, $0xb8;
	[tilespmem:$0x1AB00] =	vst v63  }
0x79: {  	v3 =	vld.msk [tilespmem:$0x28], $0xf;
	_ =	sdelay $0x4  }
0x7a: {  	v3 =	vperm.xlane v3, v0;
	_ =	sdelay $0x1  }
0x7b: {  	v3 =	vadd.s32 v1, v3;
	_ =	sdelay $0x3  }
0x7c: {  	s25 =	simm.s32 $0xA300  }
0x7d: {  	[tilespmem:s25], [sflag:$0x1] =	stream.indirect_vreg.gather [hbm4b:s2+s3], $0x80, v3, vm1, $0xb8;
	[tilespmem:$0x1AB00] =	vst v63  }
0x7e: {  	v3 =	vld [tilespmem:$0x48];
	_ =	sdelay $0x4  }
0x7f: {  	v4 =	vperm.xlane v3, v0;
	_ =	sdelay $0x1  }
0x80: {  	v3 =	vperm.xlane v3, v2;
	v4 =	vadd.s32 v1, v4;
	_ =	sdelay $0x1  }
0x81: {  	v3 =	vadd.s32 v1, v3;
	_ =	sdelay $0x1  }
0x82: {  	s26 =	simm.s32 $0x6700  }
0x83: {  	[tilespmem:s26], [sflag:$0x1] =	stream.indirect_vreg.gather [hbm4b:s2+s3], $0x80, v4, vm0, $0xb8;
	[tilespmem:$0x1AB00] =	vst v63  }
0x84: {  	s31 =	simm.s32 $0x8700  }
0x85: {  	[tilespmem:s31], [sflag:$0x1] =	stream.indirect_vreg.gather [hbm4b:s2+s3], $0x80, v3, vm0, $0xb8;
	[tilespmem:$0x1AB00] =	vst v63  }
0x86: {  	v3 =	vld.msk [tilespmem:$0x58], $0xf;
	_ =	sdelay $0x4  }
0x87: {  	v3 =	vperm.xlane v3, v0;
	_ =	sdelay $0x1  }
0x88: {  	v3 =	vadd.s32 v1, v3;
	_ =	sdelay $0x3  }
0x89: {  	s1 =	simm.s32 $0xA700  }
0x8a: {  	[tilespmem:s1], [sflag:$0x1] =	stream.indirect_vreg.gather [hbm4b:s2+s3], $0x80, v3, vm1, $0xb8;
	[tilespmem:$0x1AB00] =	vst v63  }
0x8b: {  	v3 =	vld [tilespmem:$0x78];
	_ =	sdelay $0x4  }
0x8c: {  	v4 =	vperm.xlane v3, v0;
	_ =	sdelay $0x1  }
0x8d: {  	v3 =	vperm.xlane v3, v2;
	v4 =	vadd.s32 v1, v4;
	_ =	sdelay $0x1  }
0x8e: {  	v3 =	vadd.s32 v1, v3;
	_ =	sdelay $0x1  }
0x8f: {  	s7 =	simm.s32 $0x6B00  }
0x90: {  	[tilespmem:s7], [sflag:$0x1] =	stream.indirect_vreg.gather [hbm4b:s2+s3], $0x80, v4, vm0, $0xb8;
	[tilespmem:$0x1AB00] =	vst v63  }
0x91: {  	s11 =	simm.s32 $0x8B00  }
0x92: {  	[tilespmem:s11], [sflag:$0x1] =	stream.indirect_vreg.gather [hbm4b:s2+s3], $0x80, v3, vm0, $0xb8;
	[tilespmem:$0x1AB00] =	vst v63  }
0x93: {  	v3 =	vld.msk [tilespmem:$0x88], $0xf;
	_ =	sdelay $0x4  }
0x94: {  	v3 =	vperm.xlane v3, v0;
	_ =	sdelay $0x1  }
0x95: {  	v3 =	vadd.s32 v1, v3;
	_ =	sdelay $0x3  }
0x96: {  	s25 =	simm.s32 $0xAB00  }
0x97: {  	[tilespmem:s25], [sflag:$0x1] =	stream.indirect_vreg.gather [hbm4b:s2+s3], $0x80, v3, vm1, $0xb8;
	[tilespmem:$0x1AB00] =	vst v63  }
0x98: {  	v3 =	vld [tilespmem:$0xA8];
	_ =	sdelay $0x4  }
0x99: {  	v4 =	vperm.xlane v3, v0;
	_ =	sdelay $0x1  }
0x9a: {  	v3 =	vperm.xlane v3, v2;
	v4 =	vadd.s32 v1, v4;
	_ =	sdelay $0x1  }
0x9b: {  	v3 =	vadd.s32 v1, v3;
	_ =	sdelay $0x1  }
0x9c: {  	s26 =	simm.s32 $0x6F00  }
0x9d: {  	[tilespmem:s26], [sflag:$0x1] =	stream.indirect_vreg.gather [hbm4b:s2+s3], $0x80, v4, vm0, $0xb8;
	[tilespmem:$0x1AB00] =	vst v63  }
0x9e: {  	s31 =	simm.s32 $0x8F00  }
0x9f: {  	[tilespmem:s31], [sflag:$0x1] =	stream.indirect_vreg.gather [hbm4b:s2+s3], $0x80, v3, vm0, $0xb8;
	[tilespmem:$0x1AB00] =	vst v63  }
0xa0: {  	v3 =	vld.msk [tilespmem:$0xB8], $0xf;
	_ =	sdelay $0x4  }
0xa1: {  	v3 =	vperm.xlane v3, v0;
	_ =	sdelay $0x1  }
0xa2: {  	v3 =	vadd.s32 v1, v3;
	_ =	sdelay $0x3  }
0xa3: {  	s1 =	simm.s32 $0xAF00  }
0xa4: {  	[tilespmem:s1], [sflag:$0x1] =	stream.indirect_vreg.gather [hbm4b:s2+s3], $0x80, v3, vm1, $0xb8;
	[tilespmem:$0x1AB00] =	vst v63  }
0xa5: {  	v3 =	vld [tilespmem:$0xD8];
	_ =	sdelay $0x4  }
0xa6: {  	v4 =	vperm.xlane v3, v0;
	_ =	sdelay $0x1  }
0xa7: {  	v3 =	vperm.xlane v3, v2;
	v4 =	vadd.s32 v1, v4;
	_ =	sdelay $0x1  }
0xa8: {  	v3 =	vadd.s32 v1, v3;
	_ =	sdelay $0x1  }
0xa9: {  	s7 =	simm.s32 $0x7300  }
0xaa: {  	[tilespmem:s7], [sflag:$0x1] =	stream.indirect_vreg.gather [hbm4b:s2+s3], $0x80, v4, vm0, $0xb8;
	[tilespmem:$0x1AB00] =	vst v63  }
0xab: {  	s11 =	simm.s32 $0x9300  }
0xac: {  	[tilespmem:s11], [sflag:$0x1] =	stream.indirect_vreg.gather [hbm4b:s2+s3], $0x80, v3, vm0, $0xb8;
	[tilespmem:$0x1AB00] =	vst v63  }
0xad: {  	v3 =	vld.msk [tilespmem:$0xE8], $0xf;
	_ =	sdelay $0x4  }
0xae: {  	v3 =	vperm.xlane v3, v0;
	_ =	sdelay $0x1  }
0xaf: {  	v3 =	vadd.s32 v1, v3;
	_ =	sdelay $0x3  }
0xb0: {  	s25 =	simm.s32 $0xB300  }
0xb1: {  	[tilespmem:s25], [sflag:$0x1] =	stream.indirect_vreg.gather [hbm4b:s2+s3], $0x80, v3, vm1, $0xb8;
	[tilespmem:$0x1AB00] =	vst v63  }
0xb2: {  	v3 =	vld [tilespmem:$0x108];
	_ =	sdelay $0x4  }
0xb3: {  	v4 =	vperm.xlane v3, v0;
	_ =	sdelay $0x1  }
0xb4: {  	v3 =	vperm.xlane v3, v2;
	v4 =	vadd.s32 v1, v4;
	_ =	sdelay $0x1  }
0xb5: {  	v3 =	vadd.s32 v1, v3;
	_ =	sdelay $0x1  }
0xb6: {  	s26 =	simm.s32 $0x7700  }
0xb7: {  	[tilespmem:s26], [sflag:$0x1] =	stream.indirect_vreg.gather [hbm4b:s2+s3], $0x80, v4, vm0, $0xb8;
	[tilespmem:$0x1AB00] =	vst v63  }
0xb8: {  	s31 =	simm.s32 $0x9700  }
0xb9: {  	[tilespmem:s31], [sflag:$0x1] =	stream.indirect_vreg.gather [hbm4b:s2+s3], $0x80, v3, vm0, $0xb8;
	[tilespmem:$0x1AB00] =	vst v63  }
0xba: {  	v3 =	vld.msk [tilespmem:$0x118], $0xf;
	_ =	sdelay $0x4  }
0xbb: {  	v3 =	vperm.xlane v3, v0;
	_ =	sdelay $0x1  }
0xbc: {  	v3 =	vadd.s32 v1, v3;
	_ =	sdelay $0x3  }
0xbd: {  	s1 =	simm.s32 $0xB700  }
0xbe: {  	[tilespmem:s1], [sflag:$0x1] =	stream.indirect_vreg.gather [hbm4b:s2+s3], $0x80, v3, vm1, $0xb8;
	[tilespmem:$0x1AB00] =	vst v63  }
0xbf: {  	v3 =	vld [tilespmem:$0x138];
	_ =	sdelay $0x4  }
0xc0: {  	v4 =	vperm.xlane v3, v0;
	_ =	sdelay $0x1  }
0xc1: {  	v3 =	vperm.xlane v3, v2;
	v4 =	vadd.s32 v1, v4;
	_ =	sdelay $0x1  }
0xc2: {  	v3 =	vadd.s32 v1, v3;
	_ =	sdelay $0x1  }
0xc3: {  	s7 =	simm.s32 $0x7B00  }
0xc4: {  	[tilespmem:s7], [sflag:$0x1] =	stream.indirect_vreg.gather [hbm4b:s2+s3], $0x80, v4, vm0, $0xb8;
	[tilespmem:$0x1AB00] =	vst v63  }
0xc5: {  	s11 =	simm.s32 $0x9B00  }
0xc6: {  	[tilespmem:s11], [sflag:$0x1] =	stream.indirect_vreg.gather [hbm4b:s2+s3], $0x80, v3, vm0, $0xb8;
	[tilespmem:$0x1AB00] =	vst v63  }
0xc7: {  	v3 =	vld.msk [tilespmem:$0x148], $0xf;
	_ =	sdelay $0x4  }
0xc8: {  	v3 =	vperm.xlane v3, v0;
	_ =	sdelay $0x1  }
0xc9: {  	v3 =	vadd.s32 v1, v3;
	_ =	sdelay $0x3  }
0xca: {  	s25 =	simm.s32 $0xBB00  }
0xcb: {  	[tilespmem:s25], [sflag:$0x1] =	stream.indirect_vreg.gather [hbm4b:s2+s3], $0x80, v3, vm1, $0xb8;
	[tilespmem:$0x1AB00] =	vst v63  }
0xcc: {  	s26 =	simm.s32 $0x150;
	s31 =	simm.s32 $0x18300  }
0xcd: {  	[tilespmem:s31], [sflag:$0x1] =	stream.indirect.gather [hbm4b:s2+s9], $0x80, s26, s9, $0xb8;
	[tilespmem:$0x1AB00] =	vst v63  }
0xce: {  	_ =	swait.ge [sflag:s15], $0xA00  }
0xcf: {  	[sflag:s15] =	ssyncset.done $0x0  }
0xd0: {  	[sflag:s15] =	ssyncadd.s32 $0xFFFFF600  }
0xd1: {  	_ =	swait.ge [sflag:s15], $0xA00  }
0xd2: {  	[sflag:s15] =	ssyncset.done $0x0  }
0xd3: {  	[sflag:s15] =	ssyncadd.s32 $0xFFFFF600  }
0xd4: {  	_ =	swait.ge [sflag:s15], $0xA00  }
0xd5: {  	[sflag:s15] =	ssyncset.done $0x0  }
0xd6: {  	[sflag:s15] =	ssyncadd.s32 $0xFFFFF600  }
0xd7: {  	_ =	swait.ge [sflag:s15], $0xA00  }
0xd8: {  	[sflag:s15] =	ssyncset.done $0x0  }
0xd9: {  	[sflag:s15] =	ssyncadd.s32 $0xFFFFF600  }
0xda: {  	_ =	swait.ge [sflag:s15], $0xA00  }
0xdb: {  	[sflag:s15] =	ssyncset.done $0x0  }
0xdc: {  	[sflag:s15] =	ssyncadd.s32 $0xFFFFF600  }
0xdd: {  	_ =	swait.ge [sflag:s15], $0xA00  }
0xde: {  	[sflag:s15] =	ssyncset.done $0x0  }
0xdf: {  	[sflag:s15] =	ssyncadd.s32 $0xFFFFF600  }
0xe0: {  	_ =	swait.ge [sflag:s15], $0xA00  }
0xe1: {  	[sflag:s15] =	ssyncset.done $0x0  }
0xe2: {  	[sflag:s15] =	ssyncadd.s32 $0xFFFFF600  }
0xe3: {  	_ =	swait.ge [sflag:s15], $0xA00  }
0xe4: {  	[sflag:s15] =	ssyncset.done $0x0  }
0xe5: {  	[sflag:s15] =	ssyncadd.s32 $0xFFFFF600  }
0xe6: {  	_ =	swait.ge [sflag:s15], $0xA00  }
0xe7: {  	[sflag:s15] =	ssyncset.done $0x0  }
0xe8: {  	[sflag:s15] =	ssyncadd.s32 $0xFFFFF600  }
0xe9: {  	_ =	swait.ge [sflag:s15], $0xA00  }
0xea: {  	[sflag:s15] =	ssyncset.done $0x0  }
0xeb: {  	[sflag:s15] =	ssyncadd.s32 $0xFFFFF600  }
0xec: {  	_ =	swait.ge [sflag:s15], $0xA00  }
0xed: {  	[sflag:s15] =	ssyncset.done $0x0  }
0xee: {  	[sflag:s15] =	ssyncadd.s32 $0xFFFFF600  }
0xef: {  	_ =	swait.ge [sflag:s15], $0xA00  }
0xf0: {  	[sflag:s15] =	ssyncset.done $0x0  }
0xf1: {  	[sflag:s15] =	ssyncadd.s32 $0xFFFFF600  }
0xf2: {  	_ =	swait.ge [sflag:s15], $0xA00  }
0xf3: {  	[sflag:s15] =	ssyncset.done $0x0  }
0xf4: {  	[sflag:s15] =	ssyncadd.s32 $0xFFFFF600  }
0xf5: {  	_ =	swait.ge [sflag:s15], $0xA00  }
0xf6: {  	[sflag:s15] =	ssyncset.done $0x0  }
0xf7: {  	[sflag:s15] =	ssyncadd.s32 $0xFFFFF600  }
0xf8: {  	_ =	swait.ge [sflag:s15], $0x1400  }
0xf9: {  	[sflag:s15] =	ssyncset.done $0x0  }
0xfa: {  	s0 =	simm.s32 $0x18D60;
	[sflag:s15] =	ssyncadd.s32 $0xFFFFEC00  }
0xfb: {  	v3 =	vld [tilespmem:s0+$0xFFFFF5A0]  }
0xfc: {  	s7 =	sand.u32 $0x7, s3  }
0xfd: {  	s1 =	sshll.u32 s7, $0x7  }
0xfe: {  	s1 =	sadd.s32 $0x0, s1  }
0xff: {  	s25 =	sor.u32 $0x1C00, s1  }
0x100: {  	[tilespmem:s25+$0x300] =	vst v3  }
0x101: {  	v3 =	vld [tilespmem:s0+$0xFFFFF5B0];
	_ =	sdelay $0x3  }
0x102: {  	s11 =	sor.u32 $0x1C10, s1  }
0x103: {  	[tilespmem:s11+$0x300] =	vst v3  }
0x104: {  	v3 =	vld [tilespmem:s0+$0xFFFFF5C0];
	_ =	sdelay $0x3  }
0x105: {  	s26 =	sor.u32 $0x1C20, s1  }
0x106: {  	[tilespmem:s26+$0x300] =	vst v3  }
0x107: {  	v3 =	vld [tilespmem:s0+$0xFFFFF5D0];
	_ =	sdelay $0x3  }
0x108: {  	s31 =	sor.u32 $0x1C30, s1  }
0x109: {  	[tilespmem:s31+$0x300] =	vst v3  }
0x10a: {  	v3 =	vld [tilespmem:s0+$0xFFFFF5E0];
	_ =	sdelay $0x3  }
0x10b: {  	s7 =	sor.u32 $0x1C40, s1  }
0x10c: {  	[tilespmem:s7+$0x300] =	vst v3  }
0x10d: {  	v3 =	vld [tilespmem:s0+$0xFFFFF5F0];
	_ =	sdelay $0x3  }
0x10e: {  	s11 =	sor.u32 $0x1C50, s1  }
0x10f: {  	[tilespmem:s11+$0x300] =	vst v3  }
0x110: {  	v3 =	vld [tilespmem:s0+$0xFFFFF600];
	_ =	sdelay $0x3  }
0x111: {  	s1 =	sor.u32 $0x1C60, s1  }
0x112: {  	[tilespmem:s1+$0x300] =	vst v3  }
0x113: {  	v3 =	vld [tilespmem:s0+$0xFFFFFFA0];
	_ =	sdelay $0x2  }
0x114: {  	s26 =	sand.u32 $0x6000, s3;
	s31 =	sand.u32 $0x380, s3  }
0x115: {  	s1 =	sor.u32 s31, s26  }
0x116: {  	[tilespmem:s1+$0x7F00] =	vst v3  }
0x117: {  	v3 =	vld [tilespmem:s0+$0xFFFFFFB0];
	_ =	sdelay $0x4  }
0x118: {  	[tilespmem:s1+$0x7F10] =	vst v3  }
0x119: {  	v3 =	vld [tilespmem:s0+$0xFFFFFFC0];
	_ =	sdelay $0x4  }
0x11a: {  	[tilespmem:s1+$0x7F20] =	vst v3  }
0x11b: {  	v3 =	vld [tilespmem:s0+$0xFFFFFFD0];
	_ =	sdelay $0x4  }
0x11c: {  	[tilespmem:s1+$0x7F30] =	vst v3  }
0x11d: {  	v3 =	vld [tilespmem:s0+$0xFFFFFFE0];
	_ =	sdelay $0x4  }
0x11e: {  	[tilespmem:s1+$0x7F40] =	vst v3  }
0x11f: {  	v3 =	vld [tilespmem:s0+$0xFFFFFFF0];
	_ =	sdelay $0x4  }
0x120: {  	[tilespmem:s1+$0x7F50] =	vst v3  }
0x121: {  	v3 =	vld [tilespmem:s0+$0x0];
	_ =	sdelay $0x4  }
0x122: {  	s30 =	simm.s32 $0x100;
	s25 =	simm.s32 $0x18DE0;
	[tilespmem:s1+$0x7F60] =	vst v3  }
0x123: {  	s29 =	simm.s32 $0x1;
	s28 =	simm.s32 $0x0;
	s26 =	simm.s32 $0x80;
	v3 =	vld [tilespmem:s25+$0xFFFFF5A0]  }
.LBB2_2:
0x124: {  	p0 =	sne.s32 s30, $0x980;
	s0 =	sand.u32 $0x7, s29  }
0x125: {  	s28 =	sadd.s32 $0x400, s28;
	s0 =	sshll.u32 s0, $0x7  }
0x126: {  	s0 =	sadd.s32 s0, s28  }
0x127: {  	s1 =	sor.u32 $0x1C00, s0  }
0x128: {  	[tilespmem:s1+$0x300] =	vst v3  }
0x129: {  	v3 =	vld [tilespmem:s25+$0xFFFFF5B0];
	_ =	sdelay $0x3  }
0x12a: {  	s1 =	sor.u32 $0x1C10, s0  }
0x12b: {  	[tilespmem:s1+$0x300] =	vst v3  }
0x12c: {  	v3 =	vld [tilespmem:s25+$0xFFFFF5C0];
	_ =	sdelay $0x3  }
0x12d: {  	s1 =	sor.u32 $0x1C20, s0  }
0x12e: {  	[tilespmem:s1+$0x300] =	vst v3  }
0x12f: {  	v3 =	vld [tilespmem:s25+$0xFFFFF5D0];
	_ =	sdelay $0x3  }
0x130: {  	s1 =	sor.u32 $0x1C30, s0  }
0x131: {  	[tilespmem:s1+$0x300] =	vst v3  }
0x132: {  	v3 =	vld [tilespmem:s25+$0xFFFFF5E0];
	_ =	sdelay $0x3  }
0x133: {  	s1 =	sor.u32 $0x1C40, s0  }
0x134: {  	[tilespmem:s1+$0x300] =	vst v3  }
0x135: {  	v3 =	vld [tilespmem:s25+$0xFFFFF5F0];
	_ =	sdelay $0x3  }
0x136: {  	s1 =	sor.u32 $0x1C50, s0  }
0x137: {  	[tilespmem:s1+$0x300] =	vst v3  }
0x138: {  	v3 =	vld [tilespmem:s25+$0xFFFFF600];
	_ =	sdelay $0x3  }
0x139: {  	s0 =	sor.u32 $0x1C60, s0  }
0x13a: {  	[tilespmem:s0+$0x300] =	vst v3  }
0x13b: {  	v3 =	vld [tilespmem:s25+$0xFFFFFFA0];
	_ =	sdelay $0x2  }
0x13c: {  	s1 =	sand.u32 $0x380, s26;
	s26 =	smov.u32 s30;
	s0 =	sand.u32 $0x6000, s28  }
0x13d: {  	s0 =	sor.u32 s1, s0  }
0x13e: {  	[tilespmem:s0+$0x7F00] =	vst v3  }
0x13f: {  	v3 =	vld [tilespmem:s25+$0xFFFFFFB0];
	_ =	sdelay $0x4  }
0x140: {  	[tilespmem:s0+$0x7F10] =	vst v3  }
0x141: {  	v3 =	vld [tilespmem:s25+$0xFFFFFFC0];
	_ =	sdelay $0x4  }
0x142: {  	[tilespmem:s0+$0x7F20] =	vst v3  }
0x143: {  	v3 =	vld [tilespmem:s25+$0xFFFFFFD0];
	_ =	sdelay $0x4  }
0x144: {  	[tilespmem:s0+$0x7F30] =	vst v3  }
0x145: {  	v3 =	vld [tilespmem:s25+$0xFFFFFFE0];
	_ =	sdelay $0x4  }
0x146: {  	[tilespmem:s0+$0x7F40] =	vst v3  }
0x147: {  	v3 =	vld [tilespmem:s25+$0xFFFFFFF0];
	_ =	sdelay $0x4  }
0x148: {  	[tilespmem:s0+$0x7F50] =	vst v3  }
0x149: {  	v3 =	vld [tilespmem:s25+$0x0];
	_ =	sdelay $0x1  }
.Ltmp0:
0x14a: {  	(pc) =	sbr.rel @p0 .LBB2_2-.Ltmp0, $3  }
0x14b: {  	_ =	sdelay $0x1  }
0x14c: {  	s25 =	sadd.s32 $0x80, s25;
	[tilespmem:s0+$0x7F60] =	vst v3  }
0x14d: {  	s29 =	sadd.s32 $0x1, s29;
	s30 =	sadd.s32 $0x80, s30;
	v3 =	vld [tilespmem:s25+$0xFFFFF5A0]  }
0x14e: {  	s0 =	sand.u32 $0x7, s29  }
0x14f: {  	s1 =	sadd.s32 $0x400, s28;
	s0 =	sshll.u32 s0, $0x7  }
0x150: {  	s0 =	sadd.s32 s0, s1  }
0x151: {  	s31 =	sor.u32 $0x1C00, s0  }
0x152: {  	[tilespmem:s31+$0x300] =	vst v3  }
0x153: {  	v3 =	vld [tilespmem:s25+$0xFFFFF5B0];
	_ =	sdelay $0x3  }
0x154: {  	s7 =	sor.u32 $0x1C10, s0  }
0x155: {  	[tilespmem:s7+$0x300] =	vst v3  }
0x156: {  	v3 =	vld [tilespmem:s25+$0xFFFFF5C0];
	_ =	sdelay $0x3  }
0x157: {  	s11 =	sor.u32 $0x1C20, s0  }
0x158: {  	[tilespmem:s11+$0x300] =	vst v3  }
0x159: {  	v3 =	vld [tilespmem:s25+$0xFFFFF5D0];
	_ =	sdelay $0x3  }
0x15a: {  	s29 =	sor.u32 $0x1C30, s0  }
0x15b: {  	[tilespmem:s29+$0x300] =	vst v3  }
0x15c: {  	v3 =	vld [tilespmem:s25+$0xFFFFF5E0];
	_ =	sdelay $0x3  }
0x15d: {  	s30 =	sor.u32 $0x1C40, s0  }
0x15e: {  	[tilespmem:s30+$0x300] =	vst v3  }
0x15f: {  	v3 =	vld [tilespmem:s25+$0xFFFFF5F0];
	_ =	sdelay $0x3  }
0x160: {  	s31 =	sor.u32 $0x1C50, s0  }
0x161: {  	[tilespmem:s31+$0x300] =	vst v3  }
0x162: {  	v3 =	vld [tilespmem:s25+$0xFFFFF600];
	_ =	sdelay $0x3  }
0x163: {  	s0 =	sor.u32 $0x1C60, s0  }
0x164: {  	[tilespmem:s0+$0x300] =	vst v3  }
0x165: {  	v3 =	vld [tilespmem:s25+$0xFFFFFFA0];
	_ =	sdelay $0x2  }
0x166: {  	s1 =	sand.u32 $0x6000, s1;
	s7 =	sand.u32 $0x380, s26  }
0x167: {  	s0 =	sor.u32 s7, s1  }
0x168: {  	[tilespmem:s0+$0x7F00] =	vst v3  }
0x169: {  	v3 =	vld [tilespmem:s25+$0xFFFFFFB0];
	_ =	sdelay $0x4  }
0x16a: {  	[tilespmem:s0+$0x7F10] =	vst v3  }
0x16b: {  	v3 =	vld [tilespmem:s25+$0xFFFFFFC0];
	_ =	sdelay $0x4  }
0x16c: {  	[tilespmem:s0+$0x7F20] =	vst v3  }
0x16d: {  	v3 =	vld [tilespmem:s25+$0xFFFFFFD0];
	_ =	sdelay $0x4  }
0x16e: {  	[tilespmem:s0+$0x7F30] =	vst v3  }
0x16f: {  	v3 =	vld [tilespmem:s25+$0xFFFFFFE0];
	_ =	sdelay $0x4  }
0x170: {  	[tilespmem:s0+$0x7F40] =	vst v3  }
0x171: {  	v3 =	vld [tilespmem:s25+$0xFFFFFFF0];
	_ =	sdelay $0x4  }
0x172: {  	[tilespmem:s0+$0x7F50] =	vst v3  }
0x173: {  	v3 =	vld [tilespmem:s25+$0x0];
	_ =	sdelay $0x4  }
0x174: {  	[tilespmem:s0+$0x7F60] =	vst v3  }
0x175: {  	v3 =	vld [tilespmem:$0x178];
	_ =	sdelay $0x4  }
0x176: {  	v4 =	vperm.xlane v3, v0;
	_ =	sdelay $0x1  }
0x177: {  	v3 =	vperm.xlane v3, v2;
	v4 =	vadd.s32 v1, v4;
	_ =	sdelay $0x1  }
0x178: {  	v3 =	vadd.s32 v1, v3;
	_ =	sdelay $0x1  }
0x179: {  	s25 =	simm.s32 $0x0  }
0x17a: {  	[tilespmem:s16], [sflag:$0x2] =	stream.indirect_vreg.gather [hbm4b:s2+s25], $0x80, v4, vm0, $0xb8;
	[tilespmem:$0x1AB00] =	vst v63  }
0x17b: {  	s11 =	simm.s32 $0xE300  }
0x17c: {  	[tilespmem:s11], [sflag:$0x2] =	stream.indirect_vreg.gather [hbm4b:s2+s25], $0x80, v3, vm0, $0xb8;
	[tilespmem:$0x1AB00] =	vst v63  }
0x17d: {  	v3 =	vld.msk [tilespmem:$0x188], $0xf;
	_ =	sdelay $0x4  }
0x17e: {  	v3 =	vperm.xlane v3, v0;
	_ =	sdelay $0x1  }
0x17f: {  	v3 =	vadd.s32 v1, v3;
	_ =	sdelay $0x3  }
0x180: {  	s26 =	simm.s32 $0x10300  }
0x181: {  	[tilespmem:s26], [sflag:$0x2] =	stream.indirect_vreg.gather [hbm4b:s2+s25], $0x80, v3, vm1, $0xb8;
	[tilespmem:$0x1AB00] =	vst v63  }
0x182: {  	v3 =	vld [tilespmem:$0x1A8];
	_ =	sdelay $0x4  }
0x183: {  	v51 =	vperm.xlane v3, v0;
	_ =	sdelay $0x1  }
0x184: {  	v3 =	vperm.xlane v3, v2;
	v4 =	vadd.s32 v1, v51;
	_ =	sdelay $0x1  }
0x185: {  	v3 =	vadd.s32 v1, v3;
	_ =	sdelay $0x1  }
0x186: {  	s28 =	simm.s32 $0xC700  }
0x187: {  	[tilespmem:s28], [sflag:$0x2] =	stream.indirect_vreg.gather [hbm4b:s2+s25], $0x80, v4, vm0, $0xb8;
	[tilespmem:$0x1AB00] =	vst v63  }
0x188: {  	s29 =	simm.s32 $0xE700  }
0x189: {  	[tilespmem:s29], [sflag:$0x2] =	stream.indirect_vreg.gather [hbm4b:s2+s25], $0x80, v3, vm0, $0xb8;
	[tilespmem:$0x1AB00] =	vst v63  }
0x18a: {  	v3 =	vld.msk [tilespmem:$0x1B8], $0xf;
	_ =	sdelay $0x4  }
0x18b: {  	v3 =	vperm.xlane v3, v0;
	_ =	sdelay $0x1  }
0x18c: {  	v3 =	vadd.s32 v1, v3;
	_ =	sdelay $0x3  }
0x18d: {  	s30 =	simm.s32 $0x10700  }
0x18e: {  	[tilespmem:s30], [sflag:$0x2] =	stream.indirect_vreg.gather [hbm4b:s2+s25], $0x80, v3, vm1, $0xb8;
	[tilespmem:$0x1AB00] =	vst v63  }
0x18f: {  	v3 =	vld [tilespmem:$0x1D8];
	_ =	sdelay $0x4  }
0x190: {  	v52 =	vperm.xlane v3, v0;
	_ =	sdelay $0x1  }
0x191: {  	v3 =	vperm.xlane v3, v2;
	v4 =	vadd.s32 v1, v52;
	_ =	sdelay $0x1  }
0x192: {  	v3 =	vadd.s32 v1, v3;
	_ =	sdelay $0x1  }
0x193: {  	s31 =	simm.s32 $0xCB00  }
0x194: {  	[tilespmem:s31], [sflag:$0x2] =	stream.indirect_vreg.gather [hbm4b:s2+s25], $0x80, v4, vm0, $0xb8;
	[tilespmem:$0x1AB00] =	vst v63  }
0x195: {  	s1 =	simm.s32 $0xEB00  }
0x196: {  	[tilespmem:s1], [sflag:$0x2] =	stream.indirect_vreg.gather [hbm4b:s2+s25], $0x80, v3, vm0, $0xb8;
	[tilespmem:$0x1AB00] =	vst v63  }
0x197: {  	v3 =	vld.msk [tilespmem:$0x1E8], $0xf;
	_ =	sdelay $0x4  }
0x198: {  	v3 =	vperm.xlane v3, v0;
	_ =	sdelay $0x1  }
0x199: {  	v3 =	vadd.s32 v1, v3;
	_ =	sdelay $0x3  }
0x19a: {  	s7 =	simm.s32 $0x10B00  }
0x19b: {  	[tilespmem:s7], [sflag:$0x2] =	stream.indirect_vreg.gather [hbm4b:s2+s25], $0x80, v3, vm1, $0xb8;
	[tilespmem:$0x1AB00] =	vst v63  }
0x19c: {  	v3 =	vld [tilespmem:$0x208];
	_ =	sdelay $0x4  }
0x19d: {  	v53 =	vperm.xlane v3, v0;
	_ =	sdelay $0x1  }
0x19e: {  	v3 =	vperm.xlane v3, v2;
	v4 =	vadd.s32 v1, v53;
	_ =	sdelay $0x1  }
0x19f: {  	v3 =	vadd.s32 v1, v3;
	_ =	sdelay $0x1  }
0x1a0: {  	s11 =	simm.s32 $0xCF00  }
0x1a1: {  	[tilespmem:s11], [sflag:$0x2] =	stream.indirect_vreg.gather [hbm4b:s2+s25], $0x80, v4, vm0, $0xb8;
	[tilespmem:$0x1AB00] =	vst v63  }
0x1a2: {  	s26 =	simm.s32 $0xEF00  }
0x1a3: {  	[tilespmem:s26], [sflag:$0x2] =	stream.indirect_vreg.gather [hbm4b:s2+s25], $0x80, v3, vm0, $0xb8;
	[tilespmem:$0x1AB00] =	vst v63  }
0x1a4: {  	v3 =	vld.msk [tilespmem:$0x218], $0xf;
	_ =	sdelay $0x4  }
0x1a5: {  	v3 =	vperm.xlane v3, v0;
	_ =	sdelay $0x1  }
0x1a6: {  	v3 =	vadd.s32 v1, v3;
	_ =	sdelay $0x3  }
0x1a7: {  	s28 =	simm.s32 $0x10F00  }
0x1a8: {  	[tilespmem:s28], [sflag:$0x2] =	stream.indirect_vreg.gather [hbm4b:s2+s25], $0x80, v3, vm1, $0xb8;
	[tilespmem:$0x1AB00] =	vst v63  }
0x1a9: {  	v3 =	vld [tilespmem:$0x238];
	_ =	sdelay $0x4  }
0x1aa: {  	v54 =	vperm.xlane v3, v0;
	_ =	sdelay $0x1  }
0x1ab: {  	v3 =	vperm.xlane v3, v2;
	v4 =	vadd.s32 v1, v54;
	_ =	sdelay $0x1  }
0x1ac: {  	v3 =	vadd.s32 v1, v3;
	_ =	sdelay $0x1  }
0x1ad: {  	s29 =	simm.s32 $0xD300  }
0x1ae: {  	[tilespmem:s29], [sflag:$0x2] =	stream.indirect_vreg.gather [hbm4b:s2+s25], $0x80, v4, vm0, $0xb8;
	[tilespmem:$0x1AB00] =	vst v63  }
0x1af: {  	s30 =	simm.s32 $0xF300  }
0x1b0: {  	[tilespmem:s30], [sflag:$0x2] =	stream.indirect_vreg.gather [hbm4b:s2+s25], $0x80, v3, vm0, $0xb8;
	[tilespmem:$0x1AB00] =	vst v63  }
0x1b1: {  	v3 =	vld.msk [tilespmem:$0x248], $0xf;
	_ =	sdelay $0x4  }
0x1b2: {  	v3 =	vperm.xlane v3, v0;
	_ =	sdelay $0x1  }
0x1b3: {  	v3 =	vadd.s32 v1, v3;
	_ =	sdelay $0x3  }
0x1b4: {  	s31 =	simm.s32 $0x11300  }
0x1b5: {  	[tilespmem:s31], [sflag:$0x2] =	stream.indirect_vreg.gather [hbm4b:s2+s25], $0x80, v3, vm1, $0xb8;
	[tilespmem:$0x1AB00] =	vst v63  }
0x1b6: {  	v3 =	vld [tilespmem:$0x268];
	_ =	sdelay $0x4  }
0x1b7: {  	v55 =	vperm.xlane v3, v0;
	_ =	sdelay $0x1  }
0x1b8: {  	v3 =	vperm.xlane v3, v2;
	v4 =	vadd.s32 v1, v55;
	_ =	sdelay $0x1  }
0x1b9: {  	v3 =	vadd.s32 v1, v3;
	_ =	sdelay $0x1  }
0x1ba: {  	s1 =	simm.s32 $0xD700  }
0x1bb: {  	[tilespmem:s1], [sflag:$0x2] =	stream.indirect_vreg.gather [hbm4b:s2+s25], $0x80, v4, vm0, $0xb8;
	[tilespmem:$0x1AB00] =	vst v63  }
0x1bc: {  	s7 =	simm.s32 $0xF700  }
0x1bd: {  	[tilespmem:s7], [sflag:$0x2] =	stream.indirect_vreg.gather [hbm4b:s2+s25], $0x80, v3, vm0, $0xb8;
	[tilespmem:$0x1AB00] =	vst v63  }
0x1be: {  	v3 =	vld.msk [tilespmem:$0x278], $0xf;
	_ =	sdelay $0x4  }
0x1bf: {  	v3 =	vperm.xlane v3, v0;
	_ =	sdelay $0x1  }
0x1c0: {  	v3 =	vadd.s32 v1, v3;
	_ =	sdelay $0x3  }
0x1c1: {  	s11 =	simm.s32 $0x11700  }
0x1c2: {  	[tilespmem:s11], [sflag:$0x2] =	stream.indirect_vreg.gather [hbm4b:s2+s25], $0x80, v3, vm1, $0xb8;
	[tilespmem:$0x1AB00] =	vst v63  }
0x1c3: {  	v3 =	vld [tilespmem:$0x298];
	_ =	sdelay $0x4  }
0x1c4: {  	v56 =	vperm.xlane v3, v0;
	_ =	sdelay $0x1  }
0x1c5: {  	v3 =	vperm.xlane v3, v2;
	v4 =	vadd.s32 v1, v56;
	_ =	sdelay $0x1  }
0x1c6: {  	v3 =	vadd.s32 v1, v3;
	_ =	sdelay $0x1  }
0x1c7: {  	s26 =	simm.s32 $0xDB00  }
0x1c8: {  	[tilespmem:s26], [sflag:$0x2] =	stream.indirect_vreg.gather [hbm4b:s2+s25], $0x80, v4, vm0, $0xb8;
	[tilespmem:$0x1AB00] =	vst v63  }
0x1c9: {  	s28 =	simm.s32 $0xFB00  }
0x1ca: {  	[tilespmem:s28], [sflag:$0x2] =	stream.indirect_vreg.gather [hbm4b:s2+s25], $0x80, v3, vm0, $0xb8;
	[tilespmem:$0x1AB00] =	vst v63  }
0x1cb: {  	v3 =	vld.msk [tilespmem:$0x2A8], $0xf;
	_ =	sdelay $0x4  }
0x1cc: {  	v3 =	vperm.xlane v3, v0;
	_ =	sdelay $0x1  }
0x1cd: {  	v3 =	vadd.s32 v1, v3;
	_ =	sdelay $0x3  }
0x1ce: {  	s29 =	simm.s32 $0x11B00  }
0x1cf: {  	[tilespmem:s29], [sflag:$0x2] =	stream.indirect_vreg.gather [hbm4b:s2+s25], $0x80, v3, vm1, $0xb8;
	[tilespmem:$0x1AB00] =	vst v63  }
0x1d0: {  	v3 =	vld [tilespmem:$0x190];
	_ =	sdelay $0x4  }
0x1d1: {  	v57 =	vperm.xlane v3, v0;
	_ =	sdelay $0x1  }
0x1d2: {  	v3 =	vperm.xlane v3, v2;
	v4 =	vadd.s32 v1, v57;
	_ =	sdelay $0x1  }
0x1d3: {  	v3 =	vadd.s32 v1, v3;
	_ =	sdelay $0x1  }
0x1d4: {  	s30 =	simm.s32 $0x12300  }
0x1d5: {  	[tilespmem:s30], [sflag:$0x2] =	stream.indirect_vreg.gather [hbm4b:s2+s25], $0x80, v4, vm0, $0xb8;
	[tilespmem:$0x1AB00] =	vst v63  }
0x1d6: {  	s31 =	simm.s32 $0x14300  }
0x1d7: {  	[tilespmem:s31], [sflag:$0x2] =	stream.indirect_vreg.gather [hbm4b:s2+s25], $0x80, v3, vm0, $0xb8;
	[tilespmem:$0x1AB00] =	vst v63  }
0x1d8: {  	v3 =	vld.msk [tilespmem:$0x1A0], $0xf;
	_ =	sdelay $0x4  }
0x1d9: {  	v3 =	vperm.xlane v3, v0;
	_ =	sdelay $0x1  }
0x1da: {  	v3 =	vadd.s32 v1, v3;
	_ =	sdelay $0x3  }
0x1db: {  	s1 =	simm.s32 $0x16300  }
0x1dc: {  	[tilespmem:s1], [sflag:$0x2] =	stream.indirect_vreg.gather [hbm4b:s2+s25], $0x80, v3, vm1, $0xb8;
	[tilespmem:$0x1AB00] =	vst v63  }
0x1dd: {  	v3 =	vld [tilespmem:$0x1C0];
	_ =	sdelay $0x4  }
0x1de: {  	v58 =	vperm.xlane v3, v0;
	_ =	sdelay $0x1  }
0x1df: {  	v3 =	vperm.xlane v3, v2;
	v4 =	vadd.s32 v1, v58;
	_ =	sdelay $0x1  }
0x1e0: {  	v3 =	vadd.s32 v1, v3;
	_ =	sdelay $0x1  }
0x1e1: {  	s7 =	simm.s32 $0x12700  }
0x1e2: {  	[tilespmem:s7], [sflag:$0x2] =	stream.indirect_vreg.gather [hbm4b:s2+s25], $0x80, v4, vm0, $0xb8;
	[tilespmem:$0x1AB00] =	vst v63  }
0x1e3: {  	s11 =	simm.s32 $0x14700  }
0x1e4: {  	[tilespmem:s11], [sflag:$0x2] =	stream.indirect_vreg.gather [hbm4b:s2+s25], $0x80, v3, vm0, $0xb8;
	[tilespmem:$0x1AB00] =	vst v63  }
0x1e5: {  	v3 =	vld.msk [tilespmem:$0x1D0], $0xf;
	_ =	sdelay $0x4  }
0x1e6: {  	v3 =	vperm.xlane v3, v0;
	_ =	sdelay $0x1  }
0x1e7: {  	v3 =	vadd.s32 v1, v3;
	_ =	sdelay $0x3  }
0x1e8: {  	s26 =	simm.s32 $0x16700  }
0x1e9: {  	[tilespmem:s26], [sflag:$0x2] =	stream.indirect_vreg.gather [hbm4b:s2+s25], $0x80, v3, vm1, $0xb8;
	[tilespmem:$0x1AB00] =	vst v63  }
0x1ea: {  	v3 =	vld [tilespmem:$0x1F0];
	_ =	sdelay $0x4  }
0x1eb: {  	v59 =	vperm.xlane v3, v0;
	_ =	sdelay $0x1  }
0x1ec: {  	v3 =	vperm.xlane v3, v2;
	v4 =	vadd.s32 v1, v59;
	_ =	sdelay $0x1  }
0x1ed: {  	v3 =	vadd.s32 v1, v3;
	_ =	sdelay $0x1  }
0x1ee: {  	s28 =	simm.s32 $0x12B00  }
0x1ef: {  	[tilespmem:s28], [sflag:$0x2] =	stream.indirect_vreg.gather [hbm4b:s2+s25], $0x80, v4, vm0, $0xb8;
	[tilespmem:$0x1AB00] =	vst v63  }
0x1f0: {  	s29 =	simm.s32 $0x14B00  }
0x1f1: {  	[tilespmem:s29], [sflag:$0x2] =	stream.indirect_vreg.gather [hbm4b:s2+s25], $0x80, v3, vm0, $0xb8;
	[tilespmem:$0x1AB00] =	vst v63  }
0x1f2: {  	v3 =	vld.msk [tilespmem:$0x200], $0xf;
	_ =	sdelay $0x4  }
0x1f3: {  	v3 =	vperm.xlane v3, v0;
	_ =	sdelay $0x1  }
0x1f4: {  	v3 =	vadd.s32 v1, v3;
	_ =	sdelay $0x3  }
0x1f5: {  	s30 =	simm.s32 $0x16B00  }
0x1f6: {  	[tilespmem:s30], [sflag:$0x2] =	stream.indirect_vreg.gather [hbm4b:s2+s25], $0x80, v3, vm1, $0xb8;
	[tilespmem:$0x1AB00] =	vst v63  }
0x1f7: {  	v3 =	vld [tilespmem:$0x220];
	_ =	sdelay $0x4  }
0x1f8: {  	v60 =	vperm.xlane v3, v0;
	_ =	sdelay $0x1  }
0x1f9: {  	v3 =	vperm.xlane v3, v2;
	v4 =	vadd.s32 v1, v60;
	_ =	sdelay $0x1  }
0x1fa: {  	v3 =	vadd.s32 v1, v3;
	_ =	sdelay $0x1  }
0x1fb: {  	s31 =	simm.s32 $0x12F00  }
0x1fc: {  	[tilespmem:s31], [sflag:$0x2] =	stream.indirect_vreg.gather [hbm4b:s2+s25], $0x80, v4, vm0, $0xb8;
	[tilespmem:$0x1AB00] =	vst v63  }
0x1fd: {  	s1 =	simm.s32 $0x14F00  }
0x1fe: {  	[tilespmem:s1], [sflag:$0x2] =	stream.indirect_vreg.gather [hbm4b:s2+s25], $0x80, v3, vm0, $0xb8;
	[tilespmem:$0x1AB00] =	vst v63  }
0x1ff: {  	v3 =	vld.msk [tilespmem:$0x230], $0xf;
	_ =	sdelay $0x4  }
0x200: {  	v3 =	vperm.xlane v3, v0;
	_ =	sdelay $0x1  }
0x201: {  	v3 =	vadd.s32 v1, v3;
	_ =	sdelay $0x3  }
0x202: {  	s7 =	simm.s32 $0x16F00  }
0x203: {  	[tilespmem:s7], [sflag:$0x2] =	stream.indirect_vreg.gather [hbm4b:s2+s25], $0x80, v3, vm1, $0xb8;
	[tilespmem:$0x1AB00] =	vst v63  }
0x204: {  	v3 =	vld [tilespmem:$0x250];
	_ =	sdelay $0x4  }
0x205: {  	v61 =	vperm.xlane v3, v0;
	_ =	sdelay $0x1  }
0x206: {  	v3 =	vperm.xlane v3, v2;
	v4 =	vadd.s32 v1, v61;
	_ =	sdelay $0x1  }
0x207: {  	v3 =	vadd.s32 v1, v3;
	_ =	sdelay $0x1  }
0x208: {  	s11 =	simm.s32 $0x13300  }
0x209: {  	[tilespmem:s11], [sflag:$0x2] =	stream.indirect_vreg.gather [hbm4b:s2+s25], $0x80, v4, vm0, $0xb8;
	[tilespmem:$0x1AB00] =	vst v63  }
0x20a: {  	s26 =	simm.s32 $0x15300  }
0x20b: {  	[tilespmem:s26], [sflag:$0x2] =	stream.indirect_vreg.gather [hbm4b:s2+s25], $0x80, v3, vm0, $0xb8;
	[tilespmem:$0x1AB00] =	vst v63  }
0x20c: {  	v3 =	vld.msk [tilespmem:$0x260], $0xf;
	_ =	sdelay $0x4  }
0x20d: {  	v3 =	vperm.xlane v3, v0;
	_ =	sdelay $0x1  }
0x20e: {  	v3 =	vadd.s32 v1, v3;
	_ =	sdelay $0x3  }
0x20f: {  	s28 =	simm.s32 $0x17300  }
0x210: {  	[tilespmem:s28], [sflag:$0x2] =	stream.indirect_vreg.gather [hbm4b:s2+s25], $0x80, v3, vm1, $0xb8;
	[tilespmem:$0x1AB00] =	vst v63  }
0x211: {  	v3 =	vld [tilespmem:$0x280];
	_ =	sdelay $0x4  }
0x212: {  	v62 =	vperm.xlane v3, v0;
	_ =	sdelay $0x1  }
0x213: {  	v3 =	vperm.xlane v3, v2;
	v4 =	vadd.s32 v1, v62;
	_ =	sdelay $0x1  }
0x214: {  	v3 =	vadd.s32 v1, v3;
	_ =	sdelay $0x1  }
0x215: {  	s29 =	simm.s32 $0x13700  }
0x216: {  	[tilespmem:s29], [sflag:$0x2] =	stream.indirect_vreg.gather [hbm4b:s2+s25], $0x80, v4, vm0, $0xb8;
	[tilespmem:$0x1AB00] =	vst v63  }
0x217: {  	s30 =	simm.s32 $0x15700  }
0x218: {  	[tilespmem:s30], [sflag:$0x2] =	stream.indirect_vreg.gather [hbm4b:s2+s25], $0x80, v3, vm0, $0xb8;
	[tilespmem:$0x1AB00] =	vst v63  }
0x219: {  	v3 =	vld.msk [tilespmem:$0x290], $0xf;
	_ =	sdelay $0x4  }
0x21a: {  	v3 =	vperm.xlane v3, v0;
	_ =	sdelay $0x1  }
0x21b: {  	v3 =	vadd.s32 v1, v3;
	_ =	sdelay $0x4  }
0x21c: {  	[tilespmem:s12], [sflag:$0x2] =	stream.indirect_vreg.gather [hbm4b:s2+s25], $0x80, v3, vm1, $0xb8;
	[tilespmem:$0x1AB00] =	vst v63  }
0x21d: {  	v3 =	vld [tilespmem:$0x2B0];
	_ =	sdelay $0x4  }
0x21e: {  	v63 =	vperm.xlane v3, v0;
	_ =	sdelay $0x1  }
0x21f: {  	v3 =	vperm.xlane v3, v2;
	v4 =	vadd.s32 v1, v63;
	_ =	sdelay $0x1  }
0x220: {  	v3 =	vadd.s32 v1, v3;
	_ =	sdelay $0x2  }
0x221: {  	[tilespmem:s17], [sflag:$0x2] =	stream.indirect_vreg.gather [hbm4b:s2+s25], $0x80, v4, vm0, $0xb8;
	[tilespmem:$0x1AB00] =	vst v63  }
0x222: {  	_ = 	snop  }
0x223: {  	[tilespmem:s18], [sflag:$0x2] =	stream.indirect_vreg.gather [hbm4b:s2+s25], $0x80, v3, vm0, $0xb8;
	[tilespmem:$0x1AB00] =	vst v63  }
0x224: {  	v3 =	vld.msk [tilespmem:$0x2C0], $0xf;
	_ =	sdelay $0x4  }
0x225: {  	v3 =	vperm.xlane v3, v0;
	_ =	sdelay $0x1  }
0x226: {  	v3 =	vadd.s32 v1, v3;
	_ =	sdelay $0x4  }
0x227: {  	[tilespmem:s19], [sflag:$0x2] =	stream.indirect_vreg.gather [hbm4b:s2+s25], $0x80, v3, vm1, $0xb8;
	[tilespmem:$0x1AB00] =	vst v63  }
0x228: {  	_ = 	snop  }
0x229: {  	[tilespmem:s21], [sflag:$0x2] =	stream.indirect.gather [hbm4b:s2+s9], $0x80, s20, s9, $0xb8;
	[tilespmem:$0x1AB00] =	vst v63  }
0x22a: {  	s31 =	rddreg [dreg:$0x4];
	s26 =	simm.s32 $0x0  }
0x22b: {  	[hbm4b:s31+s25] =	stream.linear.scatter [tilespmem:s14], [sflag:$0x3], $0xC000, $0x38;
	[tilespmem:$0x1AB00] =	vst v63  }
.LBB2_4:
0x22c: {  	_ =	swait.ge [sflag:s22], $0xA00  }
0x22d: {  	[sflag:s22] =	ssyncset.done $0x0  }
0x22e: {  	[sflag:s22] =	ssyncadd.s32 $0xFFFFF600  }
0x22f: {  	_ =	swait.ge [sflag:s22], $0xA00  }
0x230: {  	[sflag:s22] =	ssyncset.done $0x0  }
0x231: {  	[sflag:s22] =	ssyncadd.s32 $0xFFFFF600  }
0x232: {  	_ =	swait.ge [sflag:s22], $0xA00  }
0x233: {  	[sflag:s22] =	ssyncset.done $0x0  }
0x234: {  	[sflag:s22] =	ssyncadd.s32 $0xFFFFF600  }
0x235: {  	_ =	swait.ge [sflag:s22], $0xA00  }
0x236: {  	[sflag:s22] =	ssyncset.done $0x0  }
0x237: {  	[sflag:s22] =	ssyncadd.s32 $0xFFFFF600  }
0x238: {  	_ =	swait.ge [sflag:s22], $0xA00  }
0x239: {  	[sflag:s22] =	ssyncset.done $0x0  }
0x23a: {  	[sflag:s22] =	ssyncadd.s32 $0xFFFFF600  }
0x23b: {  	_ =	swait.ge [sflag:s22], $0xA00  }
0x23c: {  	[sflag:s22] =	ssyncset.done $0x0  }
0x23d: {  	[sflag:s22] =	ssyncadd.s32 $0xFFFFF600  }
0x23e: {  	_ =	swait.ge [sflag:s22], $0xA00  }
0x23f: {  	[sflag:s22] =	ssyncset.done $0x0  }
0x240: {  	[sflag:s22] =	ssyncadd.s32 $0xFFFFF600  }
0x241: {  	_ =	swait.ge [sflag:s22], $0xA00  }
0x242: {  	[sflag:s22] =	ssyncset.done $0x0  }
0x243: {  	[sflag:s22] =	ssyncadd.s32 $0xFFFFF600  }
0x244: {  	_ =	swait.ge [sflag:s22], $0xA00  }
0x245: {  	[sflag:s22] =	ssyncset.done $0x0  }
0x246: {  	[sflag:s22] =	ssyncadd.s32 $0xFFFFF600  }
0x247: {  	_ =	swait.ge [sflag:s22], $0xA00  }
0x248: {  	[sflag:s22] =	ssyncset.done $0x0  }
0x249: {  	[sflag:s22] =	ssyncadd.s32 $0xFFFFF600  }
0x24a: {  	_ =	swait.ge [sflag:s22], $0xA00  }
0x24b: {  	[sflag:s22] =	ssyncset.done $0x0  }
0x24c: {  	[sflag:s22] =	ssyncadd.s32 $0xFFFFF600  }
0x24d: {  	_ =	swait.ge [sflag:s22], $0xA00  }
0x24e: {  	[sflag:s22] =	ssyncset.done $0x0  }
0x24f: {  	[sflag:s22] =	ssyncadd.s32 $0xFFFFF600  }
0x250: {  	_ =	swait.ge [sflag:s22], $0xA00  }
0x251: {  	[sflag:s22] =	ssyncset.done $0x0  }
0x252: {  	[sflag:s22] =	ssyncadd.s32 $0xFFFFF600  }
0x253: {  	_ =	swait.ge [sflag:s22], $0xA00  }
0x254: {  	[sflag:s22] =	ssyncset.done $0x0  }
0x255: {  	[sflag:s22] =	ssyncadd.s32 $0xFFFFF600  }
0x256: {  	_ =	swait.ge [sflag:s22], $0x1400  }
0x257: {  	[sflag:s22] =	ssyncset.done $0x0  }
0x258: {  	s0 =	simm.s32 $0x1A160;
	[sflag:s22] =	ssyncadd.s32 $0xFFFFEC00  }
0x259: {  	v3 =	vld [tilespmem:s0+$0xFFFFF5A0];
	_ =	sdelay $0x2  }
0x25a: {  	s1 =	sand.u32 $0x6000, s25;
	s28 =	sand.u32 $0x380, s25  }
0x25b: {  	s1 =	sor.u32 s28, s1  }
0x25c: {  	[tilespmem:s1+$0xDF00] =	vst v3  }
0x25d: {  	v3 =	vld [tilespmem:s0+$0xFFFFF5B0];
	_ =	sdelay $0x4  }
0x25e: {  	[tilespmem:s1+$0xDF10] =	vst v3  }
0x25f: {  	v3 =	vld [tilespmem:s0+$0xFFFFF5C0];
	_ =	sdelay $0x4  }
0x260: {  	[tilespmem:s1+$0xDF20] =	vst v3  }
0x261: {  	v3 =	vld [tilespmem:s0+$0xFFFFF5D0];
	_ =	sdelay $0x4  }
0x262: {  	[tilespmem:s1+$0xDF30] =	vst v3  }
0x263: {  	v3 =	vld [tilespmem:s0+$0xFFFFF5E0];
	_ =	sdelay $0x4  }
0x264: {  	[tilespmem:s1+$0xDF40] =	vst v3  }
0x265: {  	v3 =	vld [tilespmem:s0+$0xFFFFF5F0];
	_ =	sdelay $0x4  }
0x266: {  	[tilespmem:s1+$0xDF50] =	vst v3  }
0x267: {  	v3 =	vld [tilespmem:s0+$0xFFFFF600];
	_ =	sdelay $0x4  }
0x268: {  	[tilespmem:s1+$0xDF60] =	vst v3  }
0x269: {  	v3 =	vld [tilespmem:s0+$0xFFFFFFA0];
	_ =	sdelay $0x4  }
0x26a: {  	[tilespmem:s1+$0x13F00] =	vst v3  }
0x26b: {  	v3 =	vld [tilespmem:s0+$0xFFFFFFB0];
	_ =	sdelay $0x3  }
0x26c: {  	s1 =	sadd.s32 $0x13F00, s1  }
0x26d: {  	[tilespmem:s1+$0x10] =	vst v3  }
0x26e: {  	v3 =	vld [tilespmem:s0+$0xFFFFFFC0];
	_ =	sdelay $0x4  }
0x26f: {  	[tilespmem:s1+$0x20] =	vst v3  }
0x270: {  	v3 =	vld [tilespmem:s0+$0xFFFFFFD0];
	_ =	sdelay $0x4  }
0x271: {  	[tilespmem:s1+$0x30] =	vst v3  }
0x272: {  	v3 =	vld [tilespmem:s0+$0xFFFFFFE0];
	_ =	sdelay $0x4  }
0x273: {  	[tilespmem:s1+$0x40] =	vst v3  }
0x274: {  	v3 =	vld [tilespmem:s0+$0xFFFFFFF0];
	_ =	sdelay $0x4  }
0x275: {  	[tilespmem:s1+$0x50] =	vst v3  }
0x276: {  	v3 =	vld [tilespmem:s0+$0x0];
	_ =	sdelay $0x4  }
0x277: {  	s28 =	simm.s32 $0x1A1E0;
	[tilespmem:s1+$0x60] =	vst v3  }
0x278: {  	s29 =	simm.s32 $0x100;
	s0 =	simm.s32 $0x80;
	s1 =	simm.s32 $0x0;
	v3 =	vld [tilespmem:s28+$0xFFFFF5A0]  }
.LBB2_5:
0x279: {  	p0 =	sne.s32 s29, $0x980  }
0x27a: {  	s1 =	sadd.s32 $0x400, s1  }
0x27b: {  	s31 =	sand.u32 $0x380, s0;
	s0 =	smov.u32 s29;
	s30 =	sand.u32 $0x6000, s1  }
0x27c: {  	s30 =	sor.u32 s31, s30  }
0x27d: {  	[tilespmem:s30+$0xDF00] =	vst v3  }
0x27e: {  	v3 =	vld [tilespmem:s28+$0xFFFFF5B0];
	_ =	sdelay $0x4  }
0x27f: {  	[tilespmem:s30+$0xDF10] =	vst v3  }
0x280: {  	v3 =	vld [tilespmem:s28+$0xFFFFF5C0];
	_ =	sdelay $0x4  }
0x281: {  	[tilespmem:s30+$0xDF20] =	vst v3  }
0x282: {  	v3 =	vld [tilespmem:s28+$0xFFFFF5D0];
	_ =	sdelay $0x4  }
0x283: {  	[tilespmem:s30+$0xDF30] =	vst v3  }
0x284: {  	v3 =	vld [tilespmem:s28+$0xFFFFF5E0];
	_ =	sdelay $0x4  }
0x285: {  	[tilespmem:s30+$0xDF40] =	vst v3  }
0x286: {  	v3 =	vld [tilespmem:s28+$0xFFFFF5F0];
	_ =	sdelay $0x4  }
0x287: {  	[tilespmem:s30+$0xDF50] =	vst v3  }
0x288: {  	v3 =	vld [tilespmem:s28+$0xFFFFF600];
	_ =	sdelay $0x4  }
0x289: {  	[tilespmem:s30+$0xDF60] =	vst v3  }
0x28a: {  	v3 =	vld [tilespmem:s28+$0xFFFFFFA0];
	_ =	sdelay $0x4  }
0x28b: {  	[tilespmem:s30+$0x13F00] =	vst v3  }
0x28c: {  	v3 =	vld [tilespmem:s28+$0xFFFFFFB0];
	_ =	sdelay $0x3  }
0x28d: {  	s30 =	sadd.s32 $0x13F00, s30  }
0x28e: {  	[tilespmem:s30+$0x10] =	vst v3  }
0x28f: {  	v3 =	vld [tilespmem:s28+$0xFFFFFFC0];
	_ =	sdelay $0x4  }
0x290: {  	[tilespmem:s30+$0x20] =	vst v3  }
0x291: {  	v3 =	vld [tilespmem:s28+$0xFFFFFFD0];
	_ =	sdelay $0x4  }
0x292: {  	[tilespmem:s30+$0x30] =	vst v3  }
0x293: {  	v3 =	vld [tilespmem:s28+$0xFFFFFFE0];
	_ =	sdelay $0x4  }
0x294: {  	[tilespmem:s30+$0x40] =	vst v3  }
0x295: {  	v3 =	vld [tilespmem:s28+$0xFFFFFFF0];
	_ =	sdelay $0x4  }
0x296: {  	[tilespmem:s30+$0x50] =	vst v3  }
0x297: {  	v3 =	vld [tilespmem:s28+$0x0];
	_ =	sdelay $0x1  }
.Ltmp1:
0x298: {  	(pc) =	sbr.rel @p0 .LBB2_5-.Ltmp1, $3  }
0x299: {  	_ =	sdelay $0x1  }
0x29a: {  	s28 =	sadd.s32 $0x80, s28;
	[tilespmem:s30+$0x60] =	vst v3  }
0x29b: {  	s29 =	sadd.s32 $0x80, s29;
	v3 =	vld [tilespmem:s28+$0xFFFFF5A0]  }
0x29c: {  	_ = 	snop  }
0x29d: {  	s1 =	sadd.s32 $0x400, s1  }
0x29e: {  	s0 =	sand.u32 $0x380, s0;
	s1 =	sand.u32 $0x6000, s1  }
0x29f: {  	s0 =	sor.u32 s0, s1  }
0x2a0: {  	[tilespmem:s0+$0xDF00] =	vst v3  }
0x2a1: {  	v3 =	vld [tilespmem:s28+$0xFFFFF5B0];
	_ =	sdelay $0x4  }
0x2a2: {  	[tilespmem:s0+$0xDF10] =	vst v3  }
0x2a3: {  	v3 =	vld [tilespmem:s28+$0xFFFFF5C0];
	_ =	sdelay $0x4  }
0x2a4: {  	[tilespmem:s0+$0xDF20] =	vst v3  }
0x2a5: {  	v3 =	vld [tilespmem:s28+$0xFFFFF5D0];
	_ =	sdelay $0x4  }
0x2a6: {  	[tilespmem:s0+$0xDF30] =	vst v3  }
0x2a7: {  	v3 =	vld [tilespmem:s28+$0xFFFFF5E0];
	_ =	sdelay $0x4  }
0x2a8: {  	[tilespmem:s0+$0xDF40] =	vst v3  }
0x2a9: {  	v3 =	vld [tilespmem:s28+$0xFFFFF5F0];
	_ =	sdelay $0x4  }
0x2aa: {  	[tilespmem:s0+$0xDF50] =	vst v3  }
0x2ab: {  	v3 =	vld [tilespmem:s28+$0xFFFFF600];
	_ =	sdelay $0x4  }
0x2ac: {  	[tilespmem:s0+$0xDF60] =	vst v3  }
0x2ad: {  	v3 =	vld [tilespmem:s28+$0xFFFFFFA0];
	_ =	sdelay $0x4  }
0x2ae: {  	[tilespmem:s0+$0x13F00] =	vst v3  }
0x2af: {  	v3 =	vld [tilespmem:s28+$0xFFFFFFB0];
	_ =	sdelay $0x3  }
0x2b0: {  	s0 =	sadd.s32 $0x13F00, s0  }
0x2b1: {  	[tilespmem:s0+$0x10] =	vst v3  }
0x2b2: {  	v3 =	vld [tilespmem:s28+$0xFFFFFFC0];
	_ =	sdelay $0x4  }
0x2b3: {  	[tilespmem:s0+$0x20] =	vst v3  }
0x2b4: {  	v3 =	vld [tilespmem:s28+$0xFFFFFFD0];
	_ =	sdelay $0x4  }
0x2b5: {  	[tilespmem:s0+$0x30] =	vst v3  }
0x2b6: {  	v3 =	vld [tilespmem:s28+$0xFFFFFFE0];
	_ =	sdelay $0x4  }
0x2b7: {  	[tilespmem:s0+$0x40] =	vst v3  }
0x2b8: {  	v3 =	vld [tilespmem:s28+$0xFFFFFFF0];
	_ =	sdelay $0x4  }
0x2b9: {  	[tilespmem:s0+$0x50] =	vst v3  }
0x2ba: {  	v3 =	vld [tilespmem:s28+$0x0]  }
0x2bb: {  	s11 =	sshll.u32 s26, $0x1  }
0x2bc: {  	s28 =	sadd.s32 $0x2, s11  }
0x2bd: {  	s1 =	sshrl.u32 s28, $0x1  }
0x2be: {  	s1 =	smul.u32 $0x2F0, s1  }
0x2bf: {  	[tilespmem:s0+$0x60] =	vst v3  }
0x2c0: {  	s7 =	sadd.s32 s4, s1;
	_ =	swait.ge [sflag:s23], $0xC000  }
0x2c1: {  	s0 =	sshrl.u32 s7, $0x3;
	[sflag:s23] =	ssyncset.done $0x0  }
0x2c2: {  	s29 =	simm.s32 $0x0;
	s0 =	sadd.s32 s5, s0;
	[sflag:s23] =	ssyncadd.s32 $0xFFFF4000  }
0x2c3: {  	[tilespmem:s29], [sflag:$0x5] =	stream.linear.gather [hbm4b:s0+s29], $0x2F0, $0x38;
	[tilespmem:$0x1AB00] =	vst v63  }
0x2c4: {  	_ =	swait.ge [sflag:s13], $0x2F0  }
0x2c5: {  	[sflag:s13] =	ssyncset.done $0x0  }
0x2c6: {  	[sflag:s13] =	ssyncadd.s32 $0xFFFFFD10  }
0x2c7: {  	v3 =	vld [tilespmem:$0x0];
	_ =	sdelay $0x4  }
0x2c8: {  	v4 =	vperm.xlane v3, v0;
	_ =	sdelay $0x1  }
0x2c9: {  	v3 =	vperm.xlane v3, v2;
	v4 =	vadd.s32 v1, v4;
	_ =	sdelay $0x1  }
0x2ca: {  	v3 =	vadd.s32 v1, v3;
	_ =	sdelay $0x2  }
0x2cb: {  	[tilespmem:s14], [sflag:$0x1] =	stream.indirect_vreg.gather [hbm4b:s2+s29], $0x80, v4, vm0, $0xb8;
	[tilespmem:$0x1AB00] =	vst v63  }
0x2cc: {  	s11 =	simm.s32 $0x2300  }
0x2cd: {  	[tilespmem:s11], [sflag:$0x1] =	stream.indirect_vreg.gather [hbm4b:s2+s29], $0x80, v3, vm0, $0xb8;
	[tilespmem:$0x1AB00] =	vst v63  }
0x2ce: {  	v3 =	vld.msk [tilespmem:$0x10], $0xf;
	_ =	sdelay $0x4  }
0x2cf: {  	v3 =	vperm.xlane v3, v0;
	_ =	sdelay $0x1  }
0x2d0: {  	v3 =	vadd.s32 v1, v3;
	_ =	sdelay $0x3  }
0x2d1: {  	s1 =	simm.s32 $0x4300  }
0x2d2: {  	[tilespmem:s1], [sflag:$0x1] =	stream.indirect_vreg.gather [hbm4b:s2+s29], $0x80, v3, vm1, $0xb8;
	[tilespmem:$0x1AB00] =	vst v63  }
0x2d3: {  	v3 =	vld [tilespmem:$0x30];
	_ =	sdelay $0x4  }
0x2d4: {  	v4 =	vperm.xlane v3, v0;
	_ =	sdelay $0x1  }
0x2d5: {  	v3 =	vperm.xlane v3, v2;
	v4 =	vadd.s32 v1, v4;
	_ =	sdelay $0x1  }
0x2d6: {  	v3 =	vadd.s32 v1, v3;
	_ =	sdelay $0x1  }
0x2d7: {  	s7 =	simm.s32 $0x700  }
0x2d8: {  	[tilespmem:s7], [sflag:$0x1] =	stream.indirect_vreg.gather [hbm4b:s2+s29], $0x80, v4, vm0, $0xb8;
	[tilespmem:$0x1AB00] =	vst v63  }
0x2d9: {  	s11 =	simm.s32 $0x2700  }
0x2da: {  	[tilespmem:s11], [sflag:$0x1] =	stream.indirect_vreg.gather [hbm4b:s2+s29], $0x80, v3, vm0, $0xb8;
	[tilespmem:$0x1AB00] =	vst v63  }
0x2db: {  	v3 =	vld.msk [tilespmem:$0x40], $0xf;
	_ =	sdelay $0x4  }
0x2dc: {  	v3 =	vperm.xlane v3, v0;
	_ =	sdelay $0x1  }
0x2dd: {  	v3 =	vadd.s32 v1, v3;
	_ =	sdelay $0x3  }
0x2de: {  	s1 =	simm.s32 $0x4700  }
0x2df: {  	[tilespmem:s1], [sflag:$0x1] =	stream.indirect_vreg.gather [hbm4b:s2+s29], $0x80, v3, vm1, $0xb8;
	[tilespmem:$0x1AB00] =	vst v63  }
0x2e0: {  	v3 =	vld [tilespmem:$0x60];
	_ =	sdelay $0x4  }
0x2e1: {  	v4 =	vperm.xlane v3, v0;
	_ =	sdelay $0x1  }
0x2e2: {  	v3 =	vperm.xlane v3, v2;
	v4 =	vadd.s32 v1, v4;
	_ =	sdelay $0x1  }
0x2e3: {  	v3 =	vadd.s32 v1, v3;
	_ =	sdelay $0x1  }
0x2e4: {  	s7 =	simm.s32 $0xB00  }
0x2e5: {  	[tilespmem:s7], [sflag:$0x1] =	stream.indirect_vreg.gather [hbm4b:s2+s29], $0x80, v4, vm0, $0xb8;
	[tilespmem:$0x1AB00] =	vst v63  }
0x2e6: {  	s11 =	simm.s32 $0x2B00  }
0x2e7: {  	[tilespmem:s11], [sflag:$0x1] =	stream.indirect_vreg.gather [hbm4b:s2+s29], $0x80, v3, vm0, $0xb8;
	[tilespmem:$0x1AB00] =	vst v63  }
0x2e8: {  	v3 =	vld.msk [tilespmem:$0x70], $0xf;
	_ =	sdelay $0x4  }
0x2e9: {  	v3 =	vperm.xlane v3, v0;
	_ =	sdelay $0x1  }
0x2ea: {  	v3 =	vadd.s32 v1, v3;
	_ =	sdelay $0x3  }
0x2eb: {  	s1 =	simm.s32 $0x4B00  }
0x2ec: {  	[tilespmem:s1], [sflag:$0x1] =	stream.indirect_vreg.gather [hbm4b:s2+s29], $0x80, v3, vm1, $0xb8;
	[tilespmem:$0x1AB00] =	vst v63  }
0x2ed: {  	v3 =	vld [tilespmem:$0x90];
	_ =	sdelay $0x4  }
0x2ee: {  	v4 =	vperm.xlane v3, v0;
	_ =	sdelay $0x1  }
0x2ef: {  	v3 =	vperm.xlane v3, v2;
	v4 =	vadd.s32 v1, v4;
	_ =	sdelay $0x1  }
0x2f0: {  	v3 =	vadd.s32 v1, v3;
	_ =	sdelay $0x1  }
0x2f1: {  	s7 =	simm.s32 $0xF00  }
0x2f2: {  	[tilespmem:s7], [sflag:$0x1] =	stream.indirect_vreg.gather [hbm4b:s2+s29], $0x80, v4, vm0, $0xb8;
	[tilespmem:$0x1AB00] =	vst v63  }
0x2f3: {  	s11 =	simm.s32 $0x2F00  }
0x2f4: {  	[tilespmem:s11], [sflag:$0x1] =	stream.indirect_vreg.gather [hbm4b:s2+s29], $0x80, v3, vm0, $0xb8;
	[tilespmem:$0x1AB00] =	vst v63  }
0x2f5: {  	v3 =	vld.msk [tilespmem:$0xA0], $0xf;
	_ =	sdelay $0x4  }
0x2f6: {  	v3 =	vperm.xlane v3, v0;
	_ =	sdelay $0x1  }
0x2f7: {  	v3 =	vadd.s32 v1, v3;
	_ =	sdelay $0x3  }
0x2f8: {  	s1 =	simm.s32 $0x4F00  }
0x2f9: {  	[tilespmem:s1], [sflag:$0x1] =	stream.indirect_vreg.gather [hbm4b:s2+s29], $0x80, v3, vm1, $0xb8;
	[tilespmem:$0x1AB00] =	vst v63  }
0x2fa: {  	v3 =	vld [tilespmem:$0xC0];
	_ =	sdelay $0x4  }
0x2fb: {  	v4 =	vperm.xlane v3, v0;
	_ =	sdelay $0x1  }
0x2fc: {  	v3 =	vperm.xlane v3, v2;
	v4 =	vadd.s32 v1, v4;
	_ =	sdelay $0x1  }
0x2fd: {  	v3 =	vadd.s32 v1, v3;
	_ =	sdelay $0x1  }
0x2fe: {  	s7 =	simm.s32 $0x1300  }
0x2ff: {  	[tilespmem:s7], [sflag:$0x1] =	stream.indirect_vreg.gather [hbm4b:s2+s29], $0x80, v4, vm0, $0xb8;
	[tilespmem:$0x1AB00] =	vst v63  }
0x300: {  	s11 =	simm.s32 $0x3300  }
0x301: {  	[tilespmem:s11], [sflag:$0x1] =	stream.indirect_vreg.gather [hbm4b:s2+s29], $0x80, v3, vm0, $0xb8;
	[tilespmem:$0x1AB00] =	vst v63  }
0x302: {  	v3 =	vld.msk [tilespmem:$0xD0], $0xf;
	_ =	sdelay $0x4  }
0x303: {  	v3 =	vperm.xlane v3, v0;
	_ =	sdelay $0x1  }
0x304: {  	v3 =	vadd.s32 v1, v3;
	_ =	sdelay $0x3  }
0x305: {  	s1 =	simm.s32 $0x5300  }
0x306: {  	[tilespmem:s1], [sflag:$0x1] =	stream.indirect_vreg.gather [hbm4b:s2+s29], $0x80, v3, vm1, $0xb8;
	[tilespmem:$0x1AB00] =	vst v63  }
0x307: {  	v3 =	vld [tilespmem:$0xF0];
	_ =	sdelay $0x4  }
0x308: {  	v4 =	vperm.xlane v3, v0;
	_ =	sdelay $0x1  }
0x309: {  	v3 =	vperm.xlane v3, v2;
	v4 =	vadd.s32 v1, v4;
	_ =	sdelay $0x1  }
0x30a: {  	v3 =	vadd.s32 v1, v3;
	_ =	sdelay $0x1  }
0x30b: {  	s7 =	simm.s32 $0x1700  }
0x30c: {  	[tilespmem:s7], [sflag:$0x1] =	stream.indirect_vreg.gather [hbm4b:s2+s29], $0x80, v4, vm0, $0xb8;
	[tilespmem:$0x1AB00] =	vst v63  }
0x30d: {  	s11 =	simm.s32 $0x3700  }
0x30e: {  	[tilespmem:s11], [sflag:$0x1] =	stream.indirect_vreg.gather [hbm4b:s2+s29], $0x80, v3, vm0, $0xb8;
	[tilespmem:$0x1AB00] =	vst v63  }
0x30f: {  	v3 =	vld.msk [tilespmem:$0x100], $0xf;
	_ =	sdelay $0x4  }
0x310: {  	v3 =	vperm.xlane v3, v0;
	_ =	sdelay $0x1  }
0x311: {  	v3 =	vadd.s32 v1, v3;
	_ =	sdelay $0x3  }
0x312: {  	s1 =	simm.s32 $0x5700  }
0x313: {  	[tilespmem:s1], [sflag:$0x1] =	stream.indirect_vreg.gather [hbm4b:s2+s29], $0x80, v3, vm1, $0xb8;
	[tilespmem:$0x1AB00] =	vst v63  }
0x314: {  	v3 =	vld [tilespmem:$0x120];
	_ =	sdelay $0x4  }
0x315: {  	v4 =	vperm.xlane v3, v0;
	_ =	sdelay $0x1  }
0x316: {  	v3 =	vperm.xlane v3, v2;
	v4 =	vadd.s32 v1, v4;
	_ =	sdelay $0x1  }
0x317: {  	v3 =	vadd.s32 v1, v3;
	_ =	sdelay $0x1  }
0x318: {  	s7 =	simm.s32 $0x1B00  }
0x319: {  	[tilespmem:s7], [sflag:$0x1] =	stream.indirect_vreg.gather [hbm4b:s2+s29], $0x80, v4, vm0, $0xb8;
	[tilespmem:$0x1AB00] =	vst v63  }
0x31a: {  	s11 =	simm.s32 $0x3B00  }
0x31b: {  	[tilespmem:s11], [sflag:$0x1] =	stream.indirect_vreg.gather [hbm4b:s2+s29], $0x80, v3, vm0, $0xb8;
	[tilespmem:$0x1AB00] =	vst v63  }
0x31c: {  	v3 =	vld.msk [tilespmem:$0x130], $0xf;
	_ =	sdelay $0x4  }
0x31d: {  	v3 =	vperm.xlane v3, v0;
	_ =	sdelay $0x1  }
0x31e: {  	v3 =	vadd.s32 v1, v3;
	_ =	sdelay $0x3  }
0x31f: {  	s1 =	simm.s32 $0x5B00  }
0x320: {  	[tilespmem:s1], [sflag:$0x1] =	stream.indirect_vreg.gather [hbm4b:s2+s29], $0x80, v3, vm1, $0xb8;
	[tilespmem:$0x1AB00] =	vst v63  }
0x321: {  	v3 =	vld [tilespmem:$0x18];
	_ =	sdelay $0x4  }
0x322: {  	v4 =	vperm.xlane v3, v0;
	_ =	sdelay $0x1  }
0x323: {  	v3 =	vperm.xlane v3, v2;
	v4 =	vadd.s32 v1, v4;
	_ =	sdelay $0x1  }
0x324: {  	v3 =	vadd.s32 v1, v3;
	_ =	sdelay $0x1  }
0x325: {  	s7 =	simm.s32 $0x6300  }
0x326: {  	[tilespmem:s7], [sflag:$0x1] =	stream.indirect_vreg.gather [hbm4b:s2+s29], $0x80, v4, vm0, $0xb8;
	[tilespmem:$0x1AB00] =	vst v63  }
0x327: {  	s11 =	simm.s32 $0x8300  }
0x328: {  	[tilespmem:s11], [sflag:$0x1] =	stream.indirect_vreg.gather [hbm4b:s2+s29], $0x80, v3, vm0, $0xb8;
	[tilespmem:$0x1AB00] =	vst v63  }
0x329: {  	v3 =	vld.msk [tilespmem:$0x28], $0xf;
	_ =	sdelay $0x4  }
0x32a: {  	v3 =	vperm.xlane v3, v0;
	_ =	sdelay $0x1  }
0x32b: {  	v3 =	vadd.s32 v1, v3;
	_ =	sdelay $0x3  }
0x32c: {  	s1 =	simm.s32 $0xA300  }
0x32d: {  	[tilespmem:s1], [sflag:$0x1] =	stream.indirect_vreg.gather [hbm4b:s2+s29], $0x80, v3, vm1, $0xb8;
	[tilespmem:$0x1AB00] =	vst v63  }
0x32e: {  	v3 =	vld [tilespmem:$0x48];
	_ =	sdelay $0x4  }
0x32f: {  	v4 =	vperm.xlane v3, v0;
	_ =	sdelay $0x1  }
0x330: {  	v3 =	vperm.xlane v3, v2;
	v4 =	vadd.s32 v1, v4;
	_ =	sdelay $0x1  }
0x331: {  	v3 =	vadd.s32 v1, v3;
	_ =	sdelay $0x1  }
0x332: {  	s7 =	simm.s32 $0x6700  }
0x333: {  	[tilespmem:s7], [sflag:$0x1] =	stream.indirect_vreg.gather [hbm4b:s2+s29], $0x80, v4, vm0, $0xb8;
	[tilespmem:$0x1AB00] =	vst v63  }
0x334: {  	s11 =	simm.s32 $0x8700  }
0x335: {  	[tilespmem:s11], [sflag:$0x1] =	stream.indirect_vreg.gather [hbm4b:s2+s29], $0x80, v3, vm0, $0xb8;
	[tilespmem:$0x1AB00] =	vst v63  }
0x336: {  	v3 =	vld.msk [tilespmem:$0x58], $0xf;
	_ =	sdelay $0x4  }
0x337: {  	v3 =	vperm.xlane v3, v0;
	_ =	sdelay $0x1  }
0x338: {  	v3 =	vadd.s32 v1, v3;
	_ =	sdelay $0x3  }
0x339: {  	s1 =	simm.s32 $0xA700  }
0x33a: {  	[tilespmem:s1], [sflag:$0x1] =	stream.indirect_vreg.gather [hbm4b:s2+s29], $0x80, v3, vm1, $0xb8;
	[tilespmem:$0x1AB00] =	vst v63  }
0x33b: {  	v3 =	vld [tilespmem:$0x78];
	_ =	sdelay $0x4  }
0x33c: {  	v4 =	vperm.xlane v3, v0;
	_ =	sdelay $0x1  }
0x33d: {  	v3 =	vperm.xlane v3, v2;
	v4 =	vadd.s32 v1, v4;
	_ =	sdelay $0x1  }
0x33e: {  	v3 =	vadd.s32 v1, v3;
	_ =	sdelay $0x1  }
0x33f: {  	s7 =	simm.s32 $0x6B00  }
0x340: {  	[tilespmem:s7], [sflag:$0x1] =	stream.indirect_vreg.gather [hbm4b:s2+s29], $0x80, v4, vm0, $0xb8;
	[tilespmem:$0x1AB00] =	vst v63  }
0x341: {  	s11 =	simm.s32 $0x8B00  }
0x342: {  	[tilespmem:s11], [sflag:$0x1] =	stream.indirect_vreg.gather [hbm4b:s2+s29], $0x80, v3, vm0, $0xb8;
	[tilespmem:$0x1AB00] =	vst v63  }
0x343: {  	v3 =	vld.msk [tilespmem:$0x88], $0xf;
	_ =	sdelay $0x4  }
0x344: {  	v3 =	vperm.xlane v3, v0;
	_ =	sdelay $0x1  }
0x345: {  	v3 =	vadd.s32 v1, v3;
	_ =	sdelay $0x3  }
0x346: {  	s1 =	simm.s32 $0xAB00  }
0x347: {  	[tilespmem:s1], [sflag:$0x1] =	stream.indirect_vreg.gather [hbm4b:s2+s29], $0x80, v3, vm1, $0xb8;
	[tilespmem:$0x1AB00] =	vst v63  }
0x348: {  	v3 =	vld [tilespmem:$0xA8];
	_ =	sdelay $0x4  }
0x349: {  	v4 =	vperm.xlane v3, v0;
	_ =	sdelay $0x1  }
0x34a: {  	v3 =	vperm.xlane v3, v2;
	v4 =	vadd.s32 v1, v4;
	_ =	sdelay $0x1  }
0x34b: {  	v3 =	vadd.s32 v1, v3;
	_ =	sdelay $0x1  }
0x34c: {  	s7 =	simm.s32 $0x6F00  }
0x34d: {  	[tilespmem:s7], [sflag:$0x1] =	stream.indirect_vreg.gather [hbm4b:s2+s29], $0x80, v4, vm0, $0xb8;
	[tilespmem:$0x1AB00] =	vst v63  }
0x34e: {  	s11 =	simm.s32 $0x8F00  }
0x34f: {  	[tilespmem:s11], [sflag:$0x1] =	stream.indirect_vreg.gather [hbm4b:s2+s29], $0x80, v3, vm0, $0xb8;
	[tilespmem:$0x1AB00] =	vst v63  }
0x350: {  	v3 =	vld.msk [tilespmem:$0xB8], $0xf;
	_ =	sdelay $0x4  }
0x351: {  	v3 =	vperm.xlane v3, v0;
	_ =	sdelay $0x1  }
0x352: {  	v3 =	vadd.s32 v1, v3;
	_ =	sdelay $0x3  }
0x353: {  	s1 =	simm.s32 $0xAF00  }
0x354: {  	[tilespmem:s1], [sflag:$0x1] =	stream.indirect_vreg.gather [hbm4b:s2+s29], $0x80, v3, vm1, $0xb8;
	[tilespmem:$0x1AB00] =	vst v63  }
0x355: {  	v3 =	vld [tilespmem:$0xD8];
	_ =	sdelay $0x4  }
0x356: {  	v4 =	vperm.xlane v3, v0;
	_ =	sdelay $0x1  }
0x357: {  	v3 =	vperm.xlane v3, v2;
	v4 =	vadd.s32 v1, v4;
	_ =	sdelay $0x1  }
0x358: {  	v3 =	vadd.s32 v1, v3;
	_ =	sdelay $0x1  }
0x359: {  	s7 =	simm.s32 $0x7300  }
0x35a: {  	[tilespmem:s7], [sflag:$0x1] =	stream.indirect_vreg.gather [hbm4b:s2+s29], $0x80, v4, vm0, $0xb8;
	[tilespmem:$0x1AB00] =	vst v63  }
0x35b: {  	s11 =	simm.s32 $0x9300  }
0x35c: {  	[tilespmem:s11], [sflag:$0x1] =	stream.indirect_vreg.gather [hbm4b:s2+s29], $0x80, v3, vm0, $0xb8;
	[tilespmem:$0x1AB00] =	vst v63  }
0x35d: {  	v3 =	vld.msk [tilespmem:$0xE8], $0xf;
	_ =	sdelay $0x4  }
0x35e: {  	v3 =	vperm.xlane v3, v0;
	_ =	sdelay $0x1  }
0x35f: {  	v3 =	vadd.s32 v1, v3;
	_ =	sdelay $0x3  }
0x360: {  	s1 =	simm.s32 $0xB300  }
0x361: {  	[tilespmem:s1], [sflag:$0x1] =	stream.indirect_vreg.gather [hbm4b:s2+s29], $0x80, v3, vm1, $0xb8;
	[tilespmem:$0x1AB00] =	vst v63  }
0x362: {  	v3 =	vld [tilespmem:$0x108];
	_ =	sdelay $0x4  }
0x363: {  	v4 =	vperm.xlane v3, v0;
	_ =	sdelay $0x1  }
0x364: {  	v3 =	vperm.xlane v3, v2;
	v4 =	vadd.s32 v1, v4;
	_ =	sdelay $0x1  }
0x365: {  	v3 =	vadd.s32 v1, v3;
	_ =	sdelay $0x1  }
0x366: {  	s7 =	simm.s32 $0x7700  }
0x367: {  	[tilespmem:s7], [sflag:$0x1] =	stream.indirect_vreg.gather [hbm4b:s2+s29], $0x80, v4, vm0, $0xb8;
	[tilespmem:$0x1AB00] =	vst v63  }
0x368: {  	s11 =	simm.s32 $0x9700  }
0x369: {  	[tilespmem:s11], [sflag:$0x1] =	stream.indirect_vreg.gather [hbm4b:s2+s29], $0x80, v3, vm0, $0xb8;
	[tilespmem:$0x1AB00] =	vst v63  }
0x36a: {  	v3 =	vld.msk [tilespmem:$0x118], $0xf;
	_ =	sdelay $0x4  }
0x36b: {  	v3 =	vperm.xlane v3, v0;
	_ =	sdelay $0x1  }
0x36c: {  	v3 =	vadd.s32 v1, v3;
	_ =	sdelay $0x3  }
0x36d: {  	s1 =	simm.s32 $0xB700  }
0x36e: {  	[tilespmem:s1], [sflag:$0x1] =	stream.indirect_vreg.gather [hbm4b:s2+s29], $0x80, v3, vm1, $0xb8;
	[tilespmem:$0x1AB00] =	vst v63  }
0x36f: {  	v3 =	vld [tilespmem:$0x138];
	_ =	sdelay $0x4  }
0x370: {  	v4 =	vperm.xlane v3, v0;
	_ =	sdelay $0x1  }
0x371: {  	v3 =	vperm.xlane v3, v2;
	v4 =	vadd.s32 v1, v4;
	_ =	sdelay $0x1  }
0x372: {  	v3 =	vadd.s32 v1, v3;
	_ =	sdelay $0x1  }
0x373: {  	s7 =	simm.s32 $0x7B00  }
0x374: {  	[tilespmem:s7], [sflag:$0x1] =	stream.indirect_vreg.gather [hbm4b:s2+s29], $0x80, v4, vm0, $0xb8;
	[tilespmem:$0x1AB00] =	vst v63  }
0x375: {  	s11 =	simm.s32 $0x9B00  }
0x376: {  	[tilespmem:s11], [sflag:$0x1] =	stream.indirect_vreg.gather [hbm4b:s2+s29], $0x80, v3, vm0, $0xb8;
	[tilespmem:$0x1AB00] =	vst v63  }
0x377: {  	v3 =	vld.msk [tilespmem:$0x148], $0xf;
	_ =	sdelay $0x4  }
0x378: {  	v3 =	vperm.xlane v3, v0;
	_ =	sdelay $0x1  }
0x379: {  	v3 =	vadd.s32 v1, v3;
	_ =	sdelay $0x2  }
0x37a: {  	s7 =	sshll.u32 s26, $0x2  }
0x37b: {  	s1 =	simm.s32 $0xBB00;
	s0 =	sadd.s32 s10, s7  }
0x37c: {  	[tilespmem:s1], [sflag:$0x1] =	stream.indirect_vreg.gather [hbm4b:s2+s29], $0x80, v3, vm1, $0xb8;
	[tilespmem:$0x1AB00] =	vst v63  }
0x37d: {  	s7 =	simm.s32 $0x18300;
	s0 =	smul.u32 $0xC00, s0;
	s11 =	simm.s32 $0x150  }
0x37e: {  	[tilespmem:s7], [sflag:$0x1] =	stream.indirect.gather [hbm4b:s2+s9], $0x80, s11, s9, $0xb8;
	[tilespmem:$0x1AB00] =	vst v63  }
0x37f: {  	s0 =	sadd.s32 s6, s0  }
0x380: {  	[hbm4b:s0+s29] =	stream.linear.scatter [tilespmem:s16], [sflag:$0x4], $0xC000, $0x38;
	[tilespmem:$0x1AB00] =	vst v63  }
0x381: {  	_ =	swait.ge [sflag:s15], $0xA00  }
0x382: {  	[sflag:s15] =	ssyncset.done $0x0  }
0x383: {  	[sflag:s15] =	ssyncadd.s32 $0xFFFFF600  }
0x384: {  	_ =	swait.ge [sflag:s15], $0xA00  }
0x385: {  	[sflag:s15] =	ssyncset.done $0x0  }
0x386: {  	[sflag:s15] =	ssyncadd.s32 $0xFFFFF600  }
0x387: {  	_ =	swait.ge [sflag:s15], $0xA00  }
0x388: {  	[sflag:s15] =	ssyncset.done $0x0  }
0x389: {  	[sflag:s15] =	ssyncadd.s32 $0xFFFFF600  }
0x38a: {  	_ =	swait.ge [sflag:s15], $0xA00  }
0x38b: {  	[sflag:s15] =	ssyncset.done $0x0  }
0x38c: {  	[sflag:s15] =	ssyncadd.s32 $0xFFFFF600  }
0x38d: {  	_ =	swait.ge [sflag:s15], $0xA00  }
0x38e: {  	[sflag:s15] =	ssyncset.done $0x0  }
0x38f: {  	[sflag:s15] =	ssyncadd.s32 $0xFFFFF600  }
0x390: {  	_ =	swait.ge [sflag:s15], $0xA00  }
0x391: {  	[sflag:s15] =	ssyncset.done $0x0  }
0x392: {  	[sflag:s15] =	ssyncadd.s32 $0xFFFFF600  }
0x393: {  	_ =	swait.ge [sflag:s15], $0xA00  }
0x394: {  	[sflag:s15] =	ssyncset.done $0x0  }
0x395: {  	[sflag:s15] =	ssyncadd.s32 $0xFFFFF600  }
0x396: {  	_ =	swait.ge [sflag:s15], $0xA00  }
0x397: {  	[sflag:s15] =	ssyncset.done $0x0  }
0x398: {  	[sflag:s15] =	ssyncadd.s32 $0xFFFFF600  }
0x399: {  	_ =	swait.ge [sflag:s15], $0xA00  }
0x39a: {  	[sflag:s15] =	ssyncset.done $0x0  }
0x39b: {  	[sflag:s15] =	ssyncadd.s32 $0xFFFFF600  }
0x39c: {  	_ =	swait.ge [sflag:s15], $0xA00  }
0x39d: {  	[sflag:s15] =	ssyncset.done $0x0  }
0x39e: {  	[sflag:s15] =	ssyncadd.s32 $0xFFFFF600  }
0x39f: {  	_ =	swait.ge [sflag:s15], $0xA00  }
0x3a0: {  	[sflag:s15] =	ssyncset.done $0x0  }
0x3a1: {  	[sflag:s15] =	ssyncadd.s32 $0xFFFFF600  }
0x3a2: {  	_ =	swait.ge [sflag:s15], $0xA00  }
0x3a3: {  	[sflag:s15] =	ssyncset.done $0x0  }
0x3a4: {  	[sflag:s15] =	ssyncadd.s32 $0xFFFFF600  }
0x3a5: {  	_ =	swait.ge [sflag:s15], $0xA00  }
0x3a6: {  	[sflag:s15] =	ssyncset.done $0x0  }
0x3a7: {  	[sflag:s15] =	ssyncadd.s32 $0xFFFFF600  }
0x3a8: {  	_ =	swait.ge [sflag:s15], $0xA00  }
0x3a9: {  	[sflag:s15] =	ssyncset.done $0x0  }
0x3aa: {  	[sflag:s15] =	ssyncadd.s32 $0xFFFFF600  }
0x3ab: {  	_ =	swait.ge [sflag:s15], $0x1400  }
0x3ac: {  	[sflag:s15] =	ssyncset.done $0x0  }
0x3ad: {  	s0 =	simm.s32 $0x18D60;
	[sflag:s15] =	ssyncadd.s32 $0xFFFFEC00  }
0x3ae: {  	v3 =	vld [tilespmem:s0+$0xFFFFF5A0]  }
0x3af: {  	s7 =	sand.u32 $0x7, s29  }
0x3b0: {  	s1 =	sshll.u32 s7, $0x7  }
0x3b1: {  	s1 =	sadd.s32 $0x0, s1  }
0x3b2: {  	s30 =	sor.u32 $0x1C00, s1  }
0x3b3: {  	[tilespmem:s30+$0x300] =	vst v3  }
0x3b4: {  	v3 =	vld [tilespmem:s0+$0xFFFFF5B0];
	_ =	sdelay $0x3  }
0x3b5: {  	s30 =	sor.u32 $0x1C10, s1  }
0x3b6: {  	[tilespmem:s30+$0x300] =	vst v3  }
0x3b7: {  	v3 =	vld [tilespmem:s0+$0xFFFFF5C0];
	_ =	sdelay $0x3  }
0x3b8: {  	s30 =	sor.u32 $0x1C20, s1  }
0x3b9: {  	[tilespmem:s30+$0x300] =	vst v3  }
0x3ba: {  	v3 =	vld [tilespmem:s0+$0xFFFFF5D0];
	_ =	sdelay $0x3  }
0x3bb: {  	s30 =	sor.u32 $0x1C30, s1  }
0x3bc: {  	[tilespmem:s30+$0x300] =	vst v3  }
0x3bd: {  	v3 =	vld [tilespmem:s0+$0xFFFFF5E0];
	_ =	sdelay $0x3  }
0x3be: {  	s30 =	sor.u32 $0x1C40, s1  }
0x3bf: {  	[tilespmem:s30+$0x300] =	vst v3  }
0x3c0: {  	v3 =	vld [tilespmem:s0+$0xFFFFF5F0];
	_ =	sdelay $0x3  }
0x3c1: {  	s30 =	sor.u32 $0x1C50, s1  }
0x3c2: {  	[tilespmem:s30+$0x300] =	vst v3  }
0x3c3: {  	v3 =	vld [tilespmem:s0+$0xFFFFF600];
	_ =	sdelay $0x3  }
0x3c4: {  	s1 =	sor.u32 $0x1C60, s1  }
0x3c5: {  	[tilespmem:s1+$0x300] =	vst v3  }
0x3c6: {  	v3 =	vld [tilespmem:s0+$0xFFFFFFA0];
	_ =	sdelay $0x2  }
0x3c7: {  	s11 =	sand.u32 $0x6000, s29;
	s30 =	sand.u32 $0x380, s29  }
0x3c8: {  	s1 =	sor.u32 s30, s11  }
0x3c9: {  	[tilespmem:s1+$0x7F00] =	vst v3  }
0x3ca: {  	v3 =	vld [tilespmem:s0+$0xFFFFFFB0];
	_ =	sdelay $0x4  }
0x3cb: {  	[tilespmem:s1+$0x7F10] =	vst v3  }
0x3cc: {  	v3 =	vld [tilespmem:s0+$0xFFFFFFC0];
	_ =	sdelay $0x4  }
0x3cd: {  	[tilespmem:s1+$0x7F20] =	vst v3  }
0x3ce: {  	v3 =	vld [tilespmem:s0+$0xFFFFFFD0];
	_ =	sdelay $0x4  }
0x3cf: {  	[tilespmem:s1+$0x7F30] =	vst v3  }
0x3d0: {  	v3 =	vld [tilespmem:s0+$0xFFFFFFE0];
	_ =	sdelay $0x4  }
0x3d1: {  	[tilespmem:s1+$0x7F40] =	vst v3  }
0x3d2: {  	v3 =	vld [tilespmem:s0+$0xFFFFFFF0];
	_ =	sdelay $0x4  }
0x3d3: {  	[tilespmem:s1+$0x7F50] =	vst v3  }
0x3d4: {  	v3 =	vld [tilespmem:s0+$0x0];
	_ =	sdelay $0x4  }
0x3d5: {  	s30 =	simm.s32 $0x18DE0;
	[tilespmem:s1+$0x7F60] =	vst v3  }
0x3d6: {  	s31 =	simm.s32 $0x80;
	s0 =	simm.s32 $0x100;
	s1 =	simm.s32 $0x1;
	v3 =	vld [tilespmem:s30+$0xFFFFF5A0]  }
.LBB2_7:
0x3d7: {  	p0 =	sne.s32 s0, $0x980;
	s7 =	sand.u32 $0x7, s1  }
0x3d8: {  	s29 =	sadd.s32 $0x400, s29;
	s7 =	sshll.u32 s7, $0x7  }
0x3d9: {  	s7 =	sadd.s32 s7, s29  }
0x3da: {  	s11 =	sor.u32 $0x1C00, s7  }
0x3db: {  	[tilespmem:s11+$0x300] =	vst v3  }
0x3dc: {  	v3 =	vld [tilespmem:s30+$0xFFFFF5B0];
	_ =	sdelay $0x3  }
0x3dd: {  	s11 =	sor.u32 $0x1C10, s7  }
0x3de: {  	[tilespmem:s11+$0x300] =	vst v3  }
0x3df: {  	v3 =	vld [tilespmem:s30+$0xFFFFF5C0];
	_ =	sdelay $0x3  }
0x3e0: {  	s11 =	sor.u32 $0x1C20, s7  }
0x3e1: {  	[tilespmem:s11+$0x300] =	vst v3  }
0x3e2: {  	v3 =	vld [tilespmem:s30+$0xFFFFF5D0];
	_ =	sdelay $0x3  }
0x3e3: {  	s11 =	sor.u32 $0x1C30, s7  }
0x3e4: {  	[tilespmem:s11+$0x300] =	vst v3  }
0x3e5: {  	v3 =	vld [tilespmem:s30+$0xFFFFF5E0];
	_ =	sdelay $0x3  }
0x3e6: {  	s11 =	sor.u32 $0x1C40, s7  }
0x3e7: {  	[tilespmem:s11+$0x300] =	vst v3  }
0x3e8: {  	v3 =	vld [tilespmem:s30+$0xFFFFF5F0];
	_ =	sdelay $0x3  }
0x3e9: {  	s11 =	sor.u32 $0x1C50, s7  }
0x3ea: {  	[tilespmem:s11+$0x300] =	vst v3  }
0x3eb: {  	v3 =	vld [tilespmem:s30+$0xFFFFF600];
	_ =	sdelay $0x3  }
0x3ec: {  	s7 =	sor.u32 $0x1C60, s7  }
0x3ed: {  	[tilespmem:s7+$0x300] =	vst v3  }
0x3ee: {  	v3 =	vld [tilespmem:s30+$0xFFFFFFA0];
	_ =	sdelay $0x2  }
0x3ef: {  	s11 =	sand.u32 $0x380, s31;
	s31 =	smov.u32 s0;
	s7 =	sand.u32 $0x6000, s29  }
0x3f0: {  	s7 =	sor.u32 s11, s7  }
0x3f1: {  	[tilespmem:s7+$0x7F00] =	vst v3  }
0x3f2: {  	v3 =	vld [tilespmem:s30+$0xFFFFFFB0];
	_ =	sdelay $0x4  }
0x3f3: {  	[tilespmem:s7+$0x7F10] =	vst v3  }
0x3f4: {  	v3 =	vld [tilespmem:s30+$0xFFFFFFC0];
	_ =	sdelay $0x4  }
0x3f5: {  	[tilespmem:s7+$0x7F20] =	vst v3  }
0x3f6: {  	v3 =	vld [tilespmem:s30+$0xFFFFFFD0];
	_ =	sdelay $0x4  }
0x3f7: {  	[tilespmem:s7+$0x7F30] =	vst v3  }
0x3f8: {  	v3 =	vld [tilespmem:s30+$0xFFFFFFE0];
	_ =	sdelay $0x4  }
0x3f9: {  	[tilespmem:s7+$0x7F40] =	vst v3  }
0x3fa: {  	v3 =	vld [tilespmem:s30+$0xFFFFFFF0];
	_ =	sdelay $0x4  }
0x3fb: {  	[tilespmem:s7+$0x7F50] =	vst v3  }
0x3fc: {  	v3 =	vld [tilespmem:s30+$0x0];
	_ =	sdelay $0x1  }
.Ltmp2:
0x3fd: {  	(pc) =	sbr.rel @p0 .LBB2_7-.Ltmp2, $3  }
0x3fe: {  	_ =	sdelay $0x1  }
0x3ff: {  	s30 =	sadd.s32 $0x80, s30;
	[tilespmem:s7+$0x7F60] =	vst v3  }
0x400: {  	s1 =	sadd.s32 $0x1, s1;
	s0 =	sadd.s32 $0x80, s0;
	v3 =	vld [tilespmem:s30+$0xFFFFF5A0]  }
0x401: {  	s0 =	sand.u32 $0x7, s1  }
0x402: {  	s1 =	sadd.s32 $0x400, s29;
	s0 =	sshll.u32 s0, $0x7  }
0x403: {  	s0 =	sadd.s32 s0, s1  }
0x404: {  	s7 =	sor.u32 $0x1C00, s0  }
0x405: {  	[tilespmem:s7+$0x300] =	vst v3  }
0x406: {  	v3 =	vld [tilespmem:s30+$0xFFFFF5B0];
	_ =	sdelay $0x3  }
0x407: {  	s29 =	sor.u32 $0x1C10, s0  }
0x408: {  	[tilespmem:s29+$0x300] =	vst v3  }
0x409: {  	v3 =	vld [tilespmem:s30+$0xFFFFF5C0];
	_ =	sdelay $0x3  }
0x40a: {  	s11 =	sor.u32 $0x1C20, s0  }
0x40b: {  	[tilespmem:s11+$0x300] =	vst v3  }
0x40c: {  	v3 =	vld [tilespmem:s30+$0xFFFFF5D0];
	_ =	sdelay $0x3  }
0x40d: {  	s29 =	sor.u32 $0x1C30, s0  }
0x40e: {  	[tilespmem:s29+$0x300] =	vst v3  }
0x40f: {  	v3 =	vld [tilespmem:s30+$0xFFFFF5E0];
	_ =	sdelay $0x3  }
0x410: {  	s11 =	sor.u32 $0x1C40, s0  }
0x411: {  	[tilespmem:s11+$0x300] =	vst v3  }
0x412: {  	v3 =	vld [tilespmem:s30+$0xFFFFF5F0];
	_ =	sdelay $0x3  }
0x413: {  	s29 =	sor.u32 $0x1C50, s0  }
0x414: {  	[tilespmem:s29+$0x300] =	vst v3  }
0x415: {  	v3 =	vld [tilespmem:s30+$0xFFFFF600];
	_ =	sdelay $0x3  }
0x416: {  	s0 =	sor.u32 $0x1C60, s0  }
0x417: {  	[tilespmem:s0+$0x300] =	vst v3  }
0x418: {  	v3 =	vld [tilespmem:s30+$0xFFFFFFA0];
	_ =	sdelay $0x2  }
0x419: {  	s11 =	sand.u32 $0x6000, s1;
	s29 =	sand.u32 $0x380, s31  }
0x41a: {  	s0 =	sor.u32 s29, s11  }
0x41b: {  	[tilespmem:s0+$0x7F00] =	vst v3  }
0x41c: {  	v3 =	vld [tilespmem:s30+$0xFFFFFFB0];
	_ =	sdelay $0x4  }
0x41d: {  	[tilespmem:s0+$0x7F10] =	vst v3  }
0x41e: {  	v3 =	vld [tilespmem:s30+$0xFFFFFFC0];
	_ =	sdelay $0x4  }
0x41f: {  	[tilespmem:s0+$0x7F20] =	vst v3  }
0x420: {  	v3 =	vld [tilespmem:s30+$0xFFFFFFD0];
	_ =	sdelay $0x4  }
0x421: {  	[tilespmem:s0+$0x7F30] =	vst v3  }
0x422: {  	v3 =	vld [tilespmem:s30+$0xFFFFFFE0];
	_ =	sdelay $0x4  }
0x423: {  	[tilespmem:s0+$0x7F40] =	vst v3  }
0x424: {  	v3 =	vld [tilespmem:s30+$0xFFFFFFF0];
	_ =	sdelay $0x4  }
0x425: {  	[tilespmem:s0+$0x7F50] =	vst v3  }
0x426: {  	v3 =	vld [tilespmem:s30+$0x0];
	_ =	sdelay $0x4  }
0x427: {  	[tilespmem:s0+$0x7F60] =	vst v3  }
0x428: {  	_ =	swait.ge [sflag:s24], $0xC000  }
0x429: {  	[sflag:s24] =	ssyncset.done $0x0  }
0x42a: {  	[sflag:s24] =	ssyncadd.s32 $0xFFFF4000  }
0x42b: {  	v3 =	vld [tilespmem:$0x178];
	_ =	sdelay $0x4  }
0x42c: {  	v4 =	vperm.xlane v3, v0;
	_ =	sdelay $0x1  }
0x42d: {  	v3 =	vperm.xlane v3, v2;
	v4 =	vadd.s32 v1, v4;
	_ =	sdelay $0x1  }
0x42e: {  	v3 =	vadd.s32 v1, v3;
	_ =	sdelay $0x2  }
0x42f: {  	[tilespmem:s16], [sflag:$0x2] =	stream.indirect_vreg.gather [hbm4b:s2+s3], $0x80, v4, vm0, $0xb8;
	[tilespmem:$0x1AB00] =	vst v63  }
0x430: {  	s30 =	simm.s32 $0xE300  }
0x431: {  	[tilespmem:s30], [sflag:$0x2] =	stream.indirect_vreg.gather [hbm4b:s2+s3], $0x80, v3, vm0, $0xb8;
	[tilespmem:$0x1AB00] =	vst v63  }
0x432: {  	v3 =	vld.msk [tilespmem:$0x188], $0xf;
	_ =	sdelay $0x4  }
0x433: {  	v3 =	vperm.xlane v3, v0;
	_ =	sdelay $0x1  }
0x434: {  	v3 =	vadd.s32 v1, v3;
	_ =	sdelay $0x3  }
0x435: {  	s31 =	simm.s32 $0x10300  }
0x436: {  	[tilespmem:s31], [sflag:$0x2] =	stream.indirect_vreg.gather [hbm4b:s2+s3], $0x80, v3, vm1, $0xb8;
	[tilespmem:$0x1AB00] =	vst v63  }
0x437: {  	v3 =	vld [tilespmem:$0x1A8];
	_ =	sdelay $0x4  }
0x438: {  	v51 =	vperm.xlane v3, v0;
	_ =	sdelay $0x1  }
0x439: {  	v3 =	vperm.xlane v3, v2;
	v4 =	vadd.s32 v1, v51;
	_ =	sdelay $0x1  }
0x43a: {  	v3 =	vadd.s32 v1, v3;
	_ =	sdelay $0x1  }
0x43b: {  	s1 =	simm.s32 $0xC700  }
0x43c: {  	[tilespmem:s1], [sflag:$0x2] =	stream.indirect_vreg.gather [hbm4b:s2+s3], $0x80, v4, vm0, $0xb8;
	[tilespmem:$0x1AB00] =	vst v63  }
0x43d: {  	s7 =	simm.s32 $0xE700  }
0x43e: {  	[tilespmem:s7], [sflag:$0x2] =	stream.indirect_vreg.gather [hbm4b:s2+s3], $0x80, v3, vm0, $0xb8;
	[tilespmem:$0x1AB00] =	vst v63  }
0x43f: {  	v3 =	vld.msk [tilespmem:$0x1B8], $0xf;
	_ =	sdelay $0x4  }
0x440: {  	v3 =	vperm.xlane v3, v0;
	_ =	sdelay $0x1  }
0x441: {  	v3 =	vadd.s32 v1, v3;
	_ =	sdelay $0x3  }
0x442: {  	s11 =	simm.s32 $0x10700  }
0x443: {  	[tilespmem:s11], [sflag:$0x2] =	stream.indirect_vreg.gather [hbm4b:s2+s3], $0x80, v3, vm1, $0xb8;
	[tilespmem:$0x1AB00] =	vst v63  }
0x444: {  	v3 =	vld [tilespmem:$0x1D8];
	_ =	sdelay $0x4  }
0x445: {  	v52 =	vperm.xlane v3, v0;
	_ =	sdelay $0x1  }
0x446: {  	v3 =	vperm.xlane v3, v2;
	v4 =	vadd.s32 v1, v52;
	_ =	sdelay $0x1  }
0x447: {  	v3 =	vadd.s32 v1, v3;
	_ =	sdelay $0x1  }
0x448: {  	s29 =	simm.s32 $0xCB00  }
0x449: {  	[tilespmem:s29], [sflag:$0x2] =	stream.indirect_vreg.gather [hbm4b:s2+s3], $0x80, v4, vm0, $0xb8;
	[tilespmem:$0x1AB00] =	vst v63  }
0x44a: {  	s30 =	simm.s32 $0xEB00  }
0x44b: {  	[tilespmem:s30], [sflag:$0x2] =	stream.indirect_vreg.gather [hbm4b:s2+s3], $0x80, v3, vm0, $0xb8;
	[tilespmem:$0x1AB00] =	vst v63  }
0x44c: {  	v3 =	vld.msk [tilespmem:$0x1E8], $0xf;
	_ =	sdelay $0x4  }
0x44d: {  	v3 =	vperm.xlane v3, v0;
	_ =	sdelay $0x1  }
0x44e: {  	v3 =	vadd.s32 v1, v3;
	_ =	sdelay $0x3  }
0x44f: {  	s31 =	simm.s32 $0x10B00  }
0x450: {  	[tilespmem:s31], [sflag:$0x2] =	stream.indirect_vreg.gather [hbm4b:s2+s3], $0x80, v3, vm1, $0xb8;
	[tilespmem:$0x1AB00] =	vst v63  }
0x451: {  	v3 =	vld [tilespmem:$0x208];
	_ =	sdelay $0x4  }
0x452: {  	v53 =	vperm.xlane v3, v0;
	_ =	sdelay $0x1  }
0x453: {  	v3 =	vperm.xlane v3, v2;
	v4 =	vadd.s32 v1, v53;
	_ =	sdelay $0x1  }
0x454: {  	v3 =	vadd.s32 v1, v3;
	_ =	sdelay $0x1  }
0x455: {  	s1 =	simm.s32 $0xCF00  }
0x456: {  	[tilespmem:s1], [sflag:$0x2] =	stream.indirect_vreg.gather [hbm4b:s2+s3], $0x80, v4, vm0, $0xb8;
	[tilespmem:$0x1AB00] =	vst v63  }
0x457: {  	s7 =	simm.s32 $0xEF00  }
0x458: {  	[tilespmem:s7], [sflag:$0x2] =	stream.indirect_vreg.gather [hbm4b:s2+s3], $0x80, v3, vm0, $0xb8;
	[tilespmem:$0x1AB00] =	vst v63  }
0x459: {  	v3 =	vld.msk [tilespmem:$0x218], $0xf;
	_ =	sdelay $0x4  }
0x45a: {  	v3 =	vperm.xlane v3, v0;
	_ =	sdelay $0x1  }
0x45b: {  	v3 =	vadd.s32 v1, v3;
	_ =	sdelay $0x3  }
0x45c: {  	s11 =	simm.s32 $0x10F00  }
0x45d: {  	[tilespmem:s11], [sflag:$0x2] =	stream.indirect_vreg.gather [hbm4b:s2+s3], $0x80, v3, vm1, $0xb8;
	[tilespmem:$0x1AB00] =	vst v63  }
0x45e: {  	v3 =	vld [tilespmem:$0x238];
	_ =	sdelay $0x4  }
0x45f: {  	v54 =	vperm.xlane v3, v0;
	_ =	sdelay $0x1  }
0x460: {  	v3 =	vperm.xlane v3, v2;
	v4 =	vadd.s32 v1, v54;
	_ =	sdelay $0x1  }
0x461: {  	v3 =	vadd.s32 v1, v3;
	_ =	sdelay $0x1  }
0x462: {  	s29 =	simm.s32 $0xD300  }
0x463: {  	[tilespmem:s29], [sflag:$0x2] =	stream.indirect_vreg.gather [hbm4b:s2+s3], $0x80, v4, vm0, $0xb8;
	[tilespmem:$0x1AB00] =	vst v63  }
0x464: {  	s30 =	simm.s32 $0xF300  }
0x465: {  	[tilespmem:s30], [sflag:$0x2] =	stream.indirect_vreg.gather [hbm4b:s2+s3], $0x80, v3, vm0, $0xb8;
	[tilespmem:$0x1AB00] =	vst v63  }
0x466: {  	v3 =	vld.msk [tilespmem:$0x248], $0xf;
	_ =	sdelay $0x4  }
0x467: {  	v3 =	vperm.xlane v3, v0;
	_ =	sdelay $0x1  }
0x468: {  	v3 =	vadd.s32 v1, v3;
	_ =	sdelay $0x3  }
0x469: {  	s31 =	simm.s32 $0x11300  }
0x46a: {  	[tilespmem:s31], [sflag:$0x2] =	stream.indirect_vreg.gather [hbm4b:s2+s3], $0x80, v3, vm1, $0xb8;
	[tilespmem:$0x1AB00] =	vst v63  }
0x46b: {  	v3 =	vld [tilespmem:$0x268];
	_ =	sdelay $0x4  }
0x46c: {  	v55 =	vperm.xlane v3, v0;
	_ =	sdelay $0x1  }
0x46d: {  	v3 =	vperm.xlane v3, v2;
	v4 =	vadd.s32 v1, v55;
	_ =	sdelay $0x1  }
0x46e: {  	v3 =	vadd.s32 v1, v3;
	_ =	sdelay $0x1  }
0x46f: {  	s1 =	simm.s32 $0xD700  }
0x470: {  	[tilespmem:s1], [sflag:$0x2] =	stream.indirect_vreg.gather [hbm4b:s2+s3], $0x80, v4, vm0, $0xb8;
	[tilespmem:$0x1AB00] =	vst v63  }
0x471: {  	s7 =	simm.s32 $0xF700  }
0x472: {  	[tilespmem:s7], [sflag:$0x2] =	stream.indirect_vreg.gather [hbm4b:s2+s3], $0x80, v3, vm0, $0xb8;
	[tilespmem:$0x1AB00] =	vst v63  }
0x473: {  	v3 =	vld.msk [tilespmem:$0x278], $0xf;
	_ =	sdelay $0x4  }
0x474: {  	v3 =	vperm.xlane v3, v0;
	_ =	sdelay $0x1  }
0x475: {  	v3 =	vadd.s32 v1, v3;
	_ =	sdelay $0x3  }
0x476: {  	s11 =	simm.s32 $0x11700  }
0x477: {  	[tilespmem:s11], [sflag:$0x2] =	stream.indirect_vreg.gather [hbm4b:s2+s3], $0x80, v3, vm1, $0xb8;
	[tilespmem:$0x1AB00] =	vst v63  }
0x478: {  	v3 =	vld [tilespmem:$0x298];
	_ =	sdelay $0x4  }
0x479: {  	v56 =	vperm.xlane v3, v0;
	_ =	sdelay $0x1  }
0x47a: {  	v3 =	vperm.xlane v3, v2;
	v4 =	vadd.s32 v1, v56;
	_ =	sdelay $0x1  }
0x47b: {  	v3 =	vadd.s32 v1, v3;
	_ =	sdelay $0x1  }
0x47c: {  	s29 =	simm.s32 $0xDB00  }
0x47d: {  	[tilespmem:s29], [sflag:$0x2] =	stream.indirect_vreg.gather [hbm4b:s2+s3], $0x80, v4, vm0, $0xb8;
	[tilespmem:$0x1AB00] =	vst v63  }
0x47e: {  	s30 =	simm.s32 $0xFB00  }
0x47f: {  	[tilespmem:s30], [sflag:$0x2] =	stream.indirect_vreg.gather [hbm4b:s2+s3], $0x80, v3, vm0, $0xb8;
	[tilespmem:$0x1AB00] =	vst v63  }
0x480: {  	v3 =	vld.msk [tilespmem:$0x2A8], $0xf;
	_ =	sdelay $0x4  }
0x481: {  	v3 =	vperm.xlane v3, v0;
	_ =	sdelay $0x1  }
0x482: {  	v3 =	vadd.s32 v1, v3;
	_ =	sdelay $0x3  }
0x483: {  	s31 =	simm.s32 $0x11B00  }
0x484: {  	[tilespmem:s31], [sflag:$0x2] =	stream.indirect_vreg.gather [hbm4b:s2+s3], $0x80, v3, vm1, $0xb8;
	[tilespmem:$0x1AB00] =	vst v63  }
0x485: {  	v3 =	vld [tilespmem:$0x190];
	_ =	sdelay $0x4  }
0x486: {  	v57 =	vperm.xlane v3, v0;
	_ =	sdelay $0x1  }
0x487: {  	v3 =	vperm.xlane v3, v2;
	v4 =	vadd.s32 v1, v57;
	_ =	sdelay $0x1  }
0x488: {  	v3 =	vadd.s32 v1, v3;
	_ =	sdelay $0x1  }
0x489: {  	s1 =	simm.s32 $0x12300  }
0x48a: {  	[tilespmem:s1], [sflag:$0x2] =	stream.indirect_vreg.gather [hbm4b:s2+s3], $0x80, v4, vm0, $0xb8;
	[tilespmem:$0x1AB00] =	vst v63  }
0x48b: {  	s7 =	simm.s32 $0x14300  }
0x48c: {  	[tilespmem:s7], [sflag:$0x2] =	stream.indirect_vreg.gather [hbm4b:s2+s3], $0x80, v3, vm0, $0xb8;
	[tilespmem:$0x1AB00] =	vst v63  }
0x48d: {  	v3 =	vld.msk [tilespmem:$0x1A0], $0xf;
	_ =	sdelay $0x4  }
0x48e: {  	v3 =	vperm.xlane v3, v0;
	_ =	sdelay $0x1  }
0x48f: {  	v3 =	vadd.s32 v1, v3;
	_ =	sdelay $0x3  }
0x490: {  	s11 =	simm.s32 $0x16300  }
0x491: {  	[tilespmem:s11], [sflag:$0x2] =	stream.indirect_vreg.gather [hbm4b:s2+s3], $0x80, v3, vm1, $0xb8;
	[tilespmem:$0x1AB00] =	vst v63  }
0x492: {  	v3 =	vld [tilespmem:$0x1C0];
	_ =	sdelay $0x4  }
0x493: {  	v58 =	vperm.xlane v3, v0;
	_ =	sdelay $0x1  }
0x494: {  	v3 =	vperm.xlane v3, v2;
	v4 =	vadd.s32 v1, v58;
	_ =	sdelay $0x1  }
0x495: {  	v3 =	vadd.s32 v1, v3;
	_ =	sdelay $0x1  }
0x496: {  	s29 =	simm.s32 $0x12700  }
0x497: {  	[tilespmem:s29], [sflag:$0x2] =	stream.indirect_vreg.gather [hbm4b:s2+s3], $0x80, v4, vm0, $0xb8;
	[tilespmem:$0x1AB00] =	vst v63  }
0x498: {  	s30 =	simm.s32 $0x14700  }
0x499: {  	[tilespmem:s30], [sflag:$0x2] =	stream.indirect_vreg.gather [hbm4b:s2+s3], $0x80, v3, vm0, $0xb8;
	[tilespmem:$0x1AB00] =	vst v63  }
0x49a: {  	v3 =	vld.msk [tilespmem:$0x1D0], $0xf;
	_ =	sdelay $0x4  }
0x49b: {  	v3 =	vperm.xlane v3, v0;
	_ =	sdelay $0x1  }
0x49c: {  	v3 =	vadd.s32 v1, v3;
	_ =	sdelay $0x3  }
0x49d: {  	s31 =	simm.s32 $0x16700  }
0x49e: {  	[tilespmem:s31], [sflag:$0x2] =	stream.indirect_vreg.gather [hbm4b:s2+s3], $0x80, v3, vm1, $0xb8;
	[tilespmem:$0x1AB00] =	vst v63  }
0x49f: {  	v3 =	vld [tilespmem:$0x1F0];
	_ =	sdelay $0x4  }
0x4a0: {  	v59 =	vperm.xlane v3, v0;
	_ =	sdelay $0x1  }
0x4a1: {  	v3 =	vperm.xlane v3, v2;
	v4 =	vadd.s32 v1, v59;
	_ =	sdelay $0x1  }
0x4a2: {  	v3 =	vadd.s32 v1, v3;
	_ =	sdelay $0x1  }
0x4a3: {  	s1 =	simm.s32 $0x12B00  }
0x4a4: {  	[tilespmem:s1], [sflag:$0x2] =	stream.indirect_vreg.gather [hbm4b:s2+s3], $0x80, v4, vm0, $0xb8;
	[tilespmem:$0x1AB00] =	vst v63  }
0x4a5: {  	s7 =	simm.s32 $0x14B00  }
0x4a6: {  	[tilespmem:s7], [sflag:$0x2] =	stream.indirect_vreg.gather [hbm4b:s2+s3], $0x80, v3, vm0, $0xb8;
	[tilespmem:$0x1AB00] =	vst v63  }
0x4a7: {  	v3 =	vld.msk [tilespmem:$0x200], $0xf;
	_ =	sdelay $0x4  }
0x4a8: {  	v3 =	vperm.xlane v3, v0;
	_ =	sdelay $0x1  }
0x4a9: {  	v3 =	vadd.s32 v1, v3;
	_ =	sdelay $0x3  }
0x4aa: {  	s11 =	simm.s32 $0x16B00  }
0x4ab: {  	[tilespmem:s11], [sflag:$0x2] =	stream.indirect_vreg.gather [hbm4b:s2+s3], $0x80, v3, vm1, $0xb8;
	[tilespmem:$0x1AB00] =	vst v63  }
0x4ac: {  	v3 =	vld [tilespmem:$0x220];
	_ =	sdelay $0x4  }
0x4ad: {  	v60 =	vperm.xlane v3, v0;
	_ =	sdelay $0x1  }
0x4ae: {  	v3 =	vperm.xlane v3, v2;
	v4 =	vadd.s32 v1, v60;
	_ =	sdelay $0x1  }
0x4af: {  	v3 =	vadd.s32 v1, v3;
	_ =	sdelay $0x1  }
0x4b0: {  	s29 =	simm.s32 $0x12F00  }
0x4b1: {  	[tilespmem:s29], [sflag:$0x2] =	stream.indirect_vreg.gather [hbm4b:s2+s3], $0x80, v4, vm0, $0xb8;
	[tilespmem:$0x1AB00] =	vst v63  }
0x4b2: {  	s30 =	simm.s32 $0x14F00  }
0x4b3: {  	[tilespmem:s30], [sflag:$0x2] =	stream.indirect_vreg.gather [hbm4b:s2+s3], $0x80, v3, vm0, $0xb8;
	[tilespmem:$0x1AB00] =	vst v63  }
0x4b4: {  	v3 =	vld.msk [tilespmem:$0x230], $0xf;
	_ =	sdelay $0x4  }
0x4b5: {  	v3 =	vperm.xlane v3, v0;
	_ =	sdelay $0x1  }
0x4b6: {  	v3 =	vadd.s32 v1, v3;
	_ =	sdelay $0x3  }
0x4b7: {  	s31 =	simm.s32 $0x16F00  }
0x4b8: {  	[tilespmem:s31], [sflag:$0x2] =	stream.indirect_vreg.gather [hbm4b:s2+s3], $0x80, v3, vm1, $0xb8;
	[tilespmem:$0x1AB00] =	vst v63  }
0x4b9: {  	v3 =	vld [tilespmem:$0x250];
	_ =	sdelay $0x4  }
0x4ba: {  	v61 =	vperm.xlane v3, v0;
	_ =	sdelay $0x1  }
0x4bb: {  	v3 =	vperm.xlane v3, v2;
	v4 =	vadd.s32 v1, v61;
	_ =	sdelay $0x1  }
0x4bc: {  	v3 =	vadd.s32 v1, v3;
	_ =	sdelay $0x1  }
0x4bd: {  	s1 =	simm.s32 $0x13300  }
0x4be: {  	[tilespmem:s1], [sflag:$0x2] =	stream.indirect_vreg.gather [hbm4b:s2+s3], $0x80, v4, vm0, $0xb8;
	[tilespmem:$0x1AB00] =	vst v63  }
0x4bf: {  	s7 =	simm.s32 $0x15300  }
0x4c0: {  	[tilespmem:s7], [sflag:$0x2] =	stream.indirect_vreg.gather [hbm4b:s2+s3], $0x80, v3, vm0, $0xb8;
	[tilespmem:$0x1AB00] =	vst v63  }
0x4c1: {  	v3 =	vld.msk [tilespmem:$0x260], $0xf;
	_ =	sdelay $0x4  }
0x4c2: {  	v3 =	vperm.xlane v3, v0;
	_ =	sdelay $0x1  }
0x4c3: {  	v3 =	vadd.s32 v1, v3;
	_ =	sdelay $0x3  }
0x4c4: {  	s11 =	simm.s32 $0x17300  }
0x4c5: {  	[tilespmem:s11], [sflag:$0x2] =	stream.indirect_vreg.gather [hbm4b:s2+s3], $0x80, v3, vm1, $0xb8;
	[tilespmem:$0x1AB00] =	vst v63  }
0x4c6: {  	v3 =	vld [tilespmem:$0x280];
	_ =	sdelay $0x4  }
0x4c7: {  	v62 =	vperm.xlane v3, v0;
	_ =	sdelay $0x1  }
0x4c8: {  	v3 =	vperm.xlane v3, v2;
	v4 =	vadd.s32 v1, v62;
	_ =	sdelay $0x1  }
0x4c9: {  	v3 =	vadd.s32 v1, v3;
	_ =	sdelay $0x1  }
0x4ca: {  	s29 =	simm.s32 $0x13700  }
0x4cb: {  	[tilespmem:s29], [sflag:$0x2] =	stream.indirect_vreg.gather [hbm4b:s2+s3], $0x80, v4, vm0, $0xb8;
	[tilespmem:$0x1AB00] =	vst v63  }
0x4cc: {  	s30 =	simm.s32 $0x15700  }
0x4cd: {  	[tilespmem:s30], [sflag:$0x2] =	stream.indirect_vreg.gather [hbm4b:s2+s3], $0x80, v3, vm0, $0xb8;
	[tilespmem:$0x1AB00] =	vst v63  }
0x4ce: {  	v3 =	vld.msk [tilespmem:$0x290], $0xf;
	_ =	sdelay $0x4  }
0x4cf: {  	v3 =	vperm.xlane v3, v0;
	_ =	sdelay $0x1  }
0x4d0: {  	v3 =	vadd.s32 v1, v3;
	_ =	sdelay $0x4  }
0x4d1: {  	[tilespmem:s12], [sflag:$0x2] =	stream.indirect_vreg.gather [hbm4b:s2+s3], $0x80, v3, vm1, $0xb8;
	[tilespmem:$0x1AB00] =	vst v63  }
0x4d2: {  	v3 =	vld [tilespmem:$0x2B0];
	_ =	sdelay $0x4  }
0x4d3: {  	v63 =	vperm.xlane v3, v0;
	_ =	sdelay $0x1  }
0x4d4: {  	v3 =	vperm.xlane v3, v2;
	v4 =	vadd.s32 v1, v63;
	_ =	sdelay $0x1  }
0x4d5: {  	v3 =	vadd.s32 v1, v3;
	_ =	sdelay $0x2  }
0x4d6: {  	[tilespmem:s17], [sflag:$0x2] =	stream.indirect_vreg.gather [hbm4b:s2+s3], $0x80, v4, vm0, $0xb8;
	[tilespmem:$0x1AB00] =	vst v63  }
0x4d7: {  	_ = 	snop  }
0x4d8: {  	[tilespmem:s18], [sflag:$0x2] =	stream.indirect_vreg.gather [hbm4b:s2+s3], $0x80, v3, vm0, $0xb8;
	[tilespmem:$0x1AB00] =	vst v63  }
0x4d9: {  	v3 =	vld.msk [tilespmem:$0x2C0], $0xf;
	_ =	sdelay $0x4  }
0x4da: {  	v3 =	vperm.xlane v3, v0;
	_ =	sdelay $0x1  }
0x4db: {  	v3 =	vadd.s32 v1, v3;
	_ =	sdelay $0x2  }
0x4dc: {  	s26 =	sadd.s32 $0x1, s26  }
0x4dd: {  	p0 =	sne.s32 s26, $0x1F;
	s31 =	sshll.u32 s28, $0x1  }
0x4de: {  	[tilespmem:s19], [sflag:$0x2] =	stream.indirect_vreg.gather [hbm4b:s2+s3], $0x80, v3, vm1, $0xb8;
	[tilespmem:$0x1AB00] =	vst v63  }
.Ltmp3:
0x4df: {  	s0 =	sadd.s32 s8, s31;
	(pc) =	sbr.rel @p0 .LBB2_4-.Ltmp3, $4  }
0x4e0: {  	s0 =	smul.u32 $0xC00, s0  }
0x4e1: {  	[tilespmem:s21], [sflag:$0x2] =	stream.indirect.gather [hbm4b:s2+s9], $0x80, s20, s9, $0xb8;
	[tilespmem:$0x1AB00] =	vst v63  }
0x4e2: {  	s0 =	sadd.s32 s6, s0  }
0x4e3: {  	[hbm4b:s0+s3] =	stream.linear.scatter [tilespmem:s14], [sflag:$0x3], $0xC000, $0x38;
	[tilespmem:$0x1AB00] =	vst v63  }
0x4e4: {  	_ =	swait.ge [sflag:s22], $0xA00  }
0x4e5: {  	[sflag:s22] =	ssyncset.done $0x0  }
0x4e6: {  	[sflag:s22] =	ssyncadd.s32 $0xFFFFF600  }
0x4e7: {  	_ =	swait.ge [sflag:s22], $0xA00  }
0x4e8: {  	[sflag:s22] =	ssyncset.done $0x0  }
0x4e9: {  	[sflag:s22] =	ssyncadd.s32 $0xFFFFF600  }
0x4ea: {  	_ =	swait.ge [sflag:s22], $0xA00  }
0x4eb: {  	[sflag:s22] =	ssyncset.done $0x0  }
0x4ec: {  	[sflag:s22] =	ssyncadd.s32 $0xFFFFF600  }
0x4ed: {  	_ =	swait.ge [sflag:s22], $0xA00  }
0x4ee: {  	[sflag:s22] =	ssyncset.done $0x0  }
0x4ef: {  	[sflag:s22] =	ssyncadd.s32 $0xFFFFF600  }
0x4f0: {  	_ =	swait.ge [sflag:s22], $0xA00  }
0x4f1: {  	[sflag:s22] =	ssyncset.done $0x0  }
0x4f2: {  	[sflag:s22] =	ssyncadd.s32 $0xFFFFF600  }
0x4f3: {  	_ =	swait.ge [sflag:s22], $0xA00  }
0x4f4: {  	[sflag:s22] =	ssyncset.done $0x0  }
0x4f5: {  	[sflag:s22] =	ssyncadd.s32 $0xFFFFF600  }
0x4f6: {  	_ =	swait.ge [sflag:s22], $0xA00  }
0x4f7: {  	[sflag:s22] =	ssyncset.done $0x0  }
0x4f8: {  	[sflag:s22] =	ssyncadd.s32 $0xFFFFF600  }
0x4f9: {  	_ =	swait.ge [sflag:s22], $0xA00  }
0x4fa: {  	[sflag:s22] =	ssyncset.done $0x0  }
0x4fb: {  	[sflag:s22] =	ssyncadd.s32 $0xFFFFF600  }
0x4fc: {  	_ =	swait.ge [sflag:s22], $0xA00  }
0x4fd: {  	[sflag:s22] =	ssyncset.done $0x0  }
0x4fe: {  	[sflag:s22] =	ssyncadd.s32 $0xFFFFF600  }
0x4ff: {  	_ =	swait.ge [sflag:s22], $0xA00  }
0x500: {  	[sflag:s22] =	ssyncset.done $0x0  }
0x501: {  	[sflag:s22] =	ssyncadd.s32 $0xFFFFF600  }
0x502: {  	_ =	swait.ge [sflag:s22], $0xA00  }
0x503: {  	[sflag:s22] =	ssyncset.done $0x0  }
0x504: {  	[sflag:s22] =	ssyncadd.s32 $0xFFFFF600  }
0x505: {  	_ =	swait.ge [sflag:s22], $0xA00  }
0x506: {  	[sflag:s22] =	ssyncset.done $0x0  }
0x507: {  	[sflag:s22] =	ssyncadd.s32 $0xFFFFF600  }
0x508: {  	_ =	swait.ge [sflag:s22], $0xA00  }
0x509: {  	[sflag:s22] =	ssyncset.done $0x0  }
0x50a: {  	[sflag:s22] =	ssyncadd.s32 $0xFFFFF600  }
0x50b: {  	_ =	swait.ge [sflag:s22], $0xA00  }
0x50c: {  	[sflag:s22] =	ssyncset.done $0x0  }
0x50d: {  	[sflag:s22] =	ssyncadd.s32 $0xFFFFF600  }
0x50e: {  	_ =	swait.ge [sflag:s22], $0x1400  }
0x50f: {  	[sflag:s22] =	ssyncset.done $0x0  }
0x510: {  	s0 =	simm.s32 $0x1A160;
	[sflag:s22] =	ssyncadd.s32 $0xFFFFEC00  }
0x511: {  	v3 =	vld [tilespmem:s0+$0xFFFFF5A0];
	_ =	sdelay $0x1  }
0x512: {  	s25 =	simm.s32 $0x0  }
0x513: {  	s1 =	sand.u32 $0x6000, s25;
	s7 =	sand.u32 $0x380, s25  }
0x514: {  	s1 =	sor.u32 s7, s1  }
0x515: {  	[tilespmem:s1+$0xDF00] =	vst v3  }
0x516: {  	v3 =	vld [tilespmem:s0+$0xFFFFF5B0];
	_ =	sdelay $0x4  }
0x517: {  	[tilespmem:s1+$0xDF10] =	vst v3  }
0x518: {  	v3 =	vld [tilespmem:s0+$0xFFFFF5C0];
	_ =	sdelay $0x4  }
0x519: {  	[tilespmem:s1+$0xDF20] =	vst v3  }
0x51a: {  	v3 =	vld [tilespmem:s0+$0xFFFFF5D0];
	_ =	sdelay $0x4  }
0x51b: {  	[tilespmem:s1+$0xDF30] =	vst v3  }
0x51c: {  	v3 =	vld [tilespmem:s0+$0xFFFFF5E0];
	_ =	sdelay $0x4  }
0x51d: {  	[tilespmem:s1+$0xDF40] =	vst v3  }
0x51e: {  	v3 =	vld [tilespmem:s0+$0xFFFFF5F0];
	_ =	sdelay $0x4  }
0x51f: {  	[tilespmem:s1+$0xDF50] =	vst v3  }
0x520: {  	v3 =	vld [tilespmem:s0+$0xFFFFF600];
	_ =	sdelay $0x4  }
0x521: {  	[tilespmem:s1+$0xDF60] =	vst v3  }
0x522: {  	v3 =	vld [tilespmem:s0+$0xFFFFFFA0];
	_ =	sdelay $0x4  }
0x523: {  	[tilespmem:s1+$0x13F00] =	vst v3  }
0x524: {  	v3 =	vld [tilespmem:s0+$0xFFFFFFB0];
	_ =	sdelay $0x3  }
0x525: {  	s1 =	sadd.s32 $0x13F00, s1  }
0x526: {  	[tilespmem:s1+$0x10] =	vst v3  }
0x527: {  	v3 =	vld [tilespmem:s0+$0xFFFFFFC0];
	_ =	sdelay $0x4  }
0x528: {  	[tilespmem:s1+$0x20] =	vst v3  }
0x529: {  	v3 =	vld [tilespmem:s0+$0xFFFFFFD0];
	_ =	sdelay $0x4  }
0x52a: {  	[tilespmem:s1+$0x30] =	vst v3  }
0x52b: {  	v3 =	vld [tilespmem:s0+$0xFFFFFFE0];
	_ =	sdelay $0x4  }
0x52c: {  	[tilespmem:s1+$0x40] =	vst v3  }
0x52d: {  	v3 =	vld [tilespmem:s0+$0xFFFFFFF0];
	_ =	sdelay $0x4  }
0x52e: {  	[tilespmem:s1+$0x50] =	vst v3  }
0x52f: {  	v3 =	vld [tilespmem:s0+$0x0];
	_ =	sdelay $0x4  }
0x530: {  	s26 =	simm.s32 $0x1A1E0;
	[tilespmem:s1+$0x60] =	vst v3  }
0x531: {  	s0 =	simm.s32 $0x80;
	s1 =	simm.s32 $0x100;
	v3 =	vld [tilespmem:s26+$0xFFFFF5A0]  }
.LBB2_10:
0x532: {  	p0 =	sne.s32 s1, $0x980  }
0x533: {  	s25 =	sadd.s32 $0x400, s25  }
0x534: {  	s11 =	sand.u32 $0x380, s0;
	s0 =	smov.u32 s1;
	s7 =	sand.u32 $0x6000, s25  }
0x535: {  	s28 =	sor.u32 s11, s7  }
0x536: {  	[tilespmem:s28+$0xDF00] =	vst v3  }
0x537: {  	v3 =	vld [tilespmem:s26+$0xFFFFF5B0];
	_ =	sdelay $0x4  }
0x538: {  	[tilespmem:s28+$0xDF10] =	vst v3  }
0x539: {  	v3 =	vld [tilespmem:s26+$0xFFFFF5C0];
	_ =	sdelay $0x4  }
0x53a: {  	[tilespmem:s28+$0xDF20] =	vst v3  }
0x53b: {  	v3 =	vld [tilespmem:s26+$0xFFFFF5D0];
	_ =	sdelay $0x4  }
0x53c: {  	[tilespmem:s28+$0xDF30] =	vst v3  }
0x53d: {  	v3 =	vld [tilespmem:s26+$0xFFFFF5E0];
	_ =	sdelay $0x4  }
0x53e: {  	[tilespmem:s28+$0xDF40] =	vst v3  }
0x53f: {  	v3 =	vld [tilespmem:s26+$0xFFFFF5F0];
	_ =	sdelay $0x4  }
0x540: {  	[tilespmem:s28+$0xDF50] =	vst v3  }
0x541: {  	v3 =	vld [tilespmem:s26+$0xFFFFF600];
	_ =	sdelay $0x4  }
0x542: {  	[tilespmem:s28+$0xDF60] =	vst v3  }
0x543: {  	v3 =	vld [tilespmem:s26+$0xFFFFFFA0];
	_ =	sdelay $0x4  }
0x544: {  	[tilespmem:s28+$0x13F00] =	vst v3  }
0x545: {  	v3 =	vld [tilespmem:s26+$0xFFFFFFB0];
	_ =	sdelay $0x3  }
0x546: {  	s7 =	sadd.s32 $0x13F00, s28  }
0x547: {  	[tilespmem:s7+$0x10] =	vst v3  }
0x548: {  	v3 =	vld [tilespmem:s26+$0xFFFFFFC0];
	_ =	sdelay $0x4  }
0x549: {  	[tilespmem:s7+$0x20] =	vst v3  }
0x54a: {  	v3 =	vld [tilespmem:s26+$0xFFFFFFD0];
	_ =	sdelay $0x4  }
0x54b: {  	[tilespmem:s7+$0x30] =	vst v3  }
0x54c: {  	v3 =	vld [tilespmem:s26+$0xFFFFFFE0];
	_ =	sdelay $0x4  }
0x54d: {  	[tilespmem:s7+$0x40] =	vst v3  }
0x54e: {  	v3 =	vld [tilespmem:s26+$0xFFFFFFF0];
	_ =	sdelay $0x4  }
0x54f: {  	[tilespmem:s7+$0x50] =	vst v3  }
0x550: {  	v3 =	vld [tilespmem:s26+$0x0];
	_ =	sdelay $0x1  }
.Ltmp4:
0x551: {  	(pc) =	sbr.rel @p0 .LBB2_10-.Ltmp4, $3  }
0x552: {  	_ =	sdelay $0x1  }
0x553: {  	s26 =	sadd.s32 $0x80, s26;
	[tilespmem:s7+$0x60] =	vst v3  }
0x554: {  	s1 =	sadd.s32 $0x80, s1;
	v3 =	vld [tilespmem:s26+$0xFFFFF5A0]  }
0x555: {  	_ = 	snop  }
0x556: {  	s1 =	sadd.s32 $0x400, s25  }
0x557: {  	s0 =	sand.u32 $0x380, s0;
	s1 =	sand.u32 $0x6000, s1  }
0x558: {  	s0 =	sor.u32 s0, s1  }
0x559: {  	[tilespmem:s0+$0xDF00] =	vst v3  }
0x55a: {  	v3 =	vld [tilespmem:s26+$0xFFFFF5B0];
	_ =	sdelay $0x4  }
0x55b: {  	[tilespmem:s0+$0xDF10] =	vst v3  }
0x55c: {  	v3 =	vld [tilespmem:s26+$0xFFFFF5C0];
	_ =	sdelay $0x4  }
0x55d: {  	[tilespmem:s0+$0xDF20] =	vst v3  }
0x55e: {  	v3 =	vld [tilespmem:s26+$0xFFFFF5D0];
	_ =	sdelay $0x4  }
0x55f: {  	[tilespmem:s0+$0xDF30] =	vst v3  }
0x560: {  	v3 =	vld [tilespmem:s26+$0xFFFFF5E0];
	_ =	sdelay $0x4  }
0x561: {  	[tilespmem:s0+$0xDF40] =	vst v3  }
0x562: {  	v3 =	vld [tilespmem:s26+$0xFFFFF5F0];
	_ =	sdelay $0x4  }
0x563: {  	[tilespmem:s0+$0xDF50] =	vst v3  }
0x564: {  	v3 =	vld [tilespmem:s26+$0xFFFFF600];
	_ =	sdelay $0x4  }
0x565: {  	[tilespmem:s0+$0xDF60] =	vst v3  }
0x566: {  	v3 =	vld [tilespmem:s26+$0xFFFFFFA0];
	_ =	sdelay $0x4  }
0x567: {  	[tilespmem:s0+$0x13F00] =	vst v3  }
0x568: {  	v3 =	vld [tilespmem:s26+$0xFFFFFFB0];
	_ =	sdelay $0x3  }
0x569: {  	s0 =	sadd.s32 $0x13F00, s0  }
0x56a: {  	[tilespmem:s0+$0x10] =	vst v3  }
0x56b: {  	v3 =	vld [tilespmem:s26+$0xFFFFFFC0];
	_ =	sdelay $0x4  }
0x56c: {  	[tilespmem:s0+$0x20] =	vst v3  }
0x56d: {  	v3 =	vld [tilespmem:s26+$0xFFFFFFD0];
	_ =	sdelay $0x4  }
0x56e: {  	[tilespmem:s0+$0x30] =	vst v3  }
0x56f: {  	v3 =	vld [tilespmem:s26+$0xFFFFFFE0];
	_ =	sdelay $0x4  }
0x570: {  	[tilespmem:s0+$0x40] =	vst v3  }
0x571: {  	v3 =	vld [tilespmem:s26+$0xFFFFFFF0];
	_ =	sdelay $0x4  }
0x572: {  	[tilespmem:s0+$0x50] =	vst v3  }
0x573: {  	v3 =	vld [tilespmem:s26+$0x0];
	_ =	sdelay $0x4  }
0x574: {  	[tilespmem:s0+$0x60] =	vst v3  }
0x575: {  	_ =	swait.ge [sflag:s23], $0xC000  }
0x576: {  	[sflag:s23] =	ssyncset.done $0x0  }
0x577: {  	s29 =	rddreg [dreg:$0x5];
	[sflag:s23] =	ssyncadd.s32 $0xFFFF4000  }
0x578: {  	[hbm4b:s29+s3] =	stream.linear.scatter [tilespmem:s16], [sflag:$0x4], $0xC000, $0x38;
	[tilespmem:$0x1AB00] =	vst v63  }
0x579: {  	_ =	swait.ge [sflag:s24], $0xC000  }
0x57a: {  	s30 =	rddreg [dreg:$0x7]  }
0x57b: {  	s31 =	rddreg [dreg:$0x6];
	s1 =	sadd.s32 $0x1, s30  }
0x57c: {  	p0 =	sne.s32 s1, s31  }
.Ltmp5:
0x57d: {  	_ = 	snop;
	(pc) =	sbr.rel @p0 .LBB2_1-.Ltmp5, $3  }
0x57e: {  	_ =	sdelay $0x1  }
0x57f: {  	[sflag:s24] =	ssyncset.done $0x0  }
0x580: {  	[sflag:s24] =	ssyncadd.s32 $0xFFFF4000  }
0x581: {  	_ =	sfence.sel $0x180000  }
0x582: {  	[bflag:$0x0] =	sbarrier.arrive $0xFFFF  }
0x583: {  	_ =	strace $0x90000047  }
0x584: {  	s0 =	stileid.u32;
	[bflag:$0x2] =	sbarrier.arrive $0xFFFF  }
0x585: {  	p0 =	sne.s32 s0, $0x0;
	s0 =	rddreg [dreg:$0x2]  }
0x586: {  	s0 =	sadd.s32 @!p0 $0x100000, s0  }
0x587: {  	[sflag:s0] =	ssyncadd.tile.s32 @!p0 $0x1;
	_ =	shalt  }
.Lfunc_end2:
_tile_overlayer_lowered:
.L_overlay_start_2:
0x588: {  	(tag) =	ssettag $0x2  }
0x589: {  	s0 =	rddreg [dreg:$0x0];
	s2 =	stileid.u32  }
0x58a: {  	s1 =	rddreg [dreg:$0x1];
	p0 =	sne.s32 s2, $0x0  }
0x58b: {  	s3 =	rddreg [dreg:$0x2];
	[bflag:$0x3] =	sbarrier.arrive $0xFFFF;
	s2 =	simm.s32 @!p0 $0x1C05  }
0x58c: {  	[timem:s3], [sflag:s2] =	dma.local @!p0 [hbm:s0], s1  }
0x58d: {  	s0 =	simm.s32 @!p0 $0x5  }
0x58e: {  	_ =	swait.ge @!p0 [sflag:s0], s1  }
0x58f: {  	s1 =	ssub.s32 @!p0 $0x0, s1;
	[sflag:s0] =	ssyncset.done @!p0 $0x0  }
0x590: {  	[sflag:s0] =	ssyncadd.s32 @!p0 s1  }
0x591: {  	[bflag:$0x3] =	sbarrier.arrive $0xFFFF  }
0x592: {  	_ =	shalt  }

</sc_bundles>
